<compile_context>
chip_gen: v7x
topology: tpu7x:2x2x1
jax: 0.10.2.dev20260603
libtpu: 0.0.44.dev20260713+nightly
codegen_flags: <defaults>
</compile_context>

<pallas_src>
import functools

import jax
import jax.numpy as jnp
from jax import lax
from jax.experimental import pallas as pl
from jax.experimental.pallas import tpu as pltpu
from jax.experimental.pallas import tpu_sc as plsc

N = 10000
C = 128
E = 320000
ALPHA = 0.15
NPROP = 5

NC = 2
NS = 16
NW = NC * NS
CHUNK = 128
NCHUNK = 80
EPW = CHUNK * NCHUNK
EPAD = EPW * NW
RPT = 640
RPT_LAST = N - 15 * RPT
LANES = 16


def _spmm_body(logits_hbm, row_hbm, col_hbm, val_hbm, out_hbm,
               col_buf, row_buf, val_buf, rows_buf, agg, sem):
    cid = lax.axis_index("c")
    sid = lax.axis_index("s")
    wid = sid * NC + cid

    pltpu.sync_copy(col_hbm.at[wid], col_buf)
    pltpu.sync_copy(row_hbm.at[wid], row_buf)
    pltpu.sync_copy(val_hbm.at[wid], val_buf)

    def zrow(k, carry):
        for j in range(C // LANES):
            rows_buf[k, pl.ds(j * LANES, LANES)] = jnp.zeros((LANES,), jnp.float32)
        return carry
    lax.fori_loop(0, CHUNK, zrow, 0)
    base_row = sid * RPT

    @pl.when(sid < NS - 1)
    def _zero_main():
        for i in range(RPT // CHUNK):
            pltpu.sync_copy(rows_buf, agg.at[pl.ds(base_row + i * CHUNK, CHUNK)])

    @pl.when(sid == NS - 1)
    def _zero_last():
        for i in range(RPT_LAST // CHUNK):
            pltpu.sync_copy(rows_buf, agg.at[pl.ds(base_row + i * CHUNK, CHUNK)])
        rem = RPT_LAST % CHUNK
        pltpu.sync_copy(rows_buf.at[pl.ds(0, rem)],
                        agg.at[pl.ds(base_row + RPT_LAST - rem, rem)])
    plsc.subcore_barrier()

    def chunk_body(j, carry):
        base = j * CHUNK
        pltpu.async_copy(logits_hbm.at[col_buf.at[j]], rows_buf, sem).wait()

        def scale(k, inner):
            vidx = jnp.full((LANES,), base + k, jnp.int32)
            vs = plsc.load_gather(val_buf, [vidx])
            for jj in range(C // LANES):
                sl = pl.ds(jj * LANES, LANES)
                rows_buf[k, sl] = rows_buf[k, sl] * vs
            return inner
        lax.fori_loop(0, CHUNK, scale, 0)

        pltpu.sync_copy(rows_buf, agg.at[row_buf.at[j]], add=True)
        return carry
    lax.fori_loop(0, NCHUNK, chunk_body, 0)

    plsc.subcore_barrier()

    @pl.when(sid < NS - 1)
    def _out_main():
        sl = pl.ds(base_row, RPT)
        pltpu.sync_copy(agg.at[sl], out_hbm.at[cid, sl])

    @pl.when(sid == NS - 1)
    def _out_last():
        sl = pl.ds(base_row, RPT_LAST)
        pltpu.sync_copy(agg.at[sl], out_hbm.at[cid, sl])


_spmm = functools.partial(
    pl.kernel,
    _spmm_body,
    out_type=jax.ShapeDtypeStruct((NC, N, C), jnp.float32),
    mesh=plsc.VectorSubcoreMesh(core_axis_name="c", subcore_axis_name="s"),
    compiler_params=pltpu.CompilerParams(needs_layout_passes=False),
    scratch_types=[
        pltpu.VMEM((NCHUNK, CHUNK), jnp.int32),
        pltpu.VMEM((NCHUNK, CHUNK), jnp.int32),
        pltpu.VMEM((EPW,), jnp.float32),
        pltpu.VMEM((CHUNK, C), jnp.float32),
        pltpu.VMEM_SHARED((N, C), jnp.float32),
        pltpu.SemaphoreType.DMA,
    ],
)()


def kernel(logits, A_hat_indices, A_hat_values):
    pad = EPAD - E
    pad_idx = (jnp.arange(pad, dtype=jnp.int32) * 37) % N
    row = jnp.concatenate([A_hat_indices[0], pad_idx]).reshape(NW, NCHUNK, CHUNK)
    col = jnp.concatenate([A_hat_indices[1], pad_idx]).reshape(NW, NCHUNK, CHUNK)
    val = jnp.concatenate([A_hat_values, jnp.zeros((pad,), jnp.float32)]
                          ).reshape(NW, EPW)

    x = logits
    for _ in range(NPROP):
        p = _spmm(x, row, col, val)
        x = ALPHA * logits + (1.0 - ALPHA) * (p[0] + p[1])
    return x

# --- scband reference (transcript-rebuilt; emitter-appended) ---
"""Pipeline reference for scband-power-iteration-page-rank-8297876816012 (READ-ONLY COPY).

The authoritative reference and input builder live on the scoring server;
editing this copy changes nothing except your own understanding.
"""

import jax, jax.numpy as jnp
import numpy as np

N = 10000
E = 320000
C = 128
ALPHA = 0.15
N_PROPAGATION = 5


def setup_inputs(seed: int = 0) -> dict:
    key = jax.random.key(seed)
    k1, k2, k3 = jax.random.split(key, 3)
    logits = jax.random.normal(k1, (N, C), dtype=jnp.float32)
    A_hat_indices = jax.random.randint(k2, (2, E), 0, N, dtype=jnp.int32)
    A_hat_values = jax.random.uniform(k3, (E,), dtype=jnp.float32)
    return {"logits": logits, "A_hat_indices": A_hat_indices, "A_hat_values": A_hat_values}


def reference(logits, A_hat_indices, A_hat_values):
    # PowerIterationPageRank.forward (PPNP power iteration).
    # Note: the original torch code contains a dead dropout block terminated by
    # `assert False` whose result `temp` is never used for the actual propagation;
    # the live computation is: logits = alpha*initial + (1-alpha) * spmm(A_hat, logits).
    # torch.sparse.mm(A_hat, logits): out[row] += val * logits[col]
    row = A_hat_indices[0]
    col = A_hat_indices[1]
    initial_logits = logits
    for _ in range(N_PROPAGATION):
        msg = A_hat_values[:, None] * jnp.take(logits, col, axis=0)
        agg = jax.ops.segment_sum(msg, row, num_segments=N)
        logits = ALPHA * initial_logits + (1.0 - ALPHA) * agg
    return logits

if __name__ == "__main__":
    import jax
    _d = setup_inputs()
    print(jax.jit(kernel)(*tuple(_d.values())))

</pallas_src>

<mosaic_0001>
#map = affine_map<(d0, d1) -> (0, 0)>
#map1 = affine_map<(d0, d1) -> (0, 0, 0)>
module attributes {stable_mosaic.version = 14 : i64} {
  func.func @_spmm_body(%arg0: i32, %arg1: i32, %arg2: memref<10000x128xf32, #tpu.memory_space<hbm>>, %arg3: memref<32x80x128xi32, #tpu.memory_space<hbm>>, %arg4: memref<32x80x128xi32, #tpu.memory_space<hbm>>, %arg5: memref<32x10240xf32, #tpu.memory_space<hbm>>, %arg6: memref<2x10000x128xf32, #tpu.memory_space<hbm>>, %arg7: memref<80x128xi32, #tpu.memory_space<vmem>>, %arg8: memref<80x128xi32, #tpu.memory_space<vmem>>, %arg9: memref<10240xf32, #tpu.memory_space<vmem>>, %arg10: memref<128x128xf32, #tpu.memory_space<vmem>>, %arg11: memref<10000x128xf32, #tpu.memory_space<vmem_shared>>, %arg12: memref<!tpu.dma_semaphore, #tpu.memory_space<semaphore_mem>>) attributes {dimension_semantics = [#tpu.dimension_semantics<core_parallel>, #tpu.dimension_semantics<subcore_parallel>], iteration_bounds = array<i64: 2, 16>, scalar_prefetch = 0 : i64, scratch_operands = 6 : i64, tpu.core_type = #tpu.core_type<sc_vector_subcore>, window_params = [{transform_indices = #map}, {transform_indices = #map1}, {transform_indices = #map1}, {transform_indices = #map}, {transform_indices = #map1}]} {
    %mul3A = arith.constant 2 : i32
    %mul3A_0 = arith.muli %arg1, %mul3A : i32
    %add3A = arith.addi %mul3A_0, %arg0 : i32
    "tpu.region"() ({
      %run_scoped3A = tpu.sem_alloc : memref<!tpu.dma_semaphore, #tpu.memory_space<semaphore_mem>>
      %dma_start3A = arith.constant 0 : i32
      %dma_start3A_31 = arith.constant 0 : i32
      %dma_start3A_32 = tpu.memref_slice %arg4[%add3A, %dma_start3A, %dma_start3A_31] : memref<32x80x128xi32, #tpu.memory_space<hbm>> -> memref<1x80x128xi32, #tpu.memory_space<hbm>>
      %dma_start3A_33 = tpu.memref_squeeze %dma_start3A_32 : memref<1x80x128xi32, #tpu.memory_space<hbm>> -> memref<80x128xi32, #tpu.memory_space<hbm>>
      %dma_start3A_34 = arith.constant 0 : i32
      %dma_start3A_35 = arith.constant 0 : i32
      %dma_start3A_36 = tpu.memref_slice %arg4[%add3A, %dma_start3A_34, %dma_start3A_35] : memref<32x80x128xi32, #tpu.memory_space<hbm>> -> memref<1x80x128xi32, #tpu.memory_space<hbm>>
      %dma_start3A_37 = tpu.memref_squeeze %dma_start3A_36 : memref<1x80x128xi32, #tpu.memory_space<hbm>> -> memref<80x128xi32, #tpu.memory_space<hbm>>
      tpu.enqueue_dma source(%dma_start3A_37 : memref<80x128xi32, #tpu.memory_space<hbm>>) target(%arg7 : memref<80x128xi32, #tpu.memory_space<vmem>>) target_semaphore(%run_scoped3A : memref<!tpu.dma_semaphore, #tpu.memory_space<semaphore_mem>>)
      %dma_wait3A = arith.constant 0 : i32
      %dma_wait3A_38 = arith.constant 0 : i32
      %dma_wait3A_39 = tpu.memref_slice %arg4[%add3A, %dma_wait3A, %dma_wait3A_38] : memref<32x80x128xi32, #tpu.memory_space<hbm>> -> memref<1x80x128xi32, #tpu.memory_space<hbm>>
      %dma_wait3A_40 = tpu.memref_squeeze %dma_wait3A_39 : memref<1x80x128xi32, #tpu.memory_space<hbm>> -> memref<80x128xi32, #tpu.memory_space<hbm>>
      %dma_wait3A_41 = arith.constant 0 : i32
      %dma_wait3A_42 = arith.constant 0 : i32
      %dma_wait3A_43 = tpu.memref_slice %arg4[%add3A, %dma_wait3A_41, %dma_wait3A_42] : memref<32x80x128xi32, #tpu.memory_space<hbm>> -> memref<1x80x128xi32, #tpu.memory_space<hbm>>
      %dma_wait3A_44 = tpu.memref_squeeze %dma_wait3A_43 : memref<1x80x128xi32, #tpu.memory_space<hbm>> -> memref<80x128xi32, #tpu.memory_space<hbm>>
      tpu.wait_dma2 semaphore(%run_scoped3A : memref<!tpu.dma_semaphore, #tpu.memory_space<semaphore_mem>>) src(%dma_wait3A_44 : memref<80x128xi32, #tpu.memory_space<hbm>>) dst(%arg7 : memref<80x128xi32, #tpu.memory_space<vmem>>)
      tpu.yield
    }) : () -> ()
    "tpu.region"() ({
      %run_scoped3A = tpu.sem_alloc : memref<!tpu.dma_semaphore, #tpu.memory_space<semaphore_mem>>
      %dma_start3A = arith.constant 0 : i32
      %dma_start3A_31 = arith.constant 0 : i32
      %dma_start3A_32 = tpu.memref_slice %arg3[%add3A, %dma_start3A, %dma_start3A_31] : memref<32x80x128xi32, #tpu.memory_space<hbm>> -> memref<1x80x128xi32, #tpu.memory_space<hbm>>
      %dma_start3A_33 = tpu.memref_squeeze %dma_start3A_32 : memref<1x80x128xi32, #tpu.memory_space<hbm>> -> memref<80x128xi32, #tpu.memory_space<hbm>>
      %dma_start3A_34 = arith.constant 0 : i32
      %dma_start3A_35 = arith.constant 0 : i32
      %dma_start3A_36 = tpu.memref_slice %arg3[%add3A, %dma_start3A_34, %dma_start3A_35] : memref<32x80x128xi32, #tpu.memory_space<hbm>> -> memref<1x80x128xi32, #tpu.memory_space<hbm>>
      %dma_start3A_37 = tpu.memref_squeeze %dma_start3A_36 : memref<1x80x128xi32, #tpu.memory_space<hbm>> -> memref<80x128xi32, #tpu.memory_space<hbm>>
      tpu.enqueue_dma source(%dma_start3A_37 : memref<80x128xi32, #tpu.memory_space<hbm>>) target(%arg8 : memref<80x128xi32, #tpu.memory_space<vmem>>) target_semaphore(%run_scoped3A : memref<!tpu.dma_semaphore, #tpu.memory_space<semaphore_mem>>)
      %dma_wait3A = arith.constant 0 : i32
      %dma_wait3A_38 = arith.constant 0 : i32
      %dma_wait3A_39 = tpu.memref_slice %arg3[%add3A, %dma_wait3A, %dma_wait3A_38] : memref<32x80x128xi32, #tpu.memory_space<hbm>> -> memref<1x80x128xi32, #tpu.memory_space<hbm>>
      %dma_wait3A_40 = tpu.memref_squeeze %dma_wait3A_39 : memref<1x80x128xi32, #tpu.memory_space<hbm>> -> memref<80x128xi32, #tpu.memory_space<hbm>>
      %dma_wait3A_41 = arith.constant 0 : i32
      %dma_wait3A_42 = arith.constant 0 : i32
      %dma_wait3A_43 = tpu.memref_slice %arg3[%add3A, %dma_wait3A_41, %dma_wait3A_42] : memref<32x80x128xi32, #tpu.memory_space<hbm>> -> memref<1x80x128xi32, #tpu.memory_space<hbm>>
      %dma_wait3A_44 = tpu.memref_squeeze %dma_wait3A_43 : memref<1x80x128xi32, #tpu.memory_space<hbm>> -> memref<80x128xi32, #tpu.memory_space<hbm>>
      tpu.wait_dma2 semaphore(%run_scoped3A : memref<!tpu.dma_semaphore, #tpu.memory_space<semaphore_mem>>) src(%dma_wait3A_44 : memref<80x128xi32, #tpu.memory_space<hbm>>) dst(%arg8 : memref<80x128xi32, #tpu.memory_space<vmem>>)
      tpu.yield
    }) : () -> ()
    "tpu.region"() ({
      %run_scoped3A = tpu.sem_alloc : memref<!tpu.dma_semaphore, #tpu.memory_space<semaphore_mem>>
      %dma_start3A = arith.constant 0 : i32
      %dma_start3A_31 = tpu.memref_slice %arg5[%add3A, %dma_start3A] : memref<32x10240xf32, #tpu.memory_space<hbm>> -> memref<1x10240xf32, #tpu.memory_space<hbm>>
      %dma_start3A_32 = tpu.memref_squeeze %dma_start3A_31 : memref<1x10240xf32, #tpu.memory_space<hbm>> -> memref<10240xf32, #tpu.memory_space<hbm>>
      %dma_start3A_33 = arith.constant 0 : i32
      %dma_start3A_34 = tpu.memref_slice %arg5[%add3A, %dma_start3A_33] : memref<32x10240xf32, #tpu.memory_space<hbm>> -> memref<1x10240xf32, #tpu.memory_space<hbm>>
      %dma_start3A_35 = tpu.memref_squeeze %dma_start3A_34 : memref<1x10240xf32, #tpu.memory_space<hbm>> -> memref<10240xf32, #tpu.memory_space<hbm>>
      tpu.enqueue_dma source(%dma_start3A_35 : memref<10240xf32, #tpu.memory_space<hbm>>) target(%arg9 : memref<10240xf32, #tpu.memory_space<vmem>>) target_semaphore(%run_scoped3A : memref<!tpu.dma_semaphore, #tpu.memory_space<semaphore_mem>>)
      %dma_wait3A = arith.constant 0 : i32
      %dma_wait3A_36 = tpu.memref_slice %arg5[%add3A, %dma_wait3A] : memref<32x10240xf32, #tpu.memory_space<hbm>> -> memref<1x10240xf32, #tpu.memory_space<hbm>>
      %dma_wait3A_37 = tpu.memref_squeeze %dma_wait3A_36 : memref<1x10240xf32, #tpu.memory_space<hbm>> -> memref<10240xf32, #tpu.memory_space<hbm>>
      %dma_wait3A_38 = arith.constant 0 : i32
      %dma_wait3A_39 = tpu.memref_slice %arg5[%add3A, %dma_wait3A_38] : memref<32x10240xf32, #tpu.memory_space<hbm>> -> memref<1x10240xf32, #tpu.memory_space<hbm>>
      %dma_wait3A_40 = tpu.memref_squeeze %dma_wait3A_39 : memref<1x10240xf32, #tpu.memory_space<hbm>> -> memref<10240xf32, #tpu.memory_space<hbm>>
      tpu.wait_dma2 semaphore(%run_scoped3A : memref<!tpu.dma_semaphore, #tpu.memory_space<semaphore_mem>>) src(%dma_wait3A_40 : memref<10240xf32, #tpu.memory_space<hbm>>) dst(%arg9 : memref<10240xf32, #tpu.memory_space<vmem>>)
      tpu.yield
    }) : () -> ()
    %scan3A = arith.constant 0 : i32
    %scan3A_1 = arith.constant 0 : i32
    %scan3A_2 = arith.constant 128 : i32
    %scan3A_3 = arith.addi %scan3A_1, %scan3A_2 : i32
    %scan3A_4 = arith.constant 1 : i32
    scf.for %scan3A_31 = %scan3A_1 to %scan3A_3 step %scan3A_4  : i32 {
      %broadcast_in_dim3A = arith.constant 0.000000e+00 : f32
      %broadcast_in_dim3A_32 = vector.broadcast %broadcast_in_dim3A : f32 to vector<16xf32>
      %swap3A = arith.index_cast %scan3A_31 : i32 to index
      %swap3A_33 = arith.constant 0 : index
      %swap3A_34 = tpu.vector_load %arg10[%swap3A, %swap3A_33] {strides = array<i32>} : memref<128x128xf32, #tpu.memory_space<vmem>>, vector<16xf32>,
      tpu.vector_store %arg10[%swap3A, %swap3A_33], %broadcast_in_dim3A_32 {strides = array<i32>} : memref<128x128xf32, #tpu.memory_space<vmem>>, vector<16xf32>,
      %broadcast_in_dim3A_35 = arith.constant 0.000000e+00 : f32
      %broadcast_in_dim3A_36 = vector.broadcast %broadcast_in_dim3A_35 : f32 to vector<16xf32>
      %swap3A_37 = arith.index_cast %scan3A_31 : i32 to index
      %swap3A_38 = arith.constant 16 : index
      %swap3A_39 = tpu.vector_load %arg10[%swap3A_37, %swap3A_38] {strides = array<i32>} : memref<128x128xf32, #tpu.memory_space<vmem>>, vector<16xf32>,
      tpu.vector_store %arg10[%swap3A_37, %swap3A_38], %broadcast_in_dim3A_36 {strides = array<i32>} : memref<128x128xf32, #tpu.memory_space<vmem>>, vector<16xf32>,
      %broadcast_in_dim3A_40 = arith.constant 0.000000e+00 : f32
      %broadcast_in_dim3A_41 = vector.broadcast %broadcast_in_dim3A_40 : f32 to vector<16xf32>
      %swap3A_42 = arith.index_cast %scan3A_31 : i32 to index
      %swap3A_43 = arith.constant 32 : index
      %swap3A_44 = tpu.vector_load %arg10[%swap3A_42, %swap3A_43] {strides = array<i32>} : memref<128x128xf32, #tpu.memory_space<vmem>>, vector<16xf32>,
      tpu.vector_store %arg10[%swap3A_42, %swap3A_43], %broadcast_in_dim3A_41 {strides = array<i32>} : memref<128x128xf32, #tpu.memory_space<vmem>>, vector<16xf32>,
      %broadcast_in_dim3A_45 = arith.constant 0.000000e+00 : f32
      %broadcast_in_dim3A_46 = vector.broadcast %broadcast_in_dim3A_45 : f32 to vector<16xf32>
      %swap3A_47 = arith.index_cast %scan3A_31 : i32 to index
      %swap3A_48 = arith.constant 48 : index
      %swap3A_49 = tpu.vector_load %arg10[%swap3A_47, %swap3A_48] {strides = array<i32>} : memref<128x128xf32, #tpu.memory_space<vmem>>, vector<16xf32>,
      tpu.vector_store %arg10[%swap3A_47, %swap3A_48], %broadcast_in_dim3A_46 {strides = array<i32>} : memref<128x128xf32, #tpu.memory_space<vmem>>, vector<16xf32>,
      %broadcast_in_dim3A_50 = arith.constant 0.000000e+00 : f32
      %broadcast_in_dim3A_51 = vector.broadcast %broadcast_in_dim3A_50 : f32 to vector<16xf32>
      %swap3A_52 = arith.index_cast %scan3A_31 : i32 to index
      %swap3A_53 = arith.constant 64 : index
      %swap3A_54 = tpu.vector_load %arg10[%swap3A_52, %swap3A_53] {strides = array<i32>} : memref<128x128xf32, #tpu.memory_space<vmem>>, vector<16xf32>,
      tpu.vector_store %arg10[%swap3A_52, %swap3A_53], %broadcast_in_dim3A_51 {strides = array<i32>} : memref<128x128xf32, #tpu.memory_space<vmem>>, vector<16xf32>,
      %broadcast_in_dim3A_55 = arith.constant 0.000000e+00 : f32
      %broadcast_in_dim3A_56 = vector.broadcast %broadcast_in_dim3A_55 : f32 to vector<16xf32>
      %swap3A_57 = arith.index_cast %scan3A_31 : i32 to index
      %swap3A_58 = arith.constant 80 : index
      %swap3A_59 = tpu.vector_load %arg10[%swap3A_57, %swap3A_58] {strides = array<i32>} : memref<128x128xf32, #tpu.memory_space<vmem>>, vector<16xf32>,
      tpu.vector_store %arg10[%swap3A_57, %swap3A_58], %broadcast_in_dim3A_56 {strides = array<i32>} : memref<128x128xf32, #tpu.memory_space<vmem>>, vector<16xf32>,
      %broadcast_in_dim3A_60 = arith.constant 0.000000e+00 : f32
      %broadcast_in_dim3A_61 = vector.broadcast %broadcast_in_dim3A_60 : f32 to vector<16xf32>
      %swap3A_62 = arith.index_cast %scan3A_31 : i32 to index
      %swap3A_63 = arith.constant 96 : index
      %swap3A_64 = tpu.vector_load %arg10[%swap3A_62, %swap3A_63] {strides = array<i32>} : memref<128x128xf32, #tpu.memory_space<vmem>>, vector<16xf32>,
      tpu.vector_store %arg10[%swap3A_62, %swap3A_63], %broadcast_in_dim3A_61 {strides = array<i32>} : memref<128x128xf32, #tpu.memory_space<vmem>>, vector<16xf32>,
      %broadcast_in_dim3A_65 = arith.constant 0.000000e+00 : f32
      %broadcast_in_dim3A_66 = vector.broadcast %broadcast_in_dim3A_65 : f32 to vector<16xf32>
      %swap3A_67 = arith.index_cast %scan3A_31 : i32 to index
      %swap3A_68 = arith.constant 112 : index
      %swap3A_69 = tpu.vector_load %arg10[%swap3A_67, %swap3A_68] {strides = array<i32>} : memref<128x128xf32, #tpu.memory_space<vmem>>, vector<16xf32>,
      tpu.vector_store %arg10[%swap3A_67, %swap3A_68], %broadcast_in_dim3A_66 {strides = array<i32>} : memref<128x128xf32, #tpu.memory_space<vmem>>, vector<16xf32>,
    }
    %scan3A_5 = arith.constant 128 : i32
    %mul3A_6 = arith.constant 640 : i32
    %mul3A_7 = arith.muli %arg1, %mul3A_6 : i32
    %lt3A = arith.constant 15 : i32
    %lt3A_8 = arith.cmpi slt, %arg1, %lt3A : i32
    %convert_element_type3A = arith.extui %lt3A_8 : i1 to i32
    %cond3A = arith.constant 0 : i32
    %cond3A_9 = arith.cmpi ne, %convert_element_type3A, %cond3A : i32
    scf.if %cond3A_9 {
      %add3A_31 = arith.constant 0 : i32
      %add3A_32 = arith.addi %mul3A_7, %add3A_31 : i32
      "tpu.region"() ({
        %run_scoped3A = tpu.sem_alloc : memref<!tpu.dma_semaphore, #tpu.memory_space<semaphore_mem>>
        %dma_start3A = arith.constant 0 : i32
        %dma_start3A_41 = tpu.memref_slice %arg11[%add3A_32, %dma_start3A] : memref<10000x128xf32, #tpu.memory_space<vmem_shared>> -> memref<128x128xf32, #tpu.memory_space<vmem_shared>>
        %dma_start3A_42 = arith.constant 0 : i32
        %dma_start3A_43 = tpu.memref_slice %arg11[%add3A_32, %dma_start3A_42] : memref<10000x128xf32, #tpu.memory_space<vmem_shared>> -> memref<128x128xf32, #tpu.memory_space<vmem_shared>>
        tpu.enqueue_dma source(%arg10 : memref<128x128xf32, #tpu.memory_space<vmem>>) target(%dma_start3A_43 : memref<128x128xf32, #tpu.memory_space<vmem_shared>>) target_semaphore(%run_scoped3A : memref<!tpu.dma_semaphore, #tpu.memory_space<semaphore_mem>>)
        %dma_wait3A = arith.constant 0 : i32
        %dma_wait3A_44 = tpu.memref_slice %arg11[%add3A_32, %dma_wait3A] : memref<10000x128xf32, #tpu.memory_space<vmem_shared>> -> memref<128x128xf32, #tpu.memory_space<vmem_shared>>
        %dma_wait3A_45 = arith.constant 0 : i32
        %dma_wait3A_46 = tpu.memref_slice %arg11[%add3A_32, %dma_wait3A_45] : memref<10000x128xf32, #tpu.memory_space<vmem_shared>> -> memref<128x128xf32, #tpu.memory_space<vmem_shared>>
        tpu.wait_dma2 semaphore(%run_scoped3A : memref<!tpu.dma_semaphore, #tpu.memory_space<semaphore_mem>>) src(%arg10 : memref<128x128xf32, #tpu.memory_space<vmem>>) dst(%dma_wait3A_46 : memref<128x128xf32, #tpu.memory_space<vmem_shared>>)
        tpu.yield
      }) : () -> ()
      %add3A_33 = arith.constant 128 : i32
      %add3A_34 = arith.addi %mul3A_7, %add3A_33 : i32
      "tpu.region"() ({
        %run_scoped3A = tpu.sem_alloc : memref<!tpu.dma_semaphore, #tpu.memory_space<semaphore_mem>>
        %dma_start3A = arith.constant 0 : i32
        %dma_start3A_41 = tpu.memref_slice %arg11[%add3A_34, %dma_start3A] : memref<10000x128xf32, #tpu.memory_space<vmem_shared>> -> memref<128x128xf32, #tpu.memory_space<vmem_shared>>
        %dma_start3A_42 = arith.constant 0 : i32
        %dma_start3A_43 = tpu.memref_slice %arg11[%add3A_34, %dma_start3A_42] : memref<10000x128xf32, #tpu.memory_space<vmem_shared>> -> memref<128x128xf32, #tpu.memory_space<vmem_shared>>
        tpu.enqueue_dma source(%arg10 : memref<128x128xf32, #tpu.memory_space<vmem>>) target(%dma_start3A_43 : memref<128x128xf32, #tpu.memory_space<vmem_shared>>) target_semaphore(%run_scoped3A : memref<!tpu.dma_semaphore, #tpu.memory_space<semaphore_mem>>)
        %dma_wait3A = arith.constant 0 : i32
        %dma_wait3A_44 = tpu.memref_slice %arg11[%add3A_34, %dma_wait3A] : memref<10000x128xf32, #tpu.memory_space<vmem_shared>> -> memref<128x128xf32, #tpu.memory_space<vmem_shared>>
        %dma_wait3A_45 = arith.constant 0 : i32
        %dma_wait3A_46 = tpu.memref_slice %arg11[%add3A_34, %dma_wait3A_45] : memref<10000x128xf32, #tpu.memory_space<vmem_shared>> -> memref<128x128xf32, #tpu.memory_space<vmem_shared>>
        tpu.wait_dma2 semaphore(%run_scoped3A : memref<!tpu.dma_semaphore, #tpu.memory_space<semaphore_mem>>) src(%arg10 : memref<128x128xf32, #tpu.memory_space<vmem>>) dst(%dma_wait3A_46 : memref<128x128xf32, #tpu.memory_space<vmem_shared>>)
        tpu.yield
      }) : () -> ()
      %add3A_35 = arith.constant 256 : i32
      %add3A_36 = arith.addi %mul3A_7, %add3A_35 : i32
      "tpu.region"() ({
        %run_scoped3A = tpu.sem_alloc : memref<!tpu.dma_semaphore, #tpu.memory_space<semaphore_mem>>
        %dma_start3A = arith.constant 0 : i32
        %dma_start3A_41 = tpu.memref_slice %arg11[%add3A_36, %dma_start3A] : memref<10000x128xf32, #tpu.memory_space<vmem_shared>> -> memref<128x128xf32, #tpu.memory_space<vmem_shared>>
        %dma_start3A_42 = arith.constant 0 : i32
        %dma_start3A_43 = tpu.memref_slice %arg11[%add3A_36, %dma_start3A_42] : memref<10000x128xf32, #tpu.memory_space<vmem_shared>> -> memref<128x128xf32, #tpu.memory_space<vmem_shared>>
        tpu.enqueue_dma source(%arg10 : memref<128x128xf32, #tpu.memory_space<vmem>>) target(%dma_start3A_43 : memref<128x128xf32, #tpu.memory_space<vmem_shared>>) target_semaphore(%run_scoped3A : memref<!tpu.dma_semaphore, #tpu.memory_space<semaphore_mem>>)
        %dma_wait3A = arith.constant 0 : i32
        %dma_wait3A_44 = tpu.memref_slice %arg11[%add3A_36, %dma_wait3A] : memref<10000x128xf32, #tpu.memory_space<vmem_shared>> -> memref<128x128xf32, #tpu.memory_space<vmem_shared>>
        %dma_wait3A_45 = arith.constant 0 : i32
        %dma_wait3A_46 = tpu.memref_slice %arg11[%add3A_36, %dma_wait3A_45] : memref<10000x128xf32, #tpu.memory_space<vmem_shared>> -> memref<128x128xf32, #tpu.memory_space<vmem_shared>>
        tpu.wait_dma2 semaphore(%run_scoped3A : memref<!tpu.dma_semaphore, #tpu.memory_space<semaphore_mem>>) src(%arg10 : memref<128x128xf32, #tpu.memory_space<vmem>>) dst(%dma_wait3A_46 : memref<128x128xf32, #tpu.memory_space<vmem_shared>>)
        tpu.yield
      }) : () -> ()
      %add3A_37 = arith.constant 384 : i32
      %add3A_38 = arith.addi %mul3A_7, %add3A_37 : i32
      "tpu.region"() ({
        %run_scoped3A = tpu.sem_alloc : memref<!tpu.dma_semaphore, #tpu.memory_space<semaphore_mem>>
        %dma_start3A = arith.constant 0 : i32
        %dma_start3A_41 = tpu.memref_slice %arg11[%add3A_38, %dma_start3A] : memref<10000x128xf32, #tpu.memory_space<vmem_shared>> -> memref<128x128xf32, #tpu.memory_space<vmem_shared>>
        %dma_start3A_42 = arith.constant 0 : i32
        %dma_start3A_43 = tpu.memref_slice %arg11[%add3A_38, %dma_start3A_42] : memref<10000x128xf32, #tpu.memory_space<vmem_shared>> -> memref<128x128xf32, #tpu.memory_space<vmem_shared>>
        tpu.enqueue_dma source(%arg10 : memref<128x128xf32, #tpu.memory_space<vmem>>) target(%dma_start3A_43 : memref<128x128xf32, #tpu.memory_space<vmem_shared>>) target_semaphore(%run_scoped3A : memref<!tpu.dma_semaphore, #tpu.memory_space<semaphore_mem>>)
        %dma_wait3A = arith.constant 0 : i32
        %dma_wait3A_44 = tpu.memref_slice %arg11[%add3A_38, %dma_wait3A] : memref<10000x128xf32, #tpu.memory_space<vmem_shared>> -> memref<128x128xf32, #tpu.memory_space<vmem_shared>>
        %dma_wait3A_45 = arith.constant 0 : i32
        %dma_wait3A_46 = tpu.memref_slice %arg11[%add3A_38, %dma_wait3A_45] : memref<10000x128xf32, #tpu.memory_space<vmem_shared>> -> memref<128x128xf32, #tpu.memory_space<vmem_shared>>
        tpu.wait_dma2 semaphore(%run_scoped3A : memref<!tpu.dma_semaphore, #tpu.memory_space<semaphore_mem>>) src(%arg10 : memref<128x128xf32, #tpu.memory_space<vmem>>) dst(%dma_wait3A_46 : memref<128x128xf32, #tpu.memory_space<vmem_shared>>)
        tpu.yield
      }) : () -> ()
      %add3A_39 = arith.constant 512 : i32
      %add3A_40 = arith.addi %mul3A_7, %add3A_39 : i32
      "tpu.region"() ({
        %run_scoped3A = tpu.sem_alloc : memref<!tpu.dma_semaphore, #tpu.memory_space<semaphore_mem>>
        %dma_start3A = arith.constant 0 : i32
        %dma_start3A_41 = tpu.memref_slice %arg11[%add3A_40, %dma_start3A] : memref<10000x128xf32, #tpu.memory_space<vmem_shared>> -> memref<128x128xf32, #tpu.memory_space<vmem_shared>>
        %dma_start3A_42 = arith.constant 0 : i32
        %dma_start3A_43 = tpu.memref_slice %arg11[%add3A_40, %dma_start3A_42] : memref<10000x128xf32, #tpu.memory_space<vmem_shared>> -> memref<128x128xf32, #tpu.memory_space<vmem_shared>>
        tpu.enqueue_dma source(%arg10 : memref<128x128xf32, #tpu.memory_space<vmem>>) target(%dma_start3A_43 : memref<128x128xf32, #tpu.memory_space<vmem_shared>>) target_semaphore(%run_scoped3A : memref<!tpu.dma_semaphore, #tpu.memory_space<semaphore_mem>>)
        %dma_wait3A = arith.constant 0 : i32
        %dma_wait3A_44 = tpu.memref_slice %arg11[%add3A_40, %dma_wait3A] : memref<10000x128xf32, #tpu.memory_space<vmem_shared>> -> memref<128x128xf32, #tpu.memory_space<vmem_shared>>
        %dma_wait3A_45 = arith.constant 0 : i32
        %dma_wait3A_46 = tpu.memref_slice %arg11[%add3A_40, %dma_wait3A_45] : memref<10000x128xf32, #tpu.memory_space<vmem_shared>> -> memref<128x128xf32, #tpu.memory_space<vmem_shared>>
        tpu.wait_dma2 semaphore(%run_scoped3A : memref<!tpu.dma_semaphore, #tpu.memory_space<semaphore_mem>>) src(%arg10 : memref<128x128xf32, #tpu.memory_space<vmem>>) dst(%dma_wait3A_46 : memref<128x128xf32, #tpu.memory_space<vmem_shared>>)
        tpu.yield
      }) : () -> ()
    } else {
    }
    %eq3A = arith.constant 15 : i32
    %eq3A_10 = arith.cmpi eq, %arg1, %eq3A : i32
    %convert_element_type3A_11 = arith.extui %eq3A_10 : i1 to i32
    %cond3A_12 = arith.constant 0 : i32
    %cond3A_13 = arith.cmpi ne, %convert_element_type3A_11, %cond3A_12 : i32
    scf.if %cond3A_13 {
      %add3A_31 = arith.constant 0 : i32
      %add3A_32 = arith.addi %mul3A_7, %add3A_31 : i32
      "tpu.region"() ({
        %run_scoped3A = tpu.sem_alloc : memref<!tpu.dma_semaphore, #tpu.memory_space<semaphore_mem>>
        %dma_start3A = arith.constant 0 : i32
        %dma_start3A_40 = tpu.memref_slice %arg11[%add3A_32, %dma_start3A] : memref<10000x128xf32, #tpu.memory_space<vmem_shared>> -> memref<128x128xf32, #tpu.memory_space<vmem_shared>>
        %dma_start3A_41 = arith.constant 0 : i32
        %dma_start3A_42 = tpu.memref_slice %arg11[%add3A_32, %dma_start3A_41] : memref<10000x128xf32, #tpu.memory_space<vmem_shared>> -> memref<128x128xf32, #tpu.memory_space<vmem_shared>>
        tpu.enqueue_dma source(%arg10 : memref<128x128xf32, #tpu.memory_space<vmem>>) target(%dma_start3A_42 : memref<128x128xf32, #tpu.memory_space<vmem_shared>>) target_semaphore(%run_scoped3A : memref<!tpu.dma_semaphore, #tpu.memory_space<semaphore_mem>>)
        %dma_wait3A = arith.constant 0 : i32
        %dma_wait3A_43 = tpu.memref_slice %arg11[%add3A_32, %dma_wait3A] : memref<10000x128xf32, #tpu.memory_space<vmem_shared>> -> memref<128x128xf32, #tpu.memory_space<vmem_shared>>
        %dma_wait3A_44 = arith.constant 0 : i32
        %dma_wait3A_45 = tpu.memref_slice %arg11[%add3A_32, %dma_wait3A_44] : memref<10000x128xf32, #tpu.memory_space<vmem_shared>> -> memref<128x128xf32, #tpu.memory_space<vmem_shared>>
        tpu.wait_dma2 semaphore(%run_scoped3A : memref<!tpu.dma_semaphore, #tpu.memory_space<semaphore_mem>>) src(%arg10 : memref<128x128xf32, #tpu.memory_space<vmem>>) dst(%dma_wait3A_45 : memref<128x128xf32, #tpu.memory_space<vmem_shared>>)
        tpu.yield
      }) : () -> ()
      %add3A_33 = arith.constant 128 : i32
      %add3A_34 = arith.addi %mul3A_7, %add3A_33 : i32
      "tpu.region"() ({
        %run_scoped3A = tpu.sem_alloc : memref<!tpu.dma_semaphore, #tpu.memory_space<semaphore_mem>>
        %dma_start3A = arith.constant 0 : i32
        %dma_start3A_40 = tpu.memref_slice %arg11[%add3A_34, %dma_start3A] : memref<10000x128xf32, #tpu.memory_space<vmem_shared>> -> memref<128x128xf32, #tpu.memory_space<vmem_shared>>
        %dma_start3A_41 = arith.constant 0 : i32
        %dma_start3A_42 = tpu.memref_slice %arg11[%add3A_34, %dma_start3A_41] : memref<10000x128xf32, #tpu.memory_space<vmem_shared>> -> memref<128x128xf32, #tpu.memory_space<vmem_shared>>
        tpu.enqueue_dma source(%arg10 : memref<128x128xf32, #tpu.memory_space<vmem>>) target(%dma_start3A_42 : memref<128x128xf32, #tpu.memory_space<vmem_shared>>) target_semaphore(%run_scoped3A : memref<!tpu.dma_semaphore, #tpu.memory_space<semaphore_mem>>)
        %dma_wait3A = arith.constant 0 : i32
        %dma_wait3A_43 = tpu.memref_slice %arg11[%add3A_34, %dma_wait3A] : memref<10000x128xf32, #tpu.memory_space<vmem_shared>> -> memref<128x128xf32, #tpu.memory_space<vmem_shared>>
        %dma_wait3A_44 = arith.constant 0 : i32
        %dma_wait3A_45 = tpu.memref_slice %arg11[%add3A_34, %dma_wait3A_44] : memref<10000x128xf32, #tpu.memory_space<vmem_shared>> -> memref<128x128xf32, #tpu.memory_space<vmem_shared>>
        tpu.wait_dma2 semaphore(%run_scoped3A : memref<!tpu.dma_semaphore, #tpu.memory_space<semaphore_mem>>) src(%arg10 : memref<128x128xf32, #tpu.memory_space<vmem>>) dst(%dma_wait3A_45 : memref<128x128xf32, #tpu.memory_space<vmem_shared>>)
        tpu.yield
      }) : () -> ()
      %add3A_35 = arith.constant 256 : i32
      %add3A_36 = arith.addi %mul3A_7, %add3A_35 : i32
      "tpu.region"() ({
        %run_scoped3A = tpu.sem_alloc : memref<!tpu.dma_semaphore, #tpu.memory_space<semaphore_mem>>
        %dma_start3A = arith.constant 0 : i32
        %dma_start3A_40 = tpu.memref_slice %arg11[%add3A_36, %dma_start3A] : memref<10000x128xf32, #tpu.memory_space<vmem_shared>> -> memref<128x128xf32, #tpu.memory_space<vmem_shared>>
        %dma_start3A_41 = arith.constant 0 : i32
        %dma_start3A_42 = tpu.memref_slice %arg11[%add3A_36, %dma_start3A_41] : memref<10000x128xf32, #tpu.memory_space<vmem_shared>> -> memref<128x128xf32, #tpu.memory_space<vmem_shared>>
        tpu.enqueue_dma source(%arg10 : memref<128x128xf32, #tpu.memory_space<vmem>>) target(%dma_start3A_42 : memref<128x128xf32, #tpu.memory_space<vmem_shared>>) target_semaphore(%run_scoped3A : memref<!tpu.dma_semaphore, #tpu.memory_space<semaphore_mem>>)
        %dma_wait3A = arith.constant 0 : i32
        %dma_wait3A_43 = tpu.memref_slice %arg11[%add3A_36, %dma_wait3A] : memref<10000x128xf32, #tpu.memory_space<vmem_shared>> -> memref<128x128xf32, #tpu.memory_space<vmem_shared>>
        %dma_wait3A_44 = arith.constant 0 : i32
        %dma_wait3A_45 = tpu.memref_slice %arg11[%add3A_36, %dma_wait3A_44] : memref<10000x128xf32, #tpu.memory_space<vmem_shared>> -> memref<128x128xf32, #tpu.memory_space<vmem_shared>>
        tpu.wait_dma2 semaphore(%run_scoped3A : memref<!tpu.dma_semaphore, #tpu.memory_space<semaphore_mem>>) src(%arg10 : memref<128x128xf32, #tpu.memory_space<vmem>>) dst(%dma_wait3A_45 : memref<128x128xf32, #tpu.memory_space<vmem_shared>>)
        tpu.yield
      }) : () -> ()
      %add3A_37 = arith.constant 400 : i32
      %add3A_38 = arith.addi %mul3A_7, %add3A_37 : i32
      %sub3A = arith.constant 16 : i32
      %sub3A_39 = arith.subi %add3A_38, %sub3A : i32
      "tpu.region"() ({
        %run_scoped3A = tpu.sem_alloc : memref<!tpu.dma_semaphore, #tpu.memory_space<semaphore_mem>>
        %dma_start3A = arith.constant 0 : i32
        %dma_start3A_40 = arith.constant 0 : i32
        %dma_start3A_41 = tpu.memref_slice %arg10[%dma_start3A, %dma_start3A_40] : memref<128x128xf32, #tpu.memory_space<vmem>> -> memref<16x128xf32, #tpu.memory_space<vmem>>
        %dma_start3A_42 = arith.constant 0 : i32
        %dma_start3A_43 = tpu.memref_slice %arg11[%sub3A_39, %dma_start3A_42] : memref<10000x128xf32, #tpu.memory_space<vmem_shared>> -> memref<16x128xf32, #tpu.memory_space<vmem_shared>>
        %dma_start3A_44 = arith.constant 0 : i32
        %dma_start3A_45 = tpu.memref_slice %arg11[%sub3A_39, %dma_start3A_44] : memref<10000x128xf32, #tpu.memory_space<vmem_shared>> -> memref<16x128xf32, #tpu.memory_space<vmem_shared>>
        %dma_start3A_46 = arith.constant 0 : i32
        %dma_start3A_47 = arith.constant 0 : i32
        %dma_start3A_48 = tpu.memref_slice %arg10[%dma_start3A_46, %dma_start3A_47] : memref<128x128xf32, #tpu.memory_space<vmem>> -> memref<16x128xf32, #tpu.memory_space<vmem>>
        tpu.enqueue_dma source(%dma_start3A_48 : memref<16x128xf32, #tpu.memory_space<vmem>>) target(%dma_start3A_45 : memref<16x128xf32, #tpu.memory_space<vmem_shared>>) target_semaphore(%run_scoped3A : memref<!tpu.dma_semaphore, #tpu.memory_space<semaphore_mem>>)
        %dma_wait3A = arith.constant 0 : i32
        %dma_wait3A_49 = arith.constant 0 : i32
        %dma_wait3A_50 = tpu.memref_slice %arg10[%dma_wait3A, %dma_wait3A_49] : memref<128x128xf32, #tpu.memory_space<vmem>> -> memref<16x128xf32, #tpu.memory_space<vmem>>
        %dma_wait3A_51 = arith.constant 0 : i32
        %dma_wait3A_52 = tpu.memref_slice %arg11[%sub3A_39, %dma_wait3A_51] : memref<10000x128xf32, #tpu.memory_space<vmem_shared>> -> memref<16x128xf32, #tpu.memory_space<vmem_shared>>
        %dma_wait3A_53 = arith.constant 0 : i32
        %dma_wait3A_54 = tpu.memref_slice %arg11[%sub3A_39, %dma_wait3A_53] : memref<10000x128xf32, #tpu.memory_space<vmem_shared>> -> memref<16x128xf32, #tpu.memory_space<vmem_shared>>
        %dma_wait3A_55 = arith.constant 0 : i32
        %dma_wait3A_56 = arith.constant 0 : i32
        %dma_wait3A_57 = tpu.memref_slice %arg10[%dma_wait3A_55, %dma_wait3A_56] : memref<128x128xf32, #tpu.memory_space<vmem>> -> memref<16x128xf32, #tpu.memory_space<vmem>>
        tpu.wait_dma2 semaphore(%run_scoped3A : memref<!tpu.dma_semaphore, #tpu.memory_space<semaphore_mem>>) src(%dma_wait3A_57 : memref<16x128xf32, #tpu.memory_space<vmem>>) dst(%dma_wait3A_54 : memref<16x128xf32, #tpu.memory_space<vmem_shared>>)
        tpu.yield
      }) : () -> ()
    } else {
    }
    %barrier3A = arith.constant 0 : index
    tpu.barrier barrier_id(%barrier3A)
    %scan3A_14 = arith.constant 0 : i32
    %scan3A_15 = arith.constant 0 : i32
    %scan3A_16 = arith.constant 80 : i32
    %scan3A_17 = arith.addi %scan3A_15, %scan3A_16 : i32
    %scan3A_18 = arith.constant 1 : i32
    scf.for %scan3A_31 = %scan3A_15 to %scan3A_17 step %scan3A_18  : i32 {
      %mul3A_32 = arith.constant 128 : i32
      %mul3A_33 = arith.muli %scan3A_31, %mul3A_32 : i32
      %dma_start3A = arith.constant 0 : i32
      %dma_start3A_34 = tpu.memref_slice %arg7[%scan3A_31, %dma_start3A] : memref<80x128xi32, #tpu.memory_space<vmem>> -> memref<1x128xi32, #tpu.memory_space<vmem>>
      %dma_start3A_35 = tpu.memref_squeeze %dma_start3A_34 : memref<1x128xi32, #tpu.memory_space<vmem>> -> memref<128xi32, #tpu.memory_space<vmem>>
      %dma_start3A_36 = arith.constant 0 : i32
      %dma_start3A_37 = arith.constant 0 : i32
      %dma_start3A_38 = tpu.memref_slice %arg2[%dma_start3A_36, %dma_start3A_37] : memref<10000x128xf32, #tpu.memory_space<hbm>> -> memref<10000x128xf32, #tpu.memory_space<hbm>>
      tpu.enqueue_indirect_dma source(%dma_start3A_38 : memref<10000x128xf32, #tpu.memory_space<hbm>>) target(%arg10 : memref<128x128xf32, #tpu.memory_space<vmem>>) offsets(%dma_start3A_35 : memref<128xi32, #tpu.memory_space<vmem>>) semaphore(%arg12 : memref<!tpu.dma_semaphore, #tpu.memory_space<semaphore_mem>>)
      %dma_wait3A = arith.constant 0 : i32
      %dma_wait3A_39 = tpu.memref_slice %arg7[%scan3A_31, %dma_wait3A] : memref<80x128xi32, #tpu.memory_space<vmem>> -> memref<1x128xi32, #tpu.memory_space<vmem>>
      %dma_wait3A_40 = tpu.memref_squeeze %dma_wait3A_39 : memref<1x128xi32, #tpu.memory_space<vmem>> -> memref<128xi32, #tpu.memory_space<vmem>>
      %dma_wait3A_41 = arith.constant 0 : i32
      %dma_wait3A_42 = arith.constant 0 : i32
      %dma_wait3A_43 = tpu.memref_slice %arg2[%dma_wait3A_41, %dma_wait3A_42] : memref<10000x128xf32, #tpu.memory_space<hbm>> -> memref<10000x128xf32, #tpu.memory_space<hbm>>
      tpu.wait_indirect_dma semaphore(%arg12 : memref<!tpu.dma_semaphore, #tpu.memory_space<semaphore_mem>>) src(%dma_wait3A_43 : memref<10000x128xf32, #tpu.memory_space<hbm>>) dst(%arg10 : memref<128x128xf32, #tpu.memory_space<vmem>>)
      %scan3A_44 = arith.constant 0 : i32
      %scan3A_45 = arith.constant 0 : i32
      %scan3A_46 = arith.constant 128 : i32
      %scan3A_47 = arith.addi %scan3A_45, %scan3A_46 : i32
      %scan3A_48 = arith.constant 1 : i32
      scf.for %scan3A_50 = %scan3A_45 to %scan3A_47 step %scan3A_48  : i32 {
        %add3A_51 = arith.addi %mul3A_33, %scan3A_50 : i32
        %broadcast_in_dim3A = vector.broadcast %add3A_51 : i32 to vector<16xi32>
        %gather3A = tpu.vector_load_idx %arg9[%broadcast_in_dim3A] : memref<10240xf32, #tpu.memory_space<vmem>>[vector<16xi32>], vector<16xf32>,
        %get3A = arith.index_cast %scan3A_50 : i32 to index
        %get3A_52 = arith.constant 0 : index
        %get3A_53 = tpu.vector_load %arg10[%get3A, %get3A_52] {strides = array<i32>} : memref<128x128xf32, #tpu.memory_space<vmem>>, vector<16xf32>,
        %mul3A_54 = arith.mulf %get3A_53, %gather3A : vector<16xf32>
        %swap3A = arith.index_cast %scan3A_50 : i32 to index
        %swap3A_55 = arith.constant 0 : index
        %swap3A_56 = tpu.vector_load %arg10[%swap3A, %swap3A_55] {strides = array<i32>} : memref<128x128xf32, #tpu.memory_space<vmem>>, vector<16xf32>,
        tpu.vector_store %arg10[%swap3A, %swap3A_55], %mul3A_54 {strides = array<i32>} : memref<128x128xf32, #tpu.memory_space<vmem>>, vector<16xf32>,
        %get3A_57 = arith.index_cast %scan3A_50 : i32 to index
        %get3A_58 = arith.constant 16 : index
        %get3A_59 = tpu.vector_load %arg10[%get3A_57, %get3A_58] {strides = array<i32>} : memref<128x128xf32, #tpu.memory_space<vmem>>, vector<16xf32>,
        %mul3A_60 = arith.mulf %get3A_59, %gather3A : vector<16xf32>
        %swap3A_61 = arith.index_cast %scan3A_50 : i32 to index
        %swap3A_62 = arith.constant 16 : index
        %swap3A_63 = tpu.vector_load %arg10[%swap3A_61, %swap3A_62] {strides = array<i32>} : memref<128x128xf32, #tpu.memory_space<vmem>>, vector<16xf32>,
        tpu.vector_store %arg10[%swap3A_61, %swap3A_62], %mul3A_60 {strides = array<i32>} : memref<128x128xf32, #tpu.memory_space<vmem>>, vector<16xf32>,
        %get3A_64 = arith.index_cast %scan3A_50 : i32 to index
        %get3A_65 = arith.constant 32 : index
        %get3A_66 = tpu.vector_load %arg10[%get3A_64, %get3A_65] {strides = array<i32>} : memref<128x128xf32, #tpu.memory_space<vmem>>, vector<16xf32>,
        %mul3A_67 = arith.mulf %get3A_66, %gather3A : vector<16xf32>
        %swap3A_68 = arith.index_cast %scan3A_50 : i32 to index
        %swap3A_69 = arith.constant 32 : index
        %swap3A_70 = tpu.vector_load %arg10[%swap3A_68, %swap3A_69] {strides = array<i32>} : memref<128x128xf32, #tpu.memory_space<vmem>>, vector<16xf32>,
        tpu.vector_store %arg10[%swap3A_68, %swap3A_69], %mul3A_67 {strides = array<i32>} : memref<128x128xf32, #tpu.memory_space<vmem>>, vector<16xf32>,
        %get3A_71 = arith.index_cast %scan3A_50 : i32 to index
        %get3A_72 = arith.constant 48 : index
        %get3A_73 = tpu.vector_load %arg10[%get3A_71, %get3A_72] {strides = array<i32>} : memref<128x128xf32, #tpu.memory_space<vmem>>, vector<16xf32>,
        %mul3A_74 = arith.mulf %get3A_73, %gather3A : vector<16xf32>
        %swap3A_75 = arith.index_cast %scan3A_50 : i32 to index
        %swap3A_76 = arith.constant 48 : index
        %swap3A_77 = tpu.vector_load %arg10[%swap3A_75, %swap3A_76] {strides = array<i32>} : memref<128x128xf32, #tpu.memory_space<vmem>>, vector<16xf32>,
        tpu.vector_store %arg10[%swap3A_75, %swap3A_76], %mul3A_74 {strides = array<i32>} : memref<128x128xf32, #tpu.memory_space<vmem>>, vector<16xf32>,
        %get3A_78 = arith.index_cast %scan3A_50 : i32 to index
        %get3A_79 = arith.constant 64 : index
        %get3A_80 = tpu.vector_load %arg10[%get3A_78, %get3A_79] {strides = array<i32>} : memref<128x128xf32, #tpu.memory_space<vmem>>, vector<16xf32>,
        %mul3A_81 = arith.mulf %get3A_80, %gather3A : vector<16xf32>
        %swap3A_82 = arith.index_cast %scan3A_50 : i32 to index
        %swap3A_83 = arith.constant 64 : index
        %swap3A_84 = tpu.vector_load %arg10[%swap3A_82, %swap3A_83] {strides = array<i32>} : memref<128x128xf32, #tpu.memory_space<vmem>>, vector<16xf32>,
        tpu.vector_store %arg10[%swap3A_82, %swap3A_83], %mul3A_81 {strides = array<i32>} : memref<128x128xf32, #tpu.memory_space<vmem>>, vector<16xf32>,
        %get3A_85 = arith.index_cast %scan3A_50 : i32 to index
        %get3A_86 = arith.constant 80 : index
        %get3A_87 = tpu.vector_load %arg10[%get3A_85, %get3A_86] {strides = array<i32>} : memref<128x128xf32, #tpu.memory_space<vmem>>, vector<16xf32>,
        %mul3A_88 = arith.mulf %get3A_87, %gather3A : vector<16xf32>
        %swap3A_89 = arith.index_cast %scan3A_50 : i32 to index
        %swap3A_90 = arith.constant 80 : index
        %swap3A_91 = tpu.vector_load %arg10[%swap3A_89, %swap3A_90] {strides = array<i32>} : memref<128x128xf32, #tpu.memory_space<vmem>>, vector<16xf32>,
        tpu.vector_store %arg10[%swap3A_89, %swap3A_90], %mul3A_88 {strides = array<i32>} : memref<128x128xf32, #tpu.memory_space<vmem>>, vector<16xf32>,
        %get3A_92 = arith.index_cast %scan3A_50 : i32 to index
        %get3A_93 = arith.constant 96 : index
        %get3A_94 = tpu.vector_load %arg10[%get3A_92, %get3A_93] {strides = array<i32>} : memref<128x128xf32, #tpu.memory_space<vmem>>, vector<16xf32>,
        %mul3A_95 = arith.mulf %get3A_94, %gather3A : vector<16xf32>
        %swap3A_96 = arith.index_cast %scan3A_50 : i32 to index
        %swap3A_97 = arith.constant 96 : index
        %swap3A_98 = tpu.vector_load %arg10[%swap3A_96, %swap3A_97] {strides = array<i32>} : memref<128x128xf32, #tpu.memory_space<vmem>>, vector<16xf32>,
        tpu.vector_store %arg10[%swap3A_96, %swap3A_97], %mul3A_95 {strides = array<i32>} : memref<128x128xf32, #tpu.memory_space<vmem>>, vector<16xf32>,
        %get3A_99 = arith.index_cast %scan3A_50 : i32 to index
        %get3A_100 = arith.constant 112 : index
        %get3A_101 = tpu.vector_load %arg10[%get3A_99, %get3A_100] {strides = array<i32>} : memref<128x128xf32, #tpu.memory_space<vmem>>, vector<16xf32>,
        %mul3A_102 = arith.mulf %get3A_101, %gather3A : vector<16xf32>
        %swap3A_103 = arith.index_cast %scan3A_50 : i32 to index
        %swap3A_104 = arith.constant 112 : index
        %swap3A_105 = tpu.vector_load %arg10[%swap3A_103, %swap3A_104] {strides = array<i32>} : memref<128x128xf32, #tpu.memory_space<vmem>>, vector<16xf32>,
        tpu.vector_store %arg10[%swap3A_103, %swap3A_104], %mul3A_102 {strides = array<i32>} : memref<128x128xf32, #tpu.memory_space<vmem>>, vector<16xf32>,
      }
      %scan3A_49 = arith.constant 128 : i32
      "tpu.region"() ({
        %run_scoped3A = tpu.sem_alloc : memref<!tpu.dma_semaphore, #tpu.memory_space<semaphore_mem>>
        %dma_start3A_50 = arith.constant 0 : i32
        %dma_start3A_51 = tpu.memref_slice %arg8[%scan3A_31, %dma_start3A_50] : memref<80x128xi32, #tpu.memory_space<vmem>> -> memref<1x128xi32, #tpu.memory_space<vmem>>
        %dma_start3A_52 = tpu.memref_squeeze %dma_start3A_51 : memref<1x128xi32, #tpu.memory_space<vmem>> -> memref<128xi32, #tpu.memory_space<vmem>>
        %dma_start3A_53 = arith.constant 0 : i32
        %dma_start3A_54 = arith.constant 0 : i32
        %dma_start3A_55 = tpu.memref_slice %arg11[%dma_start3A_53, %dma_start3A_54] : memref<10000x128xf32, #tpu.memory_space<vmem_shared>> -> memref<10000x128xf32, #tpu.memory_space<vmem_shared>>
        tpu.enqueue_indirect_dma source(%arg10 : memref<128x128xf32, #tpu.memory_space<vmem>>) target(%dma_start3A_55 : memref<10000x128xf32, #tpu.memory_space<vmem_shared>>) offsets(%dma_start3A_52 : memref<128xi32, #tpu.memory_space<vmem>>) semaphore(%run_scoped3A : memref<!tpu.dma_semaphore, #tpu.memory_space<semaphore_mem>>) {add = true}
        %dma_wait3A_56 = arith.constant 0 : i32
        %dma_wait3A_57 = tpu.memref_slice %arg8[%scan3A_31, %dma_wait3A_56] : memref<80x128xi32, #tpu.memory_space<vmem>> -> memref<1x128xi32, #tpu.memory_space<vmem>>
        %dma_wait3A_58 = tpu.memref_squeeze %dma_wait3A_57 : memref<1x128xi32, #tpu.memory_space<vmem>> -> memref<128xi32, #tpu.memory_space<vmem>>
        %dma_wait3A_59 = arith.constant 0 : i32
        %dma_wait3A_60 = arith.constant 0 : i32
        %dma_wait3A_61 = tpu.memref_slice %arg11[%dma_wait3A_59, %dma_wait3A_60] : memref<10000x128xf32, #tpu.memory_space<vmem_shared>> -> memref<10000x128xf32, #tpu.memory_space<vmem_shared>>
        tpu.wait_indirect_dma semaphore(%run_scoped3A : memref<!tpu.dma_semaphore, #tpu.memory_space<semaphore_mem>>) src(%arg10 : memref<128x128xf32, #tpu.memory_space<vmem>>) dst(%dma_wait3A_61 : memref<10000x128xf32, #tpu.memory_space<vmem_shared>>)
        tpu.yield
      }) : () -> ()
    }
    %scan3A_19 = arith.constant 80 : i32
    %barrier3A_20 = arith.constant 0 : index
    tpu.barrier barrier_id(%barrier3A_20)
    %lt3A_21 = arith.constant 15 : i32
    %lt3A_22 = arith.cmpi slt, %arg1, %lt3A_21 : i32
    %convert_element_type3A_23 = arith.extui %lt3A_22 : i1 to i32
    %cond3A_24 = arith.constant 0 : i32
    %cond3A_25 = arith.cmpi ne, %convert_element_type3A_23, %cond3A_24 : i32
    scf.if %cond3A_25 {
      "tpu.region"() ({
        %run_scoped3A = tpu.sem_alloc : memref<!tpu.dma_semaphore, #tpu.memory_space<semaphore_mem>>
        %dma_start3A = arith.constant 0 : i32
        %dma_start3A_31 = tpu.memref_slice %arg6[%arg0, %mul3A_7, %dma_start3A] : memref<2x10000x128xf32, #tpu.memory_space<hbm>> -> memref<1x640x128xf32, #tpu.memory_space<hbm>>
        %dma_start3A_32 = tpu.memref_squeeze %dma_start3A_31 : memref<1x640x128xf32, #tpu.memory_space<hbm>> -> memref<640x128xf32, #tpu.memory_space<hbm>>
        %dma_start3A_33 = arith.constant 0 : i32
        %dma_start3A_34 = tpu.memref_slice %arg11[%mul3A_7, %dma_start3A_33] : memref<10000x128xf32, #tpu.memory_space<vmem_shared>> -> memref<640x128xf32, #tpu.memory_space<vmem_shared>>
        tpu.enqueue_dma source(%dma_start3A_34 : memref<640x128xf32, #tpu.memory_space<vmem_shared>>) target(%dma_start3A_32 : memref<640x128xf32, #tpu.memory_space<hbm>>) target_semaphore(%run_scoped3A : memref<!tpu.dma_semaphore, #tpu.memory_space<semaphore_mem>>)
        %dma_wait3A = arith.constant 0 : i32
        %dma_wait3A_35 = tpu.memref_slice %arg6[%arg0, %mul3A_7, %dma_wait3A] : memref<2x10000x128xf32, #tpu.memory_space<hbm>> -> memref<1x640x128xf32, #tpu.memory_space<hbm>>
        %dma_wait3A_36 = tpu.memref_squeeze %dma_wait3A_35 : memref<1x640x128xf32, #tpu.memory_space<hbm>> -> memref<640x128xf32, #tpu.memory_space<hbm>>
        %dma_wait3A_37 = arith.constant 0 : i32
        %dma_wait3A_38 = tpu.memref_slice %arg11[%mul3A_7, %dma_wait3A_37] : memref<10000x128xf32, #tpu.memory_space<vmem_shared>> -> memref<640x128xf32, #tpu.memory_space<vmem_shared>>
        tpu.wait_dma2 semaphore(%run_scoped3A : memref<!tpu.dma_semaphore, #tpu.memory_space<semaphore_mem>>) src(%dma_wait3A_38 : memref<640x128xf32, #tpu.memory_space<vmem_shared>>) dst(%dma_wait3A_36 : memref<640x128xf32, #tpu.memory_space<hbm>>)
        tpu.yield
      }) : () -> ()
    } else {
    }
    %eq3A_26 = arith.constant 15 : i32
    %eq3A_27 = arith.cmpi eq, %arg1, %eq3A_26 : i32
    %convert_element_type3A_28 = arith.extui %eq3A_27 : i1 to i32
    %cond3A_29 = arith.constant 0 : i32
    %cond3A_30 = arith.cmpi ne, %convert_element_type3A_28, %cond3A_29 : i32
    scf.if %cond3A_30 {
      "tpu.region"() ({
        %run_scoped3A = tpu.sem_alloc : memref<!tpu.dma_semaphore, #tpu.memory_space<semaphore_mem>>
        %dma_start3A = arith.constant 0 : i32
        %dma_start3A_31 = tpu.memref_slice %arg6[%arg0, %mul3A_7, %dma_start3A] : memref<2x10000x128xf32, #tpu.memory_space<hbm>> -> memref<1x400x128xf32, #tpu.memory_space<hbm>>
        %dma_start3A_32 = tpu.memref_squeeze %dma_start3A_31 : memref<1x400x128xf32, #tpu.memory_space<hbm>> -> memref<400x128xf32, #tpu.memory_space<hbm>>
        %dma_start3A_33 = arith.constant 0 : i32
        %dma_start3A_34 = tpu.memref_slice %arg11[%mul3A_7, %dma_start3A_33] : memref<10000x128xf32, #tpu.memory_space<vmem_shared>> -> memref<400x128xf32, #tpu.memory_space<vmem_shared>>
        tpu.enqueue_dma source(%dma_start3A_34 : memref<400x128xf32, #tpu.memory_space<vmem_shared>>) target(%dma_start3A_32 : memref<400x128xf32, #tpu.memory_space<hbm>>) target_semaphore(%run_scoped3A : memref<!tpu.dma_semaphore, #tpu.memory_space<semaphore_mem>>)
        %dma_wait3A = arith.constant 0 : i32
        %dma_wait3A_35 = tpu.memref_slice %arg6[%arg0, %mul3A_7, %dma_wait3A] : memref<2x10000x128xf32, #tpu.memory_space<hbm>> -> memref<1x400x128xf32, #tpu.memory_space<hbm>>
        %dma_wait3A_36 = tpu.memref_squeeze %dma_wait3A_35 : memref<1x400x128xf32, #tpu.memory_space<hbm>> -> memref<400x128xf32, #tpu.memory_space<hbm>>
        %dma_wait3A_37 = arith.constant 0 : i32
        %dma_wait3A_38 = tpu.memref_slice %arg11[%mul3A_7, %dma_wait3A_37] : memref<10000x128xf32, #tpu.memory_space<vmem_shared>> -> memref<400x128xf32, #tpu.memory_space<vmem_shared>>
        tpu.wait_dma2 semaphore(%run_scoped3A : memref<!tpu.dma_semaphore, #tpu.memory_space<semaphore_mem>>) src(%dma_wait3A_38 : memref<400x128xf32, #tpu.memory_space<vmem_shared>>) dst(%dma_wait3A_36 : memref<400x128xf32, #tpu.memory_space<hbm>>)
        tpu.yield
      }) : () -> ()
    } else {
    }
    return
  }
}

#map = affine_map<(d0, d1) -> (0, 0)>
#map1 = affine_map<(d0, d1) -> (0, 0, 0)>
module attributes {stable_mosaic.version = 14 : i64} {
  func.func @_spmm_body(%arg0: i32, %arg1: i32, %arg2: memref<10000x128xf32, #tpu.memory_space<hbm>>, %arg3: memref<32x80x128xi32, #tpu.memory_space<hbm>>, %arg4: memref<32x80x128xi32, #tpu.memory_space<hbm>>, %arg5: memref<32x10240xf32, #tpu.memory_space<hbm>>, %arg6: memref<2x10000x128xf32, #tpu.memory_space<hbm>>, %arg7: memref<80x128xi32, #tpu.memory_space<vmem>>, %arg8: memref<80x128xi32, #tpu.memory_space<vmem>>, %arg9: memref<10240xf32, #tpu.memory_space<vmem>>, %arg10: memref<128x128xf32, #tpu.memory_space<vmem>>, %arg11: memref<10000x128xf32, #tpu.memory_space<vmem_shared>>, %arg12: memref<!tpu.dma_semaphore, #tpu.memory_space<semaphore_mem>>) attributes {dimension_semantics = [#tpu.dimension_semantics<core_parallel>, #tpu.dimension_semantics<subcore_parallel>], iteration_bounds = array<i64: 2, 16>, scalar_prefetch = 0 : i64, scratch_operands = 6 : i64, tpu.core_type = #tpu.core_type<sc_vector_subcore>, window_params = [{transform_indices = #map}, {transform_indices = #map1}, {transform_indices = #map1}, {transform_indices = #map}, {transform_indices = #map1}]} {
    %mul3A = arith.constant 2 : i32
    %mul3A_0 = arith.muli %arg1, %mul3A : i32
    %add3A = arith.addi %mul3A_0, %arg0 : i32
    "tpu.region"() ({
      %run_scoped3A = tpu.sem_alloc : memref<!tpu.dma_semaphore, #tpu.memory_space<semaphore_mem>>
      %dma_start3A = arith.constant 0 : i32
      %dma_start3A_31 = arith.constant 0 : i32
      %dma_start3A_32 = tpu.memref_slice %arg4[%add3A, %dma_start3A, %dma_start3A_31] : memref<32x80x128xi32, #tpu.memory_space<hbm>> -> memref<1x80x128xi32, #tpu.memory_space<hbm>>
      %dma_start3A_33 = tpu.memref_squeeze %dma_start3A_32 : memref<1x80x128xi32, #tpu.memory_space<hbm>> -> memref<80x128xi32, #tpu.memory_space<hbm>>
      %dma_start3A_34 = arith.constant 0 : i32
      %dma_start3A_35 = arith.constant 0 : i32
      %dma_start3A_36 = tpu.memref_slice %arg4[%add3A, %dma_start3A_34, %dma_start3A_35] : memref<32x80x128xi32, #tpu.memory_space<hbm>> -> memref<1x80x128xi32, #tpu.memory_space<hbm>>
      %dma_start3A_37 = tpu.memref_squeeze %dma_start3A_36 : memref<1x80x128xi32, #tpu.memory_space<hbm>> -> memref<80x128xi32, #tpu.memory_space<hbm>>
      tpu.enqueue_dma source(%dma_start3A_37 : memref<80x128xi32, #tpu.memory_space<hbm>>) target(%arg7 : memref<80x128xi32, #tpu.memory_space<vmem>>) target_semaphore(%run_scoped3A : memref<!tpu.dma_semaphore, #tpu.memory_space<semaphore_mem>>)
      %dma_wait3A = arith.constant 0 : i32
      %dma_wait3A_38 = arith.constant 0 : i32
      %dma_wait3A_39 = tpu.memref_slice %arg4[%add3A, %dma_wait3A, %dma_wait3A_38] : memref<32x80x128xi32, #tpu.memory_space<hbm>> -> memref<1x80x128xi32, #tpu.memory_space<hbm>>
      %dma_wait3A_40 = tpu.memref_squeeze %dma_wait3A_39 : memref<1x80x128xi32, #tpu.memory_space<hbm>> -> memref<80x128xi32, #tpu.memory_space<hbm>>
      %dma_wait3A_41 = arith.constant 0 : i32
      %dma_wait3A_42 = arith.constant 0 : i32
      %dma_wait3A_43 = tpu.memref_slice %arg4[%add3A, %dma_wait3A_41, %dma_wait3A_42] : memref<32x80x128xi32, #tpu.memory_space<hbm>> -> memref<1x80x128xi32, #tpu.memory_space<hbm>>
      %dma_wait3A_44 = tpu.memref_squeeze %dma_wait3A_43 : memref<1x80x128xi32, #tpu.memory_space<hbm>> -> memref<80x128xi32, #tpu.memory_space<hbm>>
      tpu.wait_dma2 semaphore(%run_scoped3A : memref<!tpu.dma_semaphore, #tpu.memory_space<semaphore_mem>>) src(%dma_wait3A_44 : memref<80x128xi32, #tpu.memory_space<hbm>>) dst(%arg7 : memref<80x128xi32, #tpu.memory_space<vmem>>)
      tpu.yield
    }) : () -> ()
    "tpu.region"() ({
      %run_scoped3A = tpu.sem_alloc : memref<!tpu.dma_semaphore, #tpu.memory_space<semaphore_mem>>
      %dma_start3A = arith.constant 0 : i32
      %dma_start3A_31 = arith.constant 0 : i32
      %dma_start3A_32 = tpu.memref_slice %arg3[%add3A, %dma_start3A, %dma_start3A_31] : memref<32x80x128xi32, #tpu.memory_space<hbm>> -> memref<1x80x128xi32, #tpu.memory_space<hbm>>
      %dma_start3A_33 = tpu.memref_squeeze %dma_start3A_32 : memref<1x80x128xi32, #tpu.memory_space<hbm>> -> memref<80x128xi32, #tpu.memory_space<hbm>>
      %dma_start3A_34 = arith.constant 0 : i32
      %dma_start3A_35 = arith.constant 0 : i32
      %dma_start3A_36 = tpu.memref_slice %arg3[%add3A, %dma_start3A_34, %dma_start3A_35] : memref<32x80x128xi32, #tpu.memory_space<hbm>> -> memref<1x80x128xi32, #tpu.memory_space<hbm>>
      %dma_start3A_37 = tpu.memref_squeeze %dma_start3A_36 : memref<1x80x128xi32, #tpu.memory_space<hbm>> -> memref<80x128xi32, #tpu.memory_space<hbm>>
      tpu.enqueue_dma source(%dma_start3A_37 : memref<80x128xi32, #tpu.memory_space<hbm>>) target(%arg8 : memref<80x128xi32, #tpu.memory_space<vmem>>) target_semaphore(%run_scoped3A : memref<!tpu.dma_semaphore, #tpu.memory_space<semaphore_mem>>)
      %dma_wait3A = arith.constant 0 : i32
      %dma_wait3A_38 = arith.constant 0 : i32
      %dma_wait3A_39 = tpu.memref_slice %arg3[%add3A, %dma_wait3A, %dma_wait3A_38] : memref<32x80x128xi32, #tpu.memory_space<hbm>> -> memref<1x80x128xi32, #tpu.memory_space<hbm>>
      %dma_wait3A_40 = tpu.memref_squeeze %dma_wait3A_39 : memref<1x80x128xi32, #tpu.memory_space<hbm>> -> memref<80x128xi32, #tpu.memory_space<hbm>>
      %dma_wait3A_41 = arith.constant 0 : i32
      %dma_wait3A_42 = arith.constant 0 : i32
      %dma_wait3A_43 = tpu.memref_slice %arg3[%add3A, %dma_wait3A_41, %dma_wait3A_42] : memref<32x80x128xi32, #tpu.memory_space<hbm>> -> memref<1x80x128xi32, #tpu.memory_space<hbm>>
      %dma_wait3A_44 = tpu.memref_squeeze %dma_wait3A_43 : memref<1x80x128xi32, #tpu.memory_space<hbm>> -> memref<80x128xi32, #tpu.memory_space<hbm>>
      tpu.wait_dma2 semaphore(%run_scoped3A : memref<!tpu.dma_semaphore, #tpu.memory_space<semaphore_mem>>) src(%dma_wait3A_44 : memref<80x128xi32, #tpu.memory_space<hbm>>) dst(%arg8 : memref<80x128xi32, #tpu.memory_space<vmem>>)
      tpu.yield
    }) : () -> ()
    "tpu.region"() ({
      %run_scoped3A = tpu.sem_alloc : memref<!tpu.dma_semaphore, #tpu.memory_space<semaphore_mem>>
      %dma_start3A = arith.constant 0 : i32
      %dma_start3A_31 = tpu.memref_slice %arg5[%add3A, %dma_start3A] : memref<32x10240xf32, #tpu.memory_space<hbm>> -> memref<1x10240xf32, #tpu.memory_space<hbm>>
      %dma_start3A_32 = tpu.memref_squeeze %dma_start3A_31 : memref<1x10240xf32, #tpu.memory_space<hbm>> -> memref<10240xf32, #tpu.memory_space<hbm>>
      %dma_start3A_33 = arith.constant 0 : i32
      %dma_start3A_34 = tpu.memref_slice %arg5[%add3A, %dma_start3A_33] : memref<32x10240xf32, #tpu.memory_space<hbm>> -> memref<1x10240xf32, #tpu.memory_space<hbm>>
      %dma_start3A_35 = tpu.memref_squeeze %dma_start3A_34 : memref<1x10240xf32, #tpu.memory_space<hbm>> -> memref<10240xf32, #tpu.memory_space<hbm>>
      tpu.enqueue_dma source(%dma_start3A_35 : memref<10240xf32, #tpu.memory_space<hbm>>) target(%arg9 : memref<10240xf32, #tpu.memory_space<vmem>>) target_semaphore(%run_scoped3A : memref<!tpu.dma_semaphore, #tpu.memory_space<semaphore_mem>>)
      %dma_wait3A = arith.constant 0 : i32
      %dma_wait3A_36 = tpu.memref_slice %arg5[%add3A, %dma_wait3A] : memref<32x10240xf32, #tpu.memory_space<hbm>> -> memref<1x10240xf32, #tpu.memory_space<hbm>>
      %dma_wait3A_37 = tpu.memref_squeeze %dma_wait3A_36 : memref<1x10240xf32, #tpu.memory_space<hbm>> -> memref<10240xf32, #tpu.memory_space<hbm>>
      %dma_wait3A_38 = arith.constant 0 : i32
      %dma_wait3A_39 = tpu.memref_slice %arg5[%add3A, %dma_wait3A_38] : memref<32x10240xf32, #tpu.memory_space<hbm>> -> memref<1x10240xf32, #tpu.memory_space<hbm>>
      %dma_wait3A_40 = tpu.memref_squeeze %dma_wait3A_39 : memref<1x10240xf32, #tpu.memory_space<hbm>> -> memref<10240xf32, #tpu.memory_space<hbm>>
      tpu.wait_dma2 semaphore(%run_scoped3A : memref<!tpu.dma_semaphore, #tpu.memory_space<semaphore_mem>>) src(%dma_wait3A_40 : memref<10240xf32, #tpu.memory_space<hbm>>) dst(%arg9 : memref<10240xf32, #tpu.memory_space<vmem>>)
      tpu.yield
    }) : () -> ()
    %scan3A = arith.constant 0 : i32
    %scan3A_1 = arith.constant 0 : i32
    %scan3A_2 = arith.constant 128 : i32
    %scan3A_3 = arith.addi %scan3A_1, %scan3A_2 : i32
    %scan3A_4 = arith.constant 1 : i32
    scf.for %scan3A_31 = %scan3A_1 to %scan3A_3 step %scan3A_4  : i32 {
      %broadcast_in_dim3A = arith.constant 0.000000e+00 : f32
      %broadcast_in_dim3A_32 = vector.broadcast %broadcast_in_dim3A : f32 to vector<16xf32>
      %swap3A = arith.index_cast %scan3A_31 : i32 to index
      %swap3A_33 = arith.constant 0 : index
      %swap3A_34 = tpu.vector_load %arg10[%swap3A, %swap3A_33] {strides = array<i32>} : memref<128x128xf32, #tpu.memory_space<vmem>>, vector<16xf32>,
      tpu.vector_store %arg10[%swap3A, %swap3A_33], %broadcast_in_dim3A_32 {strides = array<i32>} : memref<128x128xf32, #tpu.memory_space<vmem>>, vector<16xf32>,
      %broadcast_in_dim3A_35 = arith.constant 0.000000e+00 : f32
      %broadcast_in_dim3A_36 = vector.broadcast %broadcast_in_dim3A_35 : f32 to vector<16xf32>
      %swap3A_37 = arith.index_cast %scan3A_31 : i32 to index
      %swap3A_38 = arith.constant 16 : index
      %swap3A_39 = tpu.vector_load %arg10[%swap3A_37, %swap3A_38] {strides = array<i32>} : memref<128x128xf32, #tpu.memory_space<vmem>>, vector<16xf32>,
      tpu.vector_store %arg10[%swap3A_37, %swap3A_38], %broadcast_in_dim3A_36 {strides = array<i32>} : memref<128x128xf32, #tpu.memory_space<vmem>>, vector<16xf32>,
      %broadcast_in_dim3A_40 = arith.constant 0.000000e+00 : f32
      %broadcast_in_dim3A_41 = vector.broadcast %broadcast_in_dim3A_40 : f32 to vector<16xf32>
      %swap3A_42 = arith.index_cast %scan3A_31 : i32 to index
      %swap3A_43 = arith.constant 32 : index
      %swap3A_44 = tpu.vector_load %arg10[%swap3A_42, %swap3A_43] {strides = array<i32>} : memref<128x128xf32, #tpu.memory_space<vmem>>, vector<16xf32>,
      tpu.vector_store %arg10[%swap3A_42, %swap3A_43], %broadcast_in_dim3A_41 {strides = array<i32>} : memref<128x128xf32, #tpu.memory_space<vmem>>, vector<16xf32>,
      %broadcast_in_dim3A_45 = arith.constant 0.000000e+00 : f32
      %broadcast_in_dim3A_46 = vector.broadcast %broadcast_in_dim3A_45 : f32 to vector<16xf32>
      %swap3A_47 = arith.index_cast %scan3A_31 : i32 to index
      %swap3A_48 = arith.constant 48 : index
      %swap3A_49 = tpu.vector_load %arg10[%swap3A_47, %swap3A_48] {strides = array<i32>} : memref<128x128xf32, #tpu.memory_space<vmem>>, vector<16xf32>,
      tpu.vector_store %arg10[%swap3A_47, %swap3A_48], %broadcast_in_dim3A_46 {strides = array<i32>} : memref<128x128xf32, #tpu.memory_space<vmem>>, vector<16xf32>,
      %broadcast_in_dim3A_50 = arith.constant 0.000000e+00 : f32
      %broadcast_in_dim3A_51 = vector.broadcast %broadcast_in_dim3A_50 : f32 to vector<16xf32>
      %swap3A_52 = arith.index_cast %scan3A_31 : i32 to index
      %swap3A_53 = arith.constant 64 : index
      %swap3A_54 = tpu.vector_load %arg10[%swap3A_52, %swap3A_53] {strides = array<i32>} : memref<128x128xf32, #tpu.memory_space<vmem>>, vector<16xf32>,
      tpu.vector_store %arg10[%swap3A_52, %swap3A_53], %broadcast_in_dim3A_51 {strides = array<i32>} : memref<128x128xf32, #tpu.memory_space<vmem>>, vector<16xf32>,
      %broadcast_in_dim3A_55 = arith.constant 0.000000e+00 : f32
      %broadcast_in_dim3A_56 = vector.broadcast %broadcast_in_dim3A_55 : f32 to vector<16xf32>
      %swap3A_57 = arith.index_cast %scan3A_31 : i32 to index
      %swap3A_58 = arith.constant 80 : index
      %swap3A_59 = tpu.vector_load %arg10[%swap3A_57, %swap3A_58] {strides = array<i32>} : memref<128x128xf32, #tpu.memory_space<vmem>>, vector<16xf32>,
      tpu.vector_store %arg10[%swap3A_57, %swap3A_58], %broadcast_in_dim3A_56 {strides = array<i32>} : memref<128x128xf32, #tpu.memory_space<vmem>>, vector<16xf32>,
      %broadcast_in_dim3A_60 = arith.constant 0.000000e+00 : f32
      %broadcast_in_dim3A_61 = vector.broadcast %broadcast_in_dim3A_60 : f32 to vector<16xf32>
      %swap3A_62 = arith.index_cast %scan3A_31 : i32 to index
      %swap3A_63 = arith.constant 96 : index
      %swap3A_64 = tpu.vector_load %arg10[%swap3A_62, %swap3A_63] {strides = array<i32>} : memref<128x128xf32, #tpu.memory_space<vmem>>, vector<16xf32>,
      tpu.vector_store %arg10[%swap3A_62, %swap3A_63], %broadcast_in_dim3A_61 {strides = array<i32>} : memref<128x128xf32, #tpu.memory_space<vmem>>, vector<16xf32>,
      %broadcast_in_dim3A_65 = arith.constant 0.000000e+00 : f32
      %broadcast_in_dim3A_66 = vector.broadcast %broadcast_in_dim3A_65 : f32 to vector<16xf32>
      %swap3A_67 = arith.index_cast %scan3A_31 : i32 to index
      %swap3A_68 = arith.constant 112 : index
      %swap3A_69 = tpu.vector_load %arg10[%swap3A_67, %swap3A_68] {strides = array<i32>} : memref<128x128xf32, #tpu.memory_space<vmem>>, vector<16xf32>,
      tpu.vector_store %arg10[%swap3A_67, %swap3A_68], %broadcast_in_dim3A_66 {strides = array<i32>} : memref<128x128xf32, #tpu.memory_space<vmem>>, vector<16xf32>,
    }
    %scan3A_5 = arith.constant 128 : i32
    %mul3A_6 = arith.constant 640 : i32
    %mul3A_7 = arith.muli %arg1, %mul3A_6 : i32
    %lt3A = arith.constant 15 : i32
    %lt3A_8 = arith.cmpi slt, %arg1, %lt3A : i32
    %convert_element_type3A = arith.extui %lt3A_8 : i1 to i32
    %cond3A = arith.constant 0 : i32
    %cond3A_9 = arith.cmpi ne, %convert_element_type3A, %cond3A : i32
    scf.if %cond3A_9 {
      %add3A_31 = arith.constant 0 : i32
      %add3A_32 = arith.addi %mul3A_7, %add3A_31 : i32
      "tpu.region"() ({
        %run_scoped3A = tpu.sem_alloc : memref<!tpu.dma_semaphore, #tpu.memory_space<semaphore_mem>>
        %dma_start3A = arith.constant 0 : i32
        %dma_start3A_41 = tpu.memref_slice %arg11[%add3A_32, %dma_start3A] : memref<10000x128xf32, #tpu.memory_space<vmem_shared>> -> memref<128x128xf32, #tpu.memory_space<vmem_shared>>
        %dma_start3A_42 = arith.constant 0 : i32
        %dma_start3A_43 = tpu.memref_slice %arg11[%add3A_32, %dma_start3A_42] : memref<10000x128xf32, #tpu.memory_space<vmem_shared>> -> memref<128x128xf32, #tpu.memory_space<vmem_shared>>
        tpu.enqueue_dma source(%arg10 : memref<128x128xf32, #tpu.memory_space<vmem>>) target(%dma_start3A_43 : memref<128x128xf32, #tpu.memory_space<vmem_shared>>) target_semaphore(%run_scoped3A : memref<!tpu.dma_semaphore, #tpu.memory_space<semaphore_mem>>)
        %dma_wait3A = arith.constant 0 : i32
        %dma_wait3A_44 = tpu.memref_slice %arg11[%add3A_32, %dma_wait3A] : memref<10000x128xf32, #tpu.memory_space<vmem_shared>> -> memref<128x128xf32, #tpu.memory_space<vmem_shared>>
        %dma_wait3A_45 = arith.constant 0 : i32
        %dma_wait3A_46 = tpu.memref_slice %arg11[%add3A_32, %dma_wait3A_45] : memref<10000x128xf32, #tpu.memory_space<vmem_shared>> -> memref<128x128xf32, #tpu.memory_space<vmem_shared>>
        tpu.wait_dma2 semaphore(%run_scoped3A : memref<!tpu.dma_semaphore, #tpu.memory_space<semaphore_mem>>) src(%arg10 : memref<128x128xf32, #tpu.memory_space<vmem>>) dst(%dma_wait3A_46 : memref<128x128xf32, #tpu.memory_space<vmem_shared>>)
        tpu.yield
      }) : () -> ()
      %add3A_33 = arith.constant 128 : i32
      %add3A_34 = arith.addi %mul3A_7, %add3A_33 : i32
      "tpu.region"() ({
        %run_scoped3A = tpu.sem_alloc : memref<!tpu.dma_semaphore, #tpu.memory_space<semaphore_mem>>
        %dma_start3A = arith.constant 0 : i32
        %dma_start3A_41 = tpu.memref_slice %arg11[%add3A_34, %dma_start3A] : memref<10000x128xf32, #tpu.memory_space<vmem_shared>> -> memref<128x128xf32, #tpu.memory_space<vmem_shared>>
        %dma_start3A_42 = arith.constant 0 : i32
        %dma_start3A_43 = tpu.memref_slice %arg11[%add3A_34, %dma_start3A_42] : memref<10000x128xf32, #tpu.memory_space<vmem_shared>> -> memref<128x128xf32, #tpu.memory_space<vmem_shared>>
        tpu.enqueue_dma source(%arg10 : memref<128x128xf32, #tpu.memory_space<vmem>>) target(%dma_start3A_43 : memref<128x128xf32, #tpu.memory_space<vmem_shared>>) target_semaphore(%run_scoped3A : memref<!tpu.dma_semaphore, #tpu.memory_space<semaphore_mem>>)
        %dma_wait3A = arith.constant 0 : i32
        %dma_wait3A_44 = tpu.memref_slice %arg11[%add3A_34, %dma_wait3A] : memref<10000x128xf32, #tpu.memory_space<vmem_shared>> -> memref<128x128xf32, #tpu.memory_space<vmem_shared>>
        %dma_wait3A_45 = arith.constant 0 : i32
        %dma_wait3A_46 = tpu.memref_slice %arg11[%add3A_34, %dma_wait3A_45] : memref<10000x128xf32, #tpu.memory_space<vmem_shared>> -> memref<128x128xf32, #tpu.memory_space<vmem_shared>>
        tpu.wait_dma2 semaphore(%run_scoped3A : memref<!tpu.dma_semaphore, #tpu.memory_space<semaphore_mem>>) src(%arg10 : memref<128x128xf32, #tpu.memory_space<vmem>>) dst(%dma_wait3A_46 : memref<128x128xf32, #tpu.memory_space<vmem_shared>>)
        tpu.yield
      }) : () -> ()
      %add3A_35 = arith.constant 256 : i32
      %add3A_36 = arith.addi %mul3A_7, %add3A_35 : i32
      "tpu.region"() ({
        %run_scoped3A = tpu.sem_alloc : memref<!tpu.dma_semaphore, #tpu.memory_space<semaphore_mem>>
        %dma_start3A = arith.constant 0 : i32
        %dma_start3A_41 = tpu.memref_slice %arg11[%add3A_36, %dma_start3A] : memref<10000x128xf32, #tpu.memory_space<vmem_shared>> -> memref<128x128xf32, #tpu.memory_space<vmem_shared>>
        %dma_start3A_42 = arith.constant 0 : i32
        %dma_start3A_43 = tpu.memref_slice %arg11[%add3A_36, %dma_start3A_42] : memref<10000x128xf32, #tpu.memory_space<vmem_shared>> -> memref<128x128xf32, #tpu.memory_space<vmem_shared>>
        tpu.enqueue_dma source(%arg10 : memref<128x128xf32, #tpu.memory_space<vmem>>) target(%dma_start3A_43 : memref<128x128xf32, #tpu.memory_space<vmem_shared>>) target_semaphore(%run_scoped3A : memref<!tpu.dma_semaphore, #tpu.memory_space<semaphore_mem>>)
        %dma_wait3A = arith.constant 0 : i32
        %dma_wait3A_44 = tpu.memref_slice %arg11[%add3A_36, %dma_wait3A] : memref<10000x128xf32, #tpu.memory_space<vmem_shared>> -> memref<128x128xf32, #tpu.memory_space<vmem_shared>>
        %dma_wait3A_45 = arith.constant 0 : i32
        %dma_wait3A_46 = tpu.memref_slice %arg11[%add3A_36, %dma_wait3A_45] : memref<10000x128xf32, #tpu.memory_space<vmem_shared>> -> memref<128x128xf32, #tpu.memory_space<vmem_shared>>
        tpu.wait_dma2 semaphore(%run_scoped3A : memref<!tpu.dma_semaphore, #tpu.memory_space<semaphore_mem>>) src(%arg10 : memref<128x128xf32, #tpu.memory_space<vmem>>) dst(%dma_wait3A_46 : memref<128x128xf32, #tpu.memory_space<vmem_shared>>)
        tpu.yield
      }) : () -> ()
      %add3A_37 = arith.constant 384 : i32
      %add3A_38 = arith.addi %mul3A_7, %add3A_37 : i32
      "tpu.region"() ({
        %run_scoped3A = tpu.sem_alloc : memref<!tpu.dma_semaphore, #tpu.memory_space<semaphore_mem>>
        %dma_start3A = arith.constant 0 : i32
        %dma_start3A_41 = tpu.memref_slice %arg11[%add3A_38, %dma_start3A] : memref<10000x128xf32, #tpu.memory_space<vmem_shared>> -> memref<128x128xf32, #tpu.memory_space<vmem_shared>>
        %dma_start3A_42 = arith.constant 0 : i32
        %dma_start3A_43 = tpu.memref_slice %arg11[%add3A_38, %dma_start3A_42] : memref<10000x128xf32, #tpu.memory_space<vmem_shared>> -> memref<128x128xf32, #tpu.memory_space<vmem_shared>>
        tpu.enqueue_dma source(%arg10 : memref<128x128xf32, #tpu.memory_space<vmem>>) target(%dma_start3A_43 : memref<128x128xf32, #tpu.memory_space<vmem_shared>>) target_semaphore(%run_scoped3A : memref<!tpu.dma_semaphore, #tpu.memory_space<semaphore_mem>>)
        %dma_wait3A = arith.constant 0 : i32
        %dma_wait3A_44 = tpu.memref_slice %arg11[%add3A_38, %dma_wait3A] : memref<10000x128xf32, #tpu.memory_space<vmem_shared>> -> memref<128x128xf32, #tpu.memory_space<vmem_shared>>
        %dma_wait3A_45 = arith.constant 0 : i32
        %dma_wait3A_46 = tpu.memref_slice %arg11[%add3A_38, %dma_wait3A_45] : memref<10000x128xf32, #tpu.memory_space<vmem_shared>> -> memref<128x128xf32, #tpu.memory_space<vmem_shared>>
        tpu.wait_dma2 semaphore(%run_scoped3A : memref<!tpu.dma_semaphore, #tpu.memory_space<semaphore_mem>>) src(%arg10 : memref<128x128xf32, #tpu.memory_space<vmem>>) dst(%dma_wait3A_46 : memref<128x128xf32, #tpu.memory_space<vmem_shared>>)
        tpu.yield
      }) : () -> ()
      %add3A_39 = arith.constant 512 : i32
      %add3A_40 = arith.addi %mul3A_7, %add3A_39 : i32
      "tpu.region"() ({
        %run_scoped3A = tpu.sem_alloc : memref<!tpu.dma_semaphore, #tpu.memory_space<semaphore_mem>>
        %dma_start3A = arith.constant 0 : i32
        %dma_start3A_41 = tpu.memref_slice %arg11[%add3A_40, %dma_start3A] : memref<10000x128xf32, #tpu.memory_space<vmem_shared>> -> memref<128x128xf32, #tpu.memory_space<vmem_shared>>
        %dma_start3A_42 = arith.constant 0 : i32
        %dma_start3A_43 = tpu.memref_slice %arg11[%add3A_40, %dma_start3A_42] : memref<10000x128xf32, #tpu.memory_space<vmem_shared>> -> memref<128x128xf32, #tpu.memory_space<vmem_shared>>
        tpu.enqueue_dma source(%arg10 : memref<128x128xf32, #tpu.memory_space<vmem>>) target(%dma_start3A_43 : memref<128x128xf32, #tpu.memory_space<vmem_shared>>) target_semaphore(%run_scoped3A : memref<!tpu.dma_semaphore, #tpu.memory_space<semaphore_mem>>)
        %dma_wait3A = arith.constant 0 : i32
        %dma_wait3A_44 = tpu.memref_slice %arg11[%add3A_40, %dma_wait3A] : memref<10000x128xf32, #tpu.memory_space<vmem_shared>> -> memref<128x128xf32, #tpu.memory_space<vmem_shared>>
        %dma_wait3A_45 = arith.constant 0 : i32
        %dma_wait3A_46 = tpu.memref_slice %arg11[%add3A_40, %dma_wait3A_45] : memref<10000x128xf32, #tpu.memory_space<vmem_shared>> -> memref<128x128xf32, #tpu.memory_space<vmem_shared>>
        tpu.wait_dma2 semaphore(%run_scoped3A : memref<!tpu.dma_semaphore, #tpu.memory_space<semaphore_mem>>) src(%arg10 : memref<128x128xf32, #tpu.memory_space<vmem>>) dst(%dma_wait3A_46 : memref<128x128xf32, #tpu.memory_space<vmem_shared>>)
        tpu.yield
      }) : () -> ()
    } else {
    }
    %eq3A = arith.constant 15 : i32
    %eq3A_10 = arith.cmpi eq, %arg1, %eq3A : i32
    %convert_element_type3A_11 = arith.extui %eq3A_10 : i1 to i32
    %cond3A_12 = arith.constant 0 : i32
    %cond3A_13 = arith.cmpi ne, %convert_element_type3A_11, %cond3A_12 : i32
    scf.if %cond3A_13 {
      %add3A_31 = arith.constant 0 : i32
      %add3A_32 = arith.addi %mul3A_7, %add3A_31 : i32
      "tpu.region"() ({
        %run_scoped3A = tpu.sem_alloc : memref<!tpu.dma_semaphore, #tpu.memory_space<semaphore_mem>>
        %dma_start3A = arith.constant 0 : i32
        %dma_start3A_40 = tpu.memref_slice %arg11[%add3A_32, %dma_start3A] : memref<10000x128xf32, #tpu.memory_space<vmem_shared>> -> memref<128x128xf32, #tpu.memory_space<vmem_shared>>
        %dma_start3A_41 = arith.constant 0 : i32
        %dma_start3A_42 = tpu.memref_slice %arg11[%add3A_32, %dma_start3A_41] : memref<10000x128xf32, #tpu.memory_space<vmem_shared>> -> memref<128x128xf32, #tpu.memory_space<vmem_shared>>
        tpu.enqueue_dma source(%arg10 : memref<128x128xf32, #tpu.memory_space<vmem>>) target(%dma_start3A_42 : memref<128x128xf32, #tpu.memory_space<vmem_shared>>) target_semaphore(%run_scoped3A : memref<!tpu.dma_semaphore, #tpu.memory_space<semaphore_mem>>)
        %dma_wait3A = arith.constant 0 : i32
        %dma_wait3A_43 = tpu.memref_slice %arg11[%add3A_32, %dma_wait3A] : memref<10000x128xf32, #tpu.memory_space<vmem_shared>> -> memref<128x128xf32, #tpu.memory_space<vmem_shared>>
        %dma_wait3A_44 = arith.constant 0 : i32
        %dma_wait3A_45 = tpu.memref_slice %arg11[%add3A_32, %dma_wait3A_44] : memref<10000x128xf32, #tpu.memory_space<vmem_shared>> -> memref<128x128xf32, #tpu.memory_space<vmem_shared>>
        tpu.wait_dma2 semaphore(%run_scoped3A : memref<!tpu.dma_semaphore, #tpu.memory_space<semaphore_mem>>) src(%arg10 : memref<128x128xf32, #tpu.memory_space<vmem>>) dst(%dma_wait3A_45 : memref<128x128xf32, #tpu.memory_space<vmem_shared>>)
        tpu.yield
      }) : () -> ()
      %add3A_33 = arith.constant 128 : i32
      %add3A_34 = arith.addi %mul3A_7, %add3A_33 : i32
      "tpu.region"() ({
        %run_scoped3A = tpu.sem_alloc : memref<!tpu.dma_semaphore, #tpu.memory_space<semaphore_mem>>
        %dma_start3A = arith.constant 0 : i32
        %dma_start3A_40 = tpu.memref_slice %arg11[%add3A_34, %dma_start3A] : memref<10000x128xf32, #tpu.memory_space<vmem_shared>> -> memref<128x128xf32, #tpu.memory_space<vmem_shared>>
        %dma_start3A_41 = arith.constant 0 : i32
        %dma_start3A_42 = tpu.memref_slice %arg11[%add3A_34, %dma_start3A_41] : memref<10000x128xf32, #tpu.memory_space<vmem_shared>> -> memref<128x128xf32, #tpu.memory_space<vmem_shared>>
        tpu.enqueue_dma source(%arg10 : memref<128x128xf32, #tpu.memory_space<vmem>>) target(%dma_start3A_42 : memref<128x128xf32, #tpu.memory_space<vmem_shared>>) target_semaphore(%run_scoped3A : memref<!tpu.dma_semaphore, #tpu.memory_space<semaphore_mem>>)
        %dma_wait3A = arith.constant 0 : i32
        %dma_wait3A_43 = tpu.memref_slice %arg11[%add3A_34, %dma_wait3A] : memref<10000x128xf32, #tpu.memory_space<vmem_shared>> -> memref<128x128xf32, #tpu.memory_space<vmem_shared>>
        %dma_wait3A_44 = arith.constant 0 : i32
        %dma_wait3A_45 = tpu.memref_slice %arg11[%add3A_34, %dma_wait3A_44] : memref<10000x128xf32, #tpu.memory_space<vmem_shared>> -> memref<128x128xf32, #tpu.memory_space<vmem_shared>>
        tpu.wait_dma2 semaphore(%run_scoped3A : memref<!tpu.dma_semaphore, #tpu.memory_space<semaphore_mem>>) src(%arg10 : memref<128x128xf32, #tpu.memory_space<vmem>>) dst(%dma_wait3A_45 : memref<128x128xf32, #tpu.memory_space<vmem_shared>>)
        tpu.yield
      }) : () -> ()
      %add3A_35 = arith.constant 256 : i32
      %add3A_36 = arith.addi %mul3A_7, %add3A_35 : i32
      "tpu.region"() ({
        %run_scoped3A = tpu.sem_alloc : memref<!tpu.dma_semaphore, #tpu.memory_space<semaphore_mem>>
        %dma_start3A = arith.constant 0 : i32
        %dma_start3A_40 = tpu.memref_slice %arg11[%add3A_36, %dma_start3A] : memref<10000x128xf32, #tpu.memory_space<vmem_shared>> -> memref<128x128xf32, #tpu.memory_space<vmem_shared>>
        %dma_start3A_41 = arith.constant 0 : i32
        %dma_start3A_42 = tpu.memref_slice %arg11[%add3A_36, %dma_start3A_41] : memref<10000x128xf32, #tpu.memory_space<vmem_shared>> -> memref<128x128xf32, #tpu.memory_space<vmem_shared>>
        tpu.enqueue_dma source(%arg10 : memref<128x128xf32, #tpu.memory_space<vmem>>) target(%dma_start3A_42 : memref<128x128xf32, #tpu.memory_space<vmem_shared>>) target_semaphore(%run_scoped3A : memref<!tpu.dma_semaphore, #tpu.memory_space<semaphore_mem>>)
        %dma_wait3A = arith.constant 0 : i32
        %dma_wait3A_43 = tpu.memref_slice %arg11[%add3A_36, %dma_wait3A] : memref<10000x128xf32, #tpu.memory_space<vmem_shared>> -> memref<128x128xf32, #tpu.memory_space<vmem_shared>>
        %dma_wait3A_44 = arith.constant 0 : i32
        %dma_wait3A_45 = tpu.memref_slice %arg11[%add3A_36, %dma_wait3A_44] : memref<10000x128xf32, #tpu.memory_space<vmem_shared>> -> memref<128x128xf32, #tpu.memory_space<vmem_shared>>
        tpu.wait_dma2 semaphore(%run_scoped3A : memref<!tpu.dma_semaphore, #tpu.memory_space<semaphore_mem>>) src(%arg10 : memref<128x128xf32, #tpu.memory_space<vmem>>) dst(%dma_wait3A_45 : memref<128x128xf32, #tpu.memory_space<vmem_shared>>)
        tpu.yield
      }) : () -> ()
      %add3A_37 = arith.constant 400 : i32
      %add3A_38 = arith.addi %mul3A_7, %add3A_37 : i32
      %sub3A = arith.constant 16 : i32
      %sub3A_39 = arith.subi %add3A_38, %sub3A : i32
      "tpu.region"() ({
        %run_scoped3A = tpu.sem_alloc : memref<!tpu.dma_semaphore, #tpu.memory_space<semaphore_mem>>
        %dma_start3A = arith.constant 0 : i32
        %dma_start3A_40 = arith.constant 0 : i32
        %dma_start3A_41 = tpu.memref_slice %arg10[%dma_start3A, %dma_start3A_40] : memref<128x128xf32, #tpu.memory_space<vmem>> -> memref<16x128xf32, #tpu.memory_space<vmem>>
        %dma_start3A_42 = arith.constant 0 : i32
        %dma_start3A_43 = tpu.memref_slice %arg11[%sub3A_39, %dma_start3A_42] : memref<10000x128xf32, #tpu.memory_space<vmem_shared>> -> memref<16x128xf32, #tpu.memory_space<vmem_shared>>
        %dma_start3A_44 = arith.constant 0 : i32
        %dma_start3A_45 = tpu.memref_slice %arg11[%sub3A_39, %dma_start3A_44] : memref<10000x128xf32, #tpu.memory_space<vmem_shared>> -> memref<16x128xf32, #tpu.memory_space<vmem_shared>>
        %dma_start3A_46 = arith.constant 0 : i32
        %dma_start3A_47 = arith.constant 0 : i32
        %dma_start3A_48 = tpu.memref_slice %arg10[%dma_start3A_46, %dma_start3A_47] : memref<128x128xf32, #tpu.memory_space<vmem>> -> memref<16x128xf32, #tpu.memory_space<vmem>>
        tpu.enqueue_dma source(%dma_start3A_48 : memref<16x128xf32, #tpu.memory_space<vmem>>) target(%dma_start3A_45 : memref<16x128xf32, #tpu.memory_space<vmem_shared>>) target_semaphore(%run_scoped3A : memref<!tpu.dma_semaphore, #tpu.memory_space<semaphore_mem>>)
        %dma_wait3A = arith.constant 0 : i32
        %dma_wait3A_49 = arith.constant 0 : i32
        %dma_wait3A_50 = tpu.memref_slice %arg10[%dma_wait3A, %dma_wait3A_49] : memref<128x128xf32, #tpu.memory_space<vmem>> -> memref<16x128xf32, #tpu.memory_space<vmem>>
        %dma_wait3A_51 = arith.constant 0 : i32
        %dma_wait3A_52 = tpu.memref_slice %arg11[%sub3A_39, %dma_wait3A_51] : memref<10000x128xf32, #tpu.memory_space<vmem_shared>> -> memref<16x128xf32, #tpu.memory_space<vmem_shared>>
        %dma_wait3A_53 = arith.constant 0 : i32
        %dma_wait3A_54 = tpu.memref_slice %arg11[%sub3A_39, %dma_wait3A_53] : memref<10000x128xf32, #tpu.memory_space<vmem_shared>> -> memref<16x128xf32, #tpu.memory_space<vmem_shared>>
        %dma_wait3A_55 = arith.constant 0 : i32
        %dma_wait3A_56 = arith.constant 0 : i32
        %dma_wait3A_57 = tpu.memref_slice %arg10[%dma_wait3A_55, %dma_wait3A_56] : memref<128x128xf32, #tpu.memory_space<vmem>> -> memref<16x128xf32, #tpu.memory_space<vmem>>
        tpu.wait_dma2 semaphore(%run_scoped3A : memref<!tpu.dma_semaphore, #tpu.memory_space<semaphore_mem>>) src(%dma_wait3A_57 : memref<16x128xf32, #tpu.memory_space<vmem>>) dst(%dma_wait3A_54 : memref<16x128xf32, #tpu.memory_space<vmem_shared>>)
        tpu.yield
      }) : () -> ()
    } else {
    }
    %barrier3A = arith.constant 0 : index
    tpu.barrier barrier_id(%barrier3A)
    %scan3A_14 = arith.constant 0 : i32
    %scan3A_15 = arith.constant 0 : i32
    %scan3A_16 = arith.constant 80 : i32
    %scan3A_17 = arith.addi %scan3A_15, %scan3A_16 : i32
    %scan3A_18 = arith.constant 1 : i32
    scf.for %scan3A_31 = %scan3A_15 to %scan3A_17 step %scan3A_18  : i32 {
      %mul3A_32 = arith.constant 128 : i32
      %mul3A_33 = arith.muli %scan3A_31, %mul3A_32 : i32
      %dma_start3A = arith.constant 0 : i32
      %dma_start3A_34 = tpu.memref_slice %arg7[%scan3A_31, %dma_start3A] : memref<80x128xi32, #tpu.memory_space<vmem>> -> memref<1x128xi32, #tpu.memory_space<vmem>>
      %dma_start3A_35 = tpu.memref_squeeze %dma_start3A_34 : memref<1x128xi32, #tpu.memory_space<vmem>> -> memref<128xi32, #tpu.memory_space<vmem>>
      %dma_start3A_36 = arith.constant 0 : i32
      %dma_start3A_37 = arith.constant 0 : i32
      %dma_start3A_38 = tpu.memref_slice %arg2[%dma_start3A_36, %dma_start3A_37] : memref<10000x128xf32, #tpu.memory_space<hbm>> -> memref<10000x128xf32, #tpu.memory_space<hbm>>
      tpu.enqueue_indirect_dma source(%dma_start3A_38 : memref<10000x128xf32, #tpu.memory_space<hbm>>) target(%arg10 : memref<128x128xf32, #tpu.memory_space<vmem>>) offsets(%dma_start3A_35 : memref<128xi32, #tpu.memory_space<vmem>>) semaphore(%arg12 : memref<!tpu.dma_semaphore, #tpu.memory_space<semaphore_mem>>)
      %dma_wait3A = arith.constant 0 : i32
      %dma_wait3A_39 = tpu.memref_slice %arg7[%scan3A_31, %dma_wait3A] : memref<80x128xi32, #tpu.memory_space<vmem>> -> memref<1x128xi32, #tpu.memory_space<vmem>>
      %dma_wait3A_40 = tpu.memref_squeeze %dma_wait3A_39 : memref<1x128xi32, #tpu.memory_space<vmem>> -> memref<128xi32, #tpu.memory_space<vmem>>
      %dma_wait3A_41 = arith.constant 0 : i32
      %dma_wait3A_42 = arith.constant 0 : i32
      %dma_wait3A_43 = tpu.memref_slice %arg2[%dma_wait3A_41, %dma_wait3A_42] : memref<10000x128xf32, #tpu.memory_space<hbm>> -> memref<10000x128xf32, #tpu.memory_space<hbm>>
      tpu.wait_indirect_dma semaphore(%arg12 : memref<!tpu.dma_semaphore, #tpu.memory_space<semaphore_mem>>) src(%dma_wait3A_43 : memref<10000x128xf32, #tpu.memory_space<hbm>>) dst(%arg10 : memref<128x128xf32, #tpu.memory_space<vmem>>)
      %scan3A_44 = arith.constant 0 : i32
      %scan3A_45 = arith.constant 0 : i32
      %scan3A_46 = arith.constant 128 : i32
      %scan3A_47 = arith.addi %scan3A_45, %scan3A_46 : i32
      %scan3A_48 = arith.constant 1 : i32
      scf.for %scan3A_50 = %scan3A_45 to %scan3A_47 step %scan3A_48  : i32 {
        %add3A_51 = arith.addi %mul3A_33, %scan3A_50 : i32
        %broadcast_in_dim3A = vector.broadcast %add3A_51 : i32 to vector<16xi32>
        %gather3A = tpu.vector_load_idx %arg9[%broadcast_in_dim3A] : memref<10240xf32, #tpu.memory_space<vmem>>[vector<16xi32>], vector<16xf32>,
        %get3A = arith.index_cast %scan3A_50 : i32 to index
        %get3A_52 = arith.constant 0 : index
        %get3A_53 = tpu.vector_load %arg10[%get3A, %get3A_52] {strides = array<i32>} : memref<128x128xf32, #tpu.memory_space<vmem>>, vector<16xf32>,
        %mul3A_54 = arith.mulf %get3A_53, %gather3A : vector<16xf32>
        %swap3A = arith.index_cast %scan3A_50 : i32 to index
        %swap3A_55 = arith.constant 0 : index
        %swap3A_56 = tpu.vector_load %arg10[%swap3A, %swap3A_55] {strides = array<i32>} : memref<128x128xf32, #tpu.memory_space<vmem>>, vector<16xf32>,
        tpu.vector_store %arg10[%swap3A, %swap3A_55], %mul3A_54 {strides = array<i32>} : memref<128x128xf32, #tpu.memory_space<vmem>>, vector<16xf32>,
        %get3A_57 = arith.index_cast %scan3A_50 : i32 to index
        %get3A_58 = arith.constant 16 : index
        %get3A_59 = tpu.vector_load %arg10[%get3A_57, %get3A_58] {strides = array<i32>} : memref<128x128xf32, #tpu.memory_space<vmem>>, vector<16xf32>,
        %mul3A_60 = arith.mulf %get3A_59, %gather3A : vector<16xf32>
        %swap3A_61 = arith.index_cast %scan3A_50 : i32 to index
        %swap3A_62 = arith.constant 16 : index
        %swap3A_63 = tpu.vector_load %arg10[%swap3A_61, %swap3A_62] {strides = array<i32>} : memref<128x128xf32, #tpu.memory_space<vmem>>, vector<16xf32>,
        tpu.vector_store %arg10[%swap3A_61, %swap3A_62], %mul3A_60 {strides = array<i32>} : memref<128x128xf32, #tpu.memory_space<vmem>>, vector<16xf32>,
        %get3A_64 = arith.index_cast %scan3A_50 : i32 to index
        %get3A_65 = arith.constant 32 : index
        %get3A_66 = tpu.vector_load %arg10[%get3A_64, %get3A_65] {strides = array<i32>} : memref<128x128xf32, #tpu.memory_space<vmem>>, vector<16xf32>,
        %mul3A_67 = arith.mulf %get3A_66, %gather3A : vector<16xf32>
        %swap3A_68 = arith.index_cast %scan3A_50 : i32 to index
        %swap3A_69 = arith.constant 32 : index
        %swap3A_70 = tpu.vector_load %arg10[%swap3A_68, %swap3A_69] {strides = array<i32>} : memref<128x128xf32, #tpu.memory_space<vmem>>, vector<16xf32>,
        tpu.vector_store %arg10[%swap3A_68, %swap3A_69], %mul3A_67 {strides = array<i32>} : memref<128x128xf32, #tpu.memory_space<vmem>>, vector<16xf32>,
        %get3A_71 = arith.index_cast %scan3A_50 : i32 to index
        %get3A_72 = arith.constant 48 : index
        %get3A_73 = tpu.vector_load %arg10[%get3A_71, %get3A_72] {strides = array<i32>} : memref<128x128xf32, #tpu.memory_space<vmem>>, vector<16xf32>,
        %mul3A_74 = arith.mulf %get3A_73, %gather3A : vector<16xf32>
        %swap3A_75 = arith.index_cast %scan3A_50 : i32 to index
        %swap3A_76 = arith.constant 48 : index
        %swap3A_77 = tpu.vector_load %arg10[%swap3A_75, %swap3A_76] {strides = array<i32>} : memref<128x128xf32, #tpu.memory_space<vmem>>, vector<16xf32>,
        tpu.vector_store %arg10[%swap3A_75, %swap3A_76], %mul3A_74 {strides = array<i32>} : memref<128x128xf32, #tpu.memory_space<vmem>>, vector<16xf32>,
        %get3A_78 = arith.index_cast %scan3A_50 : i32 to index
        %get3A_79 = arith.constant 64 : index
        %get3A_80 = tpu.vector_load %arg10[%get3A_78, %get3A_79] {strides = array<i32>} : memref<128x128xf32, #tpu.memory_space<vmem>>, vector<16xf32>,
        %mul3A_81 = arith.mulf %get3A_80, %gather3A : vector<16xf32>
        %swap3A_82 = arith.index_cast %scan3A_50 : i32 to index
        %swap3A_83 = arith.constant 64 : index
        %swap3A_84 = tpu.vector_load %arg10[%swap3A_82, %swap3A_83] {strides = array<i32>} : memref<128x128xf32, #tpu.memory_space<vmem>>, vector<16xf32>,
        tpu.vector_store %arg10[%swap3A_82, %swap3A_83], %mul3A_81 {strides = array<i32>} : memref<128x128xf32, #tpu.memory_space<vmem>>, vector<16xf32>,
        %get3A_85 = arith.index_cast %scan3A_50 : i32 to index
        %get3A_86 = arith.constant 80 : index
        %get3A_87 = tpu.vector_load %arg10[%get3A_85, %get3A_86] {strides = array<i32>} : memref<128x128xf32, #tpu.memory_space<vmem>>, vector<16xf32>,
        %mul3A_88 = arith.mulf %get3A_87, %gather3A : vector<16xf32>
        %swap3A_89 = arith.index_cast %scan3A_50 : i32 to index
        %swap3A_90 = arith.constant 80 : index
        %swap3A_91 = tpu.vector_load %arg10[%swap3A_89, %swap3A_90] {strides = array<i32>} : memref<128x128xf32, #tpu.memory_space<vmem>>, vector<16xf32>,
        tpu.vector_store %arg10[%swap3A_89, %swap3A_90], %mul3A_88 {strides = array<i32>} : memref<128x128xf32, #tpu.memory_space<vmem>>, vector<16xf32>,
        %get3A_92 = arith.index_cast %scan3A_50 : i32 to index
        %get3A_93 = arith.constant 96 : index
        %get3A_94 = tpu.vector_load %arg10[%get3A_92, %get3A_93] {strides = array<i32>} : memref<128x128xf32, #tpu.memory_space<vmem>>, vector<16xf32>,
        %mul3A_95 = arith.mulf %get3A_94, %gather3A : vector<16xf32>
        %swap3A_96 = arith.index_cast %scan3A_50 : i32 to index
        %swap3A_97 = arith.constant 96 : index
        %swap3A_98 = tpu.vector_load %arg10[%swap3A_96, %swap3A_97] {strides = array<i32>} : memref<128x128xf32, #tpu.memory_space<vmem>>, vector<16xf32>,
        tpu.vector_store %arg10[%swap3A_96, %swap3A_97], %mul3A_95 {strides = array<i32>} : memref<128x128xf32, #tpu.memory_space<vmem>>, vector<16xf32>,
        %get3A_99 = arith.index_cast %scan3A_50 : i32 to index
        %get3A_100 = arith.constant 112 : index
        %get3A_101 = tpu.vector_load %arg10[%get3A_99, %get3A_100] {strides = array<i32>} : memref<128x128xf32, #tpu.memory_space<vmem>>, vector<16xf32>,
        %mul3A_102 = arith.mulf %get3A_101, %gather3A : vector<16xf32>
        %swap3A_103 = arith.index_cast %scan3A_50 : i32 to index
        %swap3A_104 = arith.constant 112 : index
        %swap3A_105 = tpu.vector_load %arg10[%swap3A_103, %swap3A_104] {strides = array<i32>} : memref<128x128xf32, #tpu.memory_space<vmem>>, vector<16xf32>,
        tpu.vector_store %arg10[%swap3A_103, %swap3A_104], %mul3A_102 {strides = array<i32>} : memref<128x128xf32, #tpu.memory_space<vmem>>, vector<16xf32>,
      }
      %scan3A_49 = arith.constant 128 : i32
      "tpu.region"() ({
        %run_scoped3A = tpu.sem_alloc : memref<!tpu.dma_semaphore, #tpu.memory_space<semaphore_mem>>
        %dma_start3A_50 = arith.constant 0 : i32
        %dma_start3A_51 = tpu.memref_slice %arg8[%scan3A_31, %dma_start3A_50] : memref<80x128xi32, #tpu.memory_space<vmem>> -> memref<1x128xi32, #tpu.memory_space<vmem>>
        %dma_start3A_52 = tpu.memref_squeeze %dma_start3A_51 : memref<1x128xi32, #tpu.memory_space<vmem>> -> memref<128xi32, #tpu.memory_space<vmem>>
        %dma_start3A_53 = arith.constant 0 : i32
        %dma_start3A_54 = arith.constant 0 : i32
        %dma_start3A_55 = tpu.memref_slice %arg11[%dma_start3A_53, %dma_start3A_54] : memref<10000x128xf32, #tpu.memory_space<vmem_shared>> -> memref<10000x128xf32, #tpu.memory_space<vmem_shared>>
        tpu.enqueue_indirect_dma source(%arg10 : memref<128x128xf32, #tpu.memory_space<vmem>>) target(%dma_start3A_55 : memref<10000x128xf32, #tpu.memory_space<vmem_shared>>) offsets(%dma_start3A_52 : memref<128xi32, #tpu.memory_space<vmem>>) semaphore(%run_scoped3A : memref<!tpu.dma_semaphore, #tpu.memory_space<semaphore_mem>>) {add = true}
        %dma_wait3A_56 = arith.constant 0 : i32
        %dma_wait3A_57 = tpu.memref_slice %arg8[%scan3A_31, %dma_wait3A_56] : memref<80x128xi32, #tpu.memory_space<vmem>> -> memref<1x128xi32, #tpu.memory_space<vmem>>
        %dma_wait3A_58 = tpu.memref_squeeze %dma_wait3A_57 : memref<1x128xi32, #tpu.memory_space<vmem>> -> memref<128xi32, #tpu.memory_space<vmem>>
        %dma_wait3A_59 = arith.constant 0 : i32
        %dma_wait3A_60 = arith.constant 0 : i32
        %dma_wait3A_61 = tpu.memref_slice %arg11[%dma_wait3A_59, %dma_wait3A_60] : memref<10000x128xf32, #tpu.memory_space<vmem_shared>> -> memref<10000x128xf32, #tpu.memory_space<vmem_shared>>
        tpu.wait_indirect_dma semaphore(%run_scoped3A : memref<!tpu.dma_semaphore, #tpu.memory_space<semaphore_mem>>) src(%arg10 : memref<128x128xf32, #tpu.memory_space<vmem>>) dst(%dma_wait3A_61 : memref<10000x128xf32, #tpu.memory_space<vmem_shared>>)
        tpu.yield
      }) : () -> ()
    }
    %scan3A_19 = arith.constant 80 : i32
    %barrier3A_20 = arith.constant 0 : index
    tpu.barrier barrier_id(%barrier3A_20)
    %lt3A_21 = arith.constant 15 : i32
    %lt3A_22 = arith.cmpi slt, %arg1, %lt3A_21 : i32
    %convert_element_type3A_23 = arith.extui %lt3A_22 : i1 to i32
    %cond3A_24 = arith.constant 0 : i32
    %cond3A_25 = arith.cmpi ne, %convert_element_type3A_23, %cond3A_24 : i32
    scf.if %cond3A_25 {
      "tpu.region"() ({
        %run_scoped3A = tpu.sem_alloc : memref<!tpu.dma_semaphore, #tpu.memory_space<semaphore_mem>>
        %dma_start3A = arith.constant 0 : i32
        %dma_start3A_31 = tpu.memref_slice %arg6[%arg0, %mul3A_7, %dma_start3A] : memref<2x10000x128xf32, #tpu.memory_space<hbm>> -> memref<1x640x128xf32, #tpu.memory_space<hbm>>
        %dma_start3A_32 = tpu.memref_squeeze %dma_start3A_31 : memref<1x640x128xf32, #tpu.memory_space<hbm>> -> memref<640x128xf32, #tpu.memory_space<hbm>>
        %dma_start3A_33 = arith.constant 0 : i32
        %dma_start3A_34 = tpu.memref_slice %arg11[%mul3A_7, %dma_start3A_33] : memref<10000x128xf32, #tpu.memory_space<vmem_shared>> -> memref<640x128xf32, #tpu.memory_space<vmem_shared>>
        tpu.enqueue_dma source(%dma_start3A_34 : memref<640x128xf32, #tpu.memory_space<vmem_shared>>) target(%dma_start3A_32 : memref<640x128xf32, #tpu.memory_space<hbm>>) target_semaphore(%run_scoped3A : memref<!tpu.dma_semaphore, #tpu.memory_space<semaphore_mem>>)
        %dma_wait3A = arith.constant 0 : i32
        %dma_wait3A_35 = tpu.memref_slice %arg6[%arg0, %mul3A_7, %dma_wait3A] : memref<2x10000x128xf32, #tpu.memory_space<hbm>> -> memref<1x640x128xf32, #tpu.memory_space<hbm>>
        %dma_wait3A_36 = tpu.memref_squeeze %dma_wait3A_35 : memref<1x640x128xf32, #tpu.memory_space<hbm>> -> memref<640x128xf32, #tpu.memory_space<hbm>>
        %dma_wait3A_37 = arith.constant 0 : i32
        %dma_wait3A_38 = tpu.memref_slice %arg11[%mul3A_7, %dma_wait3A_37] : memref<10000x128xf32, #tpu.memory_space<vmem_shared>> -> memref<640x128xf32, #tpu.memory_space<vmem_shared>>
        tpu.wait_dma2 semaphore(%run_scoped3A : memref<!tpu.dma_semaphore, #tpu.memory_space<semaphore_mem>>) src(%dma_wait3A_38 : memref<640x128xf32, #tpu.memory_space<vmem_shared>>) dst(%dma_wait3A_36 : memref<640x128xf32, #tpu.memory_space<hbm>>)
        tpu.yield
      }) : () -> ()
    } else {
    }
    %eq3A_26 = arith.constant 15 : i32
    %eq3A_27 = arith.cmpi eq, %arg1, %eq3A_26 : i32
    %convert_element_type3A_28 = arith.extui %eq3A_27 : i1 to i32
    %cond3A_29 = arith.constant 0 : i32
    %cond3A_30 = arith.cmpi ne, %convert_element_type3A_28, %cond3A_29 : i32
    scf.if %cond3A_30 {
      "tpu.region"() ({
        %run_scoped3A = tpu.sem_alloc : memref<!tpu.dma_semaphore, #tpu.memory_space<semaphore_mem>>
        %dma_start3A = arith.constant 0 : i32
        %dma_start3A_31 = tpu.memref_slice %arg6[%arg0, %mul3A_7, %dma_start3A] : memref<2x10000x128xf32, #tpu.memory_space<hbm>> -> memref<1x400x128xf32, #tpu.memory_space<hbm>>
        %dma_start3A_32 = tpu.memref_squeeze %dma_start3A_31 : memref<1x400x128xf32, #tpu.memory_space<hbm>> -> memref<400x128xf32, #tpu.memory_space<hbm>>
        %dma_start3A_33 = arith.constant 0 : i32
        %dma_start3A_34 = tpu.memref_slice %arg11[%mul3A_7, %dma_start3A_33] : memref<10000x128xf32, #tpu.memory_space<vmem_shared>> -> memref<400x128xf32, #tpu.memory_space<vmem_shared>>
        tpu.enqueue_dma source(%dma_start3A_34 : memref<400x128xf32, #tpu.memory_space<vmem_shared>>) target(%dma_start3A_32 : memref<400x128xf32, #tpu.memory_space<hbm>>) target_semaphore(%run_scoped3A : memref<!tpu.dma_semaphore, #tpu.memory_space<semaphore_mem>>)
        %dma_wait3A = arith.constant 0 : i32
        %dma_wait3A_35 = tpu.memref_slice %arg6[%arg0, %mul3A_7, %dma_wait3A] : memref<2x10000x128xf32, #tpu.memory_space<hbm>> -> memref<1x400x128xf32, #tpu.memory_space<hbm>>
        %dma_wait3A_36 = tpu.memref_squeeze %dma_wait3A_35 : memref<1x400x128xf32, #tpu.memory_space<hbm>> -> memref<400x128xf32, #tpu.memory_space<hbm>>
        %dma_wait3A_37 = arith.constant 0 : i32
        %dma_wait3A_38 = tpu.memref_slice %arg11[%mul3A_7, %dma_wait3A_37] : memref<10000x128xf32, #tpu.memory_space<vmem_shared>> -> memref<400x128xf32, #tpu.memory_space<vmem_shared>>
        tpu.wait_dma2 semaphore(%run_scoped3A : memref<!tpu.dma_semaphore, #tpu.memory_space<semaphore_mem>>) src(%dma_wait3A_38 : memref<400x128xf32, #tpu.memory_space<vmem_shared>>) dst(%dma_wait3A_36 : memref<400x128xf32, #tpu.memory_space<hbm>>)
        tpu.yield
      }) : () -> ()
    } else {
    }
    return
  }
}

#map = affine_map<(d0, d1) -> (0, 0)>
#map1 = affine_map<(d0, d1) -> (0, 0, 0)>
module attributes {stable_mosaic.version = 14 : i64} {
  func.func @_spmm_body(%arg0: i32, %arg1: i32, %arg2: memref<10000x128xf32, #tpu.memory_space<hbm>>, %arg3: memref<32x80x128xi32, #tpu.memory_space<hbm>>, %arg4: memref<32x80x128xi32, #tpu.memory_space<hbm>>, %arg5: memref<32x10240xf32, #tpu.memory_space<hbm>>, %arg6: memref<2x10000x128xf32, #tpu.memory_space<hbm>>, %arg7: memref<80x128xi32, #tpu.memory_space<vmem>>, %arg8: memref<80x128xi32, #tpu.memory_space<vmem>>, %arg9: memref<10240xf32, #tpu.memory_space<vmem>>, %arg10: memref<128x128xf32, #tpu.memory_space<vmem>>, %arg11: memref<10000x128xf32, #tpu.memory_space<vmem_shared>>, %arg12: memref<!tpu.dma_semaphore, #tpu.memory_space<semaphore_mem>>) attributes {dimension_semantics = [#tpu.dimension_semantics<core_parallel>, #tpu.dimension_semantics<subcore_parallel>], iteration_bounds = array<i64: 2, 16>, scalar_prefetch = 0 : i64, scratch_operands = 6 : i64, tpu.core_type = #tpu.core_type<sc_vector_subcore>, window_params = [{transform_indices = #map}, {transform_indices = #map1}, {transform_indices = #map1}, {transform_indices = #map}, {transform_indices = #map1}]} {
    %mul3A = arith.constant 2 : i32
    %mul3A_0 = arith.muli %arg1, %mul3A : i32
    %add3A = arith.addi %mul3A_0, %arg0 : i32
    "tpu.region"() ({
      %run_scoped3A = tpu.sem_alloc : memref<!tpu.dma_semaphore, #tpu.memory_space<semaphore_mem>>
      %dma_start3A = arith.constant 0 : i32
      %dma_start3A_31 = arith.constant 0 : i32
      %dma_start3A_32 = tpu.memref_slice %arg4[%add3A, %dma_start3A, %dma_start3A_31] : memref<32x80x128xi32, #tpu.memory_space<hbm>> -> memref<1x80x128xi32, #tpu.memory_space<hbm>>
      %dma_start3A_33 = tpu.memref_squeeze %dma_start3A_32 : memref<1x80x128xi32, #tpu.memory_space<hbm>> -> memref<80x128xi32, #tpu.memory_space<hbm>>
      %dma_start3A_34 = arith.constant 0 : i32
      %dma_start3A_35 = arith.constant 0 : i32
      %dma_start3A_36 = tpu.memref_slice %arg4[%add3A, %dma_start3A_34, %dma_start3A_35] : memref<32x80x128xi32, #tpu.memory_space<hbm>> -> memref<1x80x128xi32, #tpu.memory_space<hbm>>
      %dma_start3A_37 = tpu.memref_squeeze %dma_start3A_36 : memref<1x80x128xi32, #tpu.memory_space<hbm>> -> memref<80x128xi32, #tpu.memory_space<hbm>>
      tpu.enqueue_dma source(%dma_start3A_37 : memref<80x128xi32, #tpu.memory_space<hbm>>) target(%arg7 : memref<80x128xi32, #tpu.memory_space<vmem>>) target_semaphore(%run_scoped3A : memref<!tpu.dma_semaphore, #tpu.memory_space<semaphore_mem>>)
      %dma_wait3A = arith.constant 0 : i32
      %dma_wait3A_38 = arith.constant 0 : i32
      %dma_wait3A_39 = tpu.memref_slice %arg4[%add3A, %dma_wait3A, %dma_wait3A_38] : memref<32x80x128xi32, #tpu.memory_space<hbm>> -> memref<1x80x128xi32, #tpu.memory_space<hbm>>
      %dma_wait3A_40 = tpu.memref_squeeze %dma_wait3A_39 : memref<1x80x128xi32, #tpu.memory_space<hbm>> -> memref<80x128xi32, #tpu.memory_space<hbm>>
      %dma_wait3A_41 = arith.constant 0 : i32
      %dma_wait3A_42 = arith.constant 0 : i32
      %dma_wait3A_43 = tpu.memref_slice %arg4[%add3A, %dma_wait3A_41, %dma_wait3A_42] : memref<32x80x128xi32, #tpu.memory_space<hbm>> -> memref<1x80x128xi32, #tpu.memory_space<hbm>>
      %dma_wait3A_44 = tpu.memref_squeeze %dma_wait3A_43 : memref<1x80x128xi32, #tpu.memory_space<hbm>> -> memref<80x128xi32, #tpu.memory_space<hbm>>
      tpu.wait_dma2 semaphore(%run_scoped3A : memref<!tpu.dma_semaphore, #tpu.memory_space<semaphore_mem>>) src(%dma_wait3A_44 : memref<80x128xi32, #tpu.memory_space<hbm>>) dst(%arg7 : memref<80x128xi32, #tpu.memory_space<vmem>>)
      tpu.yield
    }) : () -> ()
    "tpu.region"() ({
      %run_scoped3A = tpu.sem_alloc : memref<!tpu.dma_semaphore, #tpu.memory_space<semaphore_mem>>
      %dma_start3A = arith.constant 0 : i32
      %dma_start3A_31 = arith.constant 0 : i32
      %dma_start3A_32 = tpu.memref_slice %arg3[%add3A, %dma_start3A, %dma_start3A_31] : memref<32x80x128xi32, #tpu.memory_space<hbm>> -> memref<1x80x128xi32, #tpu.memory_space<hbm>>
      %dma_start3A_33 = tpu.memref_squeeze %dma_start3A_32 : memref<1x80x128xi32, #tpu.memory_space<hbm>> -> memref<80x128xi32, #tpu.memory_space<hbm>>
      %dma_start3A_34 = arith.constant 0 : i32
      %dma_start3A_35 = arith.constant 0 : i32
      %dma_start3A_36 = tpu.memref_slice %arg3[%add3A, %dma_start3A_34, %dma_start3A_35] : memref<32x80x128xi32, #tpu.memory_space<hbm>> -> memref<1x80x128xi32, #tpu.memory_space<hbm>>
      %dma_start3A_37 = tpu.memref_squeeze %dma_start3A_36 : memref<1x80x128xi32, #tpu.memory_space<hbm>> -> memref<80x128xi32, #tpu.memory_space<hbm>>
      tpu.enqueue_dma source(%dma_start3A_37 : memref<80x128xi32, #tpu.memory_space<hbm>>) target(%arg8 : memref<80x128xi32, #tpu.memory_space<vmem>>) target_semaphore(%run_scoped3A : memref<!tpu.dma_semaphore, #tpu.memory_space<semaphore_mem>>)
      %dma_wait3A = arith.constant 0 : i32
      %dma_wait3A_38 = arith.constant 0 : i32
      %dma_wait3A_39 = tpu.memref_slice %arg3[%add3A, %dma_wait3A, %dma_wait3A_38] : memref<32x80x128xi32, #tpu.memory_space<hbm>> -> memref<1x80x128xi32, #tpu.memory_space<hbm>>
      %dma_wait3A_40 = tpu.memref_squeeze %dma_wait3A_39 : memref<1x80x128xi32, #tpu.memory_space<hbm>> -> memref<80x128xi32, #tpu.memory_space<hbm>>
      %dma_wait3A_41 = arith.constant 0 : i32
      %dma_wait3A_42 = arith.constant 0 : i32
      %dma_wait3A_43 = tpu.memref_slice %arg3[%add3A, %dma_wait3A_41, %dma_wait3A_42] : memref<32x80x128xi32, #tpu.memory_space<hbm>> -> memref<1x80x128xi32, #tpu.memory_space<hbm>>
      %dma_wait3A_44 = tpu.memref_squeeze %dma_wait3A_43 : memref<1x80x128xi32, #tpu.memory_space<hbm>> -> memref<80x128xi32, #tpu.memory_space<hbm>>
      tpu.wait_dma2 semaphore(%run_scoped3A : memref<!tpu.dma_semaphore, #tpu.memory_space<semaphore_mem>>) src(%dma_wait3A_44 : memref<80x128xi32, #tpu.memory_space<hbm>>) dst(%arg8 : memref<80x128xi32, #tpu.memory_space<vmem>>)
      tpu.yield
    }) : () -> ()
    "tpu.region"() ({
      %run_scoped3A = tpu.sem_alloc : memref<!tpu.dma_semaphore, #tpu.memory_space<semaphore_mem>>
      %dma_start3A = arith.constant 0 : i32
      %dma_start3A_31 = tpu.memref_slice %arg5[%add3A, %dma_start3A] : memref<32x10240xf32, #tpu.memory_space<hbm>> -> memref<1x10240xf32, #tpu.memory_space<hbm>>
      %dma_start3A_32 = tpu.memref_squeeze %dma_start3A_31 : memref<1x10240xf32, #tpu.memory_space<hbm>> -> memref<10240xf32, #tpu.memory_space<hbm>>
      %dma_start3A_33 = arith.constant 0 : i32
      %dma_start3A_34 = tpu.memref_slice %arg5[%add3A, %dma_start3A_33] : memref<32x10240xf32, #tpu.memory_space<hbm>> -> memref<1x10240xf32, #tpu.memory_space<hbm>>
      %dma_start3A_35 = tpu.memref_squeeze %dma_start3A_34 : memref<1x10240xf32, #tpu.memory_space<hbm>> -> memref<10240xf32, #tpu.memory_space<hbm>>
      tpu.enqueue_dma source(%dma_start3A_35 : memref<10240xf32, #tpu.memory_space<hbm>>) target(%arg9 : memref<10240xf32, #tpu.memory_space<vmem>>) target_semaphore(%run_scoped3A : memref<!tpu.dma_semaphore, #tpu.memory_space<semaphore_mem>>)
      %dma_wait3A = arith.constant 0 : i32
      %dma_wait3A_36 = tpu.memref_slice %arg5[%add3A, %dma_wait3A] : memref<32x10240xf32, #tpu.memory_space<hbm>> -> memref<1x10240xf32, #tpu.memory_space<hbm>>
      %dma_wait3A_37 = tpu.memref_squeeze %dma_wait3A_36 : memref<1x10240xf32, #tpu.memory_space<hbm>> -> memref<10240xf32, #tpu.memory_space<hbm>>
      %dma_wait3A_38 = arith.constant 0 : i32
      %dma_wait3A_39 = tpu.memref_slice %arg5[%add3A, %dma_wait3A_38] : memref<32x10240xf32, #tpu.memory_space<hbm>> -> memref<1x10240xf32, #tpu.memory_space<hbm>>
      %dma_wait3A_40 = tpu.memref_squeeze %dma_wait3A_39 : memref<1x10240xf32, #tpu.memory_space<hbm>> -> memref<10240xf32, #tpu.memory_space<hbm>>
      tpu.wait_dma2 semaphore(%run_scoped3A : memref<!tpu.dma_semaphore, #tpu.memory_space<semaphore_mem>>) src(%dma_wait3A_40 : memref<10240xf32, #tpu.memory_space<hbm>>) dst(%arg9 : memref<10240xf32, #tpu.memory_space<vmem>>)
      tpu.yield
    }) : () -> ()
    %scan3A = arith.constant 0 : i32
    %scan3A_1 = arith.constant 0 : i32
    %scan3A_2 = arith.constant 128 : i32
    %scan3A_3 = arith.addi %scan3A_1, %scan3A_2 : i32
    %scan3A_4 = arith.constant 1 : i32
    scf.for %scan3A_31 = %scan3A_1 to %scan3A_3 step %scan3A_4  : i32 {
      %broadcast_in_dim3A = arith.constant 0.000000e+00 : f32
      %broadcast_in_dim3A_32 = vector.broadcast %broadcast_in_dim3A : f32 to vector<16xf32>
      %swap3A = arith.index_cast %scan3A_31 : i32 to index
      %swap3A_33 = arith.constant 0 : index
      %swap3A_34 = tpu.vector_load %arg10[%swap3A, %swap3A_33] {strides = array<i32>} : memref<128x128xf32, #tpu.memory_space<vmem>>, vector<16xf32>,
      tpu.vector_store %arg10[%swap3A, %swap3A_33], %broadcast_in_dim3A_32 {strides = array<i32>} : memref<128x128xf32, #tpu.memory_space<vmem>>, vector<16xf32>,
      %broadcast_in_dim3A_35 = arith.constant 0.000000e+00 : f32
      %broadcast_in_dim3A_36 = vector.broadcast %broadcast_in_dim3A_35 : f32 to vector<16xf32>
      %swap3A_37 = arith.index_cast %scan3A_31 : i32 to index
      %swap3A_38 = arith.constant 16 : index
      %swap3A_39 = tpu.vector_load %arg10[%swap3A_37, %swap3A_38] {strides = array<i32>} : memref<128x128xf32, #tpu.memory_space<vmem>>, vector<16xf32>,
      tpu.vector_store %arg10[%swap3A_37, %swap3A_38], %broadcast_in_dim3A_36 {strides = array<i32>} : memref<128x128xf32, #tpu.memory_space<vmem>>, vector<16xf32>,
      %broadcast_in_dim3A_40 = arith.constant 0.000000e+00 : f32
      %broadcast_in_dim3A_41 = vector.broadcast %broadcast_in_dim3A_40 : f32 to vector<16xf32>
      %swap3A_42 = arith.index_cast %scan3A_31 : i32 to index
      %swap3A_43 = arith.constant 32 : index
      %swap3A_44 = tpu.vector_load %arg10[%swap3A_42, %swap3A_43] {strides = array<i32>} : memref<128x128xf32, #tpu.memory_space<vmem>>, vector<16xf32>,
      tpu.vector_store %arg10[%swap3A_42, %swap3A_43], %broadcast_in_dim3A_41 {strides = array<i32>} : memref<128x128xf32, #tpu.memory_space<vmem>>, vector<16xf32>,
      %broadcast_in_dim3A_45 = arith.constant 0.000000e+00 : f32
      %broadcast_in_dim3A_46 = vector.broadcast %broadcast_in_dim3A_45 : f32 to vector<16xf32>
      %swap3A_47 = arith.index_cast %scan3A_31 : i32 to index
      %swap3A_48 = arith.constant 48 : index
      %swap3A_49 = tpu.vector_load %arg10[%swap3A_47, %swap3A_48] {strides = array<i32>} : memref<128x128xf32, #tpu.memory_space<vmem>>, vector<16xf32>,
      tpu.vector_store %arg10[%swap3A_47, %swap3A_48], %broadcast_in_dim3A_46 {strides = array<i32>} : memref<128x128xf32, #tpu.memory_space<vmem>>, vector<16xf32>,
      %broadcast_in_dim3A_50 = arith.constant 0.000000e+00 : f32
      %broadcast_in_dim3A_51 = vector.broadcast %broadcast_in_dim3A_50 : f32 to vector<16xf32>
      %swap3A_52 = arith.index_cast %scan3A_31 : i32 to index
      %swap3A_53 = arith.constant 64 : index
      %swap3A_54 = tpu.vector_load %arg10[%swap3A_52, %swap3A_53] {strides = array<i32>} : memref<128x128xf32, #tpu.memory_space<vmem>>, vector<16xf32>,
      tpu.vector_store %arg10[%swap3A_52, %swap3A_53], %broadcast_in_dim3A_51 {strides = array<i32>} : memref<128x128xf32, #tpu.memory_space<vmem>>, vector<16xf32>,
      %broadcast_in_dim3A_55 = arith.constant 0.000000e+00 : f32
      %broadcast_in_dim3A_56 = vector.broadcast %broadcast_in_dim3A_55 : f32 to vector<16xf32>
      %swap3A_57 = arith.index_cast %scan3A_31 : i32 to index
      %swap3A_58 = arith.constant 80 : index
      %swap3A_59 = tpu.vector_load %arg10[%swap3A_57, %swap3A_58] {strides = array<i32>} : memref<128x128xf32, #tpu.memory_space<vmem>>, vector<16xf32>,
      tpu.vector_store %arg10[%swap3A_57, %swap3A_58], %broadcast_in_dim3A_56 {strides = array<i32>} : memref<128x128xf32, #tpu.memory_space<vmem>>, vector<16xf32>,
      %broadcast_in_dim3A_60 = arith.constant 0.000000e+00 : f32
      %broadcast_in_dim3A_61 = vector.broadcast %broadcast_in_dim3A_60 : f32 to vector<16xf32>
      %swap3A_62 = arith.index_cast %scan3A_31 : i32 to index
      %swap3A_63 = arith.constant 96 : index
      %swap3A_64 = tpu.vector_load %arg10[%swap3A_62, %swap3A_63] {strides = array<i32>} : memref<128x128xf32, #tpu.memory_space<vmem>>, vector<16xf32>,
      tpu.vector_store %arg10[%swap3A_62, %swap3A_63], %broadcast_in_dim3A_61 {strides = array<i32>} : memref<128x128xf32, #tpu.memory_space<vmem>>, vector<16xf32>,
      %broadcast_in_dim3A_65 = arith.constant 0.000000e+00 : f32
      %broadcast_in_dim3A_66 = vector.broadcast %broadcast_in_dim3A_65 : f32 to vector<16xf32>
      %swap3A_67 = arith.index_cast %scan3A_31 : i32 to index
      %swap3A_68 = arith.constant 112 : index
      %swap3A_69 = tpu.vector_load %arg10[%swap3A_67, %swap3A_68] {strides = array<i32>} : memref<128x128xf32, #tpu.memory_space<vmem>>, vector<16xf32>,
      tpu.vector_store %arg10[%swap3A_67, %swap3A_68], %broadcast_in_dim3A_66 {strides = array<i32>} : memref<128x128xf32, #tpu.memory_space<vmem>>, vector<16xf32>,
    }
    %scan3A_5 = arith.constant 128 : i32
    %mul3A_6 = arith.constant 640 : i32
    %mul3A_7 = arith.muli %arg1, %mul3A_6 : i32
    %lt3A = arith.constant 15 : i32
    %lt3A_8 = arith.cmpi slt, %arg1, %lt3A : i32
    %convert_element_type3A = arith.extui %lt3A_8 : i1 to i32
    %cond3A = arith.constant 0 : i32
    %cond3A_9 = arith.cmpi ne, %convert_element_type3A, %cond3A : i32
    scf.if %cond3A_9 {
      %add3A_31 = arith.constant 0 : i32
      %add3A_32 = arith.addi %mul3A_7, %add3A_31 : i32
      "tpu.region"() ({
        %run_scoped3A = tpu.sem_alloc : memref<!tpu.dma_semaphore, #tpu.memory_space<semaphore_mem>>
        %dma_start3A = arith.constant 0 : i32
        %dma_start3A_41 = tpu.memref_slice %arg11[%add3A_32, %dma_start3A] : memref<10000x128xf32, #tpu.memory_space<vmem_shared>> -> memref<128x128xf32, #tpu.memory_space<vmem_shared>>
        %dma_start3A_42 = arith.constant 0 : i32
        %dma_start3A_43 = tpu.memref_slice %arg11[%add3A_32, %dma_start3A_42] : memref<10000x128xf32, #tpu.memory_space<vmem_shared>> -> memref<128x128xf32, #tpu.memory_space<vmem_shared>>
        tpu.enqueue_dma source(%arg10 : memref<128x128xf32, #tpu.memory_space<vmem>>) target(%dma_start3A_43 : memref<128x128xf32, #tpu.memory_space<vmem_shared>>) target_semaphore(%run_scoped3A : memref<!tpu.dma_semaphore, #tpu.memory_space<semaphore_mem>>)
        %dma_wait3A = arith.constant 0 : i32
        %dma_wait3A_44 = tpu.memref_slice %arg11[%add3A_32, %dma_wait3A] : memref<10000x128xf32, #tpu.memory_space<vmem_shared>> -> memref<128x128xf32, #tpu.memory_space<vmem_shared>>
        %dma_wait3A_45 = arith.constant 0 : i32
        %dma_wait3A_46 = tpu.memref_slice %arg11[%add3A_32, %dma_wait3A_45] : memref<10000x128xf32, #tpu.memory_space<vmem_shared>> -> memref<128x128xf32, #tpu.memory_space<vmem_shared>>
        tpu.wait_dma2 semaphore(%run_scoped3A : memref<!tpu.dma_semaphore, #tpu.memory_space<semaphore_mem>>) src(%arg10 : memref<128x128xf32, #tpu.memory_space<vmem>>) dst(%dma_wait3A_46 : memref<128x128xf32, #tpu.memory_space<vmem_shared>>)
        tpu.yield
      }) : () -> ()
      %add3A_33 = arith.constant 128 : i32
      %add3A_34 = arith.addi %mul3A_7, %add3A_33 : i32
      "tpu.region"() ({
        %run_scoped3A = tpu.sem_alloc : memref<!tpu.dma_semaphore, #tpu.memory_space<semaphore_mem>>
        %dma_start3A = arith.constant 0 : i32
        %dma_start3A_41 = tpu.memref_slice %arg11[%add3A_34, %dma_start3A] : memref<10000x128xf32, #tpu.memory_space<vmem_shared>> -> memref<128x128xf32, #tpu.memory_space<vmem_shared>>
        %dma_start3A_42 = arith.constant 0 : i32
        %dma_start3A_43 = tpu.memref_slice %arg11[%add3A_34, %dma_start3A_42] : memref<10000x128xf32, #tpu.memory_space<vmem_shared>> -> memref<128x128xf32, #tpu.memory_space<vmem_shared>>
        tpu.enqueue_dma source(%arg10 : memref<128x128xf32, #tpu.memory_space<vmem>>) target(%dma_start3A_43 : memref<128x128xf32, #tpu.memory_space<vmem_shared>>) target_semaphore(%run_scoped3A : memref<!tpu.dma_semaphore, #tpu.memory_space<semaphore_mem>>)
        %dma_wait3A = arith.constant 0 : i32
        %dma_wait3A_44 = tpu.memref_slice %arg11[%add3A_34, %dma_wait3A] : memref<10000x128xf32, #tpu.memory_space<vmem_shared>> -> memref<128x128xf32, #tpu.memory_space<vmem_shared>>
        %dma_wait3A_45 = arith.constant 0 : i32
        %dma_wait3A_46 = tpu.memref_slice %arg11[%add3A_34, %dma_wait3A_45] : memref<10000x128xf32, #tpu.memory_space<vmem_shared>> -> memref<128x128xf32, #tpu.memory_space<vmem_shared>>
        tpu.wait_dma2 semaphore(%run_scoped3A : memref<!tpu.dma_semaphore, #tpu.memory_space<semaphore_mem>>) src(%arg10 : memref<128x128xf32, #tpu.memory_space<vmem>>) dst(%dma_wait3A_46 : memref<128x128xf32, #tpu.memory_space<vmem_shared>>)
        tpu.yield
      }) : () -> ()
      %add3A_35 = arith.constant 256 : i32
      %add3A_36 = arith.addi %mul3A_7, %add3A_35 : i32
      "tpu.region"() ({
        %run_scoped3A = tpu.sem_alloc : memref<!tpu.dma_semaphore, #tpu.memory_space<semaphore_mem>>
        %dma_start3A = arith.constant 0 : i32
        %dma_start3A_41 = tpu.memref_slice %arg11[%add3A_36, %dma_start3A] : memref<10000x128xf32, #tpu.memory_space<vmem_shared>> -> memref<128x128xf32, #tpu.memory_space<vmem_shared>>
        %dma_start3A_42 = arith.constant 0 : i32
        %dma_start3A_43 = tpu.memref_slice %arg11[%add3A_36, %dma_start3A_42] : memref<10000x128xf32, #tpu.memory_space<vmem_shared>> -> memref<128x128xf32, #tpu.memory_space<vmem_shared>>
        tpu.enqueue_dma source(%arg10 : memref<128x128xf32, #tpu.memory_space<vmem>>) target(%dma_start3A_43 : memref<128x128xf32, #tpu.memory_space<vmem_shared>>) target_semaphore(%run_scoped3A : memref<!tpu.dma_semaphore, #tpu.memory_space<semaphore_mem>>)
        %dma_wait3A = arith.constant 0 : i32
        %dma_wait3A_44 = tpu.memref_slice %arg11[%add3A_36, %dma_wait3A] : memref<10000x128xf32, #tpu.memory_space<vmem_shared>> -> memref<128x128xf32, #tpu.memory_space<vmem_shared>>
        %dma_wait3A_45 = arith.constant 0 : i32
        %dma_wait3A_46 = tpu.memref_slice %arg11[%add3A_36, %dma_wait3A_45] : memref<10000x128xf32, #tpu.memory_space<vmem_shared>> -> memref<128x128xf32, #tpu.memory_space<vmem_shared>>
        tpu.wait_dma2 semaphore(%run_scoped3A : memref<!tpu.dma_semaphore, #tpu.memory_space<semaphore_mem>>) src(%arg10 : memref<128x128xf32, #tpu.memory_space<vmem>>) dst(%dma_wait3A_46 : memref<128x128xf32, #tpu.memory_space<vmem_shared>>)
        tpu.yield
      }) : () -> ()
      %add3A_37 = arith.constant 384 : i32
      %add3A_38 = arith.addi %mul3A_7, %add3A_37 : i32
      "tpu.region"() ({
        %run_scoped3A = tpu.sem_alloc : memref<!tpu.dma_semaphore, #tpu.memory_space<semaphore_mem>>
        %dma_start3A = arith.constant 0 : i32
        %dma_start3A_41 = tpu.memref_slice %arg11[%add3A_38, %dma_start3A] : memref<10000x128xf32, #tpu.memory_space<vmem_shared>> -> memref<128x128xf32, #tpu.memory_space<vmem_shared>>
        %dma_start3A_42 = arith.constant 0 : i32
        %dma_start3A_43 = tpu.memref_slice %arg11[%add3A_38, %dma_start3A_42] : memref<10000x128xf32, #tpu.memory_space<vmem_shared>> -> memref<128x128xf32, #tpu.memory_space<vmem_shared>>
        tpu.enqueue_dma source(%arg10 : memref<128x128xf32, #tpu.memory_space<vmem>>) target(%dma_start3A_43 : memref<128x128xf32, #tpu.memory_space<vmem_shared>>) target_semaphore(%run_scoped3A : memref<!tpu.dma_semaphore, #tpu.memory_space<semaphore_mem>>)
        %dma_wait3A = arith.constant 0 : i32
        %dma_wait3A_44 = tpu.memref_slice %arg11[%add3A_38, %dma_wait3A] : memref<10000x128xf32, #tpu.memory_space<vmem_shared>> -> memref<128x128xf32, #tpu.memory_space<vmem_shared>>
        %dma_wait3A_45 = arith.constant 0 : i32
        %dma_wait3A_46 = tpu.memref_slice %arg11[%add3A_38, %dma_wait3A_45] : memref<10000x128xf32, #tpu.memory_space<vmem_shared>> -> memref<128x128xf32, #tpu.memory_space<vmem_shared>>
        tpu.wait_dma2 semaphore(%run_scoped3A : memref<!tpu.dma_semaphore, #tpu.memory_space<semaphore_mem>>) src(%arg10 : memref<128x128xf32, #tpu.memory_space<vmem>>) dst(%dma_wait3A_46 : memref<128x128xf32, #tpu.memory_space<vmem_shared>>)
        tpu.yield
      }) : () -> ()
      %add3A_39 = arith.constant 512 : i32
      %add3A_40 = arith.addi %mul3A_7, %add3A_39 : i32
      "tpu.region"() ({
        %run_scoped3A = tpu.sem_alloc : memref<!tpu.dma_semaphore, #tpu.memory_space<semaphore_mem>>
        %dma_start3A = arith.constant 0 : i32
        %dma_start3A_41 = tpu.memref_slice %arg11[%add3A_40, %dma_start3A] : memref<10000x128xf32, #tpu.memory_space<vmem_shared>> -> memref<128x128xf32, #tpu.memory_space<vmem_shared>>
        %dma_start3A_42 = arith.constant 0 : i32
        %dma_start3A_43 = tpu.memref_slice %arg11[%add3A_40, %dma_start3A_42] : memref<10000x128xf32, #tpu.memory_space<vmem_shared>> -> memref<128x128xf32, #tpu.memory_space<vmem_shared>>
        tpu.enqueue_dma source(%arg10 : memref<128x128xf32, #tpu.memory_space<vmem>>) target(%dma_start3A_43 : memref<128x128xf32, #tpu.memory_space<vmem_shared>>) target_semaphore(%run_scoped3A : memref<!tpu.dma_semaphore, #tpu.memory_space<semaphore_mem>>)
        %dma_wait3A = arith.constant 0 : i32
        %dma_wait3A_44 = tpu.memref_slice %arg11[%add3A_40, %dma_wait3A] : memref<10000x128xf32, #tpu.memory_space<vmem_shared>> -> memref<128x128xf32, #tpu.memory_space<vmem_shared>>
        %dma_wait3A_45 = arith.constant 0 : i32
        %dma_wait3A_46 = tpu.memref_slice %arg11[%add3A_40, %dma_wait3A_45] : memref<10000x128xf32, #tpu.memory_space<vmem_shared>> -> memref<128x128xf32, #tpu.memory_space<vmem_shared>>
        tpu.wait_dma2 semaphore(%run_scoped3A : memref<!tpu.dma_semaphore, #tpu.memory_space<semaphore_mem>>) src(%arg10 : memref<128x128xf32, #tpu.memory_space<vmem>>) dst(%dma_wait3A_46 : memref<128x128xf32, #tpu.memory_space<vmem_shared>>)
        tpu.yield
      }) : () -> ()
    } else {
    }
    %eq3A = arith.constant 15 : i32
    %eq3A_10 = arith.cmpi eq, %arg1, %eq3A : i32
    %convert_element_type3A_11 = arith.extui %eq3A_10 : i1 to i32
    %cond3A_12 = arith.constant 0 : i32
    %cond3A_13 = arith.cmpi ne, %convert_element_type3A_11, %cond3A_12 : i32
    scf.if %cond3A_13 {
      %add3A_31 = arith.constant 0 : i32
      %add3A_32 = arith.addi %mul3A_7, %add3A_31 : i32
      "tpu.region"() ({
        %run_scoped3A = tpu.sem_alloc : memref<!tpu.dma_semaphore, #tpu.memory_space<semaphore_mem>>
        %dma_start3A = arith.constant 0 : i32
        %dma_start3A_40 = tpu.memref_slice %arg11[%add3A_32, %dma_start3A] : memref<10000x128xf32, #tpu.memory_space<vmem_shared>> -> memref<128x128xf32, #tpu.memory_space<vmem_shared>>
        %dma_start3A_41 = arith.constant 0 : i32
        %dma_start3A_42 = tpu.memref_slice %arg11[%add3A_32, %dma_start3A_41] : memref<10000x128xf32, #tpu.memory_space<vmem_shared>> -> memref<128x128xf32, #tpu.memory_space<vmem_shared>>
        tpu.enqueue_dma source(%arg10 : memref<128x128xf32, #tpu.memory_space<vmem>>) target(%dma_start3A_42 : memref<128x128xf32, #tpu.memory_space<vmem_shared>>) target_semaphore(%run_scoped3A : memref<!tpu.dma_semaphore, #tpu.memory_space<semaphore_mem>>)
        %dma_wait3A = arith.constant 0 : i32
        %dma_wait3A_43 = tpu.memref_slice %arg11[%add3A_32, %dma_wait3A] : memref<10000x128xf32, #tpu.memory_space<vmem_shared>> -> memref<128x128xf32, #tpu.memory_space<vmem_shared>>
        %dma_wait3A_44 = arith.constant 0 : i32
        %dma_wait3A_45 = tpu.memref_slice %arg11[%add3A_32, %dma_wait3A_44] : memref<10000x128xf32, #tpu.memory_space<vmem_shared>> -> memref<128x128xf32, #tpu.memory_space<vmem_shared>>
        tpu.wait_dma2 semaphore(%run_scoped3A : memref<!tpu.dma_semaphore, #tpu.memory_space<semaphore_mem>>) src(%arg10 : memref<128x128xf32, #tpu.memory_space<vmem>>) dst(%dma_wait3A_45 : memref<128x128xf32, #tpu.memory_space<vmem_shared>>)
        tpu.yield
      }) : () -> ()
      %add3A_33 = arith.constant 128 : i32
      %add3A_34 = arith.addi %mul3A_7, %add3A_33 : i32
      "tpu.region"() ({
        %run_scoped3A = tpu.sem_alloc : memref<!tpu.dma_semaphore, #tpu.memory_space<semaphore_mem>>
        %dma_start3A = arith.constant 0 : i32
        %dma_start3A_40 = tpu.memref_slice %arg11[%add3A_34, %dma_start3A] : memref<10000x128xf32, #tpu.memory_space<vmem_shared>> -> memref<128x128xf32, #tpu.memory_space<vmem_shared>>
        %dma_start3A_41 = arith.constant 0 : i32
        %dma_start3A_42 = tpu.memref_slice %arg11[%add3A_34, %dma_start3A_41] : memref<10000x128xf32, #tpu.memory_space<vmem_shared>> -> memref<128x128xf32, #tpu.memory_space<vmem_shared>>
        tpu.enqueue_dma source(%arg10 : memref<128x128xf32, #tpu.memory_space<vmem>>) target(%dma_start3A_42 : memref<128x128xf32, #tpu.memory_space<vmem_shared>>) target_semaphore(%run_scoped3A : memref<!tpu.dma_semaphore, #tpu.memory_space<semaphore_mem>>)
        %dma_wait3A = arith.constant 0 : i32
        %dma_wait3A_43 = tpu.memref_slice %arg11[%add3A_34, %dma_wait3A] : memref<10000x128xf32, #tpu.memory_space<vmem_shared>> -> memref<128x128xf32, #tpu.memory_space<vmem_shared>>
        %dma_wait3A_44 = arith.constant 0 : i32
        %dma_wait3A_45 = tpu.memref_slice %arg11[%add3A_34, %dma_wait3A_44] : memref<10000x128xf32, #tpu.memory_space<vmem_shared>> -> memref<128x128xf32, #tpu.memory_space<vmem_shared>>
        tpu.wait_dma2 semaphore(%run_scoped3A : memref<!tpu.dma_semaphore, #tpu.memory_space<semaphore_mem>>) src(%arg10 : memref<128x128xf32, #tpu.memory_space<vmem>>) dst(%dma_wait3A_45 : memref<128x128xf32, #tpu.memory_space<vmem_shared>>)
        tpu.yield
      }) : () -> ()
      %add3A_35 = arith.constant 256 : i32
      %add3A_36 = arith.addi %mul3A_7, %add3A_35 : i32
      "tpu.region"() ({
        %run_scoped3A = tpu.sem_alloc : memref<!tpu.dma_semaphore, #tpu.memory_space<semaphore_mem>>
        %dma_start3A = arith.constant 0 : i32
        %dma_start3A_40 = tpu.memref_slice %arg11[%add3A_36, %dma_start3A] : memref<10000x128xf32, #tpu.memory_space<vmem_shared>> -> memref<128x128xf32, #tpu.memory_space<vmem_shared>>
        %dma_start3A_41 = arith.constant 0 : i32
        %dma_start3A_42 = tpu.memref_slice %arg11[%add3A_36, %dma_start3A_41] : memref<10000x128xf32, #tpu.memory_space<vmem_shared>> -> memref<128x128xf32, #tpu.memory_space<vmem_shared>>
        tpu.enqueue_dma source(%arg10 : memref<128x128xf32, #tpu.memory_space<vmem>>) target(%dma_start3A_42 : memref<128x128xf32, #tpu.memory_space<vmem_shared>>) target_semaphore(%run_scoped3A : memref<!tpu.dma_semaphore, #tpu.memory_space<semaphore_mem>>)
        %dma_wait3A = arith.constant 0 : i32
        %dma_wait3A_43 = tpu.memref_slice %arg11[%add3A_36, %dma_wait3A] : memref<10000x128xf32, #tpu.memory_space<vmem_shared>> -> memref<128x128xf32, #tpu.memory_space<vmem_shared>>
        %dma_wait3A_44 = arith.constant 0 : i32
        %dma_wait3A_45 = tpu.memref_slice %arg11[%add3A_36, %dma_wait3A_44] : memref<10000x128xf32, #tpu.memory_space<vmem_shared>> -> memref<128x128xf32, #tpu.memory_space<vmem_shared>>
        tpu.wait_dma2 semaphore(%run_scoped3A : memref<!tpu.dma_semaphore, #tpu.memory_space<semaphore_mem>>) src(%arg10 : memref<128x128xf32, #tpu.memory_space<vmem>>) dst(%dma_wait3A_45 : memref<128x128xf32, #tpu.memory_space<vmem_shared>>)
        tpu.yield
      }) : () -> ()
      %add3A_37 = arith.constant 400 : i32
      %add3A_38 = arith.addi %mul3A_7, %add3A_37 : i32
      %sub3A = arith.constant 16 : i32
      %sub3A_39 = arith.subi %add3A_38, %sub3A : i32
      "tpu.region"() ({
        %run_scoped3A = tpu.sem_alloc : memref<!tpu.dma_semaphore, #tpu.memory_space<semaphore_mem>>
        %dma_start3A = arith.constant 0 : i32
        %dma_start3A_40 = arith.constant 0 : i32
        %dma_start3A_41 = tpu.memref_slice %arg10[%dma_start3A, %dma_start3A_40] : memref<128x128xf32, #tpu.memory_space<vmem>> -> memref<16x128xf32, #tpu.memory_space<vmem>>
        %dma_start3A_42 = arith.constant 0 : i32
        %dma_start3A_43 = tpu.memref_slice %arg11[%sub3A_39, %dma_start3A_42] : memref<10000x128xf32, #tpu.memory_space<vmem_shared>> -> memref<16x128xf32, #tpu.memory_space<vmem_shared>>
        %dma_start3A_44 = arith.constant 0 : i32
        %dma_start3A_45 = tpu.memref_slice %arg11[%sub3A_39, %dma_start3A_44] : memref<10000x128xf32, #tpu.memory_space<vmem_shared>> -> memref<16x128xf32, #tpu.memory_space<vmem_shared>>
        %dma_start3A_46 = arith.constant 0 : i32
        %dma_start3A_47 = arith.constant 0 : i32
        %dma_start3A_48 = tpu.memref_slice %arg10[%dma_start3A_46, %dma_start3A_47] : memref<128x128xf32, #tpu.memory_space<vmem>> -> memref<16x128xf32, #tpu.memory_space<vmem>>
        tpu.enqueue_dma source(%dma_start3A_48 : memref<16x128xf32, #tpu.memory_space<vmem>>) target(%dma_start3A_45 : memref<16x128xf32, #tpu.memory_space<vmem_shared>>) target_semaphore(%run_scoped3A : memref<!tpu.dma_semaphore, #tpu.memory_space<semaphore_mem>>)
        %dma_wait3A = arith.constant 0 : i32
        %dma_wait3A_49 = arith.constant 0 : i32
        %dma_wait3A_50 = tpu.memref_slice %arg10[%dma_wait3A, %dma_wait3A_49] : memref<128x128xf32, #tpu.memory_space<vmem>> -> memref<16x128xf32, #tpu.memory_space<vmem>>
        %dma_wait3A_51 = arith.constant 0 : i32
        %dma_wait3A_52 = tpu.memref_slice %arg11[%sub3A_39, %dma_wait3A_51] : memref<10000x128xf32, #tpu.memory_space<vmem_shared>> -> memref<16x128xf32, #tpu.memory_space<vmem_shared>>
        %dma_wait3A_53 = arith.constant 0 : i32
        %dma_wait3A_54 = tpu.memref_slice %arg11[%sub3A_39, %dma_wait3A_53] : memref<10000x128xf32, #tpu.memory_space<vmem_shared>> -> memref<16x128xf32, #tpu.memory_space<vmem_shared>>
        %dma_wait3A_55 = arith.constant 0 : i32
        %dma_wait3A_56 = arith.constant 0 : i32
        %dma_wait3A_57 = tpu.memref_slice %arg10[%dma_wait3A_55, %dma_wait3A_56] : memref<128x128xf32, #tpu.memory_space<vmem>> -> memref<16x128xf32, #tpu.memory_space<vmem>>
        tpu.wait_dma2 semaphore(%run_scoped3A : memref<!tpu.dma_semaphore, #tpu.memory_space<semaphore_mem>>) src(%dma_wait3A_57 : memref<16x128xf32, #tpu.memory_space<vmem>>) dst(%dma_wait3A_54 : memref<16x128xf32, #tpu.memory_space<vmem_shared>>)
        tpu.yield
      }) : () -> ()
    } else {
    }
    %barrier3A = arith.constant 0 : index
    tpu.barrier barrier_id(%barrier3A)
    %scan3A_14 = arith.constant 0 : i32
    %scan3A_15 = arith.constant 0 : i32
    %scan3A_16 = arith.constant 80 : i32
    %scan3A_17 = arith.addi %scan3A_15, %scan3A_16 : i32
    %scan3A_18 = arith.constant 1 : i32
    scf.for %scan3A_31 = %scan3A_15 to %scan3A_17 step %scan3A_18  : i32 {
      %mul3A_32 = arith.constant 128 : i32
      %mul3A_33 = arith.muli %scan3A_31, %mul3A_32 : i32
      %dma_start3A = arith.constant 0 : i32
      %dma_start3A_34 = tpu.memref_slice %arg7[%scan3A_31, %dma_start3A] : memref<80x128xi32, #tpu.memory_space<vmem>> -> memref<1x128xi32, #tpu.memory_space<vmem>>
      %dma_start3A_35 = tpu.memref_squeeze %dma_start3A_34 : memref<1x128xi32, #tpu.memory_space<vmem>> -> memref<128xi32, #tpu.memory_space<vmem>>
      %dma_start3A_36 = arith.constant 0 : i32
      %dma_start3A_37 = arith.constant 0 : i32
      %dma_start3A_38 = tpu.memref_slice %arg2[%dma_start3A_36, %dma_start3A_37] : memref<10000x128xf32, #tpu.memory_space<hbm>> -> memref<10000x128xf32, #tpu.memory_space<hbm>>
      tpu.enqueue_indirect_dma source(%dma_start3A_38 : memref<10000x128xf32, #tpu.memory_space<hbm>>) target(%arg10 : memref<128x128xf32, #tpu.memory_space<vmem>>) offsets(%dma_start3A_35 : memref<128xi32, #tpu.memory_space<vmem>>) semaphore(%arg12 : memref<!tpu.dma_semaphore, #tpu.memory_space<semaphore_mem>>)
      %dma_wait3A = arith.constant 0 : i32
      %dma_wait3A_39 = tpu.memref_slice %arg7[%scan3A_31, %dma_wait3A] : memref<80x128xi32, #tpu.memory_space<vmem>> -> memref<1x128xi32, #tpu.memory_space<vmem>>
      %dma_wait3A_40 = tpu.memref_squeeze %dma_wait3A_39 : memref<1x128xi32, #tpu.memory_space<vmem>> -> memref<128xi32, #tpu.memory_space<vmem>>
      %dma_wait3A_41 = arith.constant 0 : i32
      %dma_wait3A_42 = arith.constant 0 : i32
      %dma_wait3A_43 = tpu.memref_slice %arg2[%dma_wait3A_41, %dma_wait3A_42] : memref<10000x128xf32, #tpu.memory_space<hbm>> -> memref<10000x128xf32, #tpu.memory_space<hbm>>
      tpu.wait_indirect_dma semaphore(%arg12 : memref<!tpu.dma_semaphore, #tpu.memory_space<semaphore_mem>>) src(%dma_wait3A_43 : memref<10000x128xf32, #tpu.memory_space<hbm>>) dst(%arg10 : memref<128x128xf32, #tpu.memory_space<vmem>>)
      %scan3A_44 = arith.constant 0 : i32
      %scan3A_45 = arith.constant 0 : i32
      %scan3A_46 = arith.constant 128 : i32
      %scan3A_47 = arith.addi %scan3A_45, %scan3A_46 : i32
      %scan3A_48 = arith.constant 1 : i32
      scf.for %scan3A_50 = %scan3A_45 to %scan3A_47 step %scan3A_48  : i32 {
        %add3A_51 = arith.addi %mul3A_33, %scan3A_50 : i32
        %broadcast_in_dim3A = vector.broadcast %add3A_51 : i32 to vector<16xi32>
        %gather3A = tpu.vector_load_idx %arg9[%broadcast_in_dim3A] : memref<10240xf32, #tpu.memory_space<vmem>>[vector<16xi32>], vector<16xf32>,
        %get3A = arith.index_cast %scan3A_50 : i32 to index
        %get3A_52 = arith.constant 0 : index
        %get3A_53 = tpu.vector_load %arg10[%get3A, %get3A_52] {strides = array<i32>} : memref<128x128xf32, #tpu.memory_space<vmem>>, vector<16xf32>,
        %mul3A_54 = arith.mulf %get3A_53, %gather3A : vector<16xf32>
        %swap3A = arith.index_cast %scan3A_50 : i32 to index
        %swap3A_55 = arith.constant 0 : index
        %swap3A_56 = tpu.vector_load %arg10[%swap3A, %swap3A_55] {strides = array<i32>} : memref<128x128xf32, #tpu.memory_space<vmem>>, vector<16xf32>,
        tpu.vector_store %arg10[%swap3A, %swap3A_55], %mul3A_54 {strides = array<i32>} : memref<128x128xf32, #tpu.memory_space<vmem>>, vector<16xf32>,
        %get3A_57 = arith.index_cast %scan3A_50 : i32 to index
        %get3A_58 = arith.constant 16 : index
        %get3A_59 = tpu.vector_load %arg10[%get3A_57, %get3A_58] {strides = array<i32>} : memref<128x128xf32, #tpu.memory_space<vmem>>, vector<16xf32>,
        %mul3A_60 = arith.mulf %get3A_59, %gather3A : vector<16xf32>
        %swap3A_61 = arith.index_cast %scan3A_50 : i32 to index
        %swap3A_62 = arith.constant 16 : index
        %swap3A_63 = tpu.vector_load %arg10[%swap3A_61, %swap3A_62] {strides = array<i32>} : memref<128x128xf32, #tpu.memory_space<vmem>>, vector<16xf32>,
        tpu.vector_store %arg10[%swap3A_61, %swap3A_62], %mul3A_60 {strides = array<i32>} : memref<128x128xf32, #tpu.memory_space<vmem>>, vector<16xf32>,
        %get3A_64 = arith.index_cast %scan3A_50 : i32 to index
        %get3A_65 = arith.constant 32 : index
        %get3A_66 = tpu.vector_load %arg10[%get3A_64, %get3A_65] {strides = array<i32>} : memref<128x128xf32, #tpu.memory_space<vmem>>, vector<16xf32>,
        %mul3A_67 = arith.mulf %get3A_66, %gather3A : vector<16xf32>
        %swap3A_68 = arith.index_cast %scan3A_50 : i32 to index
        %swap3A_69 = arith.constant 32 : index
        %swap3A_70 = tpu.vector_load %arg10[%swap3A_68, %swap3A_69] {strides = array<i32>} : memref<128x128xf32, #tpu.memory_space<vmem>>, vector<16xf32>,
        tpu.vector_store %arg10[%swap3A_68, %swap3A_69], %mul3A_67 {strides = array<i32>} : memref<128x128xf32, #tpu.memory_space<vmem>>, vector<16xf32>,
        %get3A_71 = arith.index_cast %scan3A_50 : i32 to index
        %get3A_72 = arith.constant 48 : index
        %get3A_73 = tpu.vector_load %arg10[%get3A_71, %get3A_72] {strides = array<i32>} : memref<128x128xf32, #tpu.memory_space<vmem>>, vector<16xf32>,
        %mul3A_74 = arith.mulf %get3A_73, %gather3A : vector<16xf32>
        %swap3A_75 = arith.index_cast %scan3A_50 : i32 to index
        %swap3A_76 = arith.constant 48 : index
        %swap3A_77 = tpu.vector_load %arg10[%swap3A_75, %swap3A_76] {strides = array<i32>} : memref<128x128xf32, #tpu.memory_space<vmem>>, vector<16xf32>,
        tpu.vector_store %arg10[%swap3A_75, %swap3A_76], %mul3A_74 {strides = array<i32>} : memref<128x128xf32, #tpu.memory_space<vmem>>, vector<16xf32>,
        %get3A_78 = arith.index_cast %scan3A_50 : i32 to index
        %get3A_79 = arith.constant 64 : index
        %get3A_80 = tpu.vector_load %arg10[%get3A_78, %get3A_79] {strides = array<i32>} : memref<128x128xf32, #tpu.memory_space<vmem>>, vector<16xf32>,
        %mul3A_81 = arith.mulf %get3A_80, %gather3A : vector<16xf32>
        %swap3A_82 = arith.index_cast %scan3A_50 : i32 to index
        %swap3A_83 = arith.constant 64 : index
        %swap3A_84 = tpu.vector_load %arg10[%swap3A_82, %swap3A_83] {strides = array<i32>} : memref<128x128xf32, #tpu.memory_space<vmem>>, vector<16xf32>,
        tpu.vector_store %arg10[%swap3A_82, %swap3A_83], %mul3A_81 {strides = array<i32>} : memref<128x128xf32, #tpu.memory_space<vmem>>, vector<16xf32>,
        %get3A_85 = arith.index_cast %scan3A_50 : i32 to index
        %get3A_86 = arith.constant 80 : index
        %get3A_87 = tpu.vector_load %arg10[%get3A_85, %get3A_86] {strides = array<i32>} : memref<128x128xf32, #tpu.memory_space<vmem>>, vector<16xf32>,
        %mul3A_88 = arith.mulf %get3A_87, %gather3A : vector<16xf32>
        %swap3A_89 = arith.index_cast %scan3A_50 : i32 to index
        %swap3A_90 = arith.constant 80 : index
        %swap3A_91 = tpu.vector_load %arg10[%swap3A_89, %swap3A_90] {strides = array<i32>} : memref<128x128xf32, #tpu.memory_space<vmem>>, vector<16xf32>,
        tpu.vector_store %arg10[%swap3A_89, %swap3A_90], %mul3A_88 {strides = array<i32>} : memref<128x128xf32, #tpu.memory_space<vmem>>, vector<16xf32>,
        %get3A_92 = arith.index_cast %scan3A_50 : i32 to index
        %get3A_93 = arith.constant 96 : index
        %get3A_94 = tpu.vector_load %arg10[%get3A_92, %get3A_93] {strides = array<i32>} : memref<128x128xf32, #tpu.memory_space<vmem>>, vector<16xf32>,
        %mul3A_95 = arith.mulf %get3A_94, %gather3A : vector<16xf32>
        %swap3A_96 = arith.index_cast %scan3A_50 : i32 to index
        %swap3A_97 = arith.constant 96 : index
        %swap3A_98 = tpu.vector_load %arg10[%swap3A_96, %swap3A_97] {strides = array<i32>} : memref<128x128xf32, #tpu.memory_space<vmem>>, vector<16xf32>,
        tpu.vector_store %arg10[%swap3A_96, %swap3A_97], %mul3A_95 {strides = array<i32>} : memref<128x128xf32, #tpu.memory_space<vmem>>, vector<16xf32>,
        %get3A_99 = arith.index_cast %scan3A_50 : i32 to index
        %get3A_100 = arith.constant 112 : index
        %get3A_101 = tpu.vector_load %arg10[%get3A_99, %get3A_100] {strides = array<i32>} : memref<128x128xf32, #tpu.memory_space<vmem>>, vector<16xf32>,
        %mul3A_102 = arith.mulf %get3A_101, %gather3A : vector<16xf32>
        %swap3A_103 = arith.index_cast %scan3A_50 : i32 to index
        %swap3A_104 = arith.constant 112 : index
        %swap3A_105 = tpu.vector_load %arg10[%swap3A_103, %swap3A_104] {strides = array<i32>} : memref<128x128xf32, #tpu.memory_space<vmem>>, vector<16xf32>,
        tpu.vector_store %arg10[%swap3A_103, %swap3A_104], %mul3A_102 {strides = array<i32>} : memref<128x128xf32, #tpu.memory_space<vmem>>, vector<16xf32>,
      }
      %scan3A_49 = arith.constant 128 : i32
      "tpu.region"() ({
        %run_scoped3A = tpu.sem_alloc : memref<!tpu.dma_semaphore, #tpu.memory_space<semaphore_mem>>
        %dma_start3A_50 = arith.constant 0 : i32
        %dma_start3A_51 = tpu.memref_slice %arg8[%scan3A_31, %dma_start3A_50] : memref<80x128xi32, #tpu.memory_space<vmem>> -> memref<1x128xi32, #tpu.memory_space<vmem>>
        %dma_start3A_52 = tpu.memref_squeeze %dma_start3A_51 : memref<1x128xi32, #tpu.memory_space<vmem>> -> memref<128xi32, #tpu.memory_space<vmem>>
        %dma_start3A_53 = arith.constant 0 : i32
        %dma_start3A_54 = arith.constant 0 : i32
        %dma_start3A_55 = tpu.memref_slice %arg11[%dma_start3A_53, %dma_start3A_54] : memref<10000x128xf32, #tpu.memory_space<vmem_shared>> -> memref<10000x128xf32, #tpu.memory_space<vmem_shared>>
        tpu.enqueue_indirect_dma source(%arg10 : memref<128x128xf32, #tpu.memory_space<vmem>>) target(%dma_start3A_55 : memref<10000x128xf32, #tpu.memory_space<vmem_shared>>) offsets(%dma_start3A_52 : memref<128xi32, #tpu.memory_space<vmem>>) semaphore(%run_scoped3A : memref<!tpu.dma_semaphore, #tpu.memory_space<semaphore_mem>>) {add = true}
        %dma_wait3A_56 = arith.constant 0 : i32
        %dma_wait3A_57 = tpu.memref_slice %arg8[%scan3A_31, %dma_wait3A_56] : memref<80x128xi32, #tpu.memory_space<vmem>> -> memref<1x128xi32, #tpu.memory_space<vmem>>
        %dma_wait3A_58 = tpu.memref_squeeze %dma_wait3A_57 : memref<1x128xi32, #tpu.memory_space<vmem>> -> memref<128xi32, #tpu.memory_space<vmem>>
        %dma_wait3A_59 = arith.constant 0 : i32
        %dma_wait3A_60 = arith.constant 0 : i32
        %dma_wait3A_61 = tpu.memref_slice %arg11[%dma_wait3A_59, %dma_wait3A_60] : memref<10000x128xf32, #tpu.memory_space<vmem_shared>> -> memref<10000x128xf32, #tpu.memory_space<vmem_shared>>
        tpu.wait_indirect_dma semaphore(%run_scoped3A : memref<!tpu.dma_semaphore, #tpu.memory_space<semaphore_mem>>) src(%arg10 : memref<128x128xf32, #tpu.memory_space<vmem>>) dst(%dma_wait3A_61 : memref<10000x128xf32, #tpu.memory_space<vmem_shared>>)
        tpu.yield
      }) : () -> ()
    }
    %scan3A_19 = arith.constant 80 : i32
    %barrier3A_20 = arith.constant 0 : index
    tpu.barrier barrier_id(%barrier3A_20)
    %lt3A_21 = arith.constant 15 : i32
    %lt3A_22 = arith.cmpi slt, %arg1, %lt3A_21 : i32
    %convert_element_type3A_23 = arith.extui %lt3A_22 : i1 to i32
    %cond3A_24 = arith.constant 0 : i32
    %cond3A_25 = arith.cmpi ne, %convert_element_type3A_23, %cond3A_24 : i32
    scf.if %cond3A_25 {
      "tpu.region"() ({
        %run_scoped3A = tpu.sem_alloc : memref<!tpu.dma_semaphore, #tpu.memory_space<semaphore_mem>>
        %dma_start3A = arith.constant 0 : i32
        %dma_start3A_31 = tpu.memref_slice %arg6[%arg0, %mul3A_7, %dma_start3A] : memref<2x10000x128xf32, #tpu.memory_space<hbm>> -> memref<1x640x128xf32, #tpu.memory_space<hbm>>
        %dma_start3A_32 = tpu.memref_squeeze %dma_start3A_31 : memref<1x640x128xf32, #tpu.memory_space<hbm>> -> memref<640x128xf32, #tpu.memory_space<hbm>>
        %dma_start3A_33 = arith.constant 0 : i32
        %dma_start3A_34 = tpu.memref_slice %arg11[%mul3A_7, %dma_start3A_33] : memref<10000x128xf32, #tpu.memory_space<vmem_shared>> -> memref<640x128xf32, #tpu.memory_space<vmem_shared>>
        tpu.enqueue_dma source(%dma_start3A_34 : memref<640x128xf32, #tpu.memory_space<vmem_shared>>) target(%dma_start3A_32 : memref<640x128xf32, #tpu.memory_space<hbm>>) target_semaphore(%run_scoped3A : memref<!tpu.dma_semaphore, #tpu.memory_space<semaphore_mem>>)
        %dma_wait3A = arith.constant 0 : i32
        %dma_wait3A_35 = tpu.memref_slice %arg6[%arg0, %mul3A_7, %dma_wait3A] : memref<2x10000x128xf32, #tpu.memory_space<hbm>> -> memref<1x640x128xf32, #tpu.memory_space<hbm>>
        %dma_wait3A_36 = tpu.memref_squeeze %dma_wait3A_35 : memref<1x640x128xf32, #tpu.memory_space<hbm>> -> memref<640x128xf32, #tpu.memory_space<hbm>>
        %dma_wait3A_37 = arith.constant 0 : i32
        %dma_wait3A_38 = tpu.memref_slice %arg11[%mul3A_7, %dma_wait3A_37] : memref<10000x128xf32, #tpu.memory_space<vmem_shared>> -> memref<640x128xf32, #tpu.memory_space<vmem_shared>>
        tpu.wait_dma2 semaphore(%run_scoped3A : memref<!tpu.dma_semaphore, #tpu.memory_space<semaphore_mem>>) src(%dma_wait3A_38 : memref<640x128xf32, #tpu.memory_space<vmem_shared>>) dst(%dma_wait3A_36 : memref<640x128xf32, #tpu.memory_space<hbm>>)
        tpu.yield
      }) : () -> ()
    } else {
    }
    %eq3A_26 = arith.constant 15 : i32
    %eq3A_27 = arith.cmpi eq, %arg1, %eq3A_26 : i32
    %convert_element_type3A_28 = arith.extui %eq3A_27 : i1 to i32
    %cond3A_29 = arith.constant 0 : i32
    %cond3A_30 = arith.cmpi ne, %convert_element_type3A_28, %cond3A_29 : i32
    scf.if %cond3A_30 {
      "tpu.region"() ({
        %run_scoped3A = tpu.sem_alloc : memref<!tpu.dma_semaphore, #tpu.memory_space<semaphore_mem>>
        %dma_start3A = arith.constant 0 : i32
        %dma_start3A_31 = tpu.memref_slice %arg6[%arg0, %mul3A_7, %dma_start3A] : memref<2x10000x128xf32, #tpu.memory_space<hbm>> -> memref<1x400x128xf32, #tpu.memory_space<hbm>>
        %dma_start3A_32 = tpu.memref_squeeze %dma_start3A_31 : memref<1x400x128xf32, #tpu.memory_space<hbm>> -> memref<400x128xf32, #tpu.memory_space<hbm>>
        %dma_start3A_33 = arith.constant 0 : i32
        %dma_start3A_34 = tpu.memref_slice %arg11[%mul3A_7, %dma_start3A_33] : memref<10000x128xf32, #tpu.memory_space<vmem_shared>> -> memref<400x128xf32, #tpu.memory_space<vmem_shared>>
        tpu.enqueue_dma source(%dma_start3A_34 : memref<400x128xf32, #tpu.memory_space<vmem_shared>>) target(%dma_start3A_32 : memref<400x128xf32, #tpu.memory_space<hbm>>) target_semaphore(%run_scoped3A : memref<!tpu.dma_semaphore, #tpu.memory_space<semaphore_mem>>)
        %dma_wait3A = arith.constant 0 : i32
        %dma_wait3A_35 = tpu.memref_slice %arg6[%arg0, %mul3A_7, %dma_wait3A] : memref<2x10000x128xf32, #tpu.memory_space<hbm>> -> memref<1x400x128xf32, #tpu.memory_space<hbm>>
        %dma_wait3A_36 = tpu.memref_squeeze %dma_wait3A_35 : memref<1x400x128xf32, #tpu.memory_space<hbm>> -> memref<400x128xf32, #tpu.memory_space<hbm>>
        %dma_wait3A_37 = arith.constant 0 : i32
        %dma_wait3A_38 = tpu.memref_slice %arg11[%mul3A_7, %dma_wait3A_37] : memref<10000x128xf32, #tpu.memory_space<vmem_shared>> -> memref<400x128xf32, #tpu.memory_space<vmem_shared>>
        tpu.wait_dma2 semaphore(%run_scoped3A : memref<!tpu.dma_semaphore, #tpu.memory_space<semaphore_mem>>) src(%dma_wait3A_38 : memref<400x128xf32, #tpu.memory_space<vmem_shared>>) dst(%dma_wait3A_36 : memref<400x128xf32, #tpu.memory_space<hbm>>)
        tpu.yield
      }) : () -> ()
    } else {
    }
    return
  }
}

#map = affine_map<(d0, d1) -> (0, 0)>
#map1 = affine_map<(d0, d1) -> (0, 0, 0)>
module attributes {stable_mosaic.version = 14 : i64} {
  func.func @_spmm_body(%arg0: i32, %arg1: i32, %arg2: memref<10000x128xf32, #tpu.memory_space<hbm>>, %arg3: memref<32x80x128xi32, #tpu.memory_space<hbm>>, %arg4: memref<32x80x128xi32, #tpu.memory_space<hbm>>, %arg5: memref<32x10240xf32, #tpu.memory_space<hbm>>, %arg6: memref<2x10000x128xf32, #tpu.memory_space<hbm>>, %arg7: memref<80x128xi32, #tpu.memory_space<vmem>>, %arg8: memref<80x128xi32, #tpu.memory_space<vmem>>, %arg9: memref<10240xf32, #tpu.memory_space<vmem>>, %arg10: memref<128x128xf32, #tpu.memory_space<vmem>>, %arg11: memref<10000x128xf32, #tpu.memory_space<vmem_shared>>, %arg12: memref<!tpu.dma_semaphore, #tpu.memory_space<semaphore_mem>>) attributes {dimension_semantics = [#tpu.dimension_semantics<core_parallel>, #tpu.dimension_semantics<subcore_parallel>], iteration_bounds = array<i64: 2, 16>, scalar_prefetch = 0 : i64, scratch_operands = 6 : i64, tpu.core_type = #tpu.core_type<sc_vector_subcore>, window_params = [{transform_indices = #map}, {transform_indices = #map1}, {transform_indices = #map1}, {transform_indices = #map}, {transform_indices = #map1}]} {
    %mul3A = arith.constant 2 : i32
    %mul3A_0 = arith.muli %arg1, %mul3A : i32
    %add3A = arith.addi %mul3A_0, %arg0 : i32
    "tpu.region"() ({
      %run_scoped3A = tpu.sem_alloc : memref<!tpu.dma_semaphore, #tpu.memory_space<semaphore_mem>>
      %dma_start3A = arith.constant 0 : i32
      %dma_start3A_31 = arith.constant 0 : i32
      %dma_start3A_32 = tpu.memref_slice %arg4[%add3A, %dma_start3A, %dma_start3A_31] : memref<32x80x128xi32, #tpu.memory_space<hbm>> -> memref<1x80x128xi32, #tpu.memory_space<hbm>>
      %dma_start3A_33 = tpu.memref_squeeze %dma_start3A_32 : memref<1x80x128xi32, #tpu.memory_space<hbm>> -> memref<80x128xi32, #tpu.memory_space<hbm>>
      %dma_start3A_34 = arith.constant 0 : i32
      %dma_start3A_35 = arith.constant 0 : i32
      %dma_start3A_36 = tpu.memref_slice %arg4[%add3A, %dma_start3A_34, %dma_start3A_35] : memref<32x80x128xi32, #tpu.memory_space<hbm>> -> memref<1x80x128xi32, #tpu.memory_space<hbm>>
      %dma_start3A_37 = tpu.memref_squeeze %dma_start3A_36 : memref<1x80x128xi32, #tpu.memory_space<hbm>> -> memref<80x128xi32, #tpu.memory_space<hbm>>
      tpu.enqueue_dma source(%dma_start3A_37 : memref<80x128xi32, #tpu.memory_space<hbm>>) target(%arg7 : memref<80x128xi32, #tpu.memory_space<vmem>>) target_semaphore(%run_scoped3A : memref<!tpu.dma_semaphore, #tpu.memory_space<semaphore_mem>>)
      %dma_wait3A = arith.constant 0 : i32
      %dma_wait3A_38 = arith.constant 0 : i32
      %dma_wait3A_39 = tpu.memref_slice %arg4[%add3A, %dma_wait3A, %dma_wait3A_38] : memref<32x80x128xi32, #tpu.memory_space<hbm>> -> memref<1x80x128xi32, #tpu.memory_space<hbm>>
      %dma_wait3A_40 = tpu.memref_squeeze %dma_wait3A_39 : memref<1x80x128xi32, #tpu.memory_space<hbm>> -> memref<80x128xi32, #tpu.memory_space<hbm>>
      %dma_wait3A_41 = arith.constant 0 : i32
      %dma_wait3A_42 = arith.constant 0 : i32
      %dma_wait3A_43 = tpu.memref_slice %arg4[%add3A, %dma_wait3A_41, %dma_wait3A_42] : memref<32x80x128xi32, #tpu.memory_space<hbm>> -> memref<1x80x128xi32, #tpu.memory_space<hbm>>
      %dma_wait3A_44 = tpu.memref_squeeze %dma_wait3A_43 : memref<1x80x128xi32, #tpu.memory_space<hbm>> -> memref<80x128xi32, #tpu.memory_space<hbm>>
      tpu.wait_dma2 semaphore(%run_scoped3A : memref<!tpu.dma_semaphore, #tpu.memory_space<semaphore_mem>>) src(%dma_wait3A_44 : memref<80x128xi32, #tpu.memory_space<hbm>>) dst(%arg7 : memref<80x128xi32, #tpu.memory_space<vmem>>)
      tpu.yield
    }) : () -> ()
    "tpu.region"() ({
      %run_scoped3A = tpu.sem_alloc : memref<!tpu.dma_semaphore, #tpu.memory_space<semaphore_mem>>
      %dma_start3A = arith.constant 0 : i32
      %dma_start3A_31 = arith.constant 0 : i32
      %dma_start3A_32 = tpu.memref_slice %arg3[%add3A, %dma_start3A, %dma_start3A_31] : memref<32x80x128xi32, #tpu.memory_space<hbm>> -> memref<1x80x128xi32, #tpu.memory_space<hbm>>
      %dma_start3A_33 = tpu.memref_squeeze %dma_start3A_32 : memref<1x80x128xi32, #tpu.memory_space<hbm>> -> memref<80x128xi32, #tpu.memory_space<hbm>>
      %dma_start3A_34 = arith.constant 0 : i32
      %dma_start3A_35 = arith.constant 0 : i32
      %dma_start3A_36 = tpu.memref_slice %arg3[%add3A, %dma_start3A_34, %dma_start3A_35] : memref<32x80x128xi32, #tpu.memory_space<hbm>> -> memref<1x80x128xi32, #tpu.memory_space<hbm>>
      %dma_start3A_37 = tpu.memref_squeeze %dma_start3A_36 : memref<1x80x128xi32, #tpu.memory_space<hbm>> -> memref<80x128xi32, #tpu.memory_space<hbm>>
      tpu.enqueue_dma source(%dma_start3A_37 : memref<80x128xi32, #tpu.memory_space<hbm>>) target(%arg8 : memref<80x128xi32, #tpu.memory_space<vmem>>) target_semaphore(%run_scoped3A : memref<!tpu.dma_semaphore, #tpu.memory_space<semaphore_mem>>)
      %dma_wait3A = arith.constant 0 : i32
      %dma_wait3A_38 = arith.constant 0 : i32
      %dma_wait3A_39 = tpu.memref_slice %arg3[%add3A, %dma_wait3A, %dma_wait3A_38] : memref<32x80x128xi32, #tpu.memory_space<hbm>> -> memref<1x80x128xi32, #tpu.memory_space<hbm>>
      %dma_wait3A_40 = tpu.memref_squeeze %dma_wait3A_39 : memref<1x80x128xi32, #tpu.memory_space<hbm>> -> memref<80x128xi32, #tpu.memory_space<hbm>>
      %dma_wait3A_41 = arith.constant 0 : i32
      %dma_wait3A_42 = arith.constant 0 : i32
      %dma_wait3A_43 = tpu.memref_slice %arg3[%add3A, %dma_wait3A_41, %dma_wait3A_42] : memref<32x80x128xi32, #tpu.memory_space<hbm>> -> memref<1x80x128xi32, #tpu.memory_space<hbm>>
      %dma_wait3A_44 = tpu.memref_squeeze %dma_wait3A_43 : memref<1x80x128xi32, #tpu.memory_space<hbm>> -> memref<80x128xi32, #tpu.memory_space<hbm>>
      tpu.wait_dma2 semaphore(%run_scoped3A : memref<!tpu.dma_semaphore, #tpu.memory_space<semaphore_mem>>) src(%dma_wait3A_44 : memref<80x128xi32, #tpu.memory_space<hbm>>) dst(%arg8 : memref<80x128xi32, #tpu.memory_space<vmem>>)
      tpu.yield
    }) : () -> ()
    "tpu.region"() ({
      %run_scoped3A = tpu.sem_alloc : memref<!tpu.dma_semaphore, #tpu.memory_space<semaphore_mem>>
      %dma_start3A = arith.constant 0 : i32
      %dma_start3A_31 = tpu.memref_slice %arg5[%add3A, %dma_start3A] : memref<32x10240xf32, #tpu.memory_space<hbm>> -> memref<1x10240xf32, #tpu.memory_space<hbm>>
      %dma_start3A_32 = tpu.memref_squeeze %dma_start3A_31 : memref<1x10240xf32, #tpu.memory_space<hbm>> -> memref<10240xf32, #tpu.memory_space<hbm>>
      %dma_start3A_33 = arith.constant 0 : i32
      %dma_start3A_34 = tpu.memref_slice %arg5[%add3A, %dma_start3A_33] : memref<32x10240xf32, #tpu.memory_space<hbm>> -> memref<1x10240xf32, #tpu.memory_space<hbm>>
      %dma_start3A_35 = tpu.memref_squeeze %dma_start3A_34 : memref<1x10240xf32, #tpu.memory_space<hbm>> -> memref<10240xf32, #tpu.memory_space<hbm>>
      tpu.enqueue_dma source(%dma_start3A_35 : memref<10240xf32, #tpu.memory_space<hbm>>) target(%arg9 : memref<10240xf32, #tpu.memory_space<vmem>>) target_semaphore(%run_scoped3A : memref<!tpu.dma_semaphore, #tpu.memory_space<semaphore_mem>>)
      %dma_wait3A = arith.constant 0 : i32
      %dma_wait3A_36 = tpu.memref_slice %arg5[%add3A, %dma_wait3A] : memref<32x10240xf32, #tpu.memory_space<hbm>> -> memref<1x10240xf32, #tpu.memory_space<hbm>>
      %dma_wait3A_37 = tpu.memref_squeeze %dma_wait3A_36 : memref<1x10240xf32, #tpu.memory_space<hbm>> -> memref<10240xf32, #tpu.memory_space<hbm>>
      %dma_wait3A_38 = arith.constant 0 : i32
      %dma_wait3A_39 = tpu.memref_slice %arg5[%add3A, %dma_wait3A_38] : memref<32x10240xf32, #tpu.memory_space<hbm>> -> memref<1x10240xf32, #tpu.memory_space<hbm>>
      %dma_wait3A_40 = tpu.memref_squeeze %dma_wait3A_39 : memref<1x10240xf32, #tpu.memory_space<hbm>> -> memref<10240xf32, #tpu.memory_space<hbm>>
      tpu.wait_dma2 semaphore(%run_scoped3A : memref<!tpu.dma_semaphore, #tpu.memory_space<semaphore_mem>>) src(%dma_wait3A_40 : memref<10240xf32, #tpu.memory_space<hbm>>) dst(%arg9 : memref<10240xf32, #tpu.memory_space<vmem>>)
      tpu.yield
    }) : () -> ()
    %scan3A = arith.constant 0 : i32
    %scan3A_1 = arith.constant 0 : i32
    %scan3A_2 = arith.constant 128 : i32
    %scan3A_3 = arith.addi %scan3A_1, %scan3A_2 : i32
    %scan3A_4 = arith.constant 1 : i32
    scf.for %scan3A_31 = %scan3A_1 to %scan3A_3 step %scan3A_4  : i32 {
      %broadcast_in_dim3A = arith.constant 0.000000e+00 : f32
      %broadcast_in_dim3A_32 = vector.broadcast %broadcast_in_dim3A : f32 to vector<16xf32>
      %swap3A = arith.index_cast %scan3A_31 : i32 to index
      %swap3A_33 = arith.constant 0 : index
      %swap3A_34 = tpu.vector_load %arg10[%swap3A, %swap3A_33] {strides = array<i32>} : memref<128x128xf32, #tpu.memory_space<vmem>>, vector<16xf32>,
      tpu.vector_store %arg10[%swap3A, %swap3A_33], %broadcast_in_dim3A_32 {strides = array<i32>} : memref<128x128xf32, #tpu.memory_space<vmem>>, vector<16xf32>,
      %broadcast_in_dim3A_35 = arith.constant 0.000000e+00 : f32
      %broadcast_in_dim3A_36 = vector.broadcast %broadcast_in_dim3A_35 : f32 to vector<16xf32>
      %swap3A_37 = arith.index_cast %scan3A_31 : i32 to index
      %swap3A_38 = arith.constant 16 : index
      %swap3A_39 = tpu.vector_load %arg10[%swap3A_37, %swap3A_38] {strides = array<i32>} : memref<128x128xf32, #tpu.memory_space<vmem>>, vector<16xf32>,
      tpu.vector_store %arg10[%swap3A_37, %swap3A_38], %broadcast_in_dim3A_36 {strides = array<i32>} : memref<128x128xf32, #tpu.memory_space<vmem>>, vector<16xf32>,
      %broadcast_in_dim3A_40 = arith.constant 0.000000e+00 : f32
      %broadcast_in_dim3A_41 = vector.broadcast %broadcast_in_dim3A_40 : f32 to vector<16xf32>
      %swap3A_42 = arith.index_cast %scan3A_31 : i32 to index
      %swap3A_43 = arith.constant 32 : index
      %swap3A_44 = tpu.vector_load %arg10[%swap3A_42, %swap3A_43] {strides = array<i32>} : memref<128x128xf32, #tpu.memory_space<vmem>>, vector<16xf32>,
      tpu.vector_store %arg10[%swap3A_42, %swap3A_43], %broadcast_in_dim3A_41 {strides = array<i32>} : memref<128x128xf32, #tpu.memory_space<vmem>>, vector<16xf32>,
      %broadcast_in_dim3A_45 = arith.constant 0.000000e+00 : f32
      %broadcast_in_dim3A_46 = vector.broadcast %broadcast_in_dim3A_45 : f32 to vector<16xf32>
      %swap3A_47 = arith.index_cast %scan3A_31 : i32 to index
      %swap3A_48 = arith.constant 48 : index
      %swap3A_49 = tpu.vector_load %arg10[%swap3A_47, %swap3A_48] {strides = array<i32>} : memref<128x128xf32, #tpu.memory_space<vmem>>, vector<16xf32>,
      tpu.vector_store %arg10[%swap3A_47, %swap3A_48], %broadcast_in_dim3A_46 {strides = array<i32>} : memref<128x128xf32, #tpu.memory_space<vmem>>, vector<16xf32>,
      %broadcast_in_dim3A_50 = arith.constant 0.000000e+00 : f32
      %broadcast_in_dim3A_51 = vector.broadcast %broadcast_in_dim3A_50 : f32 to vector<16xf32>
      %swap3A_52 = arith.index_cast %scan3A_31 : i32 to index
      %swap3A_53 = arith.constant 64 : index
      %swap3A_54 = tpu.vector_load %arg10[%swap3A_52, %swap3A_53] {strides = array<i32>} : memref<128x128xf32, #tpu.memory_space<vmem>>, vector<16xf32>,
      tpu.vector_store %arg10[%swap3A_52, %swap3A_53], %broadcast_in_dim3A_51 {strides = array<i32>} : memref<128x128xf32, #tpu.memory_space<vmem>>, vector<16xf32>,
      %broadcast_in_dim3A_55 = arith.constant 0.000000e+00 : f32
      %broadcast_in_dim3A_56 = vector.broadcast %broadcast_in_dim3A_55 : f32 to vector<16xf32>
      %swap3A_57 = arith.index_cast %scan3A_31 : i32 to index
      %swap3A_58 = arith.constant 80 : index
      %swap3A_59 = tpu.vector_load %arg10[%swap3A_57, %swap3A_58] {strides = array<i32>} : memref<128x128xf32, #tpu.memory_space<vmem>>, vector<16xf32>,
      tpu.vector_store %arg10[%swap3A_57, %swap3A_58], %broadcast_in_dim3A_56 {strides = array<i32>} : memref<128x128xf32, #tpu.memory_space<vmem>>, vector<16xf32>,
      %broadcast_in_dim3A_60 = arith.constant 0.000000e+00 : f32
      %broadcast_in_dim3A_61 = vector.broadcast %broadcast_in_dim3A_60 : f32 to vector<16xf32>
      %swap3A_62 = arith.index_cast %scan3A_31 : i32 to index
      %swap3A_63 = arith.constant 96 : index
      %swap3A_64 = tpu.vector_load %arg10[%swap3A_62, %swap3A_63] {strides = array<i32>} : memref<128x128xf32, #tpu.memory_space<vmem>>, vector<16xf32>,
      tpu.vector_store %arg10[%swap3A_62, %swap3A_63], %broadcast_in_dim3A_61 {strides = array<i32>} : memref<128x128xf32, #tpu.memory_space<vmem>>, vector<16xf32>,
      %broadcast_in_dim3A_65 = arith.constant 0.000000e+00 : f32
      %broadcast_in_dim3A_66 = vector.broadcast %broadcast_in_dim3A_65 : f32 to vector<16xf32>
      %swap3A_67 = arith.index_cast %scan3A_31 : i32 to index
      %swap3A_68 = arith.constant 112 : index
      %swap3A_69 = tpu.vector_load %arg10[%swap3A_67, %swap3A_68] {strides = array<i32>} : memref<128x128xf32, #tpu.memory_space<vmem>>, vector<16xf32>,
      tpu.vector_store %arg10[%swap3A_67, %swap3A_68], %broadcast_in_dim3A_66 {strides = array<i32>} : memref<128x128xf32, #tpu.memory_space<vmem>>, vector<16xf32>,
    }
    %scan3A_5 = arith.constant 128 : i32
    %mul3A_6 = arith.constant 640 : i32
    %mul3A_7 = arith.muli %arg1, %mul3A_6 : i32
    %lt3A = arith.constant 15 : i32
    %lt3A_8 = arith.cmpi slt, %arg1, %lt3A : i32
    %convert_element_type3A = arith.extui %lt3A_8 : i1 to i32
    %cond3A = arith.constant 0 : i32
    %cond3A_9 = arith.cmpi ne, %convert_element_type3A, %cond3A : i32
    scf.if %cond3A_9 {
      %add3A_31 = arith.constant 0 : i32
      %add3A_32 = arith.addi %mul3A_7, %add3A_31 : i32
      "tpu.region"() ({
        %run_scoped3A = tpu.sem_alloc : memref<!tpu.dma_semaphore, #tpu.memory_space<semaphore_mem>>
        %dma_start3A = arith.constant 0 : i32
        %dma_start3A_41 = tpu.memref_slice %arg11[%add3A_32, %dma_start3A] : memref<10000x128xf32, #tpu.memory_space<vmem_shared>> -> memref<128x128xf32, #tpu.memory_space<vmem_shared>>
        %dma_start3A_42 = arith.constant 0 : i32
        %dma_start3A_43 = tpu.memref_slice %arg11[%add3A_32, %dma_start3A_42] : memref<10000x128xf32, #tpu.memory_space<vmem_shared>> -> memref<128x128xf32, #tpu.memory_space<vmem_shared>>
        tpu.enqueue_dma source(%arg10 : memref<128x128xf32, #tpu.memory_space<vmem>>) target(%dma_start3A_43 : memref<128x128xf32, #tpu.memory_space<vmem_shared>>) target_semaphore(%run_scoped3A : memref<!tpu.dma_semaphore, #tpu.memory_space<semaphore_mem>>)
        %dma_wait3A = arith.constant 0 : i32
        %dma_wait3A_44 = tpu.memref_slice %arg11[%add3A_32, %dma_wait3A] : memref<10000x128xf32, #tpu.memory_space<vmem_shared>> -> memref<128x128xf32, #tpu.memory_space<vmem_shared>>
        %dma_wait3A_45 = arith.constant 0 : i32
        %dma_wait3A_46 = tpu.memref_slice %arg11[%add3A_32, %dma_wait3A_45] : memref<10000x128xf32, #tpu.memory_space<vmem_shared>> -> memref<128x128xf32, #tpu.memory_space<vmem_shared>>
        tpu.wait_dma2 semaphore(%run_scoped3A : memref<!tpu.dma_semaphore, #tpu.memory_space<semaphore_mem>>) src(%arg10 : memref<128x128xf32, #tpu.memory_space<vmem>>) dst(%dma_wait3A_46 : memref<128x128xf32, #tpu.memory_space<vmem_shared>>)
        tpu.yield
      }) : () -> ()
      %add3A_33 = arith.constant 128 : i32
      %add3A_34 = arith.addi %mul3A_7, %add3A_33 : i32
      "tpu.region"() ({
        %run_scoped3A = tpu.sem_alloc : memref<!tpu.dma_semaphore, #tpu.memory_space<semaphore_mem>>
        %dma_start3A = arith.constant 0 : i32
        %dma_start3A_41 = tpu.memref_slice %arg11[%add3A_34, %dma_start3A] : memref<10000x128xf32, #tpu.memory_space<vmem_shared>> -> memref<128x128xf32, #tpu.memory_space<vmem_shared>>
        %dma_start3A_42 = arith.constant 0 : i32
        %dma_start3A_43 = tpu.memref_slice %arg11[%add3A_34, %dma_start3A_42] : memref<10000x128xf32, #tpu.memory_space<vmem_shared>> -> memref<128x128xf32, #tpu.memory_space<vmem_shared>>
        tpu.enqueue_dma source(%arg10 : memref<128x128xf32, #tpu.memory_space<vmem>>) target(%dma_start3A_43 : memref<128x128xf32, #tpu.memory_space<vmem_shared>>) target_semaphore(%run_scoped3A : memref<!tpu.dma_semaphore, #tpu.memory_space<semaphore_mem>>)
        %dma_wait3A = arith.constant 0 : i32
        %dma_wait3A_44 = tpu.memref_slice %arg11[%add3A_34, %dma_wait3A] : memref<10000x128xf32, #tpu.memory_space<vmem_shared>> -> memref<128x128xf32, #tpu.memory_space<vmem_shared>>
        %dma_wait3A_45 = arith.constant 0 : i32
        %dma_wait3A_46 = tpu.memref_slice %arg11[%add3A_34, %dma_wait3A_45] : memref<10000x128xf32, #tpu.memory_space<vmem_shared>> -> memref<128x128xf32, #tpu.memory_space<vmem_shared>>
        tpu.wait_dma2 semaphore(%run_scoped3A : memref<!tpu.dma_semaphore, #tpu.memory_space<semaphore_mem>>) src(%arg10 : memref<128x128xf32, #tpu.memory_space<vmem>>) dst(%dma_wait3A_46 : memref<128x128xf32, #tpu.memory_space<vmem_shared>>)
        tpu.yield
      }) : () -> ()
      %add3A_35 = arith.constant 256 : i32
      %add3A_36 = arith.addi %mul3A_7, %add3A_35 : i32
      "tpu.region"() ({
        %run_scoped3A = tpu.sem_alloc : memref<!tpu.dma_semaphore, #tpu.memory_space<semaphore_mem>>
        %dma_start3A = arith.constant 0 : i32
        %dma_start3A_41 = tpu.memref_slice %arg11[%add3A_36, %dma_start3A] : memref<10000x128xf32, #tpu.memory_space<vmem_shared>> -> memref<128x128xf32, #tpu.memory_space<vmem_shared>>
        %dma_start3A_42 = arith.constant 0 : i32
        %dma_start3A_43 = tpu.memref_slice %arg11[%add3A_36, %dma_start3A_42] : memref<10000x128xf32, #tpu.memory_space<vmem_shared>> -> memref<128x128xf32, #tpu.memory_space<vmem_shared>>
        tpu.enqueue_dma source(%arg10 : memref<128x128xf32, #tpu.memory_space<vmem>>) target(%dma_start3A_43 : memref<128x128xf32, #tpu.memory_space<vmem_shared>>) target_semaphore(%run_scoped3A : memref<!tpu.dma_semaphore, #tpu.memory_space<semaphore_mem>>)
        %dma_wait3A = arith.constant 0 : i32
        %dma_wait3A_44 = tpu.memref_slice %arg11[%add3A_36, %dma_wait3A] : memref<10000x128xf32, #tpu.memory_space<vmem_shared>> -> memref<128x128xf32, #tpu.memory_space<vmem_shared>>
        %dma_wait3A_45 = arith.constant 0 : i32
        %dma_wait3A_46 = tpu.memref_slice %arg11[%add3A_36, %dma_wait3A_45] : memref<10000x128xf32, #tpu.memory_space<vmem_shared>> -> memref<128x128xf32, #tpu.memory_space<vmem_shared>>
        tpu.wait_dma2 semaphore(%run_scoped3A : memref<!tpu.dma_semaphore, #tpu.memory_space<semaphore_mem>>) src(%arg10 : memref<128x128xf32, #tpu.memory_space<vmem>>) dst(%dma_wait3A_46 : memref<128x128xf32, #tpu.memory_space<vmem_shared>>)
        tpu.yield
      }) : () -> ()
      %add3A_37 = arith.constant 384 : i32
      %add3A_38 = arith.addi %mul3A_7, %add3A_37 : i32
      "tpu.region"() ({
        %run_scoped3A = tpu.sem_alloc : memref<!tpu.dma_semaphore, #tpu.memory_space<semaphore_mem>>
        %dma_start3A = arith.constant 0 : i32
        %dma_start3A_41 = tpu.memref_slice %arg11[%add3A_38, %dma_start3A] : memref<10000x128xf32, #tpu.memory_space<vmem_shared>> -> memref<128x128xf32, #tpu.memory_space<vmem_shared>>
        %dma_start3A_42 = arith.constant 0 : i32
        %dma_start3A_43 = tpu.memref_slice %arg11[%add3A_38, %dma_start3A_42] : memref<10000x128xf32, #tpu.memory_space<vmem_shared>> -> memref<128x128xf32, #tpu.memory_space<vmem_shared>>
        tpu.enqueue_dma source(%arg10 : memref<128x128xf32, #tpu.memory_space<vmem>>) target(%dma_start3A_43 : memref<128x128xf32, #tpu.memory_space<vmem_shared>>) target_semaphore(%run_scoped3A : memref<!tpu.dma_semaphore, #tpu.memory_space<semaphore_mem>>)
        %dma_wait3A = arith.constant 0 : i32
        %dma_wait3A_44 = tpu.memref_slice %arg11[%add3A_38, %dma_wait3A] : memref<10000x128xf32, #tpu.memory_space<vmem_shared>> -> memref<128x128xf32, #tpu.memory_space<vmem_shared>>
        %dma_wait3A_45 = arith.constant 0 : i32
        %dma_wait3A_46 = tpu.memref_slice %arg11[%add3A_38, %dma_wait3A_45] : memref<10000x128xf32, #tpu.memory_space<vmem_shared>> -> memref<128x128xf32, #tpu.memory_space<vmem_shared>>
        tpu.wait_dma2 semaphore(%run_scoped3A : memref<!tpu.dma_semaphore, #tpu.memory_space<semaphore_mem>>) src(%arg10 : memref<128x128xf32, #tpu.memory_space<vmem>>) dst(%dma_wait3A_46 : memref<128x128xf32, #tpu.memory_space<vmem_shared>>)
        tpu.yield
      }) : () -> ()
      %add3A_39 = arith.constant 512 : i32
      %add3A_40 = arith.addi %mul3A_7, %add3A_39 : i32
      "tpu.region"() ({
        %run_scoped3A = tpu.sem_alloc : memref<!tpu.dma_semaphore, #tpu.memory_space<semaphore_mem>>
        %dma_start3A = arith.constant 0 : i32
        %dma_start3A_41 = tpu.memref_slice %arg11[%add3A_40, %dma_start3A] : memref<10000x128xf32, #tpu.memory_space<vmem_shared>> -> memref<128x128xf32, #tpu.memory_space<vmem_shared>>
        %dma_start3A_42 = arith.constant 0 : i32
        %dma_start3A_43 = tpu.memref_slice %arg11[%add3A_40, %dma_start3A_42] : memref<10000x128xf32, #tpu.memory_space<vmem_shared>> -> memref<128x128xf32, #tpu.memory_space<vmem_shared>>
        tpu.enqueue_dma source(%arg10 : memref<128x128xf32, #tpu.memory_space<vmem>>) target(%dma_start3A_43 : memref<128x128xf32, #tpu.memory_space<vmem_shared>>) target_semaphore(%run_scoped3A : memref<!tpu.dma_semaphore, #tpu.memory_space<semaphore_mem>>)
        %dma_wait3A = arith.constant 0 : i32
        %dma_wait3A_44 = tpu.memref_slice %arg11[%add3A_40, %dma_wait3A] : memref<10000x128xf32, #tpu.memory_space<vmem_shared>> -> memref<128x128xf32, #tpu.memory_space<vmem_shared>>
        %dma_wait3A_45 = arith.constant 0 : i32
        %dma_wait3A_46 = tpu.memref_slice %arg11[%add3A_40, %dma_wait3A_45] : memref<10000x128xf32, #tpu.memory_space<vmem_shared>> -> memref<128x128xf32, #tpu.memory_space<vmem_shared>>
        tpu.wait_dma2 semaphore(%run_scoped3A : memref<!tpu.dma_semaphore, #tpu.memory_space<semaphore_mem>>) src(%arg10 : memref<128x128xf32, #tpu.memory_space<vmem>>) dst(%dma_wait3A_46 : memref<128x128xf32, #tpu.memory_space<vmem_shared>>)
        tpu.yield
      }) : () -> ()
    } else {
    }
    %eq3A = arith.constant 15 : i32
    %eq3A_10 = arith.cmpi eq, %arg1, %eq3A : i32
    %convert_element_type3A_11 = arith.extui %eq3A_10 : i1 to i32
    %cond3A_12 = arith.constant 0 : i32
    %cond3A_13 = arith.cmpi ne, %convert_element_type3A_11, %cond3A_12 : i32
    scf.if %cond3A_13 {
      %add3A_31 = arith.constant 0 : i32
      %add3A_32 = arith.addi %mul3A_7, %add3A_31 : i32
      "tpu.region"() ({
        %run_scoped3A = tpu.sem_alloc : memref<!tpu.dma_semaphore, #tpu.memory_space<semaphore_mem>>
        %dma_start3A = arith.constant 0 : i32
        %dma_start3A_40 = tpu.memref_slice %arg11[%add3A_32, %dma_start3A] : memref<10000x128xf32, #tpu.memory_space<vmem_shared>> -> memref<128x128xf32, #tpu.memory_space<vmem_shared>>
        %dma_start3A_41 = arith.constant 0 : i32
        %dma_start3A_42 = tpu.memref_slice %arg11[%add3A_32, %dma_start3A_41] : memref<10000x128xf32, #tpu.memory_space<vmem_shared>> -> memref<128x128xf32, #tpu.memory_space<vmem_shared>>
        tpu.enqueue_dma source(%arg10 : memref<128x128xf32, #tpu.memory_space<vmem>>) target(%dma_start3A_42 : memref<128x128xf32, #tpu.memory_space<vmem_shared>>) target_semaphore(%run_scoped3A : memref<!tpu.dma_semaphore, #tpu.memory_space<semaphore_mem>>)
        %dma_wait3A = arith.constant 0 : i32
        %dma_wait3A_43 = tpu.memref_slice %arg11[%add3A_32, %dma_wait3A] : memref<10000x128xf32, #tpu.memory_space<vmem_shared>> -> memref<128x128xf32, #tpu.memory_space<vmem_shared>>
        %dma_wait3A_44 = arith.constant 0 : i32
        %dma_wait3A_45 = tpu.memref_slice %arg11[%add3A_32, %dma_wait3A_44] : memref<10000x128xf32, #tpu.memory_space<vmem_shared>> -> memref<128x128xf32, #tpu.memory_space<vmem_shared>>
        tpu.wait_dma2 semaphore(%run_scoped3A : memref<!tpu.dma_semaphore, #tpu.memory_space<semaphore_mem>>) src(%arg10 : memref<128x128xf32, #tpu.memory_space<vmem>>) dst(%dma_wait3A_45 : memref<128x128xf32, #tpu.memory_space<vmem_shared>>)
        tpu.yield
      }) : () -> ()
      %add3A_33 = arith.constant 128 : i32
      %add3A_34 = arith.addi %mul3A_7, %add3A_33 : i32
      "tpu.region"() ({
        %run_scoped3A = tpu.sem_alloc : memref<!tpu.dma_semaphore, #tpu.memory_space<semaphore_mem>>
        %dma_start3A = arith.constant 0 : i32
        %dma_start3A_40 = tpu.memref_slice %arg11[%add3A_34, %dma_start3A] : memref<10000x128xf32, #tpu.memory_space<vmem_shared>> -> memref<128x128xf32, #tpu.memory_space<vmem_shared>>
        %dma_start3A_41 = arith.constant 0 : i32
        %dma_start3A_42 = tpu.memref_slice %arg11[%add3A_34, %dma_start3A_41] : memref<10000x128xf32, #tpu.memory_space<vmem_shared>> -> memref<128x128xf32, #tpu.memory_space<vmem_shared>>
        tpu.enqueue_dma source(%arg10 : memref<128x128xf32, #tpu.memory_space<vmem>>) target(%dma_start3A_42 : memref<128x128xf32, #tpu.memory_space<vmem_shared>>) target_semaphore(%run_scoped3A : memref<!tpu.dma_semaphore, #tpu.memory_space<semaphore_mem>>)
        %dma_wait3A = arith.constant 0 : i32
        %dma_wait3A_43 = tpu.memref_slice %arg11[%add3A_34, %dma_wait3A] : memref<10000x128xf32, #tpu.memory_space<vmem_shared>> -> memref<128x128xf32, #tpu.memory_space<vmem_shared>>
        %dma_wait3A_44 = arith.constant 0 : i32
        %dma_wait3A_45 = tpu.memref_slice %arg11[%add3A_34, %dma_wait3A_44] : memref<10000x128xf32, #tpu.memory_space<vmem_shared>> -> memref<128x128xf32, #tpu.memory_space<vmem_shared>>
        tpu.wait_dma2 semaphore(%run_scoped3A : memref<!tpu.dma_semaphore, #tpu.memory_space<semaphore_mem>>) src(%arg10 : memref<128x128xf32, #tpu.memory_space<vmem>>) dst(%dma_wait3A_45 : memref<128x128xf32, #tpu.memory_space<vmem_shared>>)
        tpu.yield
      }) : () -> ()
      %add3A_35 = arith.constant 256 : i32
      %add3A_36 = arith.addi %mul3A_7, %add3A_35 : i32
      "tpu.region"() ({
        %run_scoped3A = tpu.sem_alloc : memref<!tpu.dma_semaphore, #tpu.memory_space<semaphore_mem>>
        %dma_start3A = arith.constant 0 : i32
        %dma_start3A_40 = tpu.memref_slice %arg11[%add3A_36, %dma_start3A] : memref<10000x128xf32, #tpu.memory_space<vmem_shared>> -> memref<128x128xf32, #tpu.memory_space<vmem_shared>>
        %dma_start3A_41 = arith.constant 0 : i32
        %dma_start3A_42 = tpu.memref_slice %arg11[%add3A_36, %dma_start3A_41] : memref<10000x128xf32, #tpu.memory_space<vmem_shared>> -> memref<128x128xf32, #tpu.memory_space<vmem_shared>>
        tpu.enqueue_dma source(%arg10 : memref<128x128xf32, #tpu.memory_space<vmem>>) target(%dma_start3A_42 : memref<128x128xf32, #tpu.memory_space<vmem_shared>>) target_semaphore(%run_scoped3A : memref<!tpu.dma_semaphore, #tpu.memory_space<semaphore_mem>>)
        %dma_wait3A = arith.constant 0 : i32
        %dma_wait3A_43 = tpu.memref_slice %arg11[%add3A_36, %dma_wait3A] : memref<10000x128xf32, #tpu.memory_space<vmem_shared>> -> memref<128x128xf32, #tpu.memory_space<vmem_shared>>
        %dma_wait3A_44 = arith.constant 0 : i32
        %dma_wait3A_45 = tpu.memref_slice %arg11[%add3A_36, %dma_wait3A_44] : memref<10000x128xf32, #tpu.memory_space<vmem_shared>> -> memref<128x128xf32, #tpu.memory_space<vmem_shared>>
        tpu.wait_dma2 semaphore(%run_scoped3A : memref<!tpu.dma_semaphore, #tpu.memory_space<semaphore_mem>>) src(%arg10 : memref<128x128xf32, #tpu.memory_space<vmem>>) dst(%dma_wait3A_45 : memref<128x128xf32, #tpu.memory_space<vmem_shared>>)
        tpu.yield
      }) : () -> ()
      %add3A_37 = arith.constant 400 : i32
      %add3A_38 = arith.addi %mul3A_7, %add3A_37 : i32
      %sub3A = arith.constant 16 : i32
      %sub3A_39 = arith.subi %add3A_38, %sub3A : i32
      "tpu.region"() ({
        %run_scoped3A = tpu.sem_alloc : memref<!tpu.dma_semaphore, #tpu.memory_space<semaphore_mem>>
        %dma_start3A = arith.constant 0 : i32
        %dma_start3A_40 = arith.constant 0 : i32
        %dma_start3A_41 = tpu.memref_slice %arg10[%dma_start3A, %dma_start3A_40] : memref<128x128xf32, #tpu.memory_space<vmem>> -> memref<16x128xf32, #tpu.memory_space<vmem>>
        %dma_start3A_42 = arith.constant 0 : i32
        %dma_start3A_43 = tpu.memref_slice %arg11[%sub3A_39, %dma_start3A_42] : memref<10000x128xf32, #tpu.memory_space<vmem_shared>> -> memref<16x128xf32, #tpu.memory_space<vmem_shared>>
        %dma_start3A_44 = arith.constant 0 : i32
        %dma_start3A_45 = tpu.memref_slice %arg11[%sub3A_39, %dma_start3A_44] : memref<10000x128xf32, #tpu.memory_space<vmem_shared>> -> memref<16x128xf32, #tpu.memory_space<vmem_shared>>
        %dma_start3A_46 = arith.constant 0 : i32
        %dma_start3A_47 = arith.constant 0 : i32
        %dma_start3A_48 = tpu.memref_slice %arg10[%dma_start3A_46, %dma_start3A_47] : memref<128x128xf32, #tpu.memory_space<vmem>> -> memref<16x128xf32, #tpu.memory_space<vmem>>
        tpu.enqueue_dma source(%dma_start3A_48 : memref<16x128xf32, #tpu.memory_space<vmem>>) target(%dma_start3A_45 : memref<16x128xf32, #tpu.memory_space<vmem_shared>>) target_semaphore(%run_scoped3A : memref<!tpu.dma_semaphore, #tpu.memory_space<semaphore_mem>>)
        %dma_wait3A = arith.constant 0 : i32
        %dma_wait3A_49 = arith.constant 0 : i32
        %dma_wait3A_50 = tpu.memref_slice %arg10[%dma_wait3A, %dma_wait3A_49] : memref<128x128xf32, #tpu.memory_space<vmem>> -> memref<16x128xf32, #tpu.memory_space<vmem>>
        %dma_wait3A_51 = arith.constant 0 : i32
        %dma_wait3A_52 = tpu.memref_slice %arg11[%sub3A_39, %dma_wait3A_51] : memref<10000x128xf32, #tpu.memory_space<vmem_shared>> -> memref<16x128xf32, #tpu.memory_space<vmem_shared>>
        %dma_wait3A_53 = arith.constant 0 : i32
        %dma_wait3A_54 = tpu.memref_slice %arg11[%sub3A_39, %dma_wait3A_53] : memref<10000x128xf32, #tpu.memory_space<vmem_shared>> -> memref<16x128xf32, #tpu.memory_space<vmem_shared>>
        %dma_wait3A_55 = arith.constant 0 : i32
        %dma_wait3A_56 = arith.constant 0 : i32
        %dma_wait3A_57 = tpu.memref_slice %arg10[%dma_wait3A_55, %dma_wait3A_56] : memref<128x128xf32, #tpu.memory_space<vmem>> -> memref<16x128xf32, #tpu.memory_space<vmem>>
        tpu.wait_dma2 semaphore(%run_scoped3A : memref<!tpu.dma_semaphore, #tpu.memory_space<semaphore_mem>>) src(%dma_wait3A_57 : memref<16x128xf32, #tpu.memory_space<vmem>>) dst(%dma_wait3A_54 : memref<16x128xf32, #tpu.memory_space<vmem_shared>>)
        tpu.yield
      }) : () -> ()
    } else {
    }
    %barrier3A = arith.constant 0 : index
    tpu.barrier barrier_id(%barrier3A)
    %scan3A_14 = arith.constant 0 : i32
    %scan3A_15 = arith.constant 0 : i32
    %scan3A_16 = arith.constant 80 : i32
    %scan3A_17 = arith.addi %scan3A_15, %scan3A_16 : i32
    %scan3A_18 = arith.constant 1 : i32
    scf.for %scan3A_31 = %scan3A_15 to %scan3A_17 step %scan3A_18  : i32 {
      %mul3A_32 = arith.constant 128 : i32
      %mul3A_33 = arith.muli %scan3A_31, %mul3A_32 : i32
      %dma_start3A = arith.constant 0 : i32
      %dma_start3A_34 = tpu.memref_slice %arg7[%scan3A_31, %dma_start3A] : memref<80x128xi32, #tpu.memory_space<vmem>> -> memref<1x128xi32, #tpu.memory_space<vmem>>
      %dma_start3A_35 = tpu.memref_squeeze %dma_start3A_34 : memref<1x128xi32, #tpu.memory_space<vmem>> -> memref<128xi32, #tpu.memory_space<vmem>>
      %dma_start3A_36 = arith.constant 0 : i32
      %dma_start3A_37 = arith.constant 0 : i32
      %dma_start3A_38 = tpu.memref_slice %arg2[%dma_start3A_36, %dma_start3A_37] : memref<10000x128xf32, #tpu.memory_space<hbm>> -> memref<10000x128xf32, #tpu.memory_space<hbm>>
      tpu.enqueue_indirect_dma source(%dma_start3A_38 : memref<10000x128xf32, #tpu.memory_space<hbm>>) target(%arg10 : memref<128x128xf32, #tpu.memory_space<vmem>>) offsets(%dma_start3A_35 : memref<128xi32, #tpu.memory_space<vmem>>) semaphore(%arg12 : memref<!tpu.dma_semaphore, #tpu.memory_space<semaphore_mem>>)
      %dma_wait3A = arith.constant 0 : i32
      %dma_wait3A_39 = tpu.memref_slice %arg7[%scan3A_31, %dma_wait3A] : memref<80x128xi32, #tpu.memory_space<vmem>> -> memref<1x128xi32, #tpu.memory_space<vmem>>
      %dma_wait3A_40 = tpu.memref_squeeze %dma_wait3A_39 : memref<1x128xi32, #tpu.memory_space<vmem>> -> memref<128xi32, #tpu.memory_space<vmem>>
      %dma_wait3A_41 = arith.constant 0 : i32
      %dma_wait3A_42 = arith.constant 0 : i32
      %dma_wait3A_43 = tpu.memref_slice %arg2[%dma_wait3A_41, %dma_wait3A_42] : memref<10000x128xf32, #tpu.memory_space<hbm>> -> memref<10000x128xf32, #tpu.memory_space<hbm>>
      tpu.wait_indirect_dma semaphore(%arg12 : memref<!tpu.dma_semaphore, #tpu.memory_space<semaphore_mem>>) src(%dma_wait3A_43 : memref<10000x128xf32, #tpu.memory_space<hbm>>) dst(%arg10 : memref<128x128xf32, #tpu.memory_space<vmem>>)
      %scan3A_44 = arith.constant 0 : i32
      %scan3A_45 = arith.constant 0 : i32
      %scan3A_46 = arith.constant 128 : i32
      %scan3A_47 = arith.addi %scan3A_45, %scan3A_46 : i32
      %scan3A_48 = arith.constant 1 : i32
      scf.for %scan3A_50 = %scan3A_45 to %scan3A_47 step %scan3A_48  : i32 {
        %add3A_51 = arith.addi %mul3A_33, %scan3A_50 : i32
        %broadcast_in_dim3A = vector.broadcast %add3A_51 : i32 to vector<16xi32>
        %gather3A = tpu.vector_load_idx %arg9[%broadcast_in_dim3A] : memref<10240xf32, #tpu.memory_space<vmem>>[vector<16xi32>], vector<16xf32>,
        %get3A = arith.index_cast %scan3A_50 : i32 to index
        %get3A_52 = arith.constant 0 : index
        %get3A_53 = tpu.vector_load %arg10[%get3A, %get3A_52] {strides = array<i32>} : memref<128x128xf32, #tpu.memory_space<vmem>>, vector<16xf32>,
        %mul3A_54 = arith.mulf %get3A_53, %gather3A : vector<16xf32>
        %swap3A = arith.index_cast %scan3A_50 : i32 to index
        %swap3A_55 = arith.constant 0 : index
        %swap3A_56 = tpu.vector_load %arg10[%swap3A, %swap3A_55] {strides = array<i32>} : memref<128x128xf32, #tpu.memory_space<vmem>>, vector<16xf32>,
        tpu.vector_store %arg10[%swap3A, %swap3A_55], %mul3A_54 {strides = array<i32>} : memref<128x128xf32, #tpu.memory_space<vmem>>, vector<16xf32>,
        %get3A_57 = arith.index_cast %scan3A_50 : i32 to index
        %get3A_58 = arith.constant 16 : index
        %get3A_59 = tpu.vector_load %arg10[%get3A_57, %get3A_58] {strides = array<i32>} : memref<128x128xf32, #tpu.memory_space<vmem>>, vector<16xf32>,
        %mul3A_60 = arith.mulf %get3A_59, %gather3A : vector<16xf32>
        %swap3A_61 = arith.index_cast %scan3A_50 : i32 to index
        %swap3A_62 = arith.constant 16 : index
        %swap3A_63 = tpu.vector_load %arg10[%swap3A_61, %swap3A_62] {strides = array<i32>} : memref<128x128xf32, #tpu.memory_space<vmem>>, vector<16xf32>,
        tpu.vector_store %arg10[%swap3A_61, %swap3A_62], %mul3A_60 {strides = array<i32>} : memref<128x128xf32, #tpu.memory_space<vmem>>, vector<16xf32>,
        %get3A_64 = arith.index_cast %scan3A_50 : i32 to index
        %get3A_65 = arith.constant 32 : index
        %get3A_66 = tpu.vector_load %arg10[%get3A_64, %get3A_65] {strides = array<i32>} : memref<128x128xf32, #tpu.memory_space<vmem>>, vector<16xf32>,
        %mul3A_67 = arith.mulf %get3A_66, %gather3A : vector<16xf32>
        %swap3A_68 = arith.index_cast %scan3A_50 : i32 to index
        %swap3A_69 = arith.constant 32 : index
        %swap3A_70 = tpu.vector_load %arg10[%swap3A_68, %swap3A_69] {strides = array<i32>} : memref<128x128xf32, #tpu.memory_space<vmem>>, vector<16xf32>,
        tpu.vector_store %arg10[%swap3A_68, %swap3A_69], %mul3A_67 {strides = array<i32>} : memref<128x128xf32, #tpu.memory_space<vmem>>, vector<16xf32>,
        %get3A_71 = arith.index_cast %scan3A_50 : i32 to index
        %get3A_72 = arith.constant 48 : index
        %get3A_73 = tpu.vector_load %arg10[%get3A_71, %get3A_72] {strides = array<i32>} : memref<128x128xf32, #tpu.memory_space<vmem>>, vector<16xf32>,
        %mul3A_74 = arith.mulf %get3A_73, %gather3A : vector<16xf32>
        %swap3A_75 = arith.index_cast %scan3A_50 : i32 to index
        %swap3A_76 = arith.constant 48 : index
        %swap3A_77 = tpu.vector_load %arg10[%swap3A_75, %swap3A_76] {strides = array<i32>} : memref<128x128xf32, #tpu.memory_space<vmem>>, vector<16xf32>,
        tpu.vector_store %arg10[%swap3A_75, %swap3A_76], %mul3A_74 {strides = array<i32>} : memref<128x128xf32, #tpu.memory_space<vmem>>, vector<16xf32>,
        %get3A_78 = arith.index_cast %scan3A_50 : i32 to index
        %get3A_79 = arith.constant 64 : index
        %get3A_80 = tpu.vector_load %arg10[%get3A_78, %get3A_79] {strides = array<i32>} : memref<128x128xf32, #tpu.memory_space<vmem>>, vector<16xf32>,
        %mul3A_81 = arith.mulf %get3A_80, %gather3A : vector<16xf32>
        %swap3A_82 = arith.index_cast %scan3A_50 : i32 to index
        %swap3A_83 = arith.constant 64 : index
        %swap3A_84 = tpu.vector_load %arg10[%swap3A_82, %swap3A_83] {strides = array<i32>} : memref<128x128xf32, #tpu.memory_space<vmem>>, vector<16xf32>,
        tpu.vector_store %arg10[%swap3A_82, %swap3A_83], %mul3A_81 {strides = array<i32>} : memref<128x128xf32, #tpu.memory_space<vmem>>, vector<16xf32>,
        %get3A_85 = arith.index_cast %scan3A_50 : i32 to index
        %get3A_86 = arith.constant 80 : index
        %get3A_87 = tpu.vector_load %arg10[%get3A_85, %get3A_86] {strides = array<i32>} : memref<128x128xf32, #tpu.memory_space<vmem>>, vector<16xf32>,
        %mul3A_88 = arith.mulf %get3A_87, %gather3A : vector<16xf32>
        %swap3A_89 = arith.index_cast %scan3A_50 : i32 to index
        %swap3A_90 = arith.constant 80 : index
        %swap3A_91 = tpu.vector_load %arg10[%swap3A_89, %swap3A_90] {strides = array<i32>} : memref<128x128xf32, #tpu.memory_space<vmem>>, vector<16xf32>,
        tpu.vector_store %arg10[%swap3A_89, %swap3A_90], %mul3A_88 {strides = array<i32>} : memref<128x128xf32, #tpu.memory_space<vmem>>, vector<16xf32>,
        %get3A_92 = arith.index_cast %scan3A_50 : i32 to index
        %get3A_93 = arith.constant 96 : index
        %get3A_94 = tpu.vector_load %arg10[%get3A_92, %get3A_93] {strides = array<i32>} : memref<128x128xf32, #tpu.memory_space<vmem>>, vector<16xf32>,
        %mul3A_95 = arith.mulf %get3A_94, %gather3A : vector<16xf32>
        %swap3A_96 = arith.index_cast %scan3A_50 : i32 to index
        %swap3A_97 = arith.constant 96 : index
        %swap3A_98 = tpu.vector_load %arg10[%swap3A_96, %swap3A_97] {strides = array<i32>} : memref<128x128xf32, #tpu.memory_space<vmem>>, vector<16xf32>,
        tpu.vector_store %arg10[%swap3A_96, %swap3A_97], %mul3A_95 {strides = array<i32>} : memref<128x128xf32, #tpu.memory_space<vmem>>, vector<16xf32>,
        %get3A_99 = arith.index_cast %scan3A_50 : i32 to index
        %get3A_100 = arith.constant 112 : index
        %get3A_101 = tpu.vector_load %arg10[%get3A_99, %get3A_100] {strides = array<i32>} : memref<128x128xf32, #tpu.memory_space<vmem>>, vector<16xf32>,
        %mul3A_102 = arith.mulf %get3A_101, %gather3A : vector<16xf32>
        %swap3A_103 = arith.index_cast %scan3A_50 : i32 to index
        %swap3A_104 = arith.constant 112 : index
        %swap3A_105 = tpu.vector_load %arg10[%swap3A_103, %swap3A_104] {strides = array<i32>} : memref<128x128xf32, #tpu.memory_space<vmem>>, vector<16xf32>,
        tpu.vector_store %arg10[%swap3A_103, %swap3A_104], %mul3A_102 {strides = array<i32>} : memref<128x128xf32, #tpu.memory_space<vmem>>, vector<16xf32>,
      }
      %scan3A_49 = arith.constant 128 : i32
      "tpu.region"() ({
        %run_scoped3A = tpu.sem_alloc : memref<!tpu.dma_semaphore, #tpu.memory_space<semaphore_mem>>
        %dma_start3A_50 = arith.constant 0 : i32
        %dma_start3A_51 = tpu.memref_slice %arg8[%scan3A_31, %dma_start3A_50] : memref<80x128xi32, #tpu.memory_space<vmem>> -> memref<1x128xi32, #tpu.memory_space<vmem>>
        %dma_start3A_52 = tpu.memref_squeeze %dma_start3A_51 : memref<1x128xi32, #tpu.memory_space<vmem>> -> memref<128xi32, #tpu.memory_space<vmem>>
        %dma_start3A_53 = arith.constant 0 : i32
        %dma_start3A_54 = arith.constant 0 : i32
        %dma_start3A_55 = tpu.memref_slice %arg11[%dma_start3A_53, %dma_start3A_54] : memref<10000x128xf32, #tpu.memory_space<vmem_shared>> -> memref<10000x128xf32, #tpu.memory_space<vmem_shared>>
        tpu.enqueue_indirect_dma source(%arg10 : memref<128x128xf32, #tpu.memory_space<vmem>>) target(%dma_start3A_55 : memref<10000x128xf32, #tpu.memory_space<vmem_shared>>) offsets(%dma_start3A_52 : memref<128xi32, #tpu.memory_space<vmem>>) semaphore(%run_scoped3A : memref<!tpu.dma_semaphore, #tpu.memory_space<semaphore_mem>>) {add = true}
        %dma_wait3A_56 = arith.constant 0 : i32
        %dma_wait3A_57 = tpu.memref_slice %arg8[%scan3A_31, %dma_wait3A_56] : memref<80x128xi32, #tpu.memory_space<vmem>> -> memref<1x128xi32, #tpu.memory_space<vmem>>
        %dma_wait3A_58 = tpu.memref_squeeze %dma_wait3A_57 : memref<1x128xi32, #tpu.memory_space<vmem>> -> memref<128xi32, #tpu.memory_space<vmem>>
        %dma_wait3A_59 = arith.constant 0 : i32
        %dma_wait3A_60 = arith.constant 0 : i32
        %dma_wait3A_61 = tpu.memref_slice %arg11[%dma_wait3A_59, %dma_wait3A_60] : memref<10000x128xf32, #tpu.memory_space<vmem_shared>> -> memref<10000x128xf32, #tpu.memory_space<vmem_shared>>
        tpu.wait_indirect_dma semaphore(%run_scoped3A : memref<!tpu.dma_semaphore, #tpu.memory_space<semaphore_mem>>) src(%arg10 : memref<128x128xf32, #tpu.memory_space<vmem>>) dst(%dma_wait3A_61 : memref<10000x128xf32, #tpu.memory_space<vmem_shared>>)
        tpu.yield
      }) : () -> ()
    }
    %scan3A_19 = arith.constant 80 : i32
    %barrier3A_20 = arith.constant 0 : index
    tpu.barrier barrier_id(%barrier3A_20)
    %lt3A_21 = arith.constant 15 : i32
    %lt3A_22 = arith.cmpi slt, %arg1, %lt3A_21 : i32
    %convert_element_type3A_23 = arith.extui %lt3A_22 : i1 to i32
    %cond3A_24 = arith.constant 0 : i32
    %cond3A_25 = arith.cmpi ne, %convert_element_type3A_23, %cond3A_24 : i32
    scf.if %cond3A_25 {
      "tpu.region"() ({
        %run_scoped3A = tpu.sem_alloc : memref<!tpu.dma_semaphore, #tpu.memory_space<semaphore_mem>>
        %dma_start3A = arith.constant 0 : i32
        %dma_start3A_31 = tpu.memref_slice %arg6[%arg0, %mul3A_7, %dma_start3A] : memref<2x10000x128xf32, #tpu.memory_space<hbm>> -> memref<1x640x128xf32, #tpu.memory_space<hbm>>
        %dma_start3A_32 = tpu.memref_squeeze %dma_start3A_31 : memref<1x640x128xf32, #tpu.memory_space<hbm>> -> memref<640x128xf32, #tpu.memory_space<hbm>>
        %dma_start3A_33 = arith.constant 0 : i32
        %dma_start3A_34 = tpu.memref_slice %arg11[%mul3A_7, %dma_start3A_33] : memref<10000x128xf32, #tpu.memory_space<vmem_shared>> -> memref<640x128xf32, #tpu.memory_space<vmem_shared>>
        tpu.enqueue_dma source(%dma_start3A_34 : memref<640x128xf32, #tpu.memory_space<vmem_shared>>) target(%dma_start3A_32 : memref<640x128xf32, #tpu.memory_space<hbm>>) target_semaphore(%run_scoped3A : memref<!tpu.dma_semaphore, #tpu.memory_space<semaphore_mem>>)
        %dma_wait3A = arith.constant 0 : i32
        %dma_wait3A_35 = tpu.memref_slice %arg6[%arg0, %mul3A_7, %dma_wait3A] : memref<2x10000x128xf32, #tpu.memory_space<hbm>> -> memref<1x640x128xf32, #tpu.memory_space<hbm>>
        %dma_wait3A_36 = tpu.memref_squeeze %dma_wait3A_35 : memref<1x640x128xf32, #tpu.memory_space<hbm>> -> memref<640x128xf32, #tpu.memory_space<hbm>>
        %dma_wait3A_37 = arith.constant 0 : i32
        %dma_wait3A_38 = tpu.memref_slice %arg11[%mul3A_7, %dma_wait3A_37] : memref<10000x128xf32, #tpu.memory_space<vmem_shared>> -> memref<640x128xf32, #tpu.memory_space<vmem_shared>>
        tpu.wait_dma2 semaphore(%run_scoped3A : memref<!tpu.dma_semaphore, #tpu.memory_space<semaphore_mem>>) src(%dma_wait3A_38 : memref<640x128xf32, #tpu.memory_space<vmem_shared>>) dst(%dma_wait3A_36 : memref<640x128xf32, #tpu.memory_space<hbm>>)
        tpu.yield
      }) : () -> ()
    } else {
    }
    %eq3A_26 = arith.constant 15 : i32
    %eq3A_27 = arith.cmpi eq, %arg1, %eq3A_26 : i32
    %convert_element_type3A_28 = arith.extui %eq3A_27 : i1 to i32
    %cond3A_29 = arith.constant 0 : i32
    %cond3A_30 = arith.cmpi ne, %convert_element_type3A_28, %cond3A_29 : i32
    scf.if %cond3A_30 {
      "tpu.region"() ({
        %run_scoped3A = tpu.sem_alloc : memref<!tpu.dma_semaphore, #tpu.memory_space<semaphore_mem>>
        %dma_start3A = arith.constant 0 : i32
        %dma_start3A_31 = tpu.memref_slice %arg6[%arg0, %mul3A_7, %dma_start3A] : memref<2x10000x128xf32, #tpu.memory_space<hbm>> -> memref<1x400x128xf32, #tpu.memory_space<hbm>>
        %dma_start3A_32 = tpu.memref_squeeze %dma_start3A_31 : memref<1x400x128xf32, #tpu.memory_space<hbm>> -> memref<400x128xf32, #tpu.memory_space<hbm>>
        %dma_start3A_33 = arith.constant 0 : i32
        %dma_start3A_34 = tpu.memref_slice %arg11[%mul3A_7, %dma_start3A_33] : memref<10000x128xf32, #tpu.memory_space<vmem_shared>> -> memref<400x128xf32, #tpu.memory_space<vmem_shared>>
        tpu.enqueue_dma source(%dma_start3A_34 : memref<400x128xf32, #tpu.memory_space<vmem_shared>>) target(%dma_start3A_32 : memref<400x128xf32, #tpu.memory_space<hbm>>) target_semaphore(%run_scoped3A : memref<!tpu.dma_semaphore, #tpu.memory_space<semaphore_mem>>)
        %dma_wait3A = arith.constant 0 : i32
        %dma_wait3A_35 = tpu.memref_slice %arg6[%arg0, %mul3A_7, %dma_wait3A] : memref<2x10000x128xf32, #tpu.memory_space<hbm>> -> memref<1x400x128xf32, #tpu.memory_space<hbm>>
        %dma_wait3A_36 = tpu.memref_squeeze %dma_wait3A_35 : memref<1x400x128xf32, #tpu.memory_space<hbm>> -> memref<400x128xf32, #tpu.memory_space<hbm>>
        %dma_wait3A_37 = arith.constant 0 : i32
        %dma_wait3A_38 = tpu.memref_slice %arg11[%mul3A_7, %dma_wait3A_37] : memref<10000x128xf32, #tpu.memory_space<vmem_shared>> -> memref<400x128xf32, #tpu.memory_space<vmem_shared>>
        tpu.wait_dma2 semaphore(%run_scoped3A : memref<!tpu.dma_semaphore, #tpu.memory_space<semaphore_mem>>) src(%dma_wait3A_38 : memref<400x128xf32, #tpu.memory_space<vmem_shared>>) dst(%dma_wait3A_36 : memref<400x128xf32, #tpu.memory_space<hbm>>)
        tpu.yield
      }) : () -> ()
    } else {
    }
    return
  }
}

#map = affine_map<(d0, d1) -> (0, 0)>
#map1 = affine_map<(d0, d1) -> (0, 0, 0)>
module attributes {stable_mosaic.version = 14 : i64} {
  func.func @_spmm_body(%arg0: i32, %arg1: i32, %arg2: memref<10000x128xf32, #tpu.memory_space<hbm>>, %arg3: memref<32x80x128xi32, #tpu.memory_space<hbm>>, %arg4: memref<32x80x128xi32, #tpu.memory_space<hbm>>, %arg5: memref<32x10240xf32, #tpu.memory_space<hbm>>, %arg6: memref<2x10000x128xf32, #tpu.memory_space<hbm>>, %arg7: memref<80x128xi32, #tpu.memory_space<vmem>>, %arg8: memref<80x128xi32, #tpu.memory_space<vmem>>, %arg9: memref<10240xf32, #tpu.memory_space<vmem>>, %arg10: memref<128x128xf32, #tpu.memory_space<vmem>>, %arg11: memref<10000x128xf32, #tpu.memory_space<vmem_shared>>, %arg12: memref<!tpu.dma_semaphore, #tpu.memory_space<semaphore_mem>>) attributes {dimension_semantics = [#tpu.dimension_semantics<core_parallel>, #tpu.dimension_semantics<subcore_parallel>], iteration_bounds = array<i64: 2, 16>, scalar_prefetch = 0 : i64, scratch_operands = 6 : i64, tpu.core_type = #tpu.core_type<sc_vector_subcore>, window_params = [{transform_indices = #map}, {transform_indices = #map1}, {transform_indices = #map1}, {transform_indices = #map}, {transform_indices = #map1}]} {
    %mul3A = arith.constant 2 : i32
    %mul3A_0 = arith.muli %arg1, %mul3A : i32
    %add3A = arith.addi %mul3A_0, %arg0 : i32
    "tpu.region"() ({
      %run_scoped3A = tpu.sem_alloc : memref<!tpu.dma_semaphore, #tpu.memory_space<semaphore_mem>>
      %dma_start3A = arith.constant 0 : i32
      %dma_start3A_31 = arith.constant 0 : i32
      %dma_start3A_32 = tpu.memref_slice %arg4[%add3A, %dma_start3A, %dma_start3A_31] : memref<32x80x128xi32, #tpu.memory_space<hbm>> -> memref<1x80x128xi32, #tpu.memory_space<hbm>>
      %dma_start3A_33 = tpu.memref_squeeze %dma_start3A_32 : memref<1x80x128xi32, #tpu.memory_space<hbm>> -> memref<80x128xi32, #tpu.memory_space<hbm>>
      %dma_start3A_34 = arith.constant 0 : i32
      %dma_start3A_35 = arith.constant 0 : i32
      %dma_start3A_36 = tpu.memref_slice %arg4[%add3A, %dma_start3A_34, %dma_start3A_35] : memref<32x80x128xi32, #tpu.memory_space<hbm>> -> memref<1x80x128xi32, #tpu.memory_space<hbm>>
      %dma_start3A_37 = tpu.memref_squeeze %dma_start3A_36 : memref<1x80x128xi32, #tpu.memory_space<hbm>> -> memref<80x128xi32, #tpu.memory_space<hbm>>
      tpu.enqueue_dma source(%dma_start3A_37 : memref<80x128xi32, #tpu.memory_space<hbm>>) target(%arg7 : memref<80x128xi32, #tpu.memory_space<vmem>>) target_semaphore(%run_scoped3A : memref<!tpu.dma_semaphore, #tpu.memory_space<semaphore_mem>>)
      %dma_wait3A = arith.constant 0 : i32
      %dma_wait3A_38 = arith.constant 0 : i32
      %dma_wait3A_39 = tpu.memref_slice %arg4[%add3A, %dma_wait3A, %dma_wait3A_38] : memref<32x80x128xi32, #tpu.memory_space<hbm>> -> memref<1x80x128xi32, #tpu.memory_space<hbm>>
      %dma_wait3A_40 = tpu.memref_squeeze %dma_wait3A_39 : memref<1x80x128xi32, #tpu.memory_space<hbm>> -> memref<80x128xi32, #tpu.memory_space<hbm>>
      %dma_wait3A_41 = arith.constant 0 : i32
      %dma_wait3A_42 = arith.constant 0 : i32
      %dma_wait3A_43 = tpu.memref_slice %arg4[%add3A, %dma_wait3A_41, %dma_wait3A_42] : memref<32x80x128xi32, #tpu.memory_space<hbm>> -> memref<1x80x128xi32, #tpu.memory_space<hbm>>
      %dma_wait3A_44 = tpu.memref_squeeze %dma_wait3A_43 : memref<1x80x128xi32, #tpu.memory_space<hbm>> -> memref<80x128xi32, #tpu.memory_space<hbm>>
      tpu.wait_dma2 semaphore(%run_scoped3A : memref<!tpu.dma_semaphore, #tpu.memory_space<semaphore_mem>>) src(%dma_wait3A_44 : memref<80x128xi32, #tpu.memory_space<hbm>>) dst(%arg7 : memref<80x128xi32, #tpu.memory_space<vmem>>)
      tpu.yield
    }) : () -> ()
    "tpu.region"() ({
      %run_scoped3A = tpu.sem_alloc : memref<!tpu.dma_semaphore, #tpu.memory_space<semaphore_mem>>
      %dma_start3A = arith.constant 0 : i32
      %dma_start3A_31 = arith.constant 0 : i32
      %dma_start3A_32 = tpu.memref_slice %arg3[%add3A, %dma_start3A, %dma_start3A_31] : memref<32x80x128xi32, #tpu.memory_space<hbm>> -> memref<1x80x128xi32, #tpu.memory_space<hbm>>
      %dma_start3A_33 = tpu.memref_squeeze %dma_start3A_32 : memref<1x80x128xi32, #tpu.memory_space<hbm>> -> memref<80x128xi32, #tpu.memory_space<hbm>>
      %dma_start3A_34 = arith.constant 0 : i32
      %dma_start3A_35 = arith.constant 0 : i32
      %dma_start3A_36 = tpu.memref_slice %arg3[%add3A, %dma_start3A_34, %dma_start3A_35] : memref<32x80x128xi32, #tpu.memory_space<hbm>> -> memref<1x80x128xi32, #tpu.memory_space<hbm>>
      %dma_start3A_37 = tpu.memref_squeeze %dma_start3A_36 : memref<1x80x128xi32, #tpu.memory_space<hbm>> -> memref<80x128xi32, #tpu.memory_space<hbm>>
      tpu.enqueue_dma source(%dma_start3A_37 : memref<80x128xi32, #tpu.memory_space<hbm>>) target(%arg8 : memref<80x128xi32, #tpu.memory_space<vmem>>) target_semaphore(%run_scoped3A : memref<!tpu.dma_semaphore, #tpu.memory_space<semaphore_mem>>)
      %dma_wait3A = arith.constant 0 : i32
      %dma_wait3A_38 = arith.constant 0 : i32
      %dma_wait3A_39 = tpu.memref_slice %arg3[%add3A, %dma_wait3A, %dma_wait3A_38] : memref<32x80x128xi32, #tpu.memory_space<hbm>> -> memref<1x80x128xi32, #tpu.memory_space<hbm>>
      %dma_wait3A_40 = tpu.memref_squeeze %dma_wait3A_39 : memref<1x80x128xi32, #tpu.memory_space<hbm>> -> memref<80x128xi32, #tpu.memory_space<hbm>>
      %dma_wait3A_41 = arith.constant 0 : i32
      %dma_wait3A_42 = arith.constant 0 : i32
      %dma_wait3A_43 = tpu.memref_slice %arg3[%add3A, %dma_wait3A_41, %dma_wait3A_42] : memref<32x80x128xi32, #tpu.memory_space<hbm>> -> memref<1x80x128xi32, #tpu.memory_space<hbm>>
      %dma_wait3A_44 = tpu.memref_squeeze %dma_wait3A_43 : memref<1x80x128xi32, #tpu.memory_space<hbm>> -> memref<80x128xi32, #tpu.memory_space<hbm>>
      tpu.wait_dma2 semaphore(%run_scoped3A : memref<!tpu.dma_semaphore, #tpu.memory_space<semaphore_mem>>) src(%dma_wait3A_44 : memref<80x128xi32, #tpu.memory_space<hbm>>) dst(%arg8 : memref<80x128xi32, #tpu.memory_space<vmem>>)
      tpu.yield
    }) : () -> ()
    "tpu.region"() ({
      %run_scoped3A = tpu.sem_alloc : memref<!tpu.dma_semaphore, #tpu.memory_space<semaphore_mem>>
      %dma_start3A = arith.constant 0 : i32
      %dma_start3A_31 = tpu.memref_slice %arg5[%add3A, %dma_start3A] : memref<32x10240xf32, #tpu.memory_space<hbm>> -> memref<1x10240xf32, #tpu.memory_space<hbm>>
      %dma_start3A_32 = tpu.memref_squeeze %dma_start3A_31 : memref<1x10240xf32, #tpu.memory_space<hbm>> -> memref<10240xf32, #tpu.memory_space<hbm>>
      %dma_start3A_33 = arith.constant 0 : i32
      %dma_start3A_34 = tpu.memref_slice %arg5[%add3A, %dma_start3A_33] : memref<32x10240xf32, #tpu.memory_space<hbm>> -> memref<1x10240xf32, #tpu.memory_space<hbm>>
      %dma_start3A_35 = tpu.memref_squeeze %dma_start3A_34 : memref<1x10240xf32, #tpu.memory_space<hbm>> -> memref<10240xf32, #tpu.memory_space<hbm>>
      tpu.enqueue_dma source(%dma_start3A_35 : memref<10240xf32, #tpu.memory_space<hbm>>) target(%arg9 : memref<10240xf32, #tpu.memory_space<vmem>>) target_semaphore(%run_scoped3A : memref<!tpu.dma_semaphore, #tpu.memory_space<semaphore_mem>>)
      %dma_wait3A = arith.constant 0 : i32
      %dma_wait3A_36 = tpu.memref_slice %arg5[%add3A, %dma_wait3A] : memref<32x10240xf32, #tpu.memory_space<hbm>> -> memref<1x10240xf32, #tpu.memory_space<hbm>>
      %dma_wait3A_37 = tpu.memref_squeeze %dma_wait3A_36 : memref<1x10240xf32, #tpu.memory_space<hbm>> -> memref<10240xf32, #tpu.memory_space<hbm>>
      %dma_wait3A_38 = arith.constant 0 : i32
      %dma_wait3A_39 = tpu.memref_slice %arg5[%add3A, %dma_wait3A_38] : memref<32x10240xf32, #tpu.memory_space<hbm>> -> memref<1x10240xf32, #tpu.memory_space<hbm>>
      %dma_wait3A_40 = tpu.memref_squeeze %dma_wait3A_39 : memref<1x10240xf32, #tpu.memory_space<hbm>> -> memref<10240xf32, #tpu.memory_space<hbm>>
      tpu.wait_dma2 semaphore(%run_scoped3A : memref<!tpu.dma_semaphore, #tpu.memory_space<semaphore_mem>>) src(%dma_wait3A_40 : memref<10240xf32, #tpu.memory_space<hbm>>) dst(%arg9 : memref<10240xf32, #tpu.memory_space<vmem>>)
      tpu.yield
    }) : () -> ()
    %scan3A = arith.constant 0 : i32
    %scan3A_1 = arith.constant 0 : i32
    %scan3A_2 = arith.constant 128 : i32
    %scan3A_3 = arith.addi %scan3A_1, %scan3A_2 : i32
    %scan3A_4 = arith.constant 1 : i32
    scf.for %scan3A_31 = %scan3A_1 to %scan3A_3 step %scan3A_4  : i32 {
      %broadcast_in_dim3A = arith.constant 0.000000e+00 : f32
      %broadcast_in_dim3A_32 = vector.broadcast %broadcast_in_dim3A : f32 to vector<16xf32>
      %swap3A = arith.index_cast %scan3A_31 : i32 to index
      %swap3A_33 = arith.constant 0 : index
      %swap3A_34 = tpu.vector_load %arg10[%swap3A, %swap3A_33] {strides = array<i32>} : memref<128x128xf32, #tpu.memory_space<vmem>>, vector<16xf32>,
      tpu.vector_store %arg10[%swap3A, %swap3A_33], %broadcast_in_dim3A_32 {strides = array<i32>} : memref<128x128xf32, #tpu.memory_space<vmem>>, vector<16xf32>,
      %broadcast_in_dim3A_35 = arith.constant 0.000000e+00 : f32
      %broadcast_in_dim3A_36 = vector.broadcast %broadcast_in_dim3A_35 : f32 to vector<16xf32>
      %swap3A_37 = arith.index_cast %scan3A_31 : i32 to index
      %swap3A_38 = arith.constant 16 : index
      %swap3A_39 = tpu.vector_load %arg10[%swap3A_37, %swap3A_38] {strides = array<i32>} : memref<128x128xf32, #tpu.memory_space<vmem>>, vector<16xf32>,
      tpu.vector_store %arg10[%swap3A_37, %swap3A_38], %broadcast_in_dim3A_36 {strides = array<i32>} : memref<128x128xf32, #tpu.memory_space<vmem>>, vector<16xf32>,
      %broadcast_in_dim3A_40 = arith.constant 0.000000e+00 : f32
      %broadcast_in_dim3A_41 = vector.broadcast %broadcast_in_dim3A_40 : f32 to vector<16xf32>
      %swap3A_42 = arith.index_cast %scan3A_31 : i32 to index
      %swap3A_43 = arith.constant 32 : index
      %swap3A_44 = tpu.vector_load %arg10[%swap3A_42, %swap3A_43] {strides = array<i32>} : memref<128x128xf32, #tpu.memory_space<vmem>>, vector<16xf32>,
      tpu.vector_store %arg10[%swap3A_42, %swap3A_43], %broadcast_in_dim3A_41 {strides = array<i32>} : memref<128x128xf32, #tpu.memory_space<vmem>>, vector<16xf32>,
      %broadcast_in_dim3A_45 = arith.constant 0.000000e+00 : f32
      %broadcast_in_dim3A_46 = vector.broadcast %broadcast_in_dim3A_45 : f32 to vector<16xf32>
      %swap3A_47 = arith.index_cast %scan3A_31 : i32 to index
      %swap3A_48 = arith.constant 48 : index
      %swap3A_49 = tpu.vector_load %arg10[%swap3A_47, %swap3A_48] {strides = array<i32>} : memref<128x128xf32, #tpu.memory_space<vmem>>, vector<16xf32>,
      tpu.vector_store %arg10[%swap3A_47, %swap3A_48], %broadcast_in_dim3A_46 {strides = array<i32>} : memref<128x128xf32, #tpu.memory_space<vmem>>, vector<16xf32>,
      %broadcast_in_dim3A_50 = arith.constant 0.000000e+00 : f32
      %broadcast_in_dim3A_51 = vector.broadcast %broadcast_in_dim3A_50 : f32 to vector<16xf32>
      %swap3A_52 = arith.index_cast %scan3A_31 : i32 to index
      %swap3A_53 = arith.constant 64 : index
      %swap3A_54 = tpu.vector_load %arg10[%swap3A_52, %swap3A_53] {strides = array<i32>} : memref<128x128xf32, #tpu.memory_space<vmem>>, vector<16xf32>,
      tpu.vector_store %arg10[%swap3A_52, %swap3A_53], %broadcast_in_dim3A_51 {strides = array<i32>} : memref<128x128xf32, #tpu.memory_space<vmem>>, vector<16xf32>,
      %broadcast_in_dim3A_55 = arith.constant 0.000000e+00 : f32
      %broadcast_in_dim3A_56 = vector.broadcast %broadcast_in_dim3A_55 : f32 to vector<16xf32>
      %swap3A_57 = arith.index_cast %scan3A_31 : i32 to index
      %swap3A_58 = arith.constant 80 : index
      %swap3A_59 = tpu.vector_load %arg10[%swap3A_57, %swap3A_58] {strides = array<i32>} : memref<128x128xf32, #tpu.memory_space<vmem>>, vector<16xf32>,
      tpu.vector_store %arg10[%swap3A_57, %swap3A_58], %broadcast_in_dim3A_56 {strides = array<i32>} : memref<128x128xf32, #tpu.memory_space<vmem>>, vector<16xf32>,
      %broadcast_in_dim3A_60 = arith.constant 0.000000e+00 : f32
      %broadcast_in_dim3A_61 = vector.broadcast %broadcast_in_dim3A_60 : f32 to vector<16xf32>
      %swap3A_62 = arith.index_cast %scan3A_31 : i32 to index
      %swap3A_63 = arith.constant 96 : index
      %swap3A_64 = tpu.vector_load %arg10[%swap3A_62, %swap3A_63] {strides = array<i32>} : memref<128x128xf32, #tpu.memory_space<vmem>>, vector<16xf32>,
      tpu.vector_store %arg10[%swap3A_62, %swap3A_63], %broadcast_in_dim3A_61 {strides = array<i32>} : memref<128x128xf32, #tpu.memory_space<vmem>>, vector<16xf32>,
      %broadcast_in_dim3A_65 = arith.constant 0.000000e+00 : f32
      %broadcast_in_dim3A_66 = vector.broadcast %broadcast_in_dim3A_65 : f32 to vector<16xf32>
      %swap3A_67 = arith.index_cast %scan3A_31 : i32 to index
      %swap3A_68 = arith.constant 112 : index
      %swap3A_69 = tpu.vector_load %arg10[%swap3A_67, %swap3A_68] {strides = array<i32>} : memref<128x128xf32, #tpu.memory_space<vmem>>, vector<16xf32>,
      tpu.vector_store %arg10[%swap3A_67, %swap3A_68], %broadcast_in_dim3A_66 {strides = array<i32>} : memref<128x128xf32, #tpu.memory_space<vmem>>, vector<16xf32>,
    }
    %scan3A_5 = arith.constant 128 : i32
    %mul3A_6 = arith.constant 640 : i32
    %mul3A_7 = arith.muli %arg1, %mul3A_6 : i32
    %lt3A = arith.constant 15 : i32
    %lt3A_8 = arith.cmpi slt, %arg1, %lt3A : i32
    %convert_element_type3A = arith.extui %lt3A_8 : i1 to i32
    %cond3A = arith.constant 0 : i32
    %cond3A_9 = arith.cmpi ne, %convert_element_type3A, %cond3A : i32
    scf.if %cond3A_9 {
      %add3A_31 = arith.constant 0 : i32
      %add3A_32 = arith.addi %mul3A_7, %add3A_31 : i32
      "tpu.region"() ({
        %run_scoped3A = tpu.sem_alloc : memref<!tpu.dma_semaphore, #tpu.memory_space<semaphore_mem>>
        %dma_start3A = arith.constant 0 : i32
        %dma_start3A_41 = tpu.memref_slice %arg11[%add3A_32, %dma_start3A] : memref<10000x128xf32, #tpu.memory_space<vmem_shared>> -> memref<128x128xf32, #tpu.memory_space<vmem_shared>>
        %dma_start3A_42 = arith.constant 0 : i32
        %dma_start3A_43 = tpu.memref_slice %arg11[%add3A_32, %dma_start3A_42] : memref<10000x128xf32, #tpu.memory_space<vmem_shared>> -> memref<128x128xf32, #tpu.memory_space<vmem_shared>>
        tpu.enqueue_dma source(%arg10 : memref<128x128xf32, #tpu.memory_space<vmem>>) target(%dma_start3A_43 : memref<128x128xf32, #tpu.memory_space<vmem_shared>>) target_semaphore(%run_scoped3A : memref<!tpu.dma_semaphore, #tpu.memory_space<semaphore_mem>>)
        %dma_wait3A = arith.constant 0 : i32
        %dma_wait3A_44 = tpu.memref_slice %arg11[%add3A_32, %dma_wait3A] : memref<10000x128xf32, #tpu.memory_space<vmem_shared>> -> memref<128x128xf32, #tpu.memory_space<vmem_shared>>
        %dma_wait3A_45 = arith.constant 0 : i32
        %dma_wait3A_46 = tpu.memref_slice %arg11[%add3A_32, %dma_wait3A_45] : memref<10000x128xf32, #tpu.memory_space<vmem_shared>> -> memref<128x128xf32, #tpu.memory_space<vmem_shared>>
        tpu.wait_dma2 semaphore(%run_scoped3A : memref<!tpu.dma_semaphore, #tpu.memory_space<semaphore_mem>>) src(%arg10 : memref<128x128xf32, #tpu.memory_space<vmem>>) dst(%dma_wait3A_46 : memref<128x128xf32, #tpu.memory_space<vmem_shared>>)
        tpu.yield
      }) : () -> ()
      %add3A_33 = arith.constant 128 : i32
      %add3A_34 = arith.addi %mul3A_7, %add3A_33 : i32
      "tpu.region"() ({
        %run_scoped3A = tpu.sem_alloc : memref<!tpu.dma_semaphore, #tpu.memory_space<semaphore_mem>>
        %dma_start3A = arith.constant 0 : i32
        %dma_start3A_41 = tpu.memref_slice %arg11[%add3A_34, %dma_start3A] : memref<10000x128xf32, #tpu.memory_space<vmem_shared>> -> memref<128x128xf32, #tpu.memory_space<vmem_shared>>
        %dma_start3A_42 = arith.constant 0 : i32
        %dma_start3A_43 = tpu.memref_slice %arg11[%add3A_34, %dma_start3A_42] : memref<10000x128xf32, #tpu.memory_space<vmem_shared>> -> memref<128x128xf32, #tpu.memory_space<vmem_shared>>
        tpu.enqueue_dma source(%arg10 : memref<128x128xf32, #tpu.memory_space<vmem>>) target(%dma_start3A_43 : memref<128x128xf32, #tpu.memory_space<vmem_shared>>) target_semaphore(%run_scoped3A : memref<!tpu.dma_semaphore, #tpu.memory_space<semaphore_mem>>)
        %dma_wait3A = arith.constant 0 : i32
        %dma_wait3A_44 = tpu.memref_slice %arg11[%add3A_34, %dma_wait3A] : memref<10000x128xf32, #tpu.memory_space<vmem_shared>> -> memref<128x128xf32, #tpu.memory_space<vmem_shared>>
        %dma_wait3A_45 = arith.constant 0 : i32
        %dma_wait3A_46 = tpu.memref_slice %arg11[%add3A_34, %dma_wait3A_45] : memref<10000x128xf32, #tpu.memory_space<vmem_shared>> -> memref<128x128xf32, #tpu.memory_space<vmem_shared>>
        tpu.wait_dma2 semaphore(%run_scoped3A : memref<!tpu.dma_semaphore, #tpu.memory_space<semaphore_mem>>) src(%arg10 : memref<128x128xf32, #tpu.memory_space<vmem>>) dst(%dma_wait3A_46 : memref<128x128xf32, #tpu.memory_space<vmem_shared>>)
        tpu.yield
      }) : () -> ()
      %add3A_35 = arith.constant 256 : i32
      %add3A_36 = arith.addi %mul3A_7, %add3A_35 : i32
      "tpu.region"() ({
        %run_scoped3A = tpu.sem_alloc : memref<!tpu.dma_semaphore, #tpu.memory_space<semaphore_mem>>
        %dma_start3A = arith.constant 0 : i32
        %dma_start3A_41 = tpu.memref_slice %arg11[%add3A_36, %dma_start3A] : memref<10000x128xf32, #tpu.memory_space<vmem_shared>> -> memref<128x128xf32, #tpu.memory_space<vmem_shared>>
        %dma_start3A_42 = arith.constant 0 : i32
        %dma_start3A_43 = tpu.memref_slice %arg11[%add3A_36, %dma_start3A_42] : memref<10000x128xf32, #tpu.memory_space<vmem_shared>> -> memref<128x128xf32, #tpu.memory_space<vmem_shared>>
        tpu.enqueue_dma source(%arg10 : memref<128x128xf32, #tpu.memory_space<vmem>>) target(%dma_start3A_43 : memref<128x128xf32, #tpu.memory_space<vmem_shared>>) target_semaphore(%run_scoped3A : memref<!tpu.dma_semaphore, #tpu.memory_space<semaphore_mem>>)
        %dma_wait3A = arith.constant 0 : i32
        %dma_wait3A_44 = tpu.memref_slice %arg11[%add3A_36, %dma_wait3A] : memref<10000x128xf32, #tpu.memory_space<vmem_shared>> -> memref<128x128xf32, #tpu.memory_space<vmem_shared>>
        %dma_wait3A_45 = arith.constant 0 : i32
        %dma_wait3A_46 = tpu.memref_slice %arg11[%add3A_36, %dma_wait3A_45] : memref<10000x128xf32, #tpu.memory_space<vmem_shared>> -> memref<128x128xf32, #tpu.memory_space<vmem_shared>>
        tpu.wait_dma2 semaphore(%run_scoped3A : memref<!tpu.dma_semaphore, #tpu.memory_space<semaphore_mem>>) src(%arg10 : memref<128x128xf32, #tpu.memory_space<vmem>>) dst(%dma_wait3A_46 : memref<128x128xf32, #tpu.memory_space<vmem_shared>>)
        tpu.yield
      }) : () -> ()
      %add3A_37 = arith.constant 384 : i32
      %add3A_38 = arith.addi %mul3A_7, %add3A_37 : i32
      "tpu.region"() ({
        %run_scoped3A = tpu.sem_alloc : memref<!tpu.dma_semaphore, #tpu.memory_space<semaphore_mem>>
        %dma_start3A = arith.constant 0 : i32
        %dma_start3A_41 = tpu.memref_slice %arg11[%add3A_38, %dma_start3A] : memref<10000x128xf32, #tpu.memory_space<vmem_shared>> -> memref<128x128xf32, #tpu.memory_space<vmem_shared>>
        %dma_start3A_42 = arith.constant 0 : i32
        %dma_start3A_43 = tpu.memref_slice %arg11[%add3A_38, %dma_start3A_42] : memref<10000x128xf32, #tpu.memory_space<vmem_shared>> -> memref<128x128xf32, #tpu.memory_space<vmem_shared>>
        tpu.enqueue_dma source(%arg10 : memref<128x128xf32, #tpu.memory_space<vmem>>) target(%dma_start3A_43 : memref<128x128xf32, #tpu.memory_space<vmem_shared>>) target_semaphore(%run_scoped3A : memref<!tpu.dma_semaphore, #tpu.memory_space<semaphore_mem>>)
        %dma_wait3A = arith.constant 0 : i32
        %dma_wait3A_44 = tpu.memref_slice %arg11[%add3A_38, %dma_wait3A] : memref<10000x128xf32, #tpu.memory_space<vmem_shared>> -> memref<128x128xf32, #tpu.memory_space<vmem_shared>>
        %dma_wait3A_45 = arith.constant 0 : i32
        %dma_wait3A_46 = tpu.memref_slice %arg11[%add3A_38, %dma_wait3A_45] : memref<10000x128xf32, #tpu.memory_space<vmem_shared>> -> memref<128x128xf32, #tpu.memory_space<vmem_shared>>
        tpu.wait_dma2 semaphore(%run_scoped3A : memref<!tpu.dma_semaphore, #tpu.memory_space<semaphore_mem>>) src(%arg10 : memref<128x128xf32, #tpu.memory_space<vmem>>) dst(%dma_wait3A_46 : memref<128x128xf32, #tpu.memory_space<vmem_shared>>)
        tpu.yield
      }) : () -> ()
      %add3A_39 = arith.constant 512 : i32
      %add3A_40 = arith.addi %mul3A_7, %add3A_39 : i32
      "tpu.region"() ({
        %run_scoped3A = tpu.sem_alloc : memref<!tpu.dma_semaphore, #tpu.memory_space<semaphore_mem>>
        %dma_start3A = arith.constant 0 : i32
        %dma_start3A_41 = tpu.memref_slice %arg11[%add3A_40, %dma_start3A] : memref<10000x128xf32, #tpu.memory_space<vmem_shared>> -> memref<128x128xf32, #tpu.memory_space<vmem_shared>>
        %dma_start3A_42 = arith.constant 0 : i32
        %dma_start3A_43 = tpu.memref_slice %arg11[%add3A_40, %dma_start3A_42] : memref<10000x128xf32, #tpu.memory_space<vmem_shared>> -> memref<128x128xf32, #tpu.memory_space<vmem_shared>>
        tpu.enqueue_dma source(%arg10 : memref<128x128xf32, #tpu.memory_space<vmem>>) target(%dma_start3A_43 : memref<128x128xf32, #tpu.memory_space<vmem_shared>>) target_semaphore(%run_scoped3A : memref<!tpu.dma_semaphore, #tpu.memory_space<semaphore_mem>>)
        %dma_wait3A = arith.constant 0 : i32
        %dma_wait3A_44 = tpu.memref_slice %arg11[%add3A_40, %dma_wait3A] : memref<10000x128xf32, #tpu.memory_space<vmem_shared>> -> memref<128x128xf32, #tpu.memory_space<vmem_shared>>
        %dma_wait3A_45 = arith.constant 0 : i32
        %dma_wait3A_46 = tpu.memref_slice %arg11[%add3A_40, %dma_wait3A_45] : memref<10000x128xf32, #tpu.memory_space<vmem_shared>> -> memref<128x128xf32, #tpu.memory_space<vmem_shared>>
        tpu.wait_dma2 semaphore(%run_scoped3A : memref<!tpu.dma_semaphore, #tpu.memory_space<semaphore_mem>>) src(%arg10 : memref<128x128xf32, #tpu.memory_space<vmem>>) dst(%dma_wait3A_46 : memref<128x128xf32, #tpu.memory_space<vmem_shared>>)
        tpu.yield
      }) : () -> ()
    } else {
    }
    %eq3A = arith.constant 15 : i32
    %eq3A_10 = arith.cmpi eq, %arg1, %eq3A : i32
    %convert_element_type3A_11 = arith.extui %eq3A_10 : i1 to i32
    %cond3A_12 = arith.constant 0 : i32
    %cond3A_13 = arith.cmpi ne, %convert_element_type3A_11, %cond3A_12 : i32
    scf.if %cond3A_13 {
      %add3A_31 = arith.constant 0 : i32
      %add3A_32 = arith.addi %mul3A_7, %add3A_31 : i32
      "tpu.region"() ({
        %run_scoped3A = tpu.sem_alloc : memref<!tpu.dma_semaphore, #tpu.memory_space<semaphore_mem>>
        %dma_start3A = arith.constant 0 : i32
        %dma_start3A_40 = tpu.memref_slice %arg11[%add3A_32, %dma_start3A] : memref<10000x128xf32, #tpu.memory_space<vmem_shared>> -> memref<128x128xf32, #tpu.memory_space<vmem_shared>>
        %dma_start3A_41 = arith.constant 0 : i32
        %dma_start3A_42 = tpu.memref_slice %arg11[%add3A_32, %dma_start3A_41] : memref<10000x128xf32, #tpu.memory_space<vmem_shared>> -> memref<128x128xf32, #tpu.memory_space<vmem_shared>>
        tpu.enqueue_dma source(%arg10 : memref<128x128xf32, #tpu.memory_space<vmem>>) target(%dma_start3A_42 : memref<128x128xf32, #tpu.memory_space<vmem_shared>>) target_semaphore(%run_scoped3A : memref<!tpu.dma_semaphore, #tpu.memory_space<semaphore_mem>>)
        %dma_wait3A = arith.constant 0 : i32
        %dma_wait3A_43 = tpu.memref_slice %arg11[%add3A_32, %dma_wait3A] : memref<10000x128xf32, #tpu.memory_space<vmem_shared>> -> memref<128x128xf32, #tpu.memory_space<vmem_shared>>
        %dma_wait3A_44 = arith.constant 0 : i32
        %dma_wait3A_45 = tpu.memref_slice %arg11[%add3A_32, %dma_wait3A_44] : memref<10000x128xf32, #tpu.memory_space<vmem_shared>> -> memref<128x128xf32, #tpu.memory_space<vmem_shared>>
        tpu.wait_dma2 semaphore(%run_scoped3A : memref<!tpu.dma_semaphore, #tpu.memory_space<semaphore_mem>>) src(%arg10 : memref<128x128xf32, #tpu.memory_space<vmem>>) dst(%dma_wait3A_45 : memref<128x128xf32, #tpu.memory_space<vmem_shared>>)
        tpu.yield
      }) : () -> ()
      %add3A_33 = arith.constant 128 : i32
      %add3A_34 = arith.addi %mul3A_7, %add3A_33 : i32
      "tpu.region"() ({
        %run_scoped3A = tpu.sem_alloc : memref<!tpu.dma_semaphore, #tpu.memory_space<semaphore_mem>>
        %dma_start3A = arith.constant 0 : i32
        %dma_start3A_40 = tpu.memref_slice %arg11[%add3A_34, %dma_start3A] : memref<10000x128xf32, #tpu.memory_space<vmem_shared>> -> memref<128x128xf32, #tpu.memory_space<vmem_shared>>
        %dma_start3A_41 = arith.constant 0 : i32
        %dma_start3A_42 = tpu.memref_slice %arg11[%add3A_34, %dma_start3A_41] : memref<10000x128xf32, #tpu.memory_space<vmem_shared>> -> memref<128x128xf32, #tpu.memory_space<vmem_shared>>
        tpu.enqueue_dma source(%arg10 : memref<128x128xf32, #tpu.memory_space<vmem>>) target(%dma_start3A_42 : memref<128x128xf32, #tpu.memory_space<vmem_shared>>) target_semaphore(%run_scoped3A : memref<!tpu.dma_semaphore, #tpu.memory_space<semaphore_mem>>)
        %dma_wait3A = arith.constant 0 : i32
        %dma_wait3A_43 = tpu.memref_slice %arg11[%add3A_34, %dma_wait3A] : memref<10000x128xf32, #tpu.memory_space<vmem_shared>> -> memref<128x128xf32, #tpu.memory_space<vmem_shared>>
        %dma_wait3A_44 = arith.constant 0 : i32
        %dma_wait3A_45 = tpu.memref_slice %arg11[%add3A_34, %dma_wait3A_44] : memref<10000x128xf32, #tpu.memory_space<vmem_shared>> -> memref<128x128xf32, #tpu.memory_space<vmem_shared>>
        tpu.wait_dma2 semaphore(%run_scoped3A : memref<!tpu.dma_semaphore, #tpu.memory_space<semaphore_mem>>) src(%arg10 : memref<128x128xf32, #tpu.memory_space<vmem>>) dst(%dma_wait3A_45 : memref<128x128xf32, #tpu.memory_space<vmem_shared>>)
        tpu.yield
      }) : () -> ()
      %add3A_35 = arith.constant 256 : i32
      %add3A_36 = arith.addi %mul3A_7, %add3A_35 : i32
      "tpu.region"() ({
        %run_scoped3A = tpu.sem_alloc : memref<!tpu.dma_semaphore, #tpu.memory_space<semaphore_mem>>
        %dma_start3A = arith.constant 0 : i32
        %dma_start3A_40 = tpu.memref_slice %arg11[%add3A_36, %dma_start3A] : memref<10000x128xf32, #tpu.memory_space<vmem_shared>> -> memref<128x128xf32, #tpu.memory_space<vmem_shared>>
        %dma_start3A_41 = arith.constant 0 : i32
        %dma_start3A_42 = tpu.memref_slice %arg11[%add3A_36, %dma_start3A_41] : memref<10000x128xf32, #tpu.memory_space<vmem_shared>> -> memref<128x128xf32, #tpu.memory_space<vmem_shared>>
        tpu.enqueue_dma source(%arg10 : memref<128x128xf32, #tpu.memory_space<vmem>>) target(%dma_start3A_42 : memref<128x128xf32, #tpu.memory_space<vmem_shared>>) target_semaphore(%run_scoped3A : memref<!tpu.dma_semaphore, #tpu.memory_space<semaphore_mem>>)
        %dma_wait3A = arith.constant 0 : i32
        %dma_wait3A_43 = tpu.memref_slice %arg11[%add3A_36, %dma_wait3A] : memref<10000x128xf32, #tpu.memory_space<vmem_shared>> -> memref<128x128xf32, #tpu.memory_space<vmem_shared>>
        %dma_wait3A_44 = arith.constant 0 : i32
        %dma_wait3A_45 = tpu.memref_slice %arg11[%add3A_36, %dma_wait3A_44] : memref<10000x128xf32, #tpu.memory_space<vmem_shared>> -> memref<128x128xf32, #tpu.memory_space<vmem_shared>>
        tpu.wait_dma2 semaphore(%run_scoped3A : memref<!tpu.dma_semaphore, #tpu.memory_space<semaphore_mem>>) src(%arg10 : memref<128x128xf32, #tpu.memory_space<vmem>>) dst(%dma_wait3A_45 : memref<128x128xf32, #tpu.memory_space<vmem_shared>>)
        tpu.yield
      }) : () -> ()
      %add3A_37 = arith.constant 400 : i32
      %add3A_38 = arith.addi %mul3A_7, %add3A_37 : i32
      %sub3A = arith.constant 16 : i32
      %sub3A_39 = arith.subi %add3A_38, %sub3A : i32
      "tpu.region"() ({
        %run_scoped3A = tpu.sem_alloc : memref<!tpu.dma_semaphore, #tpu.memory_space<semaphore_mem>>
        %dma_start3A = arith.constant 0 : i32
        %dma_start3A_40 = arith.constant 0 : i32
        %dma_start3A_41 = tpu.memref_slice %arg10[%dma_start3A, %dma_start3A_40] : memref<128x128xf32, #tpu.memory_space<vmem>> -> memref<16x128xf32, #tpu.memory_space<vmem>>
        %dma_start3A_42 = arith.constant 0 : i32
        %dma_start3A_43 = tpu.memref_slice %arg11[%sub3A_39, %dma_start3A_42] : memref<10000x128xf32, #tpu.memory_space<vmem_shared>> -> memref<16x128xf32, #tpu.memory_space<vmem_shared>>
        %dma_start3A_44 = arith.constant 0 : i32
        %dma_start3A_45 = tpu.memref_slice %arg11[%sub3A_39, %dma_start3A_44] : memref<10000x128xf32, #tpu.memory_space<vmem_shared>> -> memref<16x128xf32, #tpu.memory_space<vmem_shared>>
        %dma_start3A_46 = arith.constant 0 : i32
        %dma_start3A_47 = arith.constant 0 : i32
        %dma_start3A_48 = tpu.memref_slice %arg10[%dma_start3A_46, %dma_start3A_47] : memref<128x128xf32, #tpu.memory_space<vmem>> -> memref<16x128xf32, #tpu.memory_space<vmem>>
        tpu.enqueue_dma source(%dma_start3A_48 : memref<16x128xf32, #tpu.memory_space<vmem>>) target(%dma_start3A_45 : memref<16x128xf32, #tpu.memory_space<vmem_shared>>) target_semaphore(%run_scoped3A : memref<!tpu.dma_semaphore, #tpu.memory_space<semaphore_mem>>)
        %dma_wait3A = arith.constant 0 : i32
        %dma_wait3A_49 = arith.constant 0 : i32
        %dma_wait3A_50 = tpu.memref_slice %arg10[%dma_wait3A, %dma_wait3A_49] : memref<128x128xf32, #tpu.memory_space<vmem>> -> memref<16x128xf32, #tpu.memory_space<vmem>>
        %dma_wait3A_51 = arith.constant 0 : i32
        %dma_wait3A_52 = tpu.memref_slice %arg11[%sub3A_39, %dma_wait3A_51] : memref<10000x128xf32, #tpu.memory_space<vmem_shared>> -> memref<16x128xf32, #tpu.memory_space<vmem_shared>>
        %dma_wait3A_53 = arith.constant 0 : i32
        %dma_wait3A_54 = tpu.memref_slice %arg11[%sub3A_39, %dma_wait3A_53] : memref<10000x128xf32, #tpu.memory_space<vmem_shared>> -> memref<16x128xf32, #tpu.memory_space<vmem_shared>>
        %dma_wait3A_55 = arith.constant 0 : i32
        %dma_wait3A_56 = arith.constant 0 : i32
        %dma_wait3A_57 = tpu.memref_slice %arg10[%dma_wait3A_55, %dma_wait3A_56] : memref<128x128xf32, #tpu.memory_space<vmem>> -> memref<16x128xf32, #tpu.memory_space<vmem>>
        tpu.wait_dma2 semaphore(%run_scoped3A : memref<!tpu.dma_semaphore, #tpu.memory_space<semaphore_mem>>) src(%dma_wait3A_57 : memref<16x128xf32, #tpu.memory_space<vmem>>) dst(%dma_wait3A_54 : memref<16x128xf32, #tpu.memory_space<vmem_shared>>)
        tpu.yield
      }) : () -> ()
    } else {
    }
    %barrier3A = arith.constant 0 : index
    tpu.barrier barrier_id(%barrier3A)
    %scan3A_14 = arith.constant 0 : i32
    %scan3A_15 = arith.constant 0 : i32
    %scan3A_16 = arith.constant 80 : i32
    %scan3A_17 = arith.addi %scan3A_15, %scan3A_16 : i32
    %scan3A_18 = arith.constant 1 : i32
    scf.for %scan3A_31 = %scan3A_15 to %scan3A_17 step %scan3A_18  : i32 {
      %mul3A_32 = arith.constant 128 : i32
      %mul3A_33 = arith.muli %scan3A_31, %mul3A_32 : i32
      %dma_start3A = arith.constant 0 : i32
      %dma_start3A_34 = tpu.memref_slice %arg7[%scan3A_31, %dma_start3A] : memref<80x128xi32, #tpu.memory_space<vmem>> -> memref<1x128xi32, #tpu.memory_space<vmem>>
      %dma_start3A_35 = tpu.memref_squeeze %dma_start3A_34 : memref<1x128xi32, #tpu.memory_space<vmem>> -> memref<128xi32, #tpu.memory_space<vmem>>
      %dma_start3A_36 = arith.constant 0 : i32
      %dma_start3A_37 = arith.constant 0 : i32
      %dma_start3A_38 = tpu.memref_slice %arg2[%dma_start3A_36, %dma_start3A_37] : memref<10000x128xf32, #tpu.memory_space<hbm>> -> memref<10000x128xf32, #tpu.memory_space<hbm>>
      tpu.enqueue_indirect_dma source(%dma_start3A_38 : memref<10000x128xf32, #tpu.memory_space<hbm>>) target(%arg10 : memref<128x128xf32, #tpu.memory_space<vmem>>) offsets(%dma_start3A_35 : memref<128xi32, #tpu.memory_space<vmem>>) semaphore(%arg12 : memref<!tpu.dma_semaphore, #tpu.memory_space<semaphore_mem>>)
      %dma_wait3A = arith.constant 0 : i32
      %dma_wait3A_39 = tpu.memref_slice %arg7[%scan3A_31, %dma_wait3A] : memref<80x128xi32, #tpu.memory_space<vmem>> -> memref<1x128xi32, #tpu.memory_space<vmem>>
      %dma_wait3A_40 = tpu.memref_squeeze %dma_wait3A_39 : memref<1x128xi32, #tpu.memory_space<vmem>> -> memref<128xi32, #tpu.memory_space<vmem>>
      %dma_wait3A_41 = arith.constant 0 : i32
      %dma_wait3A_42 = arith.constant 0 : i32
      %dma_wait3A_43 = tpu.memref_slice %arg2[%dma_wait3A_41, %dma_wait3A_42] : memref<10000x128xf32, #tpu.memory_space<hbm>> -> memref<10000x128xf32, #tpu.memory_space<hbm>>
      tpu.wait_indirect_dma semaphore(%arg12 : memref<!tpu.dma_semaphore, #tpu.memory_space<semaphore_mem>>) src(%dma_wait3A_43 : memref<10000x128xf32, #tpu.memory_space<hbm>>) dst(%arg10 : memref<128x128xf32, #tpu.memory_space<vmem>>)
      %scan3A_44 = arith.constant 0 : i32
      %scan3A_45 = arith.constant 0 : i32
      %scan3A_46 = arith.constant 128 : i32
      %scan3A_47 = arith.addi %scan3A_45, %scan3A_46 : i32
      %scan3A_48 = arith.constant 1 : i32
      scf.for %scan3A_50 = %scan3A_45 to %scan3A_47 step %scan3A_48  : i32 {
        %add3A_51 = arith.addi %mul3A_33, %scan3A_50 : i32
        %broadcast_in_dim3A = vector.broadcast %add3A_51 : i32 to vector<16xi32>
        %gather3A = tpu.vector_load_idx %arg9[%broadcast_in_dim3A] : memref<10240xf32, #tpu.memory_space<vmem>>[vector<16xi32>], vector<16xf32>,
        %get3A = arith.index_cast %scan3A_50 : i32 to index
        %get3A_52 = arith.constant 0 : index
        %get3A_53 = tpu.vector_load %arg10[%get3A, %get3A_52] {strides = array<i32>} : memref<128x128xf32, #tpu.memory_space<vmem>>, vector<16xf32>,
        %mul3A_54 = arith.mulf %get3A_53, %gather3A : vector<16xf32>
        %swap3A = arith.index_cast %scan3A_50 : i32 to index
        %swap3A_55 = arith.constant 0 : index
        %swap3A_56 = tpu.vector_load %arg10[%swap3A, %swap3A_55] {strides = array<i32>} : memref<128x128xf32, #tpu.memory_space<vmem>>, vector<16xf32>,
        tpu.vector_store %arg10[%swap3A, %swap3A_55], %mul3A_54 {strides = array<i32>} : memref<128x128xf32, #tpu.memory_space<vmem>>, vector<16xf32>,
        %get3A_57 = arith.index_cast %scan3A_50 : i32 to index
        %get3A_58 = arith.constant 16 : index
        %get3A_59 = tpu.vector_load %arg10[%get3A_57, %get3A_58] {strides = array<i32>} : memref<128x128xf32, #tpu.memory_space<vmem>>, vector<16xf32>,
        %mul3A_60 = arith.mulf %get3A_59, %gather3A : vector<16xf32>
        %swap3A_61 = arith.index_cast %scan3A_50 : i32 to index
        %swap3A_62 = arith.constant 16 : index
        %swap3A_63 = tpu.vector_load %arg10[%swap3A_61, %swap3A_62] {strides = array<i32>} : memref<128x128xf32, #tpu.memory_space<vmem>>, vector<16xf32>,
        tpu.vector_store %arg10[%swap3A_61, %swap3A_62], %mul3A_60 {strides = array<i32>} : memref<128x128xf32, #tpu.memory_space<vmem>>, vector<16xf32>,
        %get3A_64 = arith.index_cast %scan3A_50 : i32 to index
        %get3A_65 = arith.constant 32 : index
        %get3A_66 = tpu.vector_load %arg10[%get3A_64, %get3A_65] {strides = array<i32>} : memref<128x128xf32, #tpu.memory_space<vmem>>, vector<16xf32>,
        %mul3A_67 = arith.mulf %get3A_66, %gather3A : vector<16xf32>
        %swap3A_68 = arith.index_cast %scan3A_50 : i32 to index
        %swap3A_69 = arith.constant 32 : index
        %swap3A_70 = tpu.vector_load %arg10[%swap3A_68, %swap3A_69] {strides = array<i32>} : memref<128x128xf32, #tpu.memory_space<vmem>>, vector<16xf32>,
        tpu.vector_store %arg10[%swap3A_68, %swap3A_69], %mul3A_67 {strides = array<i32>} : memref<128x128xf32, #tpu.memory_space<vmem>>, vector<16xf32>,
        %get3A_71 = arith.index_cast %scan3A_50 : i32 to index
        %get3A_72 = arith.constant 48 : index
        %get3A_73 = tpu.vector_load %arg10[%get3A_71, %get3A_72] {strides = array<i32>} : memref<128x128xf32, #tpu.memory_space<vmem>>, vector<16xf32>,
        %mul3A_74 = arith.mulf %get3A_73, %gather3A : vector<16xf32>
        %swap3A_75 = arith.index_cast %scan3A_50 : i32 to index
        %swap3A_76 = arith.constant 48 : index
        %swap3A_77 = tpu.vector_load %arg10[%swap3A_75, %swap3A_76] {strides = array<i32>} : memref<128x128xf32, #tpu.memory_space<vmem>>, vector<16xf32>,
        tpu.vector_store %arg10[%swap3A_75, %swap3A_76], %mul3A_74 {strides = array<i32>} : memref<128x128xf32, #tpu.memory_space<vmem>>, vector<16xf32>,
        %get3A_78 = arith.index_cast %scan3A_50 : i32 to index
        %get3A_79 = arith.constant 64 : index
        %get3A_80 = tpu.vector_load %arg10[%get3A_78, %get3A_79] {strides = array<i32>} : memref<128x128xf32, #tpu.memory_space<vmem>>, vector<16xf32>,
        %mul3A_81 = arith.mulf %get3A_80, %gather3A : vector<16xf32>
        %swap3A_82 = arith.index_cast %scan3A_50 : i32 to index
        %swap3A_83 = arith.constant 64 : index
        %swap3A_84 = tpu.vector_load %arg10[%swap3A_82, %swap3A_83] {strides = array<i32>} : memref<128x128xf32, #tpu.memory_space<vmem>>, vector<16xf32>,
        tpu.vector_store %arg10[%swap3A_82, %swap3A_83], %mul3A_81 {strides = array<i32>} : memref<128x128xf32, #tpu.memory_space<vmem>>, vector<16xf32>,
        %get3A_85 = arith.index_cast %scan3A_50 : i32 to index
        %get3A_86 = arith.constant 80 : index
        %get3A_87 = tpu.vector_load %arg10[%get3A_85, %get3A_86] {strides = array<i32>} : memref<128x128xf32, #tpu.memory_space<vmem>>, vector<16xf32>,
        %mul3A_88 = arith.mulf %get3A_87, %gather3A : vector<16xf32>
        %swap3A_89 = arith.index_cast %scan3A_50 : i32 to index
        %swap3A_90 = arith.constant 80 : index
        %swap3A_91 = tpu.vector_load %arg10[%swap3A_89, %swap3A_90] {strides = array<i32>} : memref<128x128xf32, #tpu.memory_space<vmem>>, vector<16xf32>,
        tpu.vector_store %arg10[%swap3A_89, %swap3A_90], %mul3A_88 {strides = array<i32>} : memref<128x128xf32, #tpu.memory_space<vmem>>, vector<16xf32>,
        %get3A_92 = arith.index_cast %scan3A_50 : i32 to index
        %get3A_93 = arith.constant 96 : index
        %get3A_94 = tpu.vector_load %arg10[%get3A_92, %get3A_93] {strides = array<i32>} : memref<128x128xf32, #tpu.memory_space<vmem>>, vector<16xf32>,
        %mul3A_95 = arith.mulf %get3A_94, %gather3A : vector<16xf32>
        %swap3A_96 = arith.index_cast %scan3A_50 : i32 to index
        %swap3A_97 = arith.constant 96 : index
        %swap3A_98 = tpu.vector_load %arg10[%swap3A_96, %swap3A_97] {strides = array<i32>} : memref<128x128xf32, #tpu.memory_space<vmem>>, vector<16xf32>,
        tpu.vector_store %arg10[%swap3A_96, %swap3A_97], %mul3A_95 {strides = array<i32>} : memref<128x128xf32, #tpu.memory_space<vmem>>, vector<16xf32>,
        %get3A_99 = arith.index_cast %scan3A_50 : i32 to index
        %get3A_100 = arith.constant 112 : index
        %get3A_101 = tpu.vector_load %arg10[%get3A_99, %get3A_100] {strides = array<i32>} : memref<128x128xf32, #tpu.memory_space<vmem>>, vector<16xf32>,
        %mul3A_102 = arith.mulf %get3A_101, %gather3A : vector<16xf32>
        %swap3A_103 = arith.index_cast %scan3A_50 : i32 to index
        %swap3A_104 = arith.constant 112 : index
        %swap3A_105 = tpu.vector_load %arg10[%swap3A_103, %swap3A_104] {strides = array<i32>} : memref<128x128xf32, #tpu.memory_space<vmem>>, vector<16xf32>,
        tpu.vector_store %arg10[%swap3A_103, %swap3A_104], %mul3A_102 {strides = array<i32>} : memref<128x128xf32, #tpu.memory_space<vmem>>, vector<16xf32>,
      }
      %scan3A_49 = arith.constant 128 : i32
      "tpu.region"() ({
        %run_scoped3A = tpu.sem_alloc : memref<!tpu.dma_semaphore, #tpu.memory_space<semaphore_mem>>
        %dma_start3A_50 = arith.constant 0 : i32
        %dma_start3A_51 = tpu.memref_slice %arg8[%scan3A_31, %dma_start3A_50] : memref<80x128xi32, #tpu.memory_space<vmem>> -> memref<1x128xi32, #tpu.memory_space<vmem>>
        %dma_start3A_52 = tpu.memref_squeeze %dma_start3A_51 : memref<1x128xi32, #tpu.memory_space<vmem>> -> memref<128xi32, #tpu.memory_space<vmem>>
        %dma_start3A_53 = arith.constant 0 : i32
        %dma_start3A_54 = arith.constant 0 : i32
        %dma_start3A_55 = tpu.memref_slice %arg11[%dma_start3A_53, %dma_start3A_54] : memref<10000x128xf32, #tpu.memory_space<vmem_shared>> -> memref<10000x128xf32, #tpu.memory_space<vmem_shared>>
        tpu.enqueue_indirect_dma source(%arg10 : memref<128x128xf32, #tpu.memory_space<vmem>>) target(%dma_start3A_55 : memref<10000x128xf32, #tpu.memory_space<vmem_shared>>) offsets(%dma_start3A_52 : memref<128xi32, #tpu.memory_space<vmem>>) semaphore(%run_scoped3A : memref<!tpu.dma_semaphore, #tpu.memory_space<semaphore_mem>>) {add = true}
        %dma_wait3A_56 = arith.constant 0 : i32
        %dma_wait3A_57 = tpu.memref_slice %arg8[%scan3A_31, %dma_wait3A_56] : memref<80x128xi32, #tpu.memory_space<vmem>> -> memref<1x128xi32, #tpu.memory_space<vmem>>
        %dma_wait3A_58 = tpu.memref_squeeze %dma_wait3A_57 : memref<1x128xi32, #tpu.memory_space<vmem>> -> memref<128xi32, #tpu.memory_space<vmem>>
        %dma_wait3A_59 = arith.constant 0 : i32
        %dma_wait3A_60 = arith.constant 0 : i32
        %dma_wait3A_61 = tpu.memref_slice %arg11[%dma_wait3A_59, %dma_wait3A_60] : memref<10000x128xf32, #tpu.memory_space<vmem_shared>> -> memref<10000x128xf32, #tpu.memory_space<vmem_shared>>
        tpu.wait_indirect_dma semaphore(%run_scoped3A : memref<!tpu.dma_semaphore, #tpu.memory_space<semaphore_mem>>) src(%arg10 : memref<128x128xf32, #tpu.memory_space<vmem>>) dst(%dma_wait3A_61 : memref<10000x128xf32, #tpu.memory_space<vmem_shared>>)
        tpu.yield
      }) : () -> ()
    }
    %scan3A_19 = arith.constant 80 : i32
    %barrier3A_20 = arith.constant 0 : index
    tpu.barrier barrier_id(%barrier3A_20)
    %lt3A_21 = arith.constant 15 : i32
    %lt3A_22 = arith.cmpi slt, %arg1, %lt3A_21 : i32
    %convert_element_type3A_23 = arith.extui %lt3A_22 : i1 to i32
    %cond3A_24 = arith.constant 0 : i32
    %cond3A_25 = arith.cmpi ne, %convert_element_type3A_23, %cond3A_24 : i32
    scf.if %cond3A_25 {
      "tpu.region"() ({
        %run_scoped3A = tpu.sem_alloc : memref<!tpu.dma_semaphore, #tpu.memory_space<semaphore_mem>>
        %dma_start3A = arith.constant 0 : i32
        %dma_start3A_31 = tpu.memref_slice %arg6[%arg0, %mul3A_7, %dma_start3A] : memref<2x10000x128xf32, #tpu.memory_space<hbm>> -> memref<1x640x128xf32, #tpu.memory_space<hbm>>
        %dma_start3A_32 = tpu.memref_squeeze %dma_start3A_31 : memref<1x640x128xf32, #tpu.memory_space<hbm>> -> memref<640x128xf32, #tpu.memory_space<hbm>>
        %dma_start3A_33 = arith.constant 0 : i32
        %dma_start3A_34 = tpu.memref_slice %arg11[%mul3A_7, %dma_start3A_33] : memref<10000x128xf32, #tpu.memory_space<vmem_shared>> -> memref<640x128xf32, #tpu.memory_space<vmem_shared>>
        tpu.enqueue_dma source(%dma_start3A_34 : memref<640x128xf32, #tpu.memory_space<vmem_shared>>) target(%dma_start3A_32 : memref<640x128xf32, #tpu.memory_space<hbm>>) target_semaphore(%run_scoped3A : memref<!tpu.dma_semaphore, #tpu.memory_space<semaphore_mem>>)
        %dma_wait3A = arith.constant 0 : i32
        %dma_wait3A_35 = tpu.memref_slice %arg6[%arg0, %mul3A_7, %dma_wait3A] : memref<2x10000x128xf32, #tpu.memory_space<hbm>> -> memref<1x640x128xf32, #tpu.memory_space<hbm>>
        %dma_wait3A_36 = tpu.memref_squeeze %dma_wait3A_35 : memref<1x640x128xf32, #tpu.memory_space<hbm>> -> memref<640x128xf32, #tpu.memory_space<hbm>>
        %dma_wait3A_37 = arith.constant 0 : i32
        %dma_wait3A_38 = tpu.memref_slice %arg11[%mul3A_7, %dma_wait3A_37] : memref<10000x128xf32, #tpu.memory_space<vmem_shared>> -> memref<640x128xf32, #tpu.memory_space<vmem_shared>>
        tpu.wait_dma2 semaphore(%run_scoped3A : memref<!tpu.dma_semaphore, #tpu.memory_space<semaphore_mem>>) src(%dma_wait3A_38 : memref<640x128xf32, #tpu.memory_space<vmem_shared>>) dst(%dma_wait3A_36 : memref<640x128xf32, #tpu.memory_space<hbm>>)
        tpu.yield
      }) : () -> ()
    } else {
    }
    %eq3A_26 = arith.constant 15 : i32
    %eq3A_27 = arith.cmpi eq, %arg1, %eq3A_26 : i32
    %convert_element_type3A_28 = arith.extui %eq3A_27 : i1 to i32
    %cond3A_29 = arith.constant 0 : i32
    %cond3A_30 = arith.cmpi ne, %convert_element_type3A_28, %cond3A_29 : i32
    scf.if %cond3A_30 {
      "tpu.region"() ({
        %run_scoped3A = tpu.sem_alloc : memref<!tpu.dma_semaphore, #tpu.memory_space<semaphore_mem>>
        %dma_start3A = arith.constant 0 : i32
        %dma_start3A_31 = tpu.memref_slice %arg6[%arg0, %mul3A_7, %dma_start3A] : memref<2x10000x128xf32, #tpu.memory_space<hbm>> -> memref<1x400x128xf32, #tpu.memory_space<hbm>>
        %dma_start3A_32 = tpu.memref_squeeze %dma_start3A_31 : memref<1x400x128xf32, #tpu.memory_space<hbm>> -> memref<400x128xf32, #tpu.memory_space<hbm>>
        %dma_start3A_33 = arith.constant 0 : i32
        %dma_start3A_34 = tpu.memref_slice %arg11[%mul3A_7, %dma_start3A_33] : memref<10000x128xf32, #tpu.memory_space<vmem_shared>> -> memref<400x128xf32, #tpu.memory_space<vmem_shared>>
        tpu.enqueue_dma source(%dma_start3A_34 : memref<400x128xf32, #tpu.memory_space<vmem_shared>>) target(%dma_start3A_32 : memref<400x128xf32, #tpu.memory_space<hbm>>) target_semaphore(%run_scoped3A : memref<!tpu.dma_semaphore, #tpu.memory_space<semaphore_mem>>)
        %dma_wait3A = arith.constant 0 : i32
        %dma_wait3A_35 = tpu.memref_slice %arg6[%arg0, %mul3A_7, %dma_wait3A] : memref<2x10000x128xf32, #tpu.memory_space<hbm>> -> memref<1x400x128xf32, #tpu.memory_space<hbm>>
        %dma_wait3A_36 = tpu.memref_squeeze %dma_wait3A_35 : memref<1x400x128xf32, #tpu.memory_space<hbm>> -> memref<400x128xf32, #tpu.memory_space<hbm>>
        %dma_wait3A_37 = arith.constant 0 : i32
        %dma_wait3A_38 = tpu.memref_slice %arg11[%mul3A_7, %dma_wait3A_37] : memref<10000x128xf32, #tpu.memory_space<vmem_shared>> -> memref<400x128xf32, #tpu.memory_space<vmem_shared>>
        tpu.wait_dma2 semaphore(%run_scoped3A : memref<!tpu.dma_semaphore, #tpu.memory_space<semaphore_mem>>) src(%dma_wait3A_38 : memref<400x128xf32, #tpu.memory_space<vmem_shared>>) dst(%dma_wait3A_36 : memref<400x128xf32, #tpu.memory_space<hbm>>)
        tpu.yield
      }) : () -> ()
    } else {
    }
    return
  }
}

</mosaic_0001>

<sc_bundles>
// kernel: kernel.10.cloned.1.call-start
scs
__scs_entry_jumppad:
0x0: {  	(pc) =	sbr.rel $0x88, $3  }
0x1: {  	(tag) =	ssettag $0x0;
	lr =	simm.s32 $0x1  }
0x2: {  	[smem:$0x3F9E] =	sst lr;
	_ =	strace $0xD0000000  }
0x3: {  	_ = 	snop  }
0x4: {  	_ = 	snop  }
0x5: {  	_ = 	snop  }
0x6: {  	_ = 	snop  }
0x7: {  	_ = 	snop  }
__scs_overlays_trampoline_lowered:
0x8: {  	[smem:$0x3FAD] =	sst s0  }
0x9: {  	[smem:$0x3FAE] =	sst s1  }
0xa: {  	[smem:$0x3FAF] =	sst s2  }
0xb: {  	[smem:$0x3FB0] =	sst s3  }
0xc: {  	[smem:$0x3FB1] =	sst s4  }
0xd: {  	[smem:$0x3FB2] =	sst s5  }
0xe: {  	[smem:$0x3FB3] =	sst s6  }
0xf: {  	[smem:$0x3FB4] =	sst s7  }
0x10: {  	[smem:$0x3FB5] =	sst s8  }
0x11: {  	[smem:$0x3FB6] =	sst s9;
	s0 =	simm.s32 @!p0 $0x0  }
0x12: {  	s1 =	sld [smem:$0x3F9C];
	s0 =	simm.s32 @p0 $0x1  }
0x13: {  	[smem:$0x3FB7] =	sst s0;
	s0 =	simm.s32 @!p1 $0x0  }
0x14: {  	s2 =	sld [smem:$0x3F9B];
	s0 =	simm.s32 @p1 $0x1  }
0x15: {  	[smem:$0x3FB8] =	sst s0;
	s0 =	simm.s32 @!p2 $0x0  }
0x16: {  	s3 =	sld [smem:$0x3FDB];
	s0 =	simm.s32 @p2 $0x1  }
0x17: {  	s4 =	simm.s32 $0x1BF5;
	[smem:$0x3FBA] =	sst s0  }
0x18: {  	s0 =	sld [smem:$0x3F9D];
	_ =	swait.ge [sflag:s4], $0x0  }
0x19: {  	s7 =	sld [smem:$0x3F9E]  }
0x1a: {  	s8 =	sadd.s32 $0xFFFFE003, lr  }
0x1b: {  	s9 =	sadd.s32 $0xFFFFFEF7, lr;
	s5 =	simm.s32 $0xFFFFFFFF;
	p2 =	slt.u32 s8, $0xFFFFF086  }
0x1c: {  	p1 =	slt.u32 s9, $0xF7A;
	s5 =	simm.s32 @!p2 $0x0  }
0x1d: {  	s5 =	simm.s32 @p1 $0x1;
	p0 =	seq.s32 s7, s2  }
0x1e: {  	s7 =	smul.u32 @!p0 $0xF7A, s2;
	p2 =	seq.s32 @!p0 s5, $0x0  }
0x1f: {  	s9 =	smul.u32 $0xF7A, s1;
	s8 =	simm.s32 @!p0 $0x1BF5;
	p2 =	por !p2, p0  }
0x20: {  	[sflag:s8] =	ssyncset.s32 @!p0 $0xFFFFF086;
	s6 =	sadd.s32 @!p0 s3, s7;
	s7 =	simm.s32 @!p0 $0x108  }
0x21: {  	s3 =	sadd.s32 s3, s9;
	s6 =	sadd.s32 @!p0 $0x88, s6;
	s7 =	simm.s32 @p2 $0x1082  }
0x22: {  	[simem:s7], [sflag:s8] =	dma.local @!p0 [hbm:s6], $0xF7A  }
0x23: {  	s9 =	sor.u32 $0xD0000000, s2;
	s6 =	simm.s32 $0x108;
	_ =	swait.ge @!p0 [sflag:s8], $0x0  }
0x24: {  	s3 =	sadd.s32 $0x88, s3;
	s6 =	simm.s32 @!p1 $0x1082;
	[sflag:s4] =	ssyncset.s32 $0xFFFFF086  }
0x25: {  	[simem:s6], [sflag:s4] =	dma.local [hbm:s3], $0xF7A  }
0x26: {  	[smem:$0x3F9E] =	sst s1;
	(tag) =	ssettag s2;
	_ =	strace s9  }
0x27: {  	s1 =	sld [smem:$0x3FAE]  }
0x28: {  	s2 =	sld [smem:$0x3FAF]  }
0x29: {  	s4 =	sld [smem:$0x3FB1]  }
0x2a: {  	p0 =	seq.s32 s5, $0x0;
	s5 =	sld [smem:$0x3FB2]  }
0x2b: {  	s6 =	sld [smem:$0x3FB3]  }
0x2c: {  	s7 =	sld [smem:$0x3FB4]  }
0x2d: {  	s3 =	simm.s32 $0x108;
	s8 =	sld [smem:$0x3FB5]  }
0x2e: {  	s3 =	simm.s32 @!p0 $0x1082;
	s9 =	sld [smem:$0x3FB6]  }
0x2f: {  	lr =	sadd.s32 s0, s3;
	s0 =	sld [smem:$0x3FAD]  }
0x30: {  	s3 =	sld [smem:$0x3FB0]  }
0x31: {  	[smem:$0x3FB9] =	sst s10  }
0x32: {  	s10 =	sld [smem:$0x3FB7];
	_ =	sdelay $0x3  }
0x33: {  	p0 =	seq.s32 s10, $0x1;
	s10 =	sld [smem:$0x3FB9];
	_ =	sdelay $0x3  }
0x34: {  	[smem:$0x3FB9] =	sst s10  }
0x35: {  	s10 =	sld [smem:$0x3FB8];
	_ =	sdelay $0x3  }
0x36: {  	p1 =	seq.s32 s10, $0x1;
	s10 =	sld [smem:$0x3FB9];
	_ =	sdelay $0x3  }
0x37: {  	[smem:$0x3FB9] =	sst s10  }
0x38: {  	s10 =	sld [smem:$0x3FBA]  }
0x39: {  	_ = 	snop;
	(pc) =	sbr.ind lr, $3  }
0x3a: {  	_ = 	snop  }
0x3b: {  	_ = 	snop  }
0x3c: {  	p2 =	seq.s32 s10, $0x1;
	s10 =	sld [smem:$0x3FB9]  }
0x3d: {  	_ =	shalt  }
0x3e: {  	_ =	shalt  }
0x3f: {  	_ =	shalt  }
0x40: {  	_ =	shalt  }
0x41: {  	_ =	shalt  }
0x42: {  	_ =	shalt  }
0x43: {  	_ =	shalt  }
0x44: {  	_ =	shalt  }
0x45: {  	_ =	shalt  }
0x46: {  	_ =	shalt  }
0x47: {  	_ =	shalt  }
0x48: {  	_ =	shalt  }
0x49: {  	_ =	shalt  }
0x4a: {  	_ =	shalt  }
0x4b: {  	_ =	shalt  }
0x4c: {  	_ =	shalt  }
0x4d: {  	_ =	shalt  }
0x4e: {  	_ =	shalt  }
0x4f: {  	_ =	shalt  }
0x50: {  	_ =	shalt  }
0x51: {  	_ =	shalt  }
0x52: {  	_ =	shalt  }
0x53: {  	_ =	shalt  }
0x54: {  	_ =	shalt  }
0x55: {  	_ =	shalt  }
0x56: {  	_ =	shalt  }
0x57: {  	_ =	shalt  }
0x58: {  	_ =	shalt  }
0x59: {  	_ =	shalt  }
0x5a: {  	_ =	shalt  }
0x5b: {  	_ =	shalt  }
0x5c: {  	_ =	shalt  }
0x5d: {  	_ =	shalt  }
0x5e: {  	_ =	shalt  }
0x5f: {  	_ =	shalt  }
0x60: {  	_ =	shalt  }
0x61: {  	_ =	shalt  }
0x62: {  	_ =	shalt  }
0x63: {  	_ =	shalt  }
0x64: {  	_ =	shalt  }
0x65: {  	_ =	shalt  }
0x66: {  	_ =	shalt  }
0x67: {  	_ =	shalt  }
0x68: {  	_ =	shalt  }
0x69: {  	_ =	shalt  }
0x6a: {  	_ =	shalt  }
0x6b: {  	_ =	shalt  }
0x6c: {  	_ =	shalt  }
0x6d: {  	_ =	shalt  }
0x6e: {  	_ =	shalt  }
0x6f: {  	_ =	shalt  }
0x70: {  	_ =	shalt  }
0x71: {  	_ =	shalt  }
0x72: {  	_ =	shalt  }
0x73: {  	_ =	shalt  }
0x74: {  	_ =	shalt  }
0x75: {  	_ =	shalt  }
0x76: {  	_ =	shalt  }
0x77: {  	_ =	shalt  }
0x78: {  	_ =	shalt  }
0x79: {  	_ =	shalt  }
0x7a: {  	_ =	shalt  }
0x7b: {  	_ =	shalt  }
0x7c: {  	_ =	shalt  }
0x7d: {  	_ =	shalt  }
0x7e: {  	_ =	shalt  }
0x7f: {  	_ =	shalt  }
0x80: {  	_ =	shalt  }
0x81: {  	_ =	shalt  }
0x82: {  	_ =	shalt  }
0x83: {  	_ =	shalt  }
0x84: {  	_ =	shalt  }
0x85: {  	_ =	shalt  }
0x86: {  	_ =	shalt  }
0x87: {  	_ =	shalt  }
.Lfunc_end0:
.L_simem_size_0:
called_computation.1_lowered:
.L_overlay_start_0:
0x88: {  	s2 =	sld [smem:$0x3FD9]  }
0x89: {  	s3 =	sld [smem:$0x3FFE];
	_ =	sdelay $0x1  }
0x8a: {  	s1 =	srdreg.scid  }
0x8b: {  	s0 =	sand.u32 $0x1, s1  }
0x8c: {  	s17 =	sshll.u32 s0, $0xA;
	s2 =	sadd.s32 s3, s2  }
0x8d: {  	s2 =	sadd.s32 s2, s17  }
0x8e: {  	[smem:$0x3FC5] =	sst s2  }
0x8f: {  	_ = 	snop  }
0x90: {  	s2 =	sld [smem:$0x3FD0];
	(tm) =	ssettm $0x1  }
0x91: {  	s18 =	sld [smem:$0x3FFB];
	_ =	sdelay $0x3  }
0x92: {  	_ =	strace s18  }
0x93: {  	s3 =	sld [smem:$0x3FFC];
	_ =	sdelay $0x3  }
0x94: {  	_ =	strace s3  }
0x95: {  	s3 =	sld [smem:$0x3FFD];
	_ =	sdelay $0x3  }
0x96: {  	_ =	strace s3  }
0x97: {  	_ =	strace $0x8FFFFFFF  }
0x98: {  	s19 =	sld [smem:$0x3FDB];
	_ =	sdelay $0x1  }
0x99: {  	s4 =	simm.s32 $_scs_section_size  }
0x9a: {  	s5 =	simm.s32 $_size__tile_overlayer_lowered;
	s6 =	simm.s32 $_tile_overlayer_lowered  }
0x9b: {  	s22 =	simm.s32 $0x1BFF;
	s21 =	sshll.u32 s6, $0x1;
	s3 =	sadd.s32 s4, s19  }
0x9c: {  	s7 =	simm.s32 $0x0;
	s20 =	sshll.u32 s5, $0x1;
	s5 =	sadd.s32 s21, s3  }
0x9d: {  	[timem:s7], [sflag:s22] =	dma.local [hbm:s5], s20  }
0x9e: {  	_ =	swait.ge [sflag:s22], s20  }
0x9f: {  	s4 =	ssub.s32 $0x0, s20;
	[sflag:s22] =	ssyncset.done $0x0  }
0xa0: {  	[sflag:s22] =	ssyncadd.s32 s4;
	_ =	sdelay $0x1  }
0xa1: {  	s23 =	simm.s32 $0x1B8B  }
0xa2: {  	_ =	swait.ge [sflag:s23], $0x1  }
0xa3: {  	[sflag:s23] =	ssyncset.done $0x0  }
0xa4: {  	s25 =	simm.s32 $0x1B8E;
	s24 =	sld [smem:$0x3FFE];
	[sflag:s23] =	ssyncadd.s32 $0xFFFFFFFF  }
0xa5: {  	s26 =	simm.s32 $execute0_lowered;
	[smem:$0x3FD2] =	sst s25  }
0xa6: {  	s5 =	sshll.u32 s26, $0x1;
	_ =	strace $0x80000049;
	[dreg:$0x1] =	wrdreg $0xFFFFFFFF  }
0xa7: {  	s28 =	simm.s32 $_size_execute0_lowered;
	s3 =	sadd.s32 s3, s5;
	[dreg:$0x0] =	wrdreg $0x0  }
0xa8: {  	s5 =	sshll.u32 s28, $0x1;
	[dreg:$0x2] =	wrdreg s3  }
0xa9: {  	[dreg:$0x3] =	wrdreg s5  }
0xaa: {  	[dreg:$0x4] =	wrdreg $0xC0  }
0xab: {  	_ =	task [dreg:s7], $0x5FFFF  }
0xac: {  	[dreg:$0x1] =	wrdreg $0xFFFFFFFF  }
0xad: {  	[dreg:$0x0] =	wrdreg $0x60  }
0xae: {  	[dreg:$0x2] =	wrdreg s2  }
0xaf: {  	[dreg:$0x3] =	wrdreg s24  }
0xb0: {  	[dreg:$0x4] =	wrdreg $0xB8000  }
0xb1: {  	[dreg:$0x5] =	wrdreg $0x9  }
0xb2: {  	_ =	task.clear_ibuf [dreg:s7], $0x6FFFF;
	_ =	strace $0x90000049  }
0xb3: {  	s29 =	simm.s32 $0x9;
	_ =	strace $0x8000004B  }
0xb4: {  	_ =	swait.ge [sflag:s29], $0x1  }
0xb5: {  	[sflag:s29] =	ssyncadd.s32 $0xFFFFFFFF  }
0xb6: {  	_ =	strace $0x9000004B  }
0xb7: {  	_ =	sfence  }
0xb8: {  	s30 =	sld [smem:$0x0];
	_ =	sdelay $0x2  }
0xb9: {  	s31 =	sshll.u32 s1, $0xD;
	s1 =	sshrl.u32 s1, $0x2  }
0xba: {  	s3 =	sand.u32 $0x4000, s31;
	s1 =	sadd.s32 s1, s30  }
0xbb: {  	s0 =	sor.u32 s3, s0;
	s1 =	sshll.u32 s1, $0x11  }
0xbc: {  	s0 =	sor.u32 s1, s0  }
0xbd: {  	s0 =	sadd.s32 $0x8F2B, s0  }
0xbe: {  	[sflag:s0] =	ssyncadd.remote.s32 $0x1  }
0xbf: {  	_ =	sfence.sel $0xFFFF  }
0xc0: {  	[dreg:$0x0] =	wrdreg $0xFFFFFFFF;
	(pc) =	sbr.abs _section_cstart, $3  }
0xc1: {  	[dreg:$0x1] =	wrdreg $0xFFFFFFFF  }
0xc2: {  	_ =	task.clear_ibuf [dreg:s7], $0x2FFFF;
	_ =	strace $0x9FFFFFFF  }
0xc3: {  	(tm) =	ssettm $0x7FFFFFFF  }
tec
execute0_lowered:
.L_overlay_start_1:
0x0: {  	(tag) =	ssettag $0x1  }
0x1: {  	s1 =	rddreg [dreg:$0x0]  }
0x2: {  	s0 =	rddreg [dreg:$0x1];
	s2 =	srdreg.scid  }
0x3: {  	s21 =	stileid.u32;
	s3 =	rddreg [dreg:$0x2];
	s20 =	simm.s32 $0x2  }
0x4: {  	s22 =	simm.s32 $0x80;
	s24 =	simm.s32 $0x5000;
	s25 =	simm.s32 $0x7800  }
0x5: {  	s26 =	simm.s32 $0x1;
	s28 =	simm.s32 $0x0;
	s2 =	sand.u32 $0x1, s2  }
0x6: {  	s4 =	sshll.u32 s21, $0x1;
	s6 =	sshrl.u32 s21, $0x2;
	s8 =	smul.u32 $0x50000, s21  }
0x7: {  	s16 =	smul.u32 $0x14000, s21;
	s13 =	sadd.s32 $0x12C000, s3;
	s14 =	sadd.s32 $0x130000, s3  }
0x8: {  	s15 =	sadd.s32 $0x134000, s3;
	p0 =	seq.s32 s21, $0xF;
	s5 =	sor.u32 s2, s4  }
0x9: {  	s4 =	simm.s32 $0x0;
	s6 =	smul.u32 $0x14000, s6;
	s29 =	ssub.s32 $0x2, s2  }
0xa: {  	s2 =	smul.u32 $0x138800, s2;
	s7 =	sshll.u32 s5, $0x7;
	[smem:$0x7FF] =	sst s4  }
0xb: {  	s5 =	smul.u32 $0x500, s5;
	s30 =	sshrl.u32 s29, $0x1;
	s31 =	sshrl.u32 s8, $0x2  }
0xc: {  	s7 =	sand.u32 $0x380, s7;
	_ =	strace $0x8000004A;
	s19 =	ssub.s32 s29, s30  }
0xd: {  	s17 =	sadd.s32 s16, s2;
	s2 =	sshrl.u32 s2, $0x3;
	s16 =	sadd.s32 $0x138000, s3  }
0xe: {  	s6 =	sor.u32 s6, s7;
	s9 =	sadd.s32 s5, s0;
	s7 =	sadd.s32 s31, s3  }
0xf: {  	s17 =	sshrl.u32 s17, $0x3;
	s19 =	smax.u32 s19, $0x1;
	s6 =	sshrl.u32 s6, $0x3  }
0x10: {  	s5 =	sadd.s32 $0xB800, s9;
	s11 =	sadd.s32 $0xC000, s7;
	s12 =	sadd.s32 $0x10000, s7  }
0x11: {  	s10 =	sadd.s32 s6, s0;
	s0 =	sadd.s32 $0x1F800, s0;
	s6 =	sadd.s32 $0x15800, s9  }
0x12: {  	s9 =	sadd.s32 $0x4000, s7;
	s8 =	sadd.s32 $0x1800, s10;
	s2 =	sadd.s32 s0, s2  }
0x13: {  	v0 =	vimm.f32 $0.0e+00;
	s10 =	sadd.s32 $0x8000, s7;
	s17 =	sadd.s32 s0, s17;
	s18 =	sadd.s32 $0x25800, s2  }
.LBB2_1:
0x14: {  	[tilespmem:s4], [sflag:$0x2] =	stream.linear.gather [hbm4b:s5+s4], $0x2800, $0x38;
	[tilespmem:$0x1F080] =	vst v63  }
0x15: {  	_ =	swait.ge [sflag:s20], $0x2800  }
0x16: {  	[sflag:s20] =	ssyncset.done $0x0  }
0x17: {  	s0 =	simm.s32 $0x2800;
	[sflag:s20] =	ssyncadd.s32 $0xFFFFD800  }
0x18: {  	[tilespmem:s0], [sflag:$0x2] =	stream.linear.gather [hbm4b:s6+s4], $0x2800, $0x38;
	[tilespmem:$0x1F080] =	vst v63  }
0x19: {  	_ =	swait.ge [sflag:s20], $0x2800  }
0x1a: {  	[sflag:s20] =	ssyncset.done $0x0  }
0x1b: {  	s31 =	simm.s32 $0x400;
	[sflag:s20] =	ssyncadd.s32 $0xFFFFD800  }
0x1c: {  	[tilespmem:s24], [sflag:$0x2] =	stream.strided.gather [hbm4b:s8+s22], $0x2800, s31, s22, $0x38;
	[tilespmem:$0x1F080] =	vst v63  }
0x1d: {  	_ =	swait.ge [sflag:s20], $0x2800  }
0x1e: {  	[sflag:s20] =	ssyncset.done $0x0  }
0x1f: {  	s2 =	simm.s32 $0x200;
	s0 =	simm.s32 $0x0;
	[sflag:s20] =	ssyncadd.s32 $0xFFFFD800  }
.LBB2_2:
0x20: {  	p1 =	sne.s32 s2, $0xFE00;
	[tilespmem:s0+$0x7870] =	vst v0  }
0x21: {  	[tilespmem:s0+$0x7800] =	vst v0  }
0x22: {  	[tilespmem:s0+$0x7810] =	vst v0  }
.Ltmp0:
0x23: {  	[tilespmem:s0+$0x7820] =	vst v0;
	(pc) =	sbr.rel @p1 .LBB2_2-.Ltmp0, $4  }
0x24: {  	[tilespmem:s0+$0x7830] =	vst v0  }
0x25: {  	[tilespmem:s0+$0x7840] =	vst v0  }
0x26: {  	[tilespmem:s0+$0x7850] =	vst v0  }
0x27: {  	[tilespmem:s0+$0x7860] =	vst v0;
	s0 =	sshra.s32 s2, $0x2;
	s2 =	sadd.s32 $0x200, s2  }
0x28: {  	[tilespmem:s0+$0x7870] =	vst v0  }
0x29: {  	[tilespmem:s0+$0x7800] =	vst v0  }
0x2a: {  	[tilespmem:s0+$0x7810] =	vst v0  }
0x2b: {  	[tilespmem:s0+$0x7820] =	vst v0  }
0x2c: {  	[tilespmem:s0+$0x7830] =	vst v0  }
0x2d: {  	[tilespmem:s0+$0x7840] =	vst v0  }
0x2e: {  	[tilespmem:s0+$0x7850] =	vst v0  }
0x2f: {  	[tilespmem:s0+$0x7860] =	vst v0;
	s0 =	simm.s32 @p0 $0x7800;
	s2 =	simm.s32 @p0 $0x2  }
0x30: {  	[spmem:s13] =	stream.linear.scatter @p0 [tilespmem:s0], [sflag:$0x2], $0x4000, $0x38;
	[tilespmem:$0x1F080] =	vst v63  }
0x31: {  	_ =	swait.ge @p0 [sflag:s2], $0x4000  }
0x32: {  	[sflag:s2] =	ssyncset.done @p0 $0x0  }
0x33: {  	[sflag:s2] =	ssyncadd.s32 @p0 $0xFFFFC000  }
0x34: {  	[spmem:s14] =	stream.linear.scatter @p0 [tilespmem:s0], [sflag:$0x2], $0x4000, $0x38;
	[tilespmem:$0x1F080] =	vst v63  }
0x35: {  	_ =	swait.ge @p0 [sflag:s2], $0x4000  }
0x36: {  	[sflag:s2] =	ssyncset.done @p0 $0x0  }
0x37: {  	[sflag:s2] =	ssyncadd.s32 @p0 $0xFFFFC000  }
0x38: {  	[spmem:s15] =	stream.linear.scatter @p0 [tilespmem:s0], [sflag:$0x2], $0x4000, $0x38;
	[tilespmem:$0x1F080] =	vst v63  }
0x39: {  	_ =	swait.ge @p0 [sflag:s2], $0x4000  }
0x3a: {  	[sflag:s2] =	ssyncset.done @p0 $0x0  }
0x3b: {  	[sflag:s2] =	ssyncadd.s32 @p0 $0xFFFFC000  }
0x3c: {  	[spmem:s16] =	stream.linear.scatter @p0 [tilespmem:s0], [sflag:$0x2], $0x800, $0x38;
	[tilespmem:$0x1F080] =	vst v63  }
0x3d: {  	_ =	swait.ge @p0 [sflag:s2], $0x800  }
0x3e: {  	[sflag:s2] =	ssyncset.done @p0 $0x0  }
0x3f: {  	s0 =	simm.s32 @!p0 $0x7800;
	[sflag:s2] =	ssyncadd.s32 @p0 $0xFFFFF800;
	s2 =	simm.s32 @!p0 $0x2  }
0x40: {  	[spmem:s7] =	stream.linear.scatter @!p0 [tilespmem:s0], [sflag:$0x2], $0x4000, $0x38;
	[tilespmem:$0x1F080] =	vst v63  }
0x41: {  	_ =	swait.ge @!p0 [sflag:s2], $0x4000  }
0x42: {  	[sflag:s2] =	ssyncset.done @!p0 $0x0  }
0x43: {  	[sflag:s2] =	ssyncadd.s32 @!p0 $0xFFFFC000  }
0x44: {  	[spmem:s9] =	stream.linear.scatter @!p0 [tilespmem:s0], [sflag:$0x2], $0x4000, $0x38;
	[tilespmem:$0x1F080] =	vst v63  }
0x45: {  	_ =	swait.ge @!p0 [sflag:s2], $0x4000  }
0x46: {  	[sflag:s2] =	ssyncset.done @!p0 $0x0  }
0x47: {  	[sflag:s2] =	ssyncadd.s32 @!p0 $0xFFFFC000  }
0x48: {  	[spmem:s10] =	stream.linear.scatter @!p0 [tilespmem:s0], [sflag:$0x2], $0x4000, $0x38;
	[tilespmem:$0x1F080] =	vst v63  }
0x49: {  	_ =	swait.ge @!p0 [sflag:s2], $0x4000  }
0x4a: {  	[sflag:s2] =	ssyncset.done @!p0 $0x0  }
0x4b: {  	[sflag:s2] =	ssyncadd.s32 @!p0 $0xFFFFC000  }
0x4c: {  	[spmem:s11] =	stream.linear.scatter @!p0 [tilespmem:s0], [sflag:$0x2], $0x4000, $0x38;
	[tilespmem:$0x1F080] =	vst v63  }
0x4d: {  	_ =	swait.ge @!p0 [sflag:s2], $0x4000  }
0x4e: {  	[sflag:s2] =	ssyncset.done @!p0 $0x0  }
0x4f: {  	[sflag:s2] =	ssyncadd.s32 @!p0 $0xFFFFC000  }
0x50: {  	[spmem:s12] =	stream.linear.scatter @!p0 [tilespmem:s0], [sflag:$0x2], $0x4000, $0x38;
	[tilespmem:$0x1F080] =	vst v63  }
0x51: {  	_ =	swait.ge @!p0 [sflag:s2], $0x4000  }
0x52: {  	[sflag:s2] =	ssyncset.done @!p0 $0x0  }
0x53: {  	[sflag:s2] =	ssyncadd.s32 @!p0 $0xFFFFC000  }
0x54: {  	s29 =	simm.s32 $0x0;
	s30 =	simm.s32 $0x0;
	[bflag:$0x0] =	sbarrier.arrive $0xFFFF  }
.LBB2_4:
0x55: {  	s31 =	sshll.u32 s30, $0x7  }
0x56: {  	[tilespmem:s25], [sflag:$0x1] =	stream.indirect.gather [hbm4b:s1+s22], $0x80, s31, s22, $0xb8;
	[tilespmem:$0x1F080] =	vst v63  }
0x57: {  	s0 =	sadd.s32 $0x0, s29;
	_ =	swait.ge [sflag:s26], $0x4000  }
0x58: {  	v1 =	vmov s0;
	[sflag:s26] =	ssyncset.done $0x0  }
0x59: {  	s2 =	simm.s32 $0x7840;
	[sflag:s26] =	ssyncadd.s32 $0xFFFFC000  }
0x5a: {  	v5 =	vld [tilespmem:s2+$0x30]  }
0x5b: {  	v8 =	vld [tilespmem:s2+$0x10]  }
0x5c: {  	v6 =	vld [tilespmem:s2+$0xFFFFFFC0]  }
0x5d: {  	v2 =	vld.idx.msk [tilespmem:v1+s24+$0x0], $0xffff  }
0x5e: {  	v10 =	vld [tilespmem:s2+$0xFFFFFFE0]  }
0x5f: {  	v3 =	vld [tilespmem:s2+$0x20]  }
0x60: {  	v4 =	vld [tilespmem:s2+$0xFFFFFFD0]  }
0x61: {  	v1 =	vld [tilespmem:s2+$0xFFFFFFF0]  }
0x62: {  	v9 =	vmul.f32 v5, v2;
	v5 =	vld [tilespmem:s2+$0x0]  }
0x63: {  	v7 =	vmul.f32 v6, v2  }
0x64: {  	s21 =	simm.s32 $0x7840;
	s0 =	simm.s32 $0x1;
	v6 =	vmul.f32 v10, v2;
	v8 =	vmul.f32 v8, v2  }
.LBB2_5:
0x65: {  	p1 =	sne.s32 s0, $0x7F  }
0x66: {  	v4 =	vmul.f32 v4, v2;
	v3 =	vmul.f32 v3, v2;
	[tilespmem:s2+$0x30] =	vst v9;
	s21 =	sadd.s32 $0x80, s21;
	s23 =	smov.u32 s0;
	s0 =	sadd.s32 $0x1, s0  }
0x67: {  	[tilespmem:s2+$0xFFFFFFC0] =	vst v7;
	v7 =	vmul.f32 v1, v2;
	v2 =	vmul.f32 v5, v2  }
0x68: {  	s23 =	sadd.s32 s23, s29;
	[tilespmem:s2+$0x10] =	vst v8  }
0x69: {  	v5 =	vmov s23;
	[tilespmem:s2+$0xFFFFFFE0] =	vst v6  }
0x6a: {  	v1 =	vld [tilespmem:s21+$0xFFFFFFF0];
	[tilespmem:s2+$0xFFFFFFF0] =	vst v7  }
0x6b: {  	v6 =	vld [tilespmem:s21+$0x30];
	[tilespmem:s2+$0x0] =	vst v2  }
0x6c: {  	v8 =	vld [tilespmem:s21+$0x10];
	[tilespmem:s2+$0x20] =	vst v3  }
0x6d: {  	v7 =	vld [tilespmem:s21+$0xFFFFFFC0];
	[tilespmem:s2+$0xFFFFFFD0] =	vst v4;
	s2 =	smov.u32 s21  }
0x6e: {  	v2 =	vld.idx.msk [tilespmem:v5+s24+$0x0], $0xffff  }
0x6f: {  	v10 =	vld [tilespmem:s21+$0xFFFFFFE0]  }
0x70: {  	v3 =	vld [tilespmem:s21+$0x20]  }
.Ltmp1:
0x71: {  	v4 =	vld [tilespmem:s21+$0xFFFFFFD0];
	(pc) =	sbr.rel @p1 .LBB2_5-.Ltmp1, $3  }
0x72: {  	v5 =	vld [tilespmem:s21+$0x0];
	_ =	sdelay $0x1  }
0x73: {  	v7 =	vmul.f32 v7, v2;
	v9 =	vmul.f32 v6, v2  }
0x74: {  	v8 =	vmul.f32 v8, v2;
	v6 =	vmul.f32 v10, v2  }
0x75: {  	[tilespmem:s2+$0x30] =	vst v9  }
0x76: {  	[tilespmem:s2+$0xFFFFFFC0] =	vst v7  }
0x77: {  	v1 =	vmul.f32 v1, v2;
	[tilespmem:s2+$0x10] =	vst v8  }
0x78: {  	v3 =	vmul.f32 v3, v2;
	[tilespmem:s2+$0xFFFFFFE0] =	vst v6  }
0x79: {  	v5 =	vmul.f32 v5, v2;
	[tilespmem:s2+$0xFFFFFFF0] =	vst v1  }
0x7a: {  	s30 =	sadd.s32 $0x1, s30;
	v1 =	vmul.f32 v4, v2;
	[tilespmem:s2+$0x20] =	vst v3  }
0x7b: {  	p1 =	sne.s32 s30, $0x50;
	[tilespmem:s2+$0x0] =	vst v5  }
.Ltmp2:
0x7c: {  	s0 =	sadd.s32 $0x2800, s31;
	[tilespmem:s2+$0xFFFFFFD0] =	vst v1;
	(pc) =	sbr.rel @p1 .LBB2_4-.Ltmp2, $4  }
0x7d: {  	[spmem:s3] =	stream.indirect.scatter.add.f32 [tilespmem:s25], [sflag:$0x2], $0x80, s0, s22, $0xb8;
	[tilespmem:$0x1F080] =	vst v63  }
0x7e: {  	_ =	swait.ge [sflag:s20], $0x4000  }
0x7f: {  	[sflag:s20] =	ssyncset.done $0x0  }
0x80: {  	s29 =	sadd.s32 $0x80, s29;
	[sflag:s20] =	ssyncadd.s32 $0xFFFFC000  }
0x81: {  	[bflag:$0x0] =	sbarrier.arrive $0xFFFF;
	s0 =	sshrl.u32 @p0 s13, $0x3;
	s2 =	simm.s32 @p0 $0x1FC2  }
0x82: {  	[hbm:s18], [sflag:s2] =	dma.local @p0 [spmem:s0], $0x1900  }
0x83: {  	s0 =	simm.s32 @p0 $0x2  }
0x84: {  	s28 =	sadd.s32 $0x1, s28;
	s2 =	stileid.u32;
	_ =	swait.ge @p0 [sflag:s0], $0x1900  }
0x85: {  	p1 =	sne.s32 s28, s19;
	s2 =	sshll.u32 @!p0 s2, $0x6;
	[sflag:s0] =	ssyncset.done @p0 $0x0  }
0x86: {  	[sflag:s0] =	ssyncadd.s32 @p0 $0xFFFFE700;
	s0 =	sor.u32 @!p0 $0x1C02, s2;
	s2 =	sshrl.u32 @!p0 s7, $0x3  }
0x87: {  	[hbm:s17], [sflag:s0] =	dma.local @!p0 [spmem:s2], $0x2800  }
.Ltmp3:
0x88: {  	_ = 	snop;
	(pc) =	sbr.rel @p1 .LBB2_1-.Ltmp3, $4  }
0x89: {  	s0 =	simm.s32 @!p0 $0x2  }
0x8a: {  	_ =	swait.ge @!p0 [sflag:s0], $0x2800  }
0x8b: {  	[sflag:s0] =	ssyncset.done @!p0 $0x0  }
0x8c: {  	[sflag:s0] =	ssyncadd.s32 @!p0 $0xFFFFD800  }
0x8d: {  	_ =	sfence.sel $0x180000  }
0x8e: {  	[bflag:$0x0] =	sbarrier.arrive $0xFFFF  }
0x8f: {  	_ =	strace $0x9000004A  }
0x90: {  	s0 =	stileid.u32;
	[bflag:$0x2] =	sbarrier.arrive $0xFFFF  }
0x91: {  	p0 =	sne.s32 s0, $0x0;
	s0 =	rddreg [dreg:$0x3]  }
0x92: {  	s0 =	sadd.s32 @!p0 $0x100000, s0  }
0x93: {  	[sflag:s0] =	ssyncadd.tile.s32 @!p0 $0x1;
	_ =	shalt  }
.Lfunc_end2:
_tile_overlayer_lowered:
.L_overlay_start_2:
0x94: {  	(tag) =	ssettag $0x2  }
0x95: {  	s0 =	rddreg [dreg:$0x0];
	s2 =	stileid.u32  }
0x96: {  	s1 =	rddreg [dreg:$0x1];
	p0 =	sne.s32 s2, $0x0  }
0x97: {  	s3 =	rddreg [dreg:$0x2];
	[bflag:$0x3] =	sbarrier.arrive $0xFFFF;
	s2 =	simm.s32 @!p0 $0x1C02  }
0x98: {  	[timem:s3], [sflag:s2] =	dma.local @!p0 [hbm:s0], s1  }
0x99: {  	s0 =	simm.s32 @!p0 $0x2  }
0x9a: {  	_ =	swait.ge @!p0 [sflag:s0], s1  }
0x9b: {  	s1 =	ssub.s32 @!p0 $0x0, s1;
	[sflag:s0] =	ssyncset.done @!p0 $0x0  }
0x9c: {  	[sflag:s0] =	ssyncadd.s32 @!p0 s1  }
0x9d: {  	[bflag:$0x3] =	sbarrier.arrive $0xFFFF  }
0x9e: {  	_ =	shalt  }

// kernel: kernel.13.cloned.1.call-start
scs
__scs_entry_jumppad:
0x0: {  	(pc) =	sbr.rel $0x88, $3  }
0x1: {  	(tag) =	ssettag $0x0;
	lr =	simm.s32 $0x1  }
0x2: {  	[smem:$0x3F9E] =	sst lr;
	_ =	strace $0xD0000000  }
0x3: {  	_ = 	snop  }
0x4: {  	_ = 	snop  }
0x5: {  	_ = 	snop  }
0x6: {  	_ = 	snop  }
0x7: {  	_ = 	snop  }
__scs_overlays_trampoline_lowered:
0x8: {  	[smem:$0x3FAD] =	sst s0  }
0x9: {  	[smem:$0x3FAE] =	sst s1  }
0xa: {  	[smem:$0x3FAF] =	sst s2  }
0xb: {  	[smem:$0x3FB0] =	sst s3  }
0xc: {  	[smem:$0x3FB1] =	sst s4  }
0xd: {  	[smem:$0x3FB2] =	sst s5  }
0xe: {  	[smem:$0x3FB3] =	sst s6  }
0xf: {  	[smem:$0x3FB4] =	sst s7  }
0x10: {  	[smem:$0x3FB5] =	sst s8  }
0x11: {  	[smem:$0x3FB6] =	sst s9;
	s0 =	simm.s32 @!p0 $0x0  }
0x12: {  	s1 =	sld [smem:$0x3F9C];
	s0 =	simm.s32 @p0 $0x1  }
0x13: {  	[smem:$0x3FB7] =	sst s0;
	s0 =	simm.s32 @!p1 $0x0  }
0x14: {  	s2 =	sld [smem:$0x3F9B];
	s0 =	simm.s32 @p1 $0x1  }
0x15: {  	[smem:$0x3FB8] =	sst s0;
	s0 =	simm.s32 @!p2 $0x0  }
0x16: {  	s3 =	sld [smem:$0x3FDB];
	s0 =	simm.s32 @p2 $0x1  }
0x17: {  	s4 =	simm.s32 $0x1BF5;
	[smem:$0x3FBA] =	sst s0  }
0x18: {  	s0 =	sld [smem:$0x3F9D];
	_ =	swait.ge [sflag:s4], $0x0  }
0x19: {  	s7 =	sld [smem:$0x3F9E]  }
0x1a: {  	s8 =	sadd.s32 $0xFFFFE003, lr  }
0x1b: {  	s9 =	sadd.s32 $0xFFFFFEF7, lr;
	s5 =	simm.s32 $0xFFFFFFFF;
	p2 =	slt.u32 s8, $0xFFFFF086  }
0x1c: {  	p1 =	slt.u32 s9, $0xF7A;
	s5 =	simm.s32 @!p2 $0x0  }
0x1d: {  	s5 =	simm.s32 @p1 $0x1;
	p0 =	seq.s32 s7, s2  }
0x1e: {  	s7 =	smul.u32 @!p0 $0xF7A, s2;
	p2 =	seq.s32 @!p0 s5, $0x0  }
0x1f: {  	s9 =	smul.u32 $0xF7A, s1;
	s8 =	simm.s32 @!p0 $0x1BF5;
	p2 =	por !p2, p0  }
0x20: {  	[sflag:s8] =	ssyncset.s32 @!p0 $0xFFFFF086;
	s6 =	sadd.s32 @!p0 s3, s7;
	s7 =	simm.s32 @!p0 $0x108  }
0x21: {  	s3 =	sadd.s32 s3, s9;
	s6 =	sadd.s32 @!p0 $0x88, s6;
	s7 =	simm.s32 @p2 $0x1082  }
0x22: {  	[simem:s7], [sflag:s8] =	dma.local @!p0 [hbm:s6], $0xF7A  }
0x23: {  	s9 =	sor.u32 $0xD0000000, s2;
	s6 =	simm.s32 $0x108;
	_ =	swait.ge @!p0 [sflag:s8], $0x0  }
0x24: {  	s3 =	sadd.s32 $0x88, s3;
	s6 =	simm.s32 @!p1 $0x1082;
	[sflag:s4] =	ssyncset.s32 $0xFFFFF086  }
0x25: {  	[simem:s6], [sflag:s4] =	dma.local [hbm:s3], $0xF7A  }
0x26: {  	[smem:$0x3F9E] =	sst s1;
	(tag) =	ssettag s2;
	_ =	strace s9  }
0x27: {  	s1 =	sld [smem:$0x3FAE]  }
0x28: {  	s2 =	sld [smem:$0x3FAF]  }
0x29: {  	s4 =	sld [smem:$0x3FB1]  }
0x2a: {  	p0 =	seq.s32 s5, $0x0;
	s5 =	sld [smem:$0x3FB2]  }
0x2b: {  	s6 =	sld [smem:$0x3FB3]  }
0x2c: {  	s7 =	sld [smem:$0x3FB4]  }
0x2d: {  	s3 =	simm.s32 $0x108;
	s8 =	sld [smem:$0x3FB5]  }
0x2e: {  	s3 =	simm.s32 @!p0 $0x1082;
	s9 =	sld [smem:$0x3FB6]  }
0x2f: {  	lr =	sadd.s32 s0, s3;
	s0 =	sld [smem:$0x3FAD]  }
0x30: {  	s3 =	sld [smem:$0x3FB0]  }
0x31: {  	[smem:$0x3FB9] =	sst s10  }
0x32: {  	s10 =	sld [smem:$0x3FB7];
	_ =	sdelay $0x3  }
0x33: {  	p0 =	seq.s32 s10, $0x1;
	s10 =	sld [smem:$0x3FB9];
	_ =	sdelay $0x3  }
0x34: {  	[smem:$0x3FB9] =	sst s10  }
0x35: {  	s10 =	sld [smem:$0x3FB8];
	_ =	sdelay $0x3  }
0x36: {  	p1 =	seq.s32 s10, $0x1;
	s10 =	sld [smem:$0x3FB9];
	_ =	sdelay $0x3  }
0x37: {  	[smem:$0x3FB9] =	sst s10  }
0x38: {  	s10 =	sld [smem:$0x3FBA]  }
0x39: {  	_ = 	snop;
	(pc) =	sbr.ind lr, $3  }
0x3a: {  	_ = 	snop  }
0x3b: {  	_ = 	snop  }
0x3c: {  	p2 =	seq.s32 s10, $0x1;
	s10 =	sld [smem:$0x3FB9]  }
0x3d: {  	_ =	shalt  }
0x3e: {  	_ =	shalt  }
0x3f: {  	_ =	shalt  }
0x40: {  	_ =	shalt  }
0x41: {  	_ =	shalt  }
0x42: {  	_ =	shalt  }
0x43: {  	_ =	shalt  }
0x44: {  	_ =	shalt  }
0x45: {  	_ =	shalt  }
0x46: {  	_ =	shalt  }
0x47: {  	_ =	shalt  }
0x48: {  	_ =	shalt  }
0x49: {  	_ =	shalt  }
0x4a: {  	_ =	shalt  }
0x4b: {  	_ =	shalt  }
0x4c: {  	_ =	shalt  }
0x4d: {  	_ =	shalt  }
0x4e: {  	_ =	shalt  }
0x4f: {  	_ =	shalt  }
0x50: {  	_ =	shalt  }
0x51: {  	_ =	shalt  }
0x52: {  	_ =	shalt  }
0x53: {  	_ =	shalt  }
0x54: {  	_ =	shalt  }
0x55: {  	_ =	shalt  }
0x56: {  	_ =	shalt  }
0x57: {  	_ =	shalt  }
0x58: {  	_ =	shalt  }
0x59: {  	_ =	shalt  }
0x5a: {  	_ =	shalt  }
0x5b: {  	_ =	shalt  }
0x5c: {  	_ =	shalt  }
0x5d: {  	_ =	shalt  }
0x5e: {  	_ =	shalt  }
0x5f: {  	_ =	shalt  }
0x60: {  	_ =	shalt  }
0x61: {  	_ =	shalt  }
0x62: {  	_ =	shalt  }
0x63: {  	_ =	shalt  }
0x64: {  	_ =	shalt  }
0x65: {  	_ =	shalt  }
0x66: {  	_ =	shalt  }
0x67: {  	_ =	shalt  }
0x68: {  	_ =	shalt  }
0x69: {  	_ =	shalt  }
0x6a: {  	_ =	shalt  }
0x6b: {  	_ =	shalt  }
0x6c: {  	_ =	shalt  }
0x6d: {  	_ =	shalt  }
0x6e: {  	_ =	shalt  }
0x6f: {  	_ =	shalt  }
0x70: {  	_ =	shalt  }
0x71: {  	_ =	shalt  }
0x72: {  	_ =	shalt  }
0x73: {  	_ =	shalt  }
0x74: {  	_ =	shalt  }
0x75: {  	_ =	shalt  }
0x76: {  	_ =	shalt  }
0x77: {  	_ =	shalt  }
0x78: {  	_ =	shalt  }
0x79: {  	_ =	shalt  }
0x7a: {  	_ =	shalt  }
0x7b: {  	_ =	shalt  }
0x7c: {  	_ =	shalt  }
0x7d: {  	_ =	shalt  }
0x7e: {  	_ =	shalt  }
0x7f: {  	_ =	shalt  }
0x80: {  	_ =	shalt  }
0x81: {  	_ =	shalt  }
0x82: {  	_ =	shalt  }
0x83: {  	_ =	shalt  }
0x84: {  	_ =	shalt  }
0x85: {  	_ =	shalt  }
0x86: {  	_ =	shalt  }
0x87: {  	_ =	shalt  }
.Lfunc_end0:
.L_simem_size_0:
called_computation.2_lowered:
.L_overlay_start_0:
0x88: {  	s2 =	sld [smem:$0x3FD9]  }
0x89: {  	s3 =	sld [smem:$0x3FFE];
	_ =	sdelay $0x1  }
0x8a: {  	s1 =	srdreg.scid  }
0x8b: {  	s0 =	sand.u32 $0x1, s1  }
0x8c: {  	s17 =	sshll.u32 s0, $0xA;
	s2 =	sadd.s32 s3, s2  }
0x8d: {  	s2 =	sadd.s32 s2, s17  }
0x8e: {  	[smem:$0x3FC5] =	sst s2  }
0x8f: {  	_ = 	snop  }
0x90: {  	s2 =	sld [smem:$0x3FD0];
	(tm) =	ssettm $0x1  }
0x91: {  	s18 =	sld [smem:$0x3FFB];
	_ =	sdelay $0x3  }
0x92: {  	_ =	strace s18  }
0x93: {  	s3 =	sld [smem:$0x3FFC];
	_ =	sdelay $0x3  }
0x94: {  	_ =	strace s3  }
0x95: {  	s3 =	sld [smem:$0x3FFD];
	_ =	sdelay $0x3  }
0x96: {  	_ =	strace s3  }
0x97: {  	_ =	strace $0x8FFFFFFF  }
0x98: {  	s19 =	sld [smem:$0x3FDB];
	_ =	sdelay $0x1  }
0x99: {  	s4 =	simm.s32 $_scs_section_size  }
0x9a: {  	s5 =	simm.s32 $_size__tile_overlayer_lowered;
	s6 =	simm.s32 $_tile_overlayer_lowered  }
0x9b: {  	s22 =	simm.s32 $0x1BFF;
	s21 =	sshll.u32 s6, $0x1;
	s3 =	sadd.s32 s4, s19  }
0x9c: {  	s7 =	simm.s32 $0x0;
	s20 =	sshll.u32 s5, $0x1;
	s5 =	sadd.s32 s21, s3  }
0x9d: {  	[timem:s7], [sflag:s22] =	dma.local [hbm:s5], s20  }
0x9e: {  	_ =	swait.ge [sflag:s22], s20  }
0x9f: {  	s4 =	ssub.s32 $0x0, s20;
	[sflag:s22] =	ssyncset.done $0x0  }
0xa0: {  	[sflag:s22] =	ssyncadd.s32 s4;
	_ =	sdelay $0x1  }
0xa1: {  	s23 =	simm.s32 $0x1B8B  }
0xa2: {  	_ =	swait.ge [sflag:s23], $0x1  }
0xa3: {  	[sflag:s23] =	ssyncset.done $0x0  }
0xa4: {  	s25 =	simm.s32 $0x1B8E;
	s24 =	sld [smem:$0x3FFE];
	[sflag:s23] =	ssyncadd.s32 $0xFFFFFFFF  }
0xa5: {  	s26 =	simm.s32 $execute0_lowered;
	[smem:$0x3FD2] =	sst s25  }
0xa6: {  	s5 =	sshll.u32 s26, $0x1;
	_ =	strace $0x8000004C;
	[dreg:$0x1] =	wrdreg $0xFFFFFFFF  }
0xa7: {  	s28 =	simm.s32 $_size_execute0_lowered;
	s3 =	sadd.s32 s3, s5;
	[dreg:$0x0] =	wrdreg $0x0  }
0xa8: {  	s5 =	sshll.u32 s28, $0x1;
	[dreg:$0x2] =	wrdreg s3  }
0xa9: {  	[dreg:$0x3] =	wrdreg s5  }
0xaa: {  	[dreg:$0x4] =	wrdreg $0xC0  }
0xab: {  	_ =	task [dreg:s7], $0x5FFFF  }
0xac: {  	[dreg:$0x1] =	wrdreg $0xFFFFFFFF  }
0xad: {  	[dreg:$0x0] =	wrdreg $0x60  }
0xae: {  	[dreg:$0x2] =	wrdreg s2  }
0xaf: {  	[dreg:$0x3] =	wrdreg s24  }
0xb0: {  	[dreg:$0x4] =	wrdreg $0xB8000  }
0xb1: {  	[dreg:$0x5] =	wrdreg $0x9  }
0xb2: {  	_ =	task.clear_ibuf [dreg:s7], $0x6FFFF;
	_ =	strace $0x9000004C  }
0xb3: {  	s29 =	simm.s32 $0x9;
	_ =	strace $0x8000004E  }
0xb4: {  	_ =	swait.ge [sflag:s29], $0x1  }
0xb5: {  	[sflag:s29] =	ssyncadd.s32 $0xFFFFFFFF  }
0xb6: {  	_ =	strace $0x9000004E  }
0xb7: {  	_ =	sfence  }
0xb8: {  	s30 =	sld [smem:$0x0];
	_ =	sdelay $0x2  }
0xb9: {  	s31 =	sshll.u32 s1, $0xD;
	s1 =	sshrl.u32 s1, $0x2  }
0xba: {  	s3 =	sand.u32 $0x4000, s31;
	s1 =	sadd.s32 s1, s30  }
0xbb: {  	s0 =	sor.u32 s3, s0;
	s1 =	sshll.u32 s1, $0x11  }
0xbc: {  	s0 =	sor.u32 s1, s0  }
0xbd: {  	s0 =	sadd.s32 $0x8F2B, s0  }
0xbe: {  	[sflag:s0] =	ssyncadd.remote.s32 $0x1  }
0xbf: {  	_ =	sfence.sel $0xFFFF  }
0xc0: {  	[dreg:$0x0] =	wrdreg $0xFFFFFFFF;
	(pc) =	sbr.abs _section_cstart, $3  }
0xc1: {  	[dreg:$0x1] =	wrdreg $0xFFFFFFFF  }
0xc2: {  	_ =	task.clear_ibuf [dreg:s7], $0x2FFFF;
	_ =	strace $0x9FFFFFFF  }
0xc3: {  	(tm) =	ssettm $0x7FFFFFFF  }
tec
execute0_lowered:
.L_overlay_start_1:
0x0: {  	(tag) =	ssettag $0x1  }
0x1: {  	s1 =	rddreg [dreg:$0x0]  }
0x2: {  	s0 =	rddreg [dreg:$0x1];
	s2 =	srdreg.scid  }
0x3: {  	s21 =	stileid.u32;
	s3 =	rddreg [dreg:$0x2];
	s20 =	simm.s32 $0x2  }
0x4: {  	s22 =	simm.s32 $0x80;
	s24 =	simm.s32 $0x5000;
	s25 =	simm.s32 $0x7800  }
0x5: {  	s26 =	simm.s32 $0x1;
	s28 =	simm.s32 $0x0;
	s2 =	sand.u32 $0x1, s2  }
0x6: {  	s4 =	sshll.u32 s21, $0x1;
	s6 =	sshrl.u32 s21, $0x2;
	s8 =	smul.u32 $0x50000, s21  }
0x7: {  	s16 =	smul.u32 $0x14000, s21;
	s13 =	sadd.s32 $0x12C000, s3;
	s14 =	sadd.s32 $0x130000, s3  }
0x8: {  	s15 =	sadd.s32 $0x134000, s3;
	p0 =	seq.s32 s21, $0xF;
	s5 =	sor.u32 s2, s4  }
0x9: {  	s4 =	simm.s32 $0x0;
	s6 =	smul.u32 $0x14000, s6;
	s29 =	ssub.s32 $0x2, s2  }
0xa: {  	s2 =	smul.u32 $0x138800, s2;
	s7 =	sshll.u32 s5, $0x7;
	[smem:$0x7FF] =	sst s4  }
0xb: {  	s5 =	smul.u32 $0x500, s5;
	s30 =	sshrl.u32 s29, $0x1;
	s31 =	sshrl.u32 s8, $0x2  }
0xc: {  	s7 =	sand.u32 $0x380, s7;
	_ =	strace $0x8000004D;
	s19 =	ssub.s32 s29, s30  }
0xd: {  	s17 =	sadd.s32 s16, s2;
	s2 =	sshrl.u32 s2, $0x3;
	s16 =	sadd.s32 $0x138000, s3  }
0xe: {  	s6 =	sor.u32 s6, s7;
	s9 =	sadd.s32 s5, s0;
	s7 =	sadd.s32 s31, s3  }
0xf: {  	s17 =	sshrl.u32 s17, $0x3;
	s19 =	smax.u32 s19, $0x1;
	s6 =	sshrl.u32 s6, $0x3  }
0x10: {  	s5 =	sadd.s32 $0xB800, s9;
	s11 =	sadd.s32 $0xC000, s7;
	s12 =	sadd.s32 $0x10000, s7  }
0x11: {  	s10 =	sadd.s32 s6, s0;
	s0 =	sadd.s32 $0x1F800, s0;
	s6 =	sadd.s32 $0x15800, s9  }
0x12: {  	s9 =	sadd.s32 $0x4000, s7;
	s8 =	sadd.s32 $0x1800, s10;
	s2 =	sadd.s32 s0, s2  }
0x13: {  	v0 =	vimm.f32 $0.0e+00;
	s10 =	sadd.s32 $0x8000, s7;
	s17 =	sadd.s32 s0, s17;
	s18 =	sadd.s32 $0x25800, s2  }
.LBB2_1:
0x14: {  	[tilespmem:s4], [sflag:$0x2] =	stream.linear.gather [hbm4b:s5+s4], $0x2800, $0x38;
	[tilespmem:$0x1F080] =	vst v63  }
0x15: {  	_ =	swait.ge [sflag:s20], $0x2800  }
0x16: {  	[sflag:s20] =	ssyncset.done $0x0  }
0x17: {  	s0 =	simm.s32 $0x2800;
	[sflag:s20] =	ssyncadd.s32 $0xFFFFD800  }
0x18: {  	[tilespmem:s0], [sflag:$0x2] =	stream.linear.gather [hbm4b:s6+s4], $0x2800, $0x38;
	[tilespmem:$0x1F080] =	vst v63  }
0x19: {  	_ =	swait.ge [sflag:s20], $0x2800  }
0x1a: {  	[sflag:s20] =	ssyncset.done $0x0  }
0x1b: {  	s31 =	simm.s32 $0x400;
	[sflag:s20] =	ssyncadd.s32 $0xFFFFD800  }
0x1c: {  	[tilespmem:s24], [sflag:$0x2] =	stream.strided.gather [hbm4b:s8+s22], $0x2800, s31, s22, $0x38;
	[tilespmem:$0x1F080] =	vst v63  }
0x1d: {  	_ =	swait.ge [sflag:s20], $0x2800  }
0x1e: {  	[sflag:s20] =	ssyncset.done $0x0  }
0x1f: {  	s2 =	simm.s32 $0x200;
	s0 =	simm.s32 $0x0;
	[sflag:s20] =	ssyncadd.s32 $0xFFFFD800  }
.LBB2_2:
0x20: {  	p1 =	sne.s32 s2, $0xFE00;
	[tilespmem:s0+$0x7870] =	vst v0  }
0x21: {  	[tilespmem:s0+$0x7800] =	vst v0  }
0x22: {  	[tilespmem:s0+$0x7810] =	vst v0  }
.Ltmp0:
0x23: {  	[tilespmem:s0+$0x7820] =	vst v0;
	(pc) =	sbr.rel @p1 .LBB2_2-.Ltmp0, $4  }
0x24: {  	[tilespmem:s0+$0x7830] =	vst v0  }
0x25: {  	[tilespmem:s0+$0x7840] =	vst v0  }
0x26: {  	[tilespmem:s0+$0x7850] =	vst v0  }
0x27: {  	[tilespmem:s0+$0x7860] =	vst v0;
	s0 =	sshra.s32 s2, $0x2;
	s2 =	sadd.s32 $0x200, s2  }
0x28: {  	[tilespmem:s0+$0x7870] =	vst v0  }
0x29: {  	[tilespmem:s0+$0x7800] =	vst v0  }
0x2a: {  	[tilespmem:s0+$0x7810] =	vst v0  }
0x2b: {  	[tilespmem:s0+$0x7820] =	vst v0  }
0x2c: {  	[tilespmem:s0+$0x7830] =	vst v0  }
0x2d: {  	[tilespmem:s0+$0x7840] =	vst v0  }
0x2e: {  	[tilespmem:s0+$0x7850] =	vst v0  }
0x2f: {  	[tilespmem:s0+$0x7860] =	vst v0;
	s0 =	simm.s32 @p0 $0x7800;
	s2 =	simm.s32 @p0 $0x2  }
0x30: {  	[spmem:s13] =	stream.linear.scatter @p0 [tilespmem:s0], [sflag:$0x2], $0x4000, $0x38;
	[tilespmem:$0x1F080] =	vst v63  }
0x31: {  	_ =	swait.ge @p0 [sflag:s2], $0x4000  }
0x32: {  	[sflag:s2] =	ssyncset.done @p0 $0x0  }
0x33: {  	[sflag:s2] =	ssyncadd.s32 @p0 $0xFFFFC000  }
0x34: {  	[spmem:s14] =	stream.linear.scatter @p0 [tilespmem:s0], [sflag:$0x2], $0x4000, $0x38;
	[tilespmem:$0x1F080] =	vst v63  }
0x35: {  	_ =	swait.ge @p0 [sflag:s2], $0x4000  }
0x36: {  	[sflag:s2] =	ssyncset.done @p0 $0x0  }
0x37: {  	[sflag:s2] =	ssyncadd.s32 @p0 $0xFFFFC000  }
0x38: {  	[spmem:s15] =	stream.linear.scatter @p0 [tilespmem:s0], [sflag:$0x2], $0x4000, $0x38;
	[tilespmem:$0x1F080] =	vst v63  }
0x39: {  	_ =	swait.ge @p0 [sflag:s2], $0x4000  }
0x3a: {  	[sflag:s2] =	ssyncset.done @p0 $0x0  }
0x3b: {  	[sflag:s2] =	ssyncadd.s32 @p0 $0xFFFFC000  }
0x3c: {  	[spmem:s16] =	stream.linear.scatter @p0 [tilespmem:s0], [sflag:$0x2], $0x800, $0x38;
	[tilespmem:$0x1F080] =	vst v63  }
0x3d: {  	_ =	swait.ge @p0 [sflag:s2], $0x800  }
0x3e: {  	[sflag:s2] =	ssyncset.done @p0 $0x0  }
0x3f: {  	s0 =	simm.s32 @!p0 $0x7800;
	[sflag:s2] =	ssyncadd.s32 @p0 $0xFFFFF800;
	s2 =	simm.s32 @!p0 $0x2  }
0x40: {  	[spmem:s7] =	stream.linear.scatter @!p0 [tilespmem:s0], [sflag:$0x2], $0x4000, $0x38;
	[tilespmem:$0x1F080] =	vst v63  }
0x41: {  	_ =	swait.ge @!p0 [sflag:s2], $0x4000  }
0x42: {  	[sflag:s2] =	ssyncset.done @!p0 $0x0  }
0x43: {  	[sflag:s2] =	ssyncadd.s32 @!p0 $0xFFFFC000  }
0x44: {  	[spmem:s9] =	stream.linear.scatter @!p0 [tilespmem:s0], [sflag:$0x2], $0x4000, $0x38;
	[tilespmem:$0x1F080] =	vst v63  }
0x45: {  	_ =	swait.ge @!p0 [sflag:s2], $0x4000  }
0x46: {  	[sflag:s2] =	ssyncset.done @!p0 $0x0  }
0x47: {  	[sflag:s2] =	ssyncadd.s32 @!p0 $0xFFFFC000  }
0x48: {  	[spmem:s10] =	stream.linear.scatter @!p0 [tilespmem:s0], [sflag:$0x2], $0x4000, $0x38;
	[tilespmem:$0x1F080] =	vst v63  }
0x49: {  	_ =	swait.ge @!p0 [sflag:s2], $0x4000  }
0x4a: {  	[sflag:s2] =	ssyncset.done @!p0 $0x0  }
0x4b: {  	[sflag:s2] =	ssyncadd.s32 @!p0 $0xFFFFC000  }
0x4c: {  	[spmem:s11] =	stream.linear.scatter @!p0 [tilespmem:s0], [sflag:$0x2], $0x4000, $0x38;
	[tilespmem:$0x1F080] =	vst v63  }
0x4d: {  	_ =	swait.ge @!p0 [sflag:s2], $0x4000  }
0x4e: {  	[sflag:s2] =	ssyncset.done @!p0 $0x0  }
0x4f: {  	[sflag:s2] =	ssyncadd.s32 @!p0 $0xFFFFC000  }
0x50: {  	[spmem:s12] =	stream.linear.scatter @!p0 [tilespmem:s0], [sflag:$0x2], $0x4000, $0x38;
	[tilespmem:$0x1F080] =	vst v63  }
0x51: {  	_ =	swait.ge @!p0 [sflag:s2], $0x4000  }
0x52: {  	[sflag:s2] =	ssyncset.done @!p0 $0x0  }
0x53: {  	[sflag:s2] =	ssyncadd.s32 @!p0 $0xFFFFC000  }
0x54: {  	s29 =	simm.s32 $0x0;
	s30 =	simm.s32 $0x0;
	[bflag:$0x0] =	sbarrier.arrive $0xFFFF  }
.LBB2_4:
0x55: {  	s31 =	sshll.u32 s30, $0x7  }
0x56: {  	[tilespmem:s25], [sflag:$0x1] =	stream.indirect.gather [hbm4b:s1+s22], $0x80, s31, s22, $0xb8;
	[tilespmem:$0x1F080] =	vst v63  }
0x57: {  	s0 =	sadd.s32 $0x0, s29;
	_ =	swait.ge [sflag:s26], $0x4000  }
0x58: {  	v1 =	vmov s0;
	[sflag:s26] =	ssyncset.done $0x0  }
0x59: {  	s2 =	simm.s32 $0x7840;
	[sflag:s26] =	ssyncadd.s32 $0xFFFFC000  }
0x5a: {  	v5 =	vld [tilespmem:s2+$0x30]  }
0x5b: {  	v8 =	vld [tilespmem:s2+$0x10]  }
0x5c: {  	v6 =	vld [tilespmem:s2+$0xFFFFFFC0]  }
0x5d: {  	v2 =	vld.idx.msk [tilespmem:v1+s24+$0x0], $0xffff  }
0x5e: {  	v10 =	vld [tilespmem:s2+$0xFFFFFFE0]  }
0x5f: {  	v3 =	vld [tilespmem:s2+$0x20]  }
0x60: {  	v4 =	vld [tilespmem:s2+$0xFFFFFFD0]  }
0x61: {  	v1 =	vld [tilespmem:s2+$0xFFFFFFF0]  }
0x62: {  	v9 =	vmul.f32 v5, v2;
	v5 =	vld [tilespmem:s2+$0x0]  }
0x63: {  	v7 =	vmul.f32 v6, v2  }
0x64: {  	s21 =	simm.s32 $0x7840;
	s0 =	simm.s32 $0x1;
	v6 =	vmul.f32 v10, v2;
	v8 =	vmul.f32 v8, v2  }
.LBB2_5:
0x65: {  	p1 =	sne.s32 s0, $0x7F  }
0x66: {  	v4 =	vmul.f32 v4, v2;
	v3 =	vmul.f32 v3, v2;
	[tilespmem:s2+$0x30] =	vst v9;
	s21 =	sadd.s32 $0x80, s21;
	s23 =	smov.u32 s0;
	s0 =	sadd.s32 $0x1, s0  }
0x67: {  	[tilespmem:s2+$0xFFFFFFC0] =	vst v7;
	v7 =	vmul.f32 v1, v2;
	v2 =	vmul.f32 v5, v2  }
0x68: {  	s23 =	sadd.s32 s23, s29;
	[tilespmem:s2+$0x10] =	vst v8  }
0x69: {  	v5 =	vmov s23;
	[tilespmem:s2+$0xFFFFFFE0] =	vst v6  }
0x6a: {  	v1 =	vld [tilespmem:s21+$0xFFFFFFF0];
	[tilespmem:s2+$0xFFFFFFF0] =	vst v7  }
0x6b: {  	v6 =	vld [tilespmem:s21+$0x30];
	[tilespmem:s2+$0x0] =	vst v2  }
0x6c: {  	v8 =	vld [tilespmem:s21+$0x10];
	[tilespmem:s2+$0x20] =	vst v3  }
0x6d: {  	v7 =	vld [tilespmem:s21+$0xFFFFFFC0];
	[tilespmem:s2+$0xFFFFFFD0] =	vst v4;
	s2 =	smov.u32 s21  }
0x6e: {  	v2 =	vld.idx.msk [tilespmem:v5+s24+$0x0], $0xffff  }
0x6f: {  	v10 =	vld [tilespmem:s21+$0xFFFFFFE0]  }
0x70: {  	v3 =	vld [tilespmem:s21+$0x20]  }
.Ltmp1:
0x71: {  	v4 =	vld [tilespmem:s21+$0xFFFFFFD0];
	(pc) =	sbr.rel @p1 .LBB2_5-.Ltmp1, $3  }
0x72: {  	v5 =	vld [tilespmem:s21+$0x0];
	_ =	sdelay $0x1  }
0x73: {  	v7 =	vmul.f32 v7, v2;
	v9 =	vmul.f32 v6, v2  }
0x74: {  	v8 =	vmul.f32 v8, v2;
	v6 =	vmul.f32 v10, v2  }
0x75: {  	[tilespmem:s2+$0x30] =	vst v9  }
0x76: {  	[tilespmem:s2+$0xFFFFFFC0] =	vst v7  }
0x77: {  	v1 =	vmul.f32 v1, v2;
	[tilespmem:s2+$0x10] =	vst v8  }
0x78: {  	v3 =	vmul.f32 v3, v2;
	[tilespmem:s2+$0xFFFFFFE0] =	vst v6  }
0x79: {  	v5 =	vmul.f32 v5, v2;
	[tilespmem:s2+$0xFFFFFFF0] =	vst v1  }
0x7a: {  	s30 =	sadd.s32 $0x1, s30;
	v1 =	vmul.f32 v4, v2;
	[tilespmem:s2+$0x20] =	vst v3  }
0x7b: {  	p1 =	sne.s32 s30, $0x50;
	[tilespmem:s2+$0x0] =	vst v5  }
.Ltmp2:
0x7c: {  	s0 =	sadd.s32 $0x2800, s31;
	[tilespmem:s2+$0xFFFFFFD0] =	vst v1;
	(pc) =	sbr.rel @p1 .LBB2_4-.Ltmp2, $4  }
0x7d: {  	[spmem:s3] =	stream.indirect.scatter.add.f32 [tilespmem:s25], [sflag:$0x2], $0x80, s0, s22, $0xb8;
	[tilespmem:$0x1F080] =	vst v63  }
0x7e: {  	_ =	swait.ge [sflag:s20], $0x4000  }
0x7f: {  	[sflag:s20] =	ssyncset.done $0x0  }
0x80: {  	s29 =	sadd.s32 $0x80, s29;
	[sflag:s20] =	ssyncadd.s32 $0xFFFFC000  }
0x81: {  	[bflag:$0x0] =	sbarrier.arrive $0xFFFF;
	s0 =	sshrl.u32 @p0 s13, $0x3;
	s2 =	simm.s32 @p0 $0x1FC2  }
0x82: {  	[hbm:s18], [sflag:s2] =	dma.local @p0 [spmem:s0], $0x1900  }
0x83: {  	s0 =	simm.s32 @p0 $0x2  }
0x84: {  	s28 =	sadd.s32 $0x1, s28;
	s2 =	stileid.u32;
	_ =	swait.ge @p0 [sflag:s0], $0x1900  }
0x85: {  	p1 =	sne.s32 s28, s19;
	s2 =	sshll.u32 @!p0 s2, $0x6;
	[sflag:s0] =	ssyncset.done @p0 $0x0  }
0x86: {  	[sflag:s0] =	ssyncadd.s32 @p0 $0xFFFFE700;
	s0 =	sor.u32 @!p0 $0x1C02, s2;
	s2 =	sshrl.u32 @!p0 s7, $0x3  }
0x87: {  	[hbm:s17], [sflag:s0] =	dma.local @!p0 [spmem:s2], $0x2800  }
.Ltmp3:
0x88: {  	_ = 	snop;
	(pc) =	sbr.rel @p1 .LBB2_1-.Ltmp3, $4  }
0x89: {  	s0 =	simm.s32 @!p0 $0x2  }
0x8a: {  	_ =	swait.ge @!p0 [sflag:s0], $0x2800  }
0x8b: {  	[sflag:s0] =	ssyncset.done @!p0 $0x0  }
0x8c: {  	[sflag:s0] =	ssyncadd.s32 @!p0 $0xFFFFD800  }
0x8d: {  	_ =	sfence.sel $0x180000  }
0x8e: {  	[bflag:$0x0] =	sbarrier.arrive $0xFFFF  }
0x8f: {  	_ =	strace $0x9000004D  }
0x90: {  	s0 =	stileid.u32;
	[bflag:$0x2] =	sbarrier.arrive $0xFFFF  }
0x91: {  	p0 =	sne.s32 s0, $0x0;
	s0 =	rddreg [dreg:$0x3]  }
0x92: {  	s0 =	sadd.s32 @!p0 $0x100000, s0  }
0x93: {  	[sflag:s0] =	ssyncadd.tile.s32 @!p0 $0x1;
	_ =	shalt  }
.Lfunc_end2:
_tile_overlayer_lowered:
.L_overlay_start_2:
0x94: {  	(tag) =	ssettag $0x2  }
0x95: {  	s0 =	rddreg [dreg:$0x0];
	s2 =	stileid.u32  }
0x96: {  	s1 =	rddreg [dreg:$0x1];
	p0 =	sne.s32 s2, $0x0  }
0x97: {  	s3 =	rddreg [dreg:$0x2];
	[bflag:$0x3] =	sbarrier.arrive $0xFFFF;
	s2 =	simm.s32 @!p0 $0x1C02  }
0x98: {  	[timem:s3], [sflag:s2] =	dma.local @!p0 [hbm:s0], s1  }
0x99: {  	s0 =	simm.s32 @!p0 $0x2  }
0x9a: {  	_ =	swait.ge @!p0 [sflag:s0], s1  }
0x9b: {  	s1 =	ssub.s32 @!p0 $0x0, s1;
	[sflag:s0] =	ssyncset.done @!p0 $0x0  }
0x9c: {  	[sflag:s0] =	ssyncadd.s32 @!p0 s1  }
0x9d: {  	[bflag:$0x3] =	sbarrier.arrive $0xFFFF  }
0x9e: {  	_ =	shalt  }

// kernel: kernel.16.cloned.1.call-start
scs
__scs_entry_jumppad:
0x0: {  	(pc) =	sbr.rel $0x88, $3  }
0x1: {  	(tag) =	ssettag $0x0;
	lr =	simm.s32 $0x1  }
0x2: {  	[smem:$0x3F9E] =	sst lr;
	_ =	strace $0xD0000000  }
0x3: {  	_ = 	snop  }
0x4: {  	_ = 	snop  }
0x5: {  	_ = 	snop  }
0x6: {  	_ = 	snop  }
0x7: {  	_ = 	snop  }
__scs_overlays_trampoline_lowered:
0x8: {  	[smem:$0x3FAD] =	sst s0  }
0x9: {  	[smem:$0x3FAE] =	sst s1  }
0xa: {  	[smem:$0x3FAF] =	sst s2  }
0xb: {  	[smem:$0x3FB0] =	sst s3  }
0xc: {  	[smem:$0x3FB1] =	sst s4  }
0xd: {  	[smem:$0x3FB2] =	sst s5  }
0xe: {  	[smem:$0x3FB3] =	sst s6  }
0xf: {  	[smem:$0x3FB4] =	sst s7  }
0x10: {  	[smem:$0x3FB5] =	sst s8  }
0x11: {  	[smem:$0x3FB6] =	sst s9;
	s0 =	simm.s32 @!p0 $0x0  }
0x12: {  	s1 =	sld [smem:$0x3F9C];
	s0 =	simm.s32 @p0 $0x1  }
0x13: {  	[smem:$0x3FB7] =	sst s0;
	s0 =	simm.s32 @!p1 $0x0  }
0x14: {  	s2 =	sld [smem:$0x3F9B];
	s0 =	simm.s32 @p1 $0x1  }
0x15: {  	[smem:$0x3FB8] =	sst s0;
	s0 =	simm.s32 @!p2 $0x0  }
0x16: {  	s3 =	sld [smem:$0x3FDB];
	s0 =	simm.s32 @p2 $0x1  }
0x17: {  	s4 =	simm.s32 $0x1BF5;
	[smem:$0x3FBA] =	sst s0  }
0x18: {  	s0 =	sld [smem:$0x3F9D];
	_ =	swait.ge [sflag:s4], $0x0  }
0x19: {  	s7 =	sld [smem:$0x3F9E]  }
0x1a: {  	s8 =	sadd.s32 $0xFFFFE003, lr  }
0x1b: {  	s9 =	sadd.s32 $0xFFFFFEF7, lr;
	s5 =	simm.s32 $0xFFFFFFFF;
	p2 =	slt.u32 s8, $0xFFFFF086  }
0x1c: {  	p1 =	slt.u32 s9, $0xF7A;
	s5 =	simm.s32 @!p2 $0x0  }
0x1d: {  	s5 =	simm.s32 @p1 $0x1;
	p0 =	seq.s32 s7, s2  }
0x1e: {  	s7 =	smul.u32 @!p0 $0xF7A, s2;
	p2 =	seq.s32 @!p0 s5, $0x0  }
0x1f: {  	s9 =	smul.u32 $0xF7A, s1;
	s8 =	simm.s32 @!p0 $0x1BF5;
	p2 =	por !p2, p0  }
0x20: {  	[sflag:s8] =	ssyncset.s32 @!p0 $0xFFFFF086;
	s6 =	sadd.s32 @!p0 s3, s7;
	s7 =	simm.s32 @!p0 $0x108  }
0x21: {  	s3 =	sadd.s32 s3, s9;
	s6 =	sadd.s32 @!p0 $0x88, s6;
	s7 =	simm.s32 @p2 $0x1082  }
0x22: {  	[simem:s7], [sflag:s8] =	dma.local @!p0 [hbm:s6], $0xF7A  }
0x23: {  	s9 =	sor.u32 $0xD0000000, s2;
	s6 =	simm.s32 $0x108;
	_ =	swait.ge @!p0 [sflag:s8], $0x0  }
0x24: {  	s3 =	sadd.s32 $0x88, s3;
	s6 =	simm.s32 @!p1 $0x1082;
	[sflag:s4] =	ssyncset.s32 $0xFFFFF086  }
0x25: {  	[simem:s6], [sflag:s4] =	dma.local [hbm:s3], $0xF7A  }
0x26: {  	[smem:$0x3F9E] =	sst s1;
	(tag) =	ssettag s2;
	_ =	strace s9  }
0x27: {  	s1 =	sld [smem:$0x3FAE]  }
0x28: {  	s2 =	sld [smem:$0x3FAF]  }
0x29: {  	s4 =	sld [smem:$0x3FB1]  }
0x2a: {  	p0 =	seq.s32 s5, $0x0;
	s5 =	sld [smem:$0x3FB2]  }
0x2b: {  	s6 =	sld [smem:$0x3FB3]  }
0x2c: {  	s7 =	sld [smem:$0x3FB4]  }
0x2d: {  	s3 =	simm.s32 $0x108;
	s8 =	sld [smem:$0x3FB5]  }
0x2e: {  	s3 =	simm.s32 @!p0 $0x1082;
	s9 =	sld [smem:$0x3FB6]  }
0x2f: {  	lr =	sadd.s32 s0, s3;
	s0 =	sld [smem:$0x3FAD]  }
0x30: {  	s3 =	sld [smem:$0x3FB0]  }
0x31: {  	[smem:$0x3FB9] =	sst s10  }
0x32: {  	s10 =	sld [smem:$0x3FB7];
	_ =	sdelay $0x3  }
0x33: {  	p0 =	seq.s32 s10, $0x1;
	s10 =	sld [smem:$0x3FB9];
	_ =	sdelay $0x3  }
0x34: {  	[smem:$0x3FB9] =	sst s10  }
0x35: {  	s10 =	sld [smem:$0x3FB8];
	_ =	sdelay $0x3  }
0x36: {  	p1 =	seq.s32 s10, $0x1;
	s10 =	sld [smem:$0x3FB9];
	_ =	sdelay $0x3  }
0x37: {  	[smem:$0x3FB9] =	sst s10  }
0x38: {  	s10 =	sld [smem:$0x3FBA]  }
0x39: {  	_ = 	snop;
	(pc) =	sbr.ind lr, $3  }
0x3a: {  	_ = 	snop  }
0x3b: {  	_ = 	snop  }
0x3c: {  	p2 =	seq.s32 s10, $0x1;
	s10 =	sld [smem:$0x3FB9]  }
0x3d: {  	_ =	shalt  }
0x3e: {  	_ =	shalt  }
0x3f: {  	_ =	shalt  }
0x40: {  	_ =	shalt  }
0x41: {  	_ =	shalt  }
0x42: {  	_ =	shalt  }
0x43: {  	_ =	shalt  }
0x44: {  	_ =	shalt  }
0x45: {  	_ =	shalt  }
0x46: {  	_ =	shalt  }
0x47: {  	_ =	shalt  }
0x48: {  	_ =	shalt  }
0x49: {  	_ =	shalt  }
0x4a: {  	_ =	shalt  }
0x4b: {  	_ =	shalt  }
0x4c: {  	_ =	shalt  }
0x4d: {  	_ =	shalt  }
0x4e: {  	_ =	shalt  }
0x4f: {  	_ =	shalt  }
0x50: {  	_ =	shalt  }
0x51: {  	_ =	shalt  }
0x52: {  	_ =	shalt  }
0x53: {  	_ =	shalt  }
0x54: {  	_ =	shalt  }
0x55: {  	_ =	shalt  }
0x56: {  	_ =	shalt  }
0x57: {  	_ =	shalt  }
0x58: {  	_ =	shalt  }
0x59: {  	_ =	shalt  }
0x5a: {  	_ =	shalt  }
0x5b: {  	_ =	shalt  }
0x5c: {  	_ =	shalt  }
0x5d: {  	_ =	shalt  }
0x5e: {  	_ =	shalt  }
0x5f: {  	_ =	shalt  }
0x60: {  	_ =	shalt  }
0x61: {  	_ =	shalt  }
0x62: {  	_ =	shalt  }
0x63: {  	_ =	shalt  }
0x64: {  	_ =	shalt  }
0x65: {  	_ =	shalt  }
0x66: {  	_ =	shalt  }
0x67: {  	_ =	shalt  }
0x68: {  	_ =	shalt  }
0x69: {  	_ =	shalt  }
0x6a: {  	_ =	shalt  }
0x6b: {  	_ =	shalt  }
0x6c: {  	_ =	shalt  }
0x6d: {  	_ =	shalt  }
0x6e: {  	_ =	shalt  }
0x6f: {  	_ =	shalt  }
0x70: {  	_ =	shalt  }
0x71: {  	_ =	shalt  }
0x72: {  	_ =	shalt  }
0x73: {  	_ =	shalt  }
0x74: {  	_ =	shalt  }
0x75: {  	_ =	shalt  }
0x76: {  	_ =	shalt  }
0x77: {  	_ =	shalt  }
0x78: {  	_ =	shalt  }
0x79: {  	_ =	shalt  }
0x7a: {  	_ =	shalt  }
0x7b: {  	_ =	shalt  }
0x7c: {  	_ =	shalt  }
0x7d: {  	_ =	shalt  }
0x7e: {  	_ =	shalt  }
0x7f: {  	_ =	shalt  }
0x80: {  	_ =	shalt  }
0x81: {  	_ =	shalt  }
0x82: {  	_ =	shalt  }
0x83: {  	_ =	shalt  }
0x84: {  	_ =	shalt  }
0x85: {  	_ =	shalt  }
0x86: {  	_ =	shalt  }
0x87: {  	_ =	shalt  }
.Lfunc_end0:
.L_simem_size_0:
called_computation.3_lowered:
.L_overlay_start_0:
0x88: {  	s2 =	sld [smem:$0x3FD9]  }
0x89: {  	s3 =	sld [smem:$0x3FFE];
	_ =	sdelay $0x1  }
0x8a: {  	s1 =	srdreg.scid  }
0x8b: {  	s0 =	sand.u32 $0x1, s1  }
0x8c: {  	s17 =	sshll.u32 s0, $0xA;
	s2 =	sadd.s32 s3, s2  }
0x8d: {  	s2 =	sadd.s32 s2, s17  }
0x8e: {  	[smem:$0x3FC5] =	sst s2  }
0x8f: {  	_ = 	snop  }
0x90: {  	s2 =	sld [smem:$0x3FD0];
	(tm) =	ssettm $0x1  }
0x91: {  	s18 =	sld [smem:$0x3FFB];
	_ =	sdelay $0x3  }
0x92: {  	_ =	strace s18  }
0x93: {  	s3 =	sld [smem:$0x3FFC];
	_ =	sdelay $0x3  }
0x94: {  	_ =	strace s3  }
0x95: {  	s3 =	sld [smem:$0x3FFD];
	_ =	sdelay $0x3  }
0x96: {  	_ =	strace s3  }
0x97: {  	_ =	strace $0x8FFFFFFF  }
0x98: {  	s19 =	sld [smem:$0x3FDB];
	_ =	sdelay $0x1  }
0x99: {  	s4 =	simm.s32 $_scs_section_size  }
0x9a: {  	s5 =	simm.s32 $_size__tile_overlayer_lowered;
	s6 =	simm.s32 $_tile_overlayer_lowered  }
0x9b: {  	s22 =	simm.s32 $0x1BFF;
	s21 =	sshll.u32 s6, $0x1;
	s3 =	sadd.s32 s4, s19  }
0x9c: {  	s7 =	simm.s32 $0x0;
	s20 =	sshll.u32 s5, $0x1;
	s5 =	sadd.s32 s21, s3  }
0x9d: {  	[timem:s7], [sflag:s22] =	dma.local [hbm:s5], s20  }
0x9e: {  	_ =	swait.ge [sflag:s22], s20  }
0x9f: {  	s4 =	ssub.s32 $0x0, s20;
	[sflag:s22] =	ssyncset.done $0x0  }
0xa0: {  	[sflag:s22] =	ssyncadd.s32 s4;
	_ =	sdelay $0x1  }
0xa1: {  	s23 =	simm.s32 $0x1B8B  }
0xa2: {  	_ =	swait.ge [sflag:s23], $0x1  }
0xa3: {  	[sflag:s23] =	ssyncset.done $0x0  }
0xa4: {  	s25 =	simm.s32 $0x1B8E;
	s24 =	sld [smem:$0x3FFE];
	[sflag:s23] =	ssyncadd.s32 $0xFFFFFFFF  }
0xa5: {  	s26 =	simm.s32 $execute0_lowered;
	[smem:$0x3FD2] =	sst s25  }
0xa6: {  	s5 =	sshll.u32 s26, $0x1;
	_ =	strace $0x8000004F;
	[dreg:$0x1] =	wrdreg $0xFFFFFFFF  }
0xa7: {  	s28 =	simm.s32 $_size_execute0_lowered;
	s3 =	sadd.s32 s3, s5;
	[dreg:$0x0] =	wrdreg $0x0  }
0xa8: {  	s5 =	sshll.u32 s28, $0x1;
	[dreg:$0x2] =	wrdreg s3  }
0xa9: {  	[dreg:$0x3] =	wrdreg s5  }
0xaa: {  	[dreg:$0x4] =	wrdreg $0xC0  }
0xab: {  	_ =	task [dreg:s7], $0x5FFFF  }
0xac: {  	[dreg:$0x1] =	wrdreg $0xFFFFFFFF  }
0xad: {  	[dreg:$0x0] =	wrdreg $0x60  }
0xae: {  	[dreg:$0x2] =	wrdreg s2  }
0xaf: {  	[dreg:$0x3] =	wrdreg s24  }
0xb0: {  	[dreg:$0x4] =	wrdreg $0xB8000  }
0xb1: {  	[dreg:$0x5] =	wrdreg $0x9  }
0xb2: {  	_ =	task.clear_ibuf [dreg:s7], $0x6FFFF;
	_ =	strace $0x9000004F  }
0xb3: {  	s29 =	simm.s32 $0x9;
	_ =	strace $0x80000051  }
0xb4: {  	_ =	swait.ge [sflag:s29], $0x1  }
0xb5: {  	[sflag:s29] =	ssyncadd.s32 $0xFFFFFFFF  }
0xb6: {  	_ =	strace $0x90000051  }
0xb7: {  	_ =	sfence  }
0xb8: {  	s30 =	sld [smem:$0x0];
	_ =	sdelay $0x2  }
0xb9: {  	s31 =	sshll.u32 s1, $0xD;
	s1 =	sshrl.u32 s1, $0x2  }
0xba: {  	s3 =	sand.u32 $0x4000, s31;
	s1 =	sadd.s32 s1, s30  }
0xbb: {  	s0 =	sor.u32 s3, s0;
	s1 =	sshll.u32 s1, $0x11  }
0xbc: {  	s0 =	sor.u32 s1, s0  }
0xbd: {  	s0 =	sadd.s32 $0x8F2B, s0  }
0xbe: {  	[sflag:s0] =	ssyncadd.remote.s32 $0x1  }
0xbf: {  	_ =	sfence.sel $0xFFFF  }
0xc0: {  	[dreg:$0x0] =	wrdreg $0xFFFFFFFF;
	(pc) =	sbr.abs _section_cstart, $3  }
0xc1: {  	[dreg:$0x1] =	wrdreg $0xFFFFFFFF  }
0xc2: {  	_ =	task.clear_ibuf [dreg:s7], $0x2FFFF;
	_ =	strace $0x9FFFFFFF  }
0xc3: {  	(tm) =	ssettm $0x7FFFFFFF  }
tec
execute0_lowered:
.L_overlay_start_1:
0x0: {  	(tag) =	ssettag $0x1  }
0x1: {  	s1 =	rddreg [dreg:$0x0]  }
0x2: {  	s0 =	rddreg [dreg:$0x1];
	s2 =	srdreg.scid  }
0x3: {  	s21 =	stileid.u32;
	s3 =	rddreg [dreg:$0x2];
	s20 =	simm.s32 $0x2  }
0x4: {  	s22 =	simm.s32 $0x80;
	s24 =	simm.s32 $0x5000;
	s25 =	simm.s32 $0x7800  }
0x5: {  	s26 =	simm.s32 $0x1;
	s28 =	simm.s32 $0x0;
	s2 =	sand.u32 $0x1, s2  }
0x6: {  	s4 =	sshll.u32 s21, $0x1;
	s6 =	sshrl.u32 s21, $0x2;
	s8 =	smul.u32 $0x50000, s21  }
0x7: {  	s16 =	smul.u32 $0x14000, s21;
	s13 =	sadd.s32 $0x12C000, s3;
	s14 =	sadd.s32 $0x130000, s3  }
0x8: {  	s15 =	sadd.s32 $0x134000, s3;
	p0 =	seq.s32 s21, $0xF;
	s5 =	sor.u32 s2, s4  }
0x9: {  	s4 =	simm.s32 $0x0;
	s6 =	smul.u32 $0x14000, s6;
	s29 =	ssub.s32 $0x2, s2  }
0xa: {  	s2 =	smul.u32 $0x138800, s2;
	s7 =	sshll.u32 s5, $0x7;
	[smem:$0x7FF] =	sst s4  }
0xb: {  	s5 =	smul.u32 $0x500, s5;
	s30 =	sshrl.u32 s29, $0x1;
	s31 =	sshrl.u32 s8, $0x2  }
0xc: {  	s7 =	sand.u32 $0x380, s7;
	_ =	strace $0x80000050;
	s19 =	ssub.s32 s29, s30  }
0xd: {  	s17 =	sadd.s32 s16, s2;
	s2 =	sshrl.u32 s2, $0x3;
	s16 =	sadd.s32 $0x138000, s3  }
0xe: {  	s6 =	sor.u32 s6, s7;
	s9 =	sadd.s32 s5, s0;
	s7 =	sadd.s32 s31, s3  }
0xf: {  	s17 =	sshrl.u32 s17, $0x3;
	s19 =	smax.u32 s19, $0x1;
	s6 =	sshrl.u32 s6, $0x3  }
0x10: {  	s5 =	sadd.s32 $0xB800, s9;
	s11 =	sadd.s32 $0xC000, s7;
	s12 =	sadd.s32 $0x10000, s7  }
0x11: {  	s10 =	sadd.s32 s6, s0;
	s0 =	sadd.s32 $0x1F800, s0;
	s6 =	sadd.s32 $0x15800, s9  }
0x12: {  	s9 =	sadd.s32 $0x4000, s7;
	s8 =	sadd.s32 $0x1800, s10;
	s2 =	sadd.s32 s0, s2  }
0x13: {  	v0 =	vimm.f32 $0.0e+00;
	s10 =	sadd.s32 $0x8000, s7;
	s17 =	sadd.s32 s0, s17;
	s18 =	sadd.s32 $0x25800, s2  }
.LBB2_1:
0x14: {  	[tilespmem:s4], [sflag:$0x2] =	stream.linear.gather [hbm4b:s5+s4], $0x2800, $0x38;
	[tilespmem:$0x1F080] =	vst v63  }
0x15: {  	_ =	swait.ge [sflag:s20], $0x2800  }
0x16: {  	[sflag:s20] =	ssyncset.done $0x0  }
0x17: {  	s0 =	simm.s32 $0x2800;
	[sflag:s20] =	ssyncadd.s32 $0xFFFFD800  }
0x18: {  	[tilespmem:s0], [sflag:$0x2] =	stream.linear.gather [hbm4b:s6+s4], $0x2800, $0x38;
	[tilespmem:$0x1F080] =	vst v63  }
0x19: {  	_ =	swait.ge [sflag:s20], $0x2800  }
0x1a: {  	[sflag:s20] =	ssyncset.done $0x0  }
0x1b: {  	s31 =	simm.s32 $0x400;
	[sflag:s20] =	ssyncadd.s32 $0xFFFFD800  }
0x1c: {  	[tilespmem:s24], [sflag:$0x2] =	stream.strided.gather [hbm4b:s8+s22], $0x2800, s31, s22, $0x38;
	[tilespmem:$0x1F080] =	vst v63  }
0x1d: {  	_ =	swait.ge [sflag:s20], $0x2800  }
0x1e: {  	[sflag:s20] =	ssyncset.done $0x0  }
0x1f: {  	s2 =	simm.s32 $0x200;
	s0 =	simm.s32 $0x0;
	[sflag:s20] =	ssyncadd.s32 $0xFFFFD800  }
.LBB2_2:
0x20: {  	p1 =	sne.s32 s2, $0xFE00;
	[tilespmem:s0+$0x7870] =	vst v0  }
0x21: {  	[tilespmem:s0+$0x7800] =	vst v0  }
0x22: {  	[tilespmem:s0+$0x7810] =	vst v0  }
.Ltmp0:
0x23: {  	[tilespmem:s0+$0x7820] =	vst v0;
	(pc) =	sbr.rel @p1 .LBB2_2-.Ltmp0, $4  }
0x24: {  	[tilespmem:s0+$0x7830] =	vst v0  }
0x25: {  	[tilespmem:s0+$0x7840] =	vst v0  }
0x26: {  	[tilespmem:s0+$0x7850] =	vst v0  }
0x27: {  	[tilespmem:s0+$0x7860] =	vst v0;
	s0 =	sshra.s32 s2, $0x2;
	s2 =	sadd.s32 $0x200, s2  }
0x28: {  	[tilespmem:s0+$0x7870] =	vst v0  }
0x29: {  	[tilespmem:s0+$0x7800] =	vst v0  }
0x2a: {  	[tilespmem:s0+$0x7810] =	vst v0  }
0x2b: {  	[tilespmem:s0+$0x7820] =	vst v0  }
0x2c: {  	[tilespmem:s0+$0x7830] =	vst v0  }
0x2d: {  	[tilespmem:s0+$0x7840] =	vst v0  }
0x2e: {  	[tilespmem:s0+$0x7850] =	vst v0  }
0x2f: {  	[tilespmem:s0+$0x7860] =	vst v0;
	s0 =	simm.s32 @p0 $0x7800;
	s2 =	simm.s32 @p0 $0x2  }
0x30: {  	[spmem:s13] =	stream.linear.scatter @p0 [tilespmem:s0], [sflag:$0x2], $0x4000, $0x38;
	[tilespmem:$0x1F080] =	vst v63  }
0x31: {  	_ =	swait.ge @p0 [sflag:s2], $0x4000  }
0x32: {  	[sflag:s2] =	ssyncset.done @p0 $0x0  }
0x33: {  	[sflag:s2] =	ssyncadd.s32 @p0 $0xFFFFC000  }
0x34: {  	[spmem:s14] =	stream.linear.scatter @p0 [tilespmem:s0], [sflag:$0x2], $0x4000, $0x38;
	[tilespmem:$0x1F080] =	vst v63  }
0x35: {  	_ =	swait.ge @p0 [sflag:s2], $0x4000  }
0x36: {  	[sflag:s2] =	ssyncset.done @p0 $0x0  }
0x37: {  	[sflag:s2] =	ssyncadd.s32 @p0 $0xFFFFC000  }
0x38: {  	[spmem:s15] =	stream.linear.scatter @p0 [tilespmem:s0], [sflag:$0x2], $0x4000, $0x38;
	[tilespmem:$0x1F080] =	vst v63  }
0x39: {  	_ =	swait.ge @p0 [sflag:s2], $0x4000  }
0x3a: {  	[sflag:s2] =	ssyncset.done @p0 $0x0  }
0x3b: {  	[sflag:s2] =	ssyncadd.s32 @p0 $0xFFFFC000  }
0x3c: {  	[spmem:s16] =	stream.linear.scatter @p0 [tilespmem:s0], [sflag:$0x2], $0x800, $0x38;
	[tilespmem:$0x1F080] =	vst v63  }
0x3d: {  	_ =	swait.ge @p0 [sflag:s2], $0x800  }
0x3e: {  	[sflag:s2] =	ssyncset.done @p0 $0x0  }
0x3f: {  	s0 =	simm.s32 @!p0 $0x7800;
	[sflag:s2] =	ssyncadd.s32 @p0 $0xFFFFF800;
	s2 =	simm.s32 @!p0 $0x2  }
0x40: {  	[spmem:s7] =	stream.linear.scatter @!p0 [tilespmem:s0], [sflag:$0x2], $0x4000, $0x38;
	[tilespmem:$0x1F080] =	vst v63  }
0x41: {  	_ =	swait.ge @!p0 [sflag:s2], $0x4000  }
0x42: {  	[sflag:s2] =	ssyncset.done @!p0 $0x0  }
0x43: {  	[sflag:s2] =	ssyncadd.s32 @!p0 $0xFFFFC000  }
0x44: {  	[spmem:s9] =	stream.linear.scatter @!p0 [tilespmem:s0], [sflag:$0x2], $0x4000, $0x38;
	[tilespmem:$0x1F080] =	vst v63  }
0x45: {  	_ =	swait.ge @!p0 [sflag:s2], $0x4000  }
0x46: {  	[sflag:s2] =	ssyncset.done @!p0 $0x0  }
0x47: {  	[sflag:s2] =	ssyncadd.s32 @!p0 $0xFFFFC000  }
0x48: {  	[spmem:s10] =	stream.linear.scatter @!p0 [tilespmem:s0], [sflag:$0x2], $0x4000, $0x38;
	[tilespmem:$0x1F080] =	vst v63  }
0x49: {  	_ =	swait.ge @!p0 [sflag:s2], $0x4000  }
0x4a: {  	[sflag:s2] =	ssyncset.done @!p0 $0x0  }
0x4b: {  	[sflag:s2] =	ssyncadd.s32 @!p0 $0xFFFFC000  }
0x4c: {  	[spmem:s11] =	stream.linear.scatter @!p0 [tilespmem:s0], [sflag:$0x2], $0x4000, $0x38;
	[tilespmem:$0x1F080] =	vst v63  }
0x4d: {  	_ =	swait.ge @!p0 [sflag:s2], $0x4000  }
0x4e: {  	[sflag:s2] =	ssyncset.done @!p0 $0x0  }
0x4f: {  	[sflag:s2] =	ssyncadd.s32 @!p0 $0xFFFFC000  }
0x50: {  	[spmem:s12] =	stream.linear.scatter @!p0 [tilespmem:s0], [sflag:$0x2], $0x4000, $0x38;
	[tilespmem:$0x1F080] =	vst v63  }
0x51: {  	_ =	swait.ge @!p0 [sflag:s2], $0x4000  }
0x52: {  	[sflag:s2] =	ssyncset.done @!p0 $0x0  }
0x53: {  	[sflag:s2] =	ssyncadd.s32 @!p0 $0xFFFFC000  }
0x54: {  	s29 =	simm.s32 $0x0;
	s30 =	simm.s32 $0x0;
	[bflag:$0x0] =	sbarrier.arrive $0xFFFF  }
.LBB2_4:
0x55: {  	s31 =	sshll.u32 s30, $0x7  }
0x56: {  	[tilespmem:s25], [sflag:$0x1] =	stream.indirect.gather [hbm4b:s1+s22], $0x80, s31, s22, $0xb8;
	[tilespmem:$0x1F080] =	vst v63  }
0x57: {  	s0 =	sadd.s32 $0x0, s29;
	_ =	swait.ge [sflag:s26], $0x4000  }
0x58: {  	v1 =	vmov s0;
	[sflag:s26] =	ssyncset.done $0x0  }
0x59: {  	s2 =	simm.s32 $0x7840;
	[sflag:s26] =	ssyncadd.s32 $0xFFFFC000  }
0x5a: {  	v5 =	vld [tilespmem:s2+$0x30]  }
0x5b: {  	v8 =	vld [tilespmem:s2+$0x10]  }
0x5c: {  	v6 =	vld [tilespmem:s2+$0xFFFFFFC0]  }
0x5d: {  	v2 =	vld.idx.msk [tilespmem:v1+s24+$0x0], $0xffff  }
0x5e: {  	v10 =	vld [tilespmem:s2+$0xFFFFFFE0]  }
0x5f: {  	v3 =	vld [tilespmem:s2+$0x20]  }
0x60: {  	v4 =	vld [tilespmem:s2+$0xFFFFFFD0]  }
0x61: {  	v1 =	vld [tilespmem:s2+$0xFFFFFFF0]  }
0x62: {  	v9 =	vmul.f32 v5, v2;
	v5 =	vld [tilespmem:s2+$0x0]  }
0x63: {  	v7 =	vmul.f32 v6, v2  }
0x64: {  	s21 =	simm.s32 $0x7840;
	s0 =	simm.s32 $0x1;
	v6 =	vmul.f32 v10, v2;
	v8 =	vmul.f32 v8, v2  }
.LBB2_5:
0x65: {  	p1 =	sne.s32 s0, $0x7F  }
0x66: {  	v4 =	vmul.f32 v4, v2;
	v3 =	vmul.f32 v3, v2;
	[tilespmem:s2+$0x30] =	vst v9;
	s21 =	sadd.s32 $0x80, s21;
	s23 =	smov.u32 s0;
	s0 =	sadd.s32 $0x1, s0  }
0x67: {  	[tilespmem:s2+$0xFFFFFFC0] =	vst v7;
	v7 =	vmul.f32 v1, v2;
	v2 =	vmul.f32 v5, v2  }
0x68: {  	s23 =	sadd.s32 s23, s29;
	[tilespmem:s2+$0x10] =	vst v8  }
0x69: {  	v5 =	vmov s23;
	[tilespmem:s2+$0xFFFFFFE0] =	vst v6  }
0x6a: {  	v1 =	vld [tilespmem:s21+$0xFFFFFFF0];
	[tilespmem:s2+$0xFFFFFFF0] =	vst v7  }
0x6b: {  	v6 =	vld [tilespmem:s21+$0x30];
	[tilespmem:s2+$0x0] =	vst v2  }
0x6c: {  	v8 =	vld [tilespmem:s21+$0x10];
	[tilespmem:s2+$0x20] =	vst v3  }
0x6d: {  	v7 =	vld [tilespmem:s21+$0xFFFFFFC0];
	[tilespmem:s2+$0xFFFFFFD0] =	vst v4;
	s2 =	smov.u32 s21  }
0x6e: {  	v2 =	vld.idx.msk [tilespmem:v5+s24+$0x0], $0xffff  }
0x6f: {  	v10 =	vld [tilespmem:s21+$0xFFFFFFE0]  }
0x70: {  	v3 =	vld [tilespmem:s21+$0x20]  }
.Ltmp1:
0x71: {  	v4 =	vld [tilespmem:s21+$0xFFFFFFD0];
	(pc) =	sbr.rel @p1 .LBB2_5-.Ltmp1, $3  }
0x72: {  	v5 =	vld [tilespmem:s21+$0x0];
	_ =	sdelay $0x1  }
0x73: {  	v7 =	vmul.f32 v7, v2;
	v9 =	vmul.f32 v6, v2  }
0x74: {  	v8 =	vmul.f32 v8, v2;
	v6 =	vmul.f32 v10, v2  }
0x75: {  	[tilespmem:s2+$0x30] =	vst v9  }
0x76: {  	[tilespmem:s2+$0xFFFFFFC0] =	vst v7  }
0x77: {  	v1 =	vmul.f32 v1, v2;
	[tilespmem:s2+$0x10] =	vst v8  }
0x78: {  	v3 =	vmul.f32 v3, v2;
	[tilespmem:s2+$0xFFFFFFE0] =	vst v6  }
0x79: {  	v5 =	vmul.f32 v5, v2;
	[tilespmem:s2+$0xFFFFFFF0] =	vst v1  }
0x7a: {  	s30 =	sadd.s32 $0x1, s30;
	v1 =	vmul.f32 v4, v2;
	[tilespmem:s2+$0x20] =	vst v3  }
0x7b: {  	p1 =	sne.s32 s30, $0x50;
	[tilespmem:s2+$0x0] =	vst v5  }
.Ltmp2:
0x7c: {  	s0 =	sadd.s32 $0x2800, s31;
	[tilespmem:s2+$0xFFFFFFD0] =	vst v1;
	(pc) =	sbr.rel @p1 .LBB2_4-.Ltmp2, $4  }
0x7d: {  	[spmem:s3] =	stream.indirect.scatter.add.f32 [tilespmem:s25], [sflag:$0x2], $0x80, s0, s22, $0xb8;
	[tilespmem:$0x1F080] =	vst v63  }
0x7e: {  	_ =	swait.ge [sflag:s20], $0x4000  }
0x7f: {  	[sflag:s20] =	ssyncset.done $0x0  }
0x80: {  	s29 =	sadd.s32 $0x80, s29;
	[sflag:s20] =	ssyncadd.s32 $0xFFFFC000  }
0x81: {  	[bflag:$0x0] =	sbarrier.arrive $0xFFFF;
	s0 =	sshrl.u32 @p0 s13, $0x3;
	s2 =	simm.s32 @p0 $0x1FC2  }
0x82: {  	[hbm:s18], [sflag:s2] =	dma.local @p0 [spmem:s0], $0x1900  }
0x83: {  	s0 =	simm.s32 @p0 $0x2  }
0x84: {  	s28 =	sadd.s32 $0x1, s28;
	s2 =	stileid.u32;
	_ =	swait.ge @p0 [sflag:s0], $0x1900  }
0x85: {  	p1 =	sne.s32 s28, s19;
	s2 =	sshll.u32 @!p0 s2, $0x6;
	[sflag:s0] =	ssyncset.done @p0 $0x0  }
0x86: {  	[sflag:s0] =	ssyncadd.s32 @p0 $0xFFFFE700;
	s0 =	sor.u32 @!p0 $0x1C02, s2;
	s2 =	sshrl.u32 @!p0 s7, $0x3  }
0x87: {  	[hbm:s17], [sflag:s0] =	dma.local @!p0 [spmem:s2], $0x2800  }
.Ltmp3:
0x88: {  	_ = 	snop;
	(pc) =	sbr.rel @p1 .LBB2_1-.Ltmp3, $4  }
0x89: {  	s0 =	simm.s32 @!p0 $0x2  }
0x8a: {  	_ =	swait.ge @!p0 [sflag:s0], $0x2800  }
0x8b: {  	[sflag:s0] =	ssyncset.done @!p0 $0x0  }
0x8c: {  	[sflag:s0] =	ssyncadd.s32 @!p0 $0xFFFFD800  }
0x8d: {  	_ =	sfence.sel $0x180000  }
0x8e: {  	[bflag:$0x0] =	sbarrier.arrive $0xFFFF  }
0x8f: {  	_ =	strace $0x90000050  }
0x90: {  	s0 =	stileid.u32;
	[bflag:$0x2] =	sbarrier.arrive $0xFFFF  }
0x91: {  	p0 =	sne.s32 s0, $0x0;
	s0 =	rddreg [dreg:$0x3]  }
0x92: {  	s0 =	sadd.s32 @!p0 $0x100000, s0  }
0x93: {  	[sflag:s0] =	ssyncadd.tile.s32 @!p0 $0x1;
	_ =	shalt  }
.Lfunc_end2:
_tile_overlayer_lowered:
.L_overlay_start_2:
0x94: {  	(tag) =	ssettag $0x2  }
0x95: {  	s0 =	rddreg [dreg:$0x0];
	s2 =	stileid.u32  }
0x96: {  	s1 =	rddreg [dreg:$0x1];
	p0 =	sne.s32 s2, $0x0  }
0x97: {  	s3 =	rddreg [dreg:$0x2];
	[bflag:$0x3] =	sbarrier.arrive $0xFFFF;
	s2 =	simm.s32 @!p0 $0x1C02  }
0x98: {  	[timem:s3], [sflag:s2] =	dma.local @!p0 [hbm:s0], s1  }
0x99: {  	s0 =	simm.s32 @!p0 $0x2  }
0x9a: {  	_ =	swait.ge @!p0 [sflag:s0], s1  }
0x9b: {  	s1 =	ssub.s32 @!p0 $0x0, s1;
	[sflag:s0] =	ssyncset.done @!p0 $0x0  }
0x9c: {  	[sflag:s0] =	ssyncadd.s32 @!p0 s1  }
0x9d: {  	[bflag:$0x3] =	sbarrier.arrive $0xFFFF  }
0x9e: {  	_ =	shalt  }

// kernel: kernel.19.cloned.1.call-start
scs
__scs_entry_jumppad:
0x0: {  	(pc) =	sbr.rel $0x88, $3  }
0x1: {  	(tag) =	ssettag $0x0;
	lr =	simm.s32 $0x1  }
0x2: {  	[smem:$0x3F9E] =	sst lr;
	_ =	strace $0xD0000000  }
0x3: {  	_ = 	snop  }
0x4: {  	_ = 	snop  }
0x5: {  	_ = 	snop  }
0x6: {  	_ = 	snop  }
0x7: {  	_ = 	snop  }
__scs_overlays_trampoline_lowered:
0x8: {  	[smem:$0x3FAD] =	sst s0  }
0x9: {  	[smem:$0x3FAE] =	sst s1  }
0xa: {  	[smem:$0x3FAF] =	sst s2  }
0xb: {  	[smem:$0x3FB0] =	sst s3  }
0xc: {  	[smem:$0x3FB1] =	sst s4  }
0xd: {  	[smem:$0x3FB2] =	sst s5  }
0xe: {  	[smem:$0x3FB3] =	sst s6  }
0xf: {  	[smem:$0x3FB4] =	sst s7  }
0x10: {  	[smem:$0x3FB5] =	sst s8  }
0x11: {  	[smem:$0x3FB6] =	sst s9;
	s0 =	simm.s32 @!p0 $0x0  }
0x12: {  	s1 =	sld [smem:$0x3F9C];
	s0 =	simm.s32 @p0 $0x1  }
0x13: {  	[smem:$0x3FB7] =	sst s0;
	s0 =	simm.s32 @!p1 $0x0  }
0x14: {  	s2 =	sld [smem:$0x3F9B];
	s0 =	simm.s32 @p1 $0x1  }
0x15: {  	[smem:$0x3FB8] =	sst s0;
	s0 =	simm.s32 @!p2 $0x0  }
0x16: {  	s3 =	sld [smem:$0x3FDB];
	s0 =	simm.s32 @p2 $0x1  }
0x17: {  	s4 =	simm.s32 $0x1BF5;
	[smem:$0x3FBA] =	sst s0  }
0x18: {  	s0 =	sld [smem:$0x3F9D];
	_ =	swait.ge [sflag:s4], $0x0  }
0x19: {  	s7 =	sld [smem:$0x3F9E]  }
0x1a: {  	s8 =	sadd.s32 $0xFFFFE003, lr  }
0x1b: {  	s9 =	sadd.s32 $0xFFFFFEF7, lr;
	s5 =	simm.s32 $0xFFFFFFFF;
	p2 =	slt.u32 s8, $0xFFFFF086  }
0x1c: {  	p1 =	slt.u32 s9, $0xF7A;
	s5 =	simm.s32 @!p2 $0x0  }
0x1d: {  	s5 =	simm.s32 @p1 $0x1;
	p0 =	seq.s32 s7, s2  }
0x1e: {  	s7 =	smul.u32 @!p0 $0xF7A, s2;
	p2 =	seq.s32 @!p0 s5, $0x0  }
0x1f: {  	s9 =	smul.u32 $0xF7A, s1;
	s8 =	simm.s32 @!p0 $0x1BF5;
	p2 =	por !p2, p0  }
0x20: {  	[sflag:s8] =	ssyncset.s32 @!p0 $0xFFFFF086;
	s6 =	sadd.s32 @!p0 s3, s7;
	s7 =	simm.s32 @!p0 $0x108  }
0x21: {  	s3 =	sadd.s32 s3, s9;
	s6 =	sadd.s32 @!p0 $0x88, s6;
	s7 =	simm.s32 @p2 $0x1082  }
0x22: {  	[simem:s7], [sflag:s8] =	dma.local @!p0 [hbm:s6], $0xF7A  }
0x23: {  	s9 =	sor.u32 $0xD0000000, s2;
	s6 =	simm.s32 $0x108;
	_ =	swait.ge @!p0 [sflag:s8], $0x0  }
0x24: {  	s3 =	sadd.s32 $0x88, s3;
	s6 =	simm.s32 @!p1 $0x1082;
	[sflag:s4] =	ssyncset.s32 $0xFFFFF086  }
0x25: {  	[simem:s6], [sflag:s4] =	dma.local [hbm:s3], $0xF7A  }
0x26: {  	[smem:$0x3F9E] =	sst s1;
	(tag) =	ssettag s2;
	_ =	strace s9  }
0x27: {  	s1 =	sld [smem:$0x3FAE]  }
0x28: {  	s2 =	sld [smem:$0x3FAF]  }
0x29: {  	s4 =	sld [smem:$0x3FB1]  }
0x2a: {  	p0 =	seq.s32 s5, $0x0;
	s5 =	sld [smem:$0x3FB2]  }
0x2b: {  	s6 =	sld [smem:$0x3FB3]  }
0x2c: {  	s7 =	sld [smem:$0x3FB4]  }
0x2d: {  	s3 =	simm.s32 $0x108;
	s8 =	sld [smem:$0x3FB5]  }
0x2e: {  	s3 =	simm.s32 @!p0 $0x1082;
	s9 =	sld [smem:$0x3FB6]  }
0x2f: {  	lr =	sadd.s32 s0, s3;
	s0 =	sld [smem:$0x3FAD]  }
0x30: {  	s3 =	sld [smem:$0x3FB0]  }
0x31: {  	[smem:$0x3FB9] =	sst s10  }
0x32: {  	s10 =	sld [smem:$0x3FB7];
	_ =	sdelay $0x3  }
0x33: {  	p0 =	seq.s32 s10, $0x1;
	s10 =	sld [smem:$0x3FB9];
	_ =	sdelay $0x3  }
0x34: {  	[smem:$0x3FB9] =	sst s10  }
0x35: {  	s10 =	sld [smem:$0x3FB8];
	_ =	sdelay $0x3  }
0x36: {  	p1 =	seq.s32 s10, $0x1;
	s10 =	sld [smem:$0x3FB9];
	_ =	sdelay $0x3  }
0x37: {  	[smem:$0x3FB9] =	sst s10  }
0x38: {  	s10 =	sld [smem:$0x3FBA]  }
0x39: {  	_ = 	snop;
	(pc) =	sbr.ind lr, $3  }
0x3a: {  	_ = 	snop  }
0x3b: {  	_ = 	snop  }
0x3c: {  	p2 =	seq.s32 s10, $0x1;
	s10 =	sld [smem:$0x3FB9]  }
0x3d: {  	_ =	shalt  }
0x3e: {  	_ =	shalt  }
0x3f: {  	_ =	shalt  }
0x40: {  	_ =	shalt  }
0x41: {  	_ =	shalt  }
0x42: {  	_ =	shalt  }
0x43: {  	_ =	shalt  }
0x44: {  	_ =	shalt  }
0x45: {  	_ =	shalt  }
0x46: {  	_ =	shalt  }
0x47: {  	_ =	shalt  }
0x48: {  	_ =	shalt  }
0x49: {  	_ =	shalt  }
0x4a: {  	_ =	shalt  }
0x4b: {  	_ =	shalt  }
0x4c: {  	_ =	shalt  }
0x4d: {  	_ =	shalt  }
0x4e: {  	_ =	shalt  }
0x4f: {  	_ =	shalt  }
0x50: {  	_ =	shalt  }
0x51: {  	_ =	shalt  }
0x52: {  	_ =	shalt  }
0x53: {  	_ =	shalt  }
0x54: {  	_ =	shalt  }
0x55: {  	_ =	shalt  }
0x56: {  	_ =	shalt  }
0x57: {  	_ =	shalt  }
0x58: {  	_ =	shalt  }
0x59: {  	_ =	shalt  }
0x5a: {  	_ =	shalt  }
0x5b: {  	_ =	shalt  }
0x5c: {  	_ =	shalt  }
0x5d: {  	_ =	shalt  }
0x5e: {  	_ =	shalt  }
0x5f: {  	_ =	shalt  }
0x60: {  	_ =	shalt  }
0x61: {  	_ =	shalt  }
0x62: {  	_ =	shalt  }
0x63: {  	_ =	shalt  }
0x64: {  	_ =	shalt  }
0x65: {  	_ =	shalt  }
0x66: {  	_ =	shalt  }
0x67: {  	_ =	shalt  }
0x68: {  	_ =	shalt  }
0x69: {  	_ =	shalt  }
0x6a: {  	_ =	shalt  }
0x6b: {  	_ =	shalt  }
0x6c: {  	_ =	shalt  }
0x6d: {  	_ =	shalt  }
0x6e: {  	_ =	shalt  }
0x6f: {  	_ =	shalt  }
0x70: {  	_ =	shalt  }
0x71: {  	_ =	shalt  }
0x72: {  	_ =	shalt  }
0x73: {  	_ =	shalt  }
0x74: {  	_ =	shalt  }
0x75: {  	_ =	shalt  }
0x76: {  	_ =	shalt  }
0x77: {  	_ =	shalt  }
0x78: {  	_ =	shalt  }
0x79: {  	_ =	shalt  }
0x7a: {  	_ =	shalt  }
0x7b: {  	_ =	shalt  }
0x7c: {  	_ =	shalt  }
0x7d: {  	_ =	shalt  }
0x7e: {  	_ =	shalt  }
0x7f: {  	_ =	shalt  }
0x80: {  	_ =	shalt  }
0x81: {  	_ =	shalt  }
0x82: {  	_ =	shalt  }
0x83: {  	_ =	shalt  }
0x84: {  	_ =	shalt  }
0x85: {  	_ =	shalt  }
0x86: {  	_ =	shalt  }
0x87: {  	_ =	shalt  }
.Lfunc_end0:
.L_simem_size_0:
called_computation.4_lowered:
.L_overlay_start_0:
0x88: {  	s2 =	sld [smem:$0x3FD9]  }
0x89: {  	s3 =	sld [smem:$0x3FFE];
	_ =	sdelay $0x1  }
0x8a: {  	s1 =	srdreg.scid  }
0x8b: {  	s0 =	sand.u32 $0x1, s1  }
0x8c: {  	s17 =	sshll.u32 s0, $0xA;
	s2 =	sadd.s32 s3, s2  }
0x8d: {  	s2 =	sadd.s32 s2, s17  }
0x8e: {  	[smem:$0x3FC5] =	sst s2  }
0x8f: {  	_ = 	snop  }
0x90: {  	s2 =	sld [smem:$0x3FD0];
	(tm) =	ssettm $0x1  }
0x91: {  	s18 =	sld [smem:$0x3FFB];
	_ =	sdelay $0x3  }
0x92: {  	_ =	strace s18  }
0x93: {  	s3 =	sld [smem:$0x3FFC];
	_ =	sdelay $0x3  }
0x94: {  	_ =	strace s3  }
0x95: {  	s3 =	sld [smem:$0x3FFD];
	_ =	sdelay $0x3  }
0x96: {  	_ =	strace s3  }
0x97: {  	_ =	strace $0x8FFFFFFF  }
0x98: {  	s19 =	sld [smem:$0x3FDB];
	_ =	sdelay $0x1  }
0x99: {  	s4 =	simm.s32 $_scs_section_size  }
0x9a: {  	s5 =	simm.s32 $_size__tile_overlayer_lowered;
	s6 =	simm.s32 $_tile_overlayer_lowered  }
0x9b: {  	s22 =	simm.s32 $0x1BFF;
	s21 =	sshll.u32 s6, $0x1;
	s3 =	sadd.s32 s4, s19  }
0x9c: {  	s7 =	simm.s32 $0x0;
	s20 =	sshll.u32 s5, $0x1;
	s5 =	sadd.s32 s21, s3  }
0x9d: {  	[timem:s7], [sflag:s22] =	dma.local [hbm:s5], s20  }
0x9e: {  	_ =	swait.ge [sflag:s22], s20  }
0x9f: {  	s4 =	ssub.s32 $0x0, s20;
	[sflag:s22] =	ssyncset.done $0x0  }
0xa0: {  	[sflag:s22] =	ssyncadd.s32 s4;
	_ =	sdelay $0x1  }
0xa1: {  	s23 =	simm.s32 $0x1B8B  }
0xa2: {  	_ =	swait.ge [sflag:s23], $0x1  }
0xa3: {  	[sflag:s23] =	ssyncset.done $0x0  }
0xa4: {  	s25 =	simm.s32 $0x1B8E;
	s24 =	sld [smem:$0x3FFE];
	[sflag:s23] =	ssyncadd.s32 $0xFFFFFFFF  }
0xa5: {  	s26 =	simm.s32 $execute0_lowered;
	[smem:$0x3FD2] =	sst s25  }
0xa6: {  	s5 =	sshll.u32 s26, $0x1;
	_ =	strace $0x80000052;
	[dreg:$0x1] =	wrdreg $0xFFFFFFFF  }
0xa7: {  	s28 =	simm.s32 $_size_execute0_lowered;
	s3 =	sadd.s32 s3, s5;
	[dreg:$0x0] =	wrdreg $0x0  }
0xa8: {  	s5 =	sshll.u32 s28, $0x1;
	[dreg:$0x2] =	wrdreg s3  }
0xa9: {  	[dreg:$0x3] =	wrdreg s5  }
0xaa: {  	[dreg:$0x4] =	wrdreg $0xC0  }
0xab: {  	_ =	task [dreg:s7], $0x5FFFF  }
0xac: {  	[dreg:$0x1] =	wrdreg $0xFFFFFFFF  }
0xad: {  	[dreg:$0x0] =	wrdreg $0x60  }
0xae: {  	[dreg:$0x2] =	wrdreg s2  }
0xaf: {  	[dreg:$0x3] =	wrdreg s24  }
0xb0: {  	[dreg:$0x4] =	wrdreg $0xB8000  }
0xb1: {  	[dreg:$0x5] =	wrdreg $0x9  }
0xb2: {  	_ =	task.clear_ibuf [dreg:s7], $0x6FFFF;
	_ =	strace $0x90000052  }
0xb3: {  	s29 =	simm.s32 $0x9;
	_ =	strace $0x80000054  }
0xb4: {  	_ =	swait.ge [sflag:s29], $0x1  }
0xb5: {  	[sflag:s29] =	ssyncadd.s32 $0xFFFFFFFF  }
0xb6: {  	_ =	strace $0x90000054  }
0xb7: {  	_ =	sfence  }
0xb8: {  	s30 =	sld [smem:$0x0];
	_ =	sdelay $0x2  }
0xb9: {  	s31 =	sshll.u32 s1, $0xD;
	s1 =	sshrl.u32 s1, $0x2  }
0xba: {  	s3 =	sand.u32 $0x4000, s31;
	s1 =	sadd.s32 s1, s30  }
0xbb: {  	s0 =	sor.u32 s3, s0;
	s1 =	sshll.u32 s1, $0x11  }
0xbc: {  	s0 =	sor.u32 s1, s0  }
0xbd: {  	s0 =	sadd.s32 $0x8F2B, s0  }
0xbe: {  	[sflag:s0] =	ssyncadd.remote.s32 $0x1  }
0xbf: {  	_ =	sfence.sel $0xFFFF  }
0xc0: {  	[dreg:$0x0] =	wrdreg $0xFFFFFFFF;
	(pc) =	sbr.abs _section_cstart, $3  }
0xc1: {  	[dreg:$0x1] =	wrdreg $0xFFFFFFFF  }
0xc2: {  	_ =	task.clear_ibuf [dreg:s7], $0x2FFFF;
	_ =	strace $0x9FFFFFFF  }
0xc3: {  	(tm) =	ssettm $0x7FFFFFFF  }
tec
execute0_lowered:
.L_overlay_start_1:
0x0: {  	(tag) =	ssettag $0x1  }
0x1: {  	s1 =	rddreg [dreg:$0x0]  }
0x2: {  	s0 =	rddreg [dreg:$0x1];
	s2 =	srdreg.scid  }
0x3: {  	s21 =	stileid.u32;
	s3 =	rddreg [dreg:$0x2];
	s20 =	simm.s32 $0x2  }
0x4: {  	s22 =	simm.s32 $0x80;
	s24 =	simm.s32 $0x5000;
	s25 =	simm.s32 $0x7800  }
0x5: {  	s26 =	simm.s32 $0x1;
	s28 =	simm.s32 $0x0;
	s2 =	sand.u32 $0x1, s2  }
0x6: {  	s4 =	sshll.u32 s21, $0x1;
	s6 =	sshrl.u32 s21, $0x2;
	s8 =	smul.u32 $0x50000, s21  }
0x7: {  	s16 =	smul.u32 $0x14000, s21;
	s13 =	sadd.s32 $0x12C000, s3;
	s14 =	sadd.s32 $0x130000, s3  }
0x8: {  	s15 =	sadd.s32 $0x134000, s3;
	p0 =	seq.s32 s21, $0xF;
	s5 =	sor.u32 s2, s4  }
0x9: {  	s4 =	simm.s32 $0x0;
	s6 =	smul.u32 $0x14000, s6;
	s29 =	ssub.s32 $0x2, s2  }
0xa: {  	s2 =	smul.u32 $0x138800, s2;
	s7 =	sshll.u32 s5, $0x7;
	[smem:$0x7FF] =	sst s4  }
0xb: {  	s5 =	smul.u32 $0x500, s5;
	s30 =	sshrl.u32 s29, $0x1;
	s31 =	sshrl.u32 s8, $0x2  }
0xc: {  	s7 =	sand.u32 $0x380, s7;
	_ =	strace $0x80000053;
	s19 =	ssub.s32 s29, s30  }
0xd: {  	s17 =	sadd.s32 s16, s2;
	s2 =	sshrl.u32 s2, $0x3;
	s16 =	sadd.s32 $0x138000, s3  }
0xe: {  	s6 =	sor.u32 s6, s7;
	s9 =	sadd.s32 s5, s0;
	s7 =	sadd.s32 s31, s3  }
0xf: {  	s17 =	sshrl.u32 s17, $0x3;
	s19 =	smax.u32 s19, $0x1;
	s6 =	sshrl.u32 s6, $0x3  }
0x10: {  	s5 =	sadd.s32 $0xB800, s9;
	s11 =	sadd.s32 $0xC000, s7;
	s12 =	sadd.s32 $0x10000, s7  }
0x11: {  	s10 =	sadd.s32 s6, s0;
	s0 =	sadd.s32 $0x1F800, s0;
	s6 =	sadd.s32 $0x15800, s9  }
0x12: {  	s9 =	sadd.s32 $0x4000, s7;
	s8 =	sadd.s32 $0x1800, s10;
	s2 =	sadd.s32 s0, s2  }
0x13: {  	v0 =	vimm.f32 $0.0e+00;
	s10 =	sadd.s32 $0x8000, s7;
	s17 =	sadd.s32 s0, s17;
	s18 =	sadd.s32 $0x25800, s2  }
.LBB2_1:
0x14: {  	[tilespmem:s4], [sflag:$0x2] =	stream.linear.gather [hbm4b:s5+s4], $0x2800, $0x38;
	[tilespmem:$0x1F080] =	vst v63  }
0x15: {  	_ =	swait.ge [sflag:s20], $0x2800  }
0x16: {  	[sflag:s20] =	ssyncset.done $0x0  }
0x17: {  	s0 =	simm.s32 $0x2800;
	[sflag:s20] =	ssyncadd.s32 $0xFFFFD800  }
0x18: {  	[tilespmem:s0], [sflag:$0x2] =	stream.linear.gather [hbm4b:s6+s4], $0x2800, $0x38;
	[tilespmem:$0x1F080] =	vst v63  }
0x19: {  	_ =	swait.ge [sflag:s20], $0x2800  }
0x1a: {  	[sflag:s20] =	ssyncset.done $0x0  }
0x1b: {  	s31 =	simm.s32 $0x400;
	[sflag:s20] =	ssyncadd.s32 $0xFFFFD800  }
0x1c: {  	[tilespmem:s24], [sflag:$0x2] =	stream.strided.gather [hbm4b:s8+s22], $0x2800, s31, s22, $0x38;
	[tilespmem:$0x1F080] =	vst v63  }
0x1d: {  	_ =	swait.ge [sflag:s20], $0x2800  }
0x1e: {  	[sflag:s20] =	ssyncset.done $0x0  }
0x1f: {  	s2 =	simm.s32 $0x200;
	s0 =	simm.s32 $0x0;
	[sflag:s20] =	ssyncadd.s32 $0xFFFFD800  }
.LBB2_2:
0x20: {  	p1 =	sne.s32 s2, $0xFE00;
	[tilespmem:s0+$0x7870] =	vst v0  }
0x21: {  	[tilespmem:s0+$0x7800] =	vst v0  }
0x22: {  	[tilespmem:s0+$0x7810] =	vst v0  }
.Ltmp0:
0x23: {  	[tilespmem:s0+$0x7820] =	vst v0;
	(pc) =	sbr.rel @p1 .LBB2_2-.Ltmp0, $4  }
0x24: {  	[tilespmem:s0+$0x7830] =	vst v0  }
0x25: {  	[tilespmem:s0+$0x7840] =	vst v0  }
0x26: {  	[tilespmem:s0+$0x7850] =	vst v0  }
0x27: {  	[tilespmem:s0+$0x7860] =	vst v0;
	s0 =	sshra.s32 s2, $0x2;
	s2 =	sadd.s32 $0x200, s2  }
0x28: {  	[tilespmem:s0+$0x7870] =	vst v0  }
0x29: {  	[tilespmem:s0+$0x7800] =	vst v0  }
0x2a: {  	[tilespmem:s0+$0x7810] =	vst v0  }
0x2b: {  	[tilespmem:s0+$0x7820] =	vst v0  }
0x2c: {  	[tilespmem:s0+$0x7830] =	vst v0  }
0x2d: {  	[tilespmem:s0+$0x7840] =	vst v0  }
0x2e: {  	[tilespmem:s0+$0x7850] =	vst v0  }
0x2f: {  	[tilespmem:s0+$0x7860] =	vst v0;
	s0 =	simm.s32 @p0 $0x7800;
	s2 =	simm.s32 @p0 $0x2  }
0x30: {  	[spmem:s13] =	stream.linear.scatter @p0 [tilespmem:s0], [sflag:$0x2], $0x4000, $0x38;
	[tilespmem:$0x1F080] =	vst v63  }
0x31: {  	_ =	swait.ge @p0 [sflag:s2], $0x4000  }
0x32: {  	[sflag:s2] =	ssyncset.done @p0 $0x0  }
0x33: {  	[sflag:s2] =	ssyncadd.s32 @p0 $0xFFFFC000  }
0x34: {  	[spmem:s14] =	stream.linear.scatter @p0 [tilespmem:s0], [sflag:$0x2], $0x4000, $0x38;
	[tilespmem:$0x1F080] =	vst v63  }
0x35: {  	_ =	swait.ge @p0 [sflag:s2], $0x4000  }
0x36: {  	[sflag:s2] =	ssyncset.done @p0 $0x0  }
0x37: {  	[sflag:s2] =	ssyncadd.s32 @p0 $0xFFFFC000  }
0x38: {  	[spmem:s15] =	stream.linear.scatter @p0 [tilespmem:s0], [sflag:$0x2], $0x4000, $0x38;
	[tilespmem:$0x1F080] =	vst v63  }
0x39: {  	_ =	swait.ge @p0 [sflag:s2], $0x4000  }
0x3a: {  	[sflag:s2] =	ssyncset.done @p0 $0x0  }
0x3b: {  	[sflag:s2] =	ssyncadd.s32 @p0 $0xFFFFC000  }
0x3c: {  	[spmem:s16] =	stream.linear.scatter @p0 [tilespmem:s0], [sflag:$0x2], $0x800, $0x38;
	[tilespmem:$0x1F080] =	vst v63  }
0x3d: {  	_ =	swait.ge @p0 [sflag:s2], $0x800  }
0x3e: {  	[sflag:s2] =	ssyncset.done @p0 $0x0  }
0x3f: {  	s0 =	simm.s32 @!p0 $0x7800;
	[sflag:s2] =	ssyncadd.s32 @p0 $0xFFFFF800;
	s2 =	simm.s32 @!p0 $0x2  }
0x40: {  	[spmem:s7] =	stream.linear.scatter @!p0 [tilespmem:s0], [sflag:$0x2], $0x4000, $0x38;
	[tilespmem:$0x1F080] =	vst v63  }
0x41: {  	_ =	swait.ge @!p0 [sflag:s2], $0x4000  }
0x42: {  	[sflag:s2] =	ssyncset.done @!p0 $0x0  }
0x43: {  	[sflag:s2] =	ssyncadd.s32 @!p0 $0xFFFFC000  }
0x44: {  	[spmem:s9] =	stream.linear.scatter @!p0 [tilespmem:s0], [sflag:$0x2], $0x4000, $0x38;
	[tilespmem:$0x1F080] =	vst v63  }
0x45: {  	_ =	swait.ge @!p0 [sflag:s2], $0x4000  }
0x46: {  	[sflag:s2] =	ssyncset.done @!p0 $0x0  }
0x47: {  	[sflag:s2] =	ssyncadd.s32 @!p0 $0xFFFFC000  }
0x48: {  	[spmem:s10] =	stream.linear.scatter @!p0 [tilespmem:s0], [sflag:$0x2], $0x4000, $0x38;
	[tilespmem:$0x1F080] =	vst v63  }
0x49: {  	_ =	swait.ge @!p0 [sflag:s2], $0x4000  }
0x4a: {  	[sflag:s2] =	ssyncset.done @!p0 $0x0  }
0x4b: {  	[sflag:s2] =	ssyncadd.s32 @!p0 $0xFFFFC000  }
0x4c: {  	[spmem:s11] =	stream.linear.scatter @!p0 [tilespmem:s0], [sflag:$0x2], $0x4000, $0x38;
	[tilespmem:$0x1F080] =	vst v63  }
0x4d: {  	_ =	swait.ge @!p0 [sflag:s2], $0x4000  }
0x4e: {  	[sflag:s2] =	ssyncset.done @!p0 $0x0  }
0x4f: {  	[sflag:s2] =	ssyncadd.s32 @!p0 $0xFFFFC000  }
0x50: {  	[spmem:s12] =	stream.linear.scatter @!p0 [tilespmem:s0], [sflag:$0x2], $0x4000, $0x38;
	[tilespmem:$0x1F080] =	vst v63  }
0x51: {  	_ =	swait.ge @!p0 [sflag:s2], $0x4000  }
0x52: {  	[sflag:s2] =	ssyncset.done @!p0 $0x0  }
0x53: {  	[sflag:s2] =	ssyncadd.s32 @!p0 $0xFFFFC000  }
0x54: {  	s29 =	simm.s32 $0x0;
	s30 =	simm.s32 $0x0;
	[bflag:$0x0] =	sbarrier.arrive $0xFFFF  }
.LBB2_4:
0x55: {  	s31 =	sshll.u32 s30, $0x7  }
0x56: {  	[tilespmem:s25], [sflag:$0x1] =	stream.indirect.gather [hbm4b:s1+s22], $0x80, s31, s22, $0xb8;
	[tilespmem:$0x1F080] =	vst v63  }
0x57: {  	s0 =	sadd.s32 $0x0, s29;
	_ =	swait.ge [sflag:s26], $0x4000  }
0x58: {  	v1 =	vmov s0;
	[sflag:s26] =	ssyncset.done $0x0  }
0x59: {  	s2 =	simm.s32 $0x7840;
	[sflag:s26] =	ssyncadd.s32 $0xFFFFC000  }
0x5a: {  	v5 =	vld [tilespmem:s2+$0x30]  }
0x5b: {  	v8 =	vld [tilespmem:s2+$0x10]  }
0x5c: {  	v6 =	vld [tilespmem:s2+$0xFFFFFFC0]  }
0x5d: {  	v2 =	vld.idx.msk [tilespmem:v1+s24+$0x0], $0xffff  }
0x5e: {  	v10 =	vld [tilespmem:s2+$0xFFFFFFE0]  }
0x5f: {  	v3 =	vld [tilespmem:s2+$0x20]  }
0x60: {  	v4 =	vld [tilespmem:s2+$0xFFFFFFD0]  }
0x61: {  	v1 =	vld [tilespmem:s2+$0xFFFFFFF0]  }
0x62: {  	v9 =	vmul.f32 v5, v2;
	v5 =	vld [tilespmem:s2+$0x0]  }
0x63: {  	v7 =	vmul.f32 v6, v2  }
0x64: {  	s21 =	simm.s32 $0x7840;
	s0 =	simm.s32 $0x1;
	v6 =	vmul.f32 v10, v2;
	v8 =	vmul.f32 v8, v2  }
.LBB2_5:
0x65: {  	p1 =	sne.s32 s0, $0x7F  }
0x66: {  	v4 =	vmul.f32 v4, v2;
	v3 =	vmul.f32 v3, v2;
	[tilespmem:s2+$0x30] =	vst v9;
	s21 =	sadd.s32 $0x80, s21;
	s23 =	smov.u32 s0;
	s0 =	sadd.s32 $0x1, s0  }
0x67: {  	[tilespmem:s2+$0xFFFFFFC0] =	vst v7;
	v7 =	vmul.f32 v1, v2;
	v2 =	vmul.f32 v5, v2  }
0x68: {  	s23 =	sadd.s32 s23, s29;
	[tilespmem:s2+$0x10] =	vst v8  }
0x69: {  	v5 =	vmov s23;
	[tilespmem:s2+$0xFFFFFFE0] =	vst v6  }
0x6a: {  	v1 =	vld [tilespmem:s21+$0xFFFFFFF0];
	[tilespmem:s2+$0xFFFFFFF0] =	vst v7  }
0x6b: {  	v6 =	vld [tilespmem:s21+$0x30];
	[tilespmem:s2+$0x0] =	vst v2  }
0x6c: {  	v8 =	vld [tilespmem:s21+$0x10];
	[tilespmem:s2+$0x20] =	vst v3  }
0x6d: {  	v7 =	vld [tilespmem:s21+$0xFFFFFFC0];
	[tilespmem:s2+$0xFFFFFFD0] =	vst v4;
	s2 =	smov.u32 s21  }
0x6e: {  	v2 =	vld.idx.msk [tilespmem:v5+s24+$0x0], $0xffff  }
0x6f: {  	v10 =	vld [tilespmem:s21+$0xFFFFFFE0]  }
0x70: {  	v3 =	vld [tilespmem:s21+$0x20]  }
.Ltmp1:
0x71: {  	v4 =	vld [tilespmem:s21+$0xFFFFFFD0];
	(pc) =	sbr.rel @p1 .LBB2_5-.Ltmp1, $3  }
0x72: {  	v5 =	vld [tilespmem:s21+$0x0];
	_ =	sdelay $0x1  }
0x73: {  	v7 =	vmul.f32 v7, v2;
	v9 =	vmul.f32 v6, v2  }
0x74: {  	v8 =	vmul.f32 v8, v2;
	v6 =	vmul.f32 v10, v2  }
0x75: {  	[tilespmem:s2+$0x30] =	vst v9  }
0x76: {  	[tilespmem:s2+$0xFFFFFFC0] =	vst v7  }
0x77: {  	v1 =	vmul.f32 v1, v2;
	[tilespmem:s2+$0x10] =	vst v8  }
0x78: {  	v3 =	vmul.f32 v3, v2;
	[tilespmem:s2+$0xFFFFFFE0] =	vst v6  }
0x79: {  	v5 =	vmul.f32 v5, v2;
	[tilespmem:s2+$0xFFFFFFF0] =	vst v1  }
0x7a: {  	s30 =	sadd.s32 $0x1, s30;
	v1 =	vmul.f32 v4, v2;
	[tilespmem:s2+$0x20] =	vst v3  }
0x7b: {  	p1 =	sne.s32 s30, $0x50;
	[tilespmem:s2+$0x0] =	vst v5  }
.Ltmp2:
0x7c: {  	s0 =	sadd.s32 $0x2800, s31;
	[tilespmem:s2+$0xFFFFFFD0] =	vst v1;
	(pc) =	sbr.rel @p1 .LBB2_4-.Ltmp2, $4  }
0x7d: {  	[spmem:s3] =	stream.indirect.scatter.add.f32 [tilespmem:s25], [sflag:$0x2], $0x80, s0, s22, $0xb8;
	[tilespmem:$0x1F080] =	vst v63  }
0x7e: {  	_ =	swait.ge [sflag:s20], $0x4000  }
0x7f: {  	[sflag:s20] =	ssyncset.done $0x0  }
0x80: {  	s29 =	sadd.s32 $0x80, s29;
	[sflag:s20] =	ssyncadd.s32 $0xFFFFC000  }
0x81: {  	[bflag:$0x0] =	sbarrier.arrive $0xFFFF;
	s0 =	sshrl.u32 @p0 s13, $0x3;
	s2 =	simm.s32 @p0 $0x1FC2  }
0x82: {  	[hbm:s18], [sflag:s2] =	dma.local @p0 [spmem:s0], $0x1900  }
0x83: {  	s0 =	simm.s32 @p0 $0x2  }
0x84: {  	s28 =	sadd.s32 $0x1, s28;
	s2 =	stileid.u32;
	_ =	swait.ge @p0 [sflag:s0], $0x1900  }
0x85: {  	p1 =	sne.s32 s28, s19;
	s2 =	sshll.u32 @!p0 s2, $0x6;
	[sflag:s0] =	ssyncset.done @p0 $0x0  }
0x86: {  	[sflag:s0] =	ssyncadd.s32 @p0 $0xFFFFE700;
	s0 =	sor.u32 @!p0 $0x1C02, s2;
	s2 =	sshrl.u32 @!p0 s7, $0x3  }
0x87: {  	[hbm:s17], [sflag:s0] =	dma.local @!p0 [spmem:s2], $0x2800  }
.Ltmp3:
0x88: {  	_ = 	snop;
	(pc) =	sbr.rel @p1 .LBB2_1-.Ltmp3, $4  }
0x89: {  	s0 =	simm.s32 @!p0 $0x2  }
0x8a: {  	_ =	swait.ge @!p0 [sflag:s0], $0x2800  }
0x8b: {  	[sflag:s0] =	ssyncset.done @!p0 $0x0  }
0x8c: {  	[sflag:s0] =	ssyncadd.s32 @!p0 $0xFFFFD800  }
0x8d: {  	_ =	sfence.sel $0x180000  }
0x8e: {  	[bflag:$0x0] =	sbarrier.arrive $0xFFFF  }
0x8f: {  	_ =	strace $0x90000053  }
0x90: {  	s0 =	stileid.u32;
	[bflag:$0x2] =	sbarrier.arrive $0xFFFF  }
0x91: {  	p0 =	sne.s32 s0, $0x0;
	s0 =	rddreg [dreg:$0x3]  }
0x92: {  	s0 =	sadd.s32 @!p0 $0x100000, s0  }
0x93: {  	[sflag:s0] =	ssyncadd.tile.s32 @!p0 $0x1;
	_ =	shalt  }
.Lfunc_end2:
_tile_overlayer_lowered:
.L_overlay_start_2:
0x94: {  	(tag) =	ssettag $0x2  }
0x95: {  	s0 =	rddreg [dreg:$0x0];
	s2 =	stileid.u32  }
0x96: {  	s1 =	rddreg [dreg:$0x1];
	p0 =	sne.s32 s2, $0x0  }
0x97: {  	s3 =	rddreg [dreg:$0x2];
	[bflag:$0x3] =	sbarrier.arrive $0xFFFF;
	s2 =	simm.s32 @!p0 $0x1C02  }
0x98: {  	[timem:s3], [sflag:s2] =	dma.local @!p0 [hbm:s0], s1  }
0x99: {  	s0 =	simm.s32 @!p0 $0x2  }
0x9a: {  	_ =	swait.ge @!p0 [sflag:s0], s1  }
0x9b: {  	s1 =	ssub.s32 @!p0 $0x0, s1;
	[sflag:s0] =	ssyncset.done @!p0 $0x0  }
0x9c: {  	[sflag:s0] =	ssyncadd.s32 @!p0 s1  }
0x9d: {  	[bflag:$0x3] =	sbarrier.arrive $0xFFFF  }
0x9e: {  	_ =	shalt  }

// kernel: kernel.7.cloned.1.call-start
scs
__scs_entry_jumppad:
0x0: {  	(pc) =	sbr.rel $0x88, $3  }
0x1: {  	(tag) =	ssettag $0x0;
	lr =	simm.s32 $0x1  }
0x2: {  	[smem:$0x3F9E] =	sst lr;
	_ =	strace $0xD0000000  }
0x3: {  	_ = 	snop  }
0x4: {  	_ = 	snop  }
0x5: {  	_ = 	snop  }
0x6: {  	_ = 	snop  }
0x7: {  	_ = 	snop  }
__scs_overlays_trampoline_lowered:
0x8: {  	[smem:$0x3FAD] =	sst s0  }
0x9: {  	[smem:$0x3FAE] =	sst s1  }
0xa: {  	[smem:$0x3FAF] =	sst s2  }
0xb: {  	[smem:$0x3FB0] =	sst s3  }
0xc: {  	[smem:$0x3FB1] =	sst s4  }
0xd: {  	[smem:$0x3FB2] =	sst s5  }
0xe: {  	[smem:$0x3FB3] =	sst s6  }
0xf: {  	[smem:$0x3FB4] =	sst s7  }
0x10: {  	[smem:$0x3FB5] =	sst s8  }
0x11: {  	[smem:$0x3FB6] =	sst s9;
	s0 =	simm.s32 @!p0 $0x0  }
0x12: {  	s1 =	sld [smem:$0x3F9C];
	s0 =	simm.s32 @p0 $0x1  }
0x13: {  	[smem:$0x3FB7] =	sst s0;
	s0 =	simm.s32 @!p1 $0x0  }
0x14: {  	s2 =	sld [smem:$0x3F9B];
	s0 =	simm.s32 @p1 $0x1  }
0x15: {  	[smem:$0x3FB8] =	sst s0;
	s0 =	simm.s32 @!p2 $0x0  }
0x16: {  	s3 =	sld [smem:$0x3FDB];
	s0 =	simm.s32 @p2 $0x1  }
0x17: {  	s4 =	simm.s32 $0x1BF5;
	[smem:$0x3FBA] =	sst s0  }
0x18: {  	s0 =	sld [smem:$0x3F9D];
	_ =	swait.ge [sflag:s4], $0x0  }
0x19: {  	s7 =	sld [smem:$0x3F9E]  }
0x1a: {  	s8 =	sadd.s32 $0xFFFFE003, lr  }
0x1b: {  	s9 =	sadd.s32 $0xFFFFFEF7, lr;
	s5 =	simm.s32 $0xFFFFFFFF;
	p2 =	slt.u32 s8, $0xFFFFF086  }
0x1c: {  	p1 =	slt.u32 s9, $0xF7A;
	s5 =	simm.s32 @!p2 $0x0  }
0x1d: {  	s5 =	simm.s32 @p1 $0x1;
	p0 =	seq.s32 s7, s2  }
0x1e: {  	s7 =	smul.u32 @!p0 $0xF7A, s2;
	p2 =	seq.s32 @!p0 s5, $0x0  }
0x1f: {  	s9 =	smul.u32 $0xF7A, s1;
	s8 =	simm.s32 @!p0 $0x1BF5;
	p2 =	por !p2, p0  }
0x20: {  	[sflag:s8] =	ssyncset.s32 @!p0 $0xFFFFF086;
	s6 =	sadd.s32 @!p0 s3, s7;
	s7 =	simm.s32 @!p0 $0x108  }
0x21: {  	s3 =	sadd.s32 s3, s9;
	s6 =	sadd.s32 @!p0 $0x88, s6;
	s7 =	simm.s32 @p2 $0x1082  }
0x22: {  	[simem:s7], [sflag:s8] =	dma.local @!p0 [hbm:s6], $0xF7A  }
0x23: {  	s9 =	sor.u32 $0xD0000000, s2;
	s6 =	simm.s32 $0x108;
	_ =	swait.ge @!p0 [sflag:s8], $0x0  }
0x24: {  	s3 =	sadd.s32 $0x88, s3;
	s6 =	simm.s32 @!p1 $0x1082;
	[sflag:s4] =	ssyncset.s32 $0xFFFFF086  }
0x25: {  	[simem:s6], [sflag:s4] =	dma.local [hbm:s3], $0xF7A  }
0x26: {  	[smem:$0x3F9E] =	sst s1;
	(tag) =	ssettag s2;
	_ =	strace s9  }
0x27: {  	s1 =	sld [smem:$0x3FAE]  }
0x28: {  	s2 =	sld [smem:$0x3FAF]  }
0x29: {  	s4 =	sld [smem:$0x3FB1]  }
0x2a: {  	p0 =	seq.s32 s5, $0x0;
	s5 =	sld [smem:$0x3FB2]  }
0x2b: {  	s6 =	sld [smem:$0x3FB3]  }
0x2c: {  	s7 =	sld [smem:$0x3FB4]  }
0x2d: {  	s3 =	simm.s32 $0x108;
	s8 =	sld [smem:$0x3FB5]  }
0x2e: {  	s3 =	simm.s32 @!p0 $0x1082;
	s9 =	sld [smem:$0x3FB6]  }
0x2f: {  	lr =	sadd.s32 s0, s3;
	s0 =	sld [smem:$0x3FAD]  }
0x30: {  	s3 =	sld [smem:$0x3FB0]  }
0x31: {  	[smem:$0x3FB9] =	sst s10  }
0x32: {  	s10 =	sld [smem:$0x3FB7];
	_ =	sdelay $0x3  }
0x33: {  	p0 =	seq.s32 s10, $0x1;
	s10 =	sld [smem:$0x3FB9];
	_ =	sdelay $0x3  }
0x34: {  	[smem:$0x3FB9] =	sst s10  }
0x35: {  	s10 =	sld [smem:$0x3FB8];
	_ =	sdelay $0x3  }
0x36: {  	p1 =	seq.s32 s10, $0x1;
	s10 =	sld [smem:$0x3FB9];
	_ =	sdelay $0x3  }
0x37: {  	[smem:$0x3FB9] =	sst s10  }
0x38: {  	s10 =	sld [smem:$0x3FBA]  }
0x39: {  	_ = 	snop;
	(pc) =	sbr.ind lr, $3  }
0x3a: {  	_ = 	snop  }
0x3b: {  	_ = 	snop  }
0x3c: {  	p2 =	seq.s32 s10, $0x1;
	s10 =	sld [smem:$0x3FB9]  }
0x3d: {  	_ =	shalt  }
0x3e: {  	_ =	shalt  }
0x3f: {  	_ =	shalt  }
0x40: {  	_ =	shalt  }
0x41: {  	_ =	shalt  }
0x42: {  	_ =	shalt  }
0x43: {  	_ =	shalt  }
0x44: {  	_ =	shalt  }
0x45: {  	_ =	shalt  }
0x46: {  	_ =	shalt  }
0x47: {  	_ =	shalt  }
0x48: {  	_ =	shalt  }
0x49: {  	_ =	shalt  }
0x4a: {  	_ =	shalt  }
0x4b: {  	_ =	shalt  }
0x4c: {  	_ =	shalt  }
0x4d: {  	_ =	shalt  }
0x4e: {  	_ =	shalt  }
0x4f: {  	_ =	shalt  }
0x50: {  	_ =	shalt  }
0x51: {  	_ =	shalt  }
0x52: {  	_ =	shalt  }
0x53: {  	_ =	shalt  }
0x54: {  	_ =	shalt  }
0x55: {  	_ =	shalt  }
0x56: {  	_ =	shalt  }
0x57: {  	_ =	shalt  }
0x58: {  	_ =	shalt  }
0x59: {  	_ =	shalt  }
0x5a: {  	_ =	shalt  }
0x5b: {  	_ =	shalt  }
0x5c: {  	_ =	shalt  }
0x5d: {  	_ =	shalt  }
0x5e: {  	_ =	shalt  }
0x5f: {  	_ =	shalt  }
0x60: {  	_ =	shalt  }
0x61: {  	_ =	shalt  }
0x62: {  	_ =	shalt  }
0x63: {  	_ =	shalt  }
0x64: {  	_ =	shalt  }
0x65: {  	_ =	shalt  }
0x66: {  	_ =	shalt  }
0x67: {  	_ =	shalt  }
0x68: {  	_ =	shalt  }
0x69: {  	_ =	shalt  }
0x6a: {  	_ =	shalt  }
0x6b: {  	_ =	shalt  }
0x6c: {  	_ =	shalt  }
0x6d: {  	_ =	shalt  }
0x6e: {  	_ =	shalt  }
0x6f: {  	_ =	shalt  }
0x70: {  	_ =	shalt  }
0x71: {  	_ =	shalt  }
0x72: {  	_ =	shalt  }
0x73: {  	_ =	shalt  }
0x74: {  	_ =	shalt  }
0x75: {  	_ =	shalt  }
0x76: {  	_ =	shalt  }
0x77: {  	_ =	shalt  }
0x78: {  	_ =	shalt  }
0x79: {  	_ =	shalt  }
0x7a: {  	_ =	shalt  }
0x7b: {  	_ =	shalt  }
0x7c: {  	_ =	shalt  }
0x7d: {  	_ =	shalt  }
0x7e: {  	_ =	shalt  }
0x7f: {  	_ =	shalt  }
0x80: {  	_ =	shalt  }
0x81: {  	_ =	shalt  }
0x82: {  	_ =	shalt  }
0x83: {  	_ =	shalt  }
0x84: {  	_ =	shalt  }
0x85: {  	_ =	shalt  }
0x86: {  	_ =	shalt  }
0x87: {  	_ =	shalt  }
.Lfunc_end0:
.L_simem_size_0:
called_computation_lowered:
.L_overlay_start_0:
0x88: {  	s2 =	sld [smem:$0x3FD9]  }
0x89: {  	s3 =	sld [smem:$0x3FFE];
	_ =	sdelay $0x1  }
0x8a: {  	s1 =	srdreg.scid  }
0x8b: {  	s0 =	sand.u32 $0x1, s1  }
0x8c: {  	s17 =	sshll.u32 s0, $0xA;
	s2 =	sadd.s32 s3, s2  }
0x8d: {  	s2 =	sadd.s32 s2, s17  }
0x8e: {  	[smem:$0x3FC5] =	sst s2  }
0x8f: {  	_ = 	snop  }
0x90: {  	s2 =	sld [smem:$0x3FC9];
	(tm) =	ssettm $0x1  }
0x91: {  	s18 =	sld [smem:$0x3FFB];
	_ =	sdelay $0x3  }
0x92: {  	_ =	strace s18  }
0x93: {  	s3 =	sld [smem:$0x3FFC];
	_ =	sdelay $0x3  }
0x94: {  	_ =	strace s3  }
0x95: {  	s3 =	sld [smem:$0x3FFD];
	_ =	sdelay $0x3  }
0x96: {  	_ =	strace s3  }
0x97: {  	_ =	strace $0x8FFFFFFF  }
0x98: {  	s19 =	sld [smem:$0x3FDB];
	_ =	sdelay $0x1  }
0x99: {  	s4 =	simm.s32 $_scs_section_size  }
0x9a: {  	s5 =	simm.s32 $_size__tile_overlayer_lowered;
	s6 =	simm.s32 $_tile_overlayer_lowered  }
0x9b: {  	s22 =	simm.s32 $0x1BFF;
	s21 =	sshll.u32 s6, $0x1;
	s3 =	sadd.s32 s4, s19  }
0x9c: {  	s7 =	simm.s32 $0x0;
	s20 =	sshll.u32 s5, $0x1;
	s5 =	sadd.s32 s21, s3  }
0x9d: {  	[timem:s7], [sflag:s22] =	dma.local [hbm:s5], s20  }
0x9e: {  	_ =	swait.ge [sflag:s22], s20  }
0x9f: {  	s4 =	ssub.s32 $0x0, s20;
	[sflag:s22] =	ssyncset.done $0x0  }
0xa0: {  	[sflag:s22] =	ssyncadd.s32 s4;
	_ =	sdelay $0x1  }
0xa1: {  	s23 =	simm.s32 $0x1B8B  }
0xa2: {  	_ =	swait.ge [sflag:s23], $0x1  }
0xa3: {  	[sflag:s23] =	ssyncset.done $0x0  }
0xa4: {  	s25 =	simm.s32 $0x1B8E;
	s24 =	sld [smem:$0x3FFE];
	[sflag:s23] =	ssyncadd.s32 $0xFFFFFFFF  }
0xa5: {  	s26 =	simm.s32 $execute0_lowered;
	[smem:$0x3FD2] =	sst s25  }
0xa6: {  	s5 =	sshll.u32 s26, $0x1;
	_ =	strace $0x80000046;
	[dreg:$0x1] =	wrdreg $0xFFFFFFFF  }
0xa7: {  	s28 =	simm.s32 $_size_execute0_lowered;
	s3 =	sadd.s32 s3, s5;
	[dreg:$0x0] =	wrdreg $0x0  }
0xa8: {  	s5 =	sshll.u32 s28, $0x1;
	[dreg:$0x2] =	wrdreg s3  }
0xa9: {  	[dreg:$0x3] =	wrdreg s5  }
0xaa: {  	[dreg:$0x4] =	wrdreg $0xC0  }
0xab: {  	_ =	task [dreg:s7], $0x5FFFF  }
0xac: {  	[dreg:$0x1] =	wrdreg $0xFFFFFFFF  }
0xad: {  	[dreg:$0x0] =	wrdreg $0x60  }
0xae: {  	[dreg:$0x2] =	wrdreg s2  }
0xaf: {  	[dreg:$0x3] =	wrdreg s24  }
0xb0: {  	[dreg:$0x4] =	wrdreg $0xB8000  }
0xb1: {  	[dreg:$0x5] =	wrdreg $0x9  }
0xb2: {  	_ =	task.clear_ibuf [dreg:s7], $0x6FFFF;
	_ =	strace $0x90000046  }
0xb3: {  	s29 =	simm.s32 $0x9;
	_ =	strace $0x80000048  }
0xb4: {  	_ =	swait.ge [sflag:s29], $0x1  }
0xb5: {  	[sflag:s29] =	ssyncadd.s32 $0xFFFFFFFF  }
0xb6: {  	_ =	strace $0x90000048  }
0xb7: {  	_ =	sfence  }
0xb8: {  	s30 =	sld [smem:$0x0];
	_ =	sdelay $0x2  }
0xb9: {  	s31 =	sshll.u32 s1, $0xD;
	s1 =	sshrl.u32 s1, $0x2  }
0xba: {  	s3 =	sand.u32 $0x4000, s31;
	s1 =	sadd.s32 s1, s30  }
0xbb: {  	s0 =	sor.u32 s3, s0;
	s1 =	sshll.u32 s1, $0x11  }
0xbc: {  	s0 =	sor.u32 s1, s0  }
0xbd: {  	s0 =	sadd.s32 $0x8F2B, s0  }
0xbe: {  	[sflag:s0] =	ssyncadd.remote.s32 $0x1  }
0xbf: {  	_ =	sfence.sel $0xFFFF  }
0xc0: {  	[dreg:$0x0] =	wrdreg $0xFFFFFFFF;
	(pc) =	sbr.abs _section_cstart, $3  }
0xc1: {  	[dreg:$0x1] =	wrdreg $0xFFFFFFFF  }
0xc2: {  	_ =	task.clear_ibuf [dreg:s7], $0x2FFFF;
	_ =	strace $0x9FFFFFFF  }
0xc3: {  	(tm) =	ssettm $0x7FFFFFFF  }
tec
execute0_lowered:
.L_overlay_start_1:
0x0: {  	(tag) =	ssettag $0x1  }
0x1: {  	s1 =	rddreg [dreg:$0x0]  }
0x2: {  	s0 =	rddreg [dreg:$0x1];
	s2 =	srdreg.scid  }
0x3: {  	s21 =	stileid.u32;
	s3 =	rddreg [dreg:$0x2];
	s20 =	simm.s32 $0x2  }
0x4: {  	s22 =	simm.s32 $0x80;
	s24 =	simm.s32 $0x5000;
	s25 =	simm.s32 $0x7800  }
0x5: {  	s26 =	simm.s32 $0x1;
	s28 =	simm.s32 $0x0;
	s2 =	sand.u32 $0x1, s2  }
0x6: {  	s4 =	sshll.u32 s21, $0x1;
	s6 =	sshrl.u32 s21, $0x2;
	s8 =	smul.u32 $0x50000, s21  }
0x7: {  	s16 =	smul.u32 $0x14000, s21;
	s13 =	sadd.s32 $0x12C000, s3;
	s14 =	sadd.s32 $0x130000, s3  }
0x8: {  	s15 =	sadd.s32 $0x134000, s3;
	p0 =	seq.s32 s21, $0xF;
	s5 =	sor.u32 s2, s4  }
0x9: {  	s4 =	simm.s32 $0x0;
	s6 =	smul.u32 $0x14000, s6;
	s29 =	ssub.s32 $0x2, s2  }
0xa: {  	s2 =	smul.u32 $0x138800, s2;
	s7 =	sshll.u32 s5, $0x7;
	[smem:$0x7FF] =	sst s4  }
0xb: {  	s5 =	smul.u32 $0x500, s5;
	s30 =	sshrl.u32 s29, $0x1;
	s31 =	sshrl.u32 s8, $0x2  }
0xc: {  	s7 =	sand.u32 $0x380, s7;
	_ =	strace $0x80000047;
	s19 =	ssub.s32 s29, s30  }
0xd: {  	s17 =	sadd.s32 s16, s2;
	s2 =	sshrl.u32 s2, $0x3;
	s16 =	sadd.s32 $0x138000, s3  }
0xe: {  	s6 =	sor.u32 s6, s7;
	s9 =	sadd.s32 s5, s0;
	s7 =	sadd.s32 s31, s3  }
0xf: {  	s17 =	sshrl.u32 s17, $0x3;
	s19 =	smax.u32 s19, $0x1;
	s6 =	sshrl.u32 s6, $0x3  }
0x10: {  	s5 =	sadd.s32 $0xB800, s9;
	s11 =	sadd.s32 $0xC000, s7;
	s12 =	sadd.s32 $0x10000, s7  }
0x11: {  	s10 =	sadd.s32 s6, s0;
	s0 =	sadd.s32 $0x1F800, s0;
	s6 =	sadd.s32 $0x15800, s9  }
0x12: {  	s9 =	sadd.s32 $0x4000, s7;
	s8 =	sadd.s32 $0x1800, s10;
	s2 =	sadd.s32 s0, s2  }
0x13: {  	v0 =	vimm.f32 $0.0e+00;
	s10 =	sadd.s32 $0x8000, s7;
	s17 =	sadd.s32 s0, s17;
	s18 =	sadd.s32 $0x25800, s2  }
.LBB2_1:
0x14: {  	[tilespmem:s4], [sflag:$0x2] =	stream.linear.gather [hbm4b:s5+s4], $0x2800, $0x38;
	[tilespmem:$0x1F080] =	vst v63  }
0x15: {  	_ =	swait.ge [sflag:s20], $0x2800  }
0x16: {  	[sflag:s20] =	ssyncset.done $0x0  }
0x17: {  	s0 =	simm.s32 $0x2800;
	[sflag:s20] =	ssyncadd.s32 $0xFFFFD800  }
0x18: {  	[tilespmem:s0], [sflag:$0x2] =	stream.linear.gather [hbm4b:s6+s4], $0x2800, $0x38;
	[tilespmem:$0x1F080] =	vst v63  }
0x19: {  	_ =	swait.ge [sflag:s20], $0x2800  }
0x1a: {  	[sflag:s20] =	ssyncset.done $0x0  }
0x1b: {  	s31 =	simm.s32 $0x400;
	[sflag:s20] =	ssyncadd.s32 $0xFFFFD800  }
0x1c: {  	[tilespmem:s24], [sflag:$0x2] =	stream.strided.gather [hbm4b:s8+s22], $0x2800, s31, s22, $0x38;
	[tilespmem:$0x1F080] =	vst v63  }
0x1d: {  	_ =	swait.ge [sflag:s20], $0x2800  }
0x1e: {  	[sflag:s20] =	ssyncset.done $0x0  }
0x1f: {  	s2 =	simm.s32 $0x200;
	s0 =	simm.s32 $0x0;
	[sflag:s20] =	ssyncadd.s32 $0xFFFFD800  }
.LBB2_2:
0x20: {  	p1 =	sne.s32 s2, $0xFE00;
	[tilespmem:s0+$0x7870] =	vst v0  }
0x21: {  	[tilespmem:s0+$0x7800] =	vst v0  }
0x22: {  	[tilespmem:s0+$0x7810] =	vst v0  }
.Ltmp0:
0x23: {  	[tilespmem:s0+$0x7820] =	vst v0;
	(pc) =	sbr.rel @p1 .LBB2_2-.Ltmp0, $4  }
0x24: {  	[tilespmem:s0+$0x7830] =	vst v0  }
0x25: {  	[tilespmem:s0+$0x7840] =	vst v0  }
0x26: {  	[tilespmem:s0+$0x7850] =	vst v0  }
0x27: {  	[tilespmem:s0+$0x7860] =	vst v0;
	s0 =	sshra.s32 s2, $0x2;
	s2 =	sadd.s32 $0x200, s2  }
0x28: {  	[tilespmem:s0+$0x7870] =	vst v0  }
0x29: {  	[tilespmem:s0+$0x7800] =	vst v0  }
0x2a: {  	[tilespmem:s0+$0x7810] =	vst v0  }
0x2b: {  	[tilespmem:s0+$0x7820] =	vst v0  }
0x2c: {  	[tilespmem:s0+$0x7830] =	vst v0  }
0x2d: {  	[tilespmem:s0+$0x7840] =	vst v0  }
0x2e: {  	[tilespmem:s0+$0x7850] =	vst v0  }
0x2f: {  	[tilespmem:s0+$0x7860] =	vst v0;
	s0 =	simm.s32 @p0 $0x7800;
	s2 =	simm.s32 @p0 $0x2  }
0x30: {  	[spmem:s13] =	stream.linear.scatter @p0 [tilespmem:s0], [sflag:$0x2], $0x4000, $0x38;
	[tilespmem:$0x1F080] =	vst v63  }
0x31: {  	_ =	swait.ge @p0 [sflag:s2], $0x4000  }
0x32: {  	[sflag:s2] =	ssyncset.done @p0 $0x0  }
0x33: {  	[sflag:s2] =	ssyncadd.s32 @p0 $0xFFFFC000  }
0x34: {  	[spmem:s14] =	stream.linear.scatter @p0 [tilespmem:s0], [sflag:$0x2], $0x4000, $0x38;
	[tilespmem:$0x1F080] =	vst v63  }
0x35: {  	_ =	swait.ge @p0 [sflag:s2], $0x4000  }
0x36: {  	[sflag:s2] =	ssyncset.done @p0 $0x0  }
0x37: {  	[sflag:s2] =	ssyncadd.s32 @p0 $0xFFFFC000  }
0x38: {  	[spmem:s15] =	stream.linear.scatter @p0 [tilespmem:s0], [sflag:$0x2], $0x4000, $0x38;
	[tilespmem:$0x1F080] =	vst v63  }
0x39: {  	_ =	swait.ge @p0 [sflag:s2], $0x4000  }
0x3a: {  	[sflag:s2] =	ssyncset.done @p0 $0x0  }
0x3b: {  	[sflag:s2] =	ssyncadd.s32 @p0 $0xFFFFC000  }
0x3c: {  	[spmem:s16] =	stream.linear.scatter @p0 [tilespmem:s0], [sflag:$0x2], $0x800, $0x38;
	[tilespmem:$0x1F080] =	vst v63  }
0x3d: {  	_ =	swait.ge @p0 [sflag:s2], $0x800  }
0x3e: {  	[sflag:s2] =	ssyncset.done @p0 $0x0  }
0x3f: {  	s0 =	simm.s32 @!p0 $0x7800;
	[sflag:s2] =	ssyncadd.s32 @p0 $0xFFFFF800;
	s2 =	simm.s32 @!p0 $0x2  }
0x40: {  	[spmem:s7] =	stream.linear.scatter @!p0 [tilespmem:s0], [sflag:$0x2], $0x4000, $0x38;
	[tilespmem:$0x1F080] =	vst v63  }
0x41: {  	_ =	swait.ge @!p0 [sflag:s2], $0x4000  }
0x42: {  	[sflag:s2] =	ssyncset.done @!p0 $0x0  }
0x43: {  	[sflag:s2] =	ssyncadd.s32 @!p0 $0xFFFFC000  }
0x44: {  	[spmem:s9] =	stream.linear.scatter @!p0 [tilespmem:s0], [sflag:$0x2], $0x4000, $0x38;
	[tilespmem:$0x1F080] =	vst v63  }
0x45: {  	_ =	swait.ge @!p0 [sflag:s2], $0x4000  }
0x46: {  	[sflag:s2] =	ssyncset.done @!p0 $0x0  }
0x47: {  	[sflag:s2] =	ssyncadd.s32 @!p0 $0xFFFFC000  }
0x48: {  	[spmem:s10] =	stream.linear.scatter @!p0 [tilespmem:s0], [sflag:$0x2], $0x4000, $0x38;
	[tilespmem:$0x1F080] =	vst v63  }
0x49: {  	_ =	swait.ge @!p0 [sflag:s2], $0x4000  }
0x4a: {  	[sflag:s2] =	ssyncset.done @!p0 $0x0  }
0x4b: {  	[sflag:s2] =	ssyncadd.s32 @!p0 $0xFFFFC000  }
0x4c: {  	[spmem:s11] =	stream.linear.scatter @!p0 [tilespmem:s0], [sflag:$0x2], $0x4000, $0x38;
	[tilespmem:$0x1F080] =	vst v63  }
0x4d: {  	_ =	swait.ge @!p0 [sflag:s2], $0x4000  }
0x4e: {  	[sflag:s2] =	ssyncset.done @!p0 $0x0  }
0x4f: {  	[sflag:s2] =	ssyncadd.s32 @!p0 $0xFFFFC000  }
0x50: {  	[spmem:s12] =	stream.linear.scatter @!p0 [tilespmem:s0], [sflag:$0x2], $0x4000, $0x38;
	[tilespmem:$0x1F080] =	vst v63  }
0x51: {  	_ =	swait.ge @!p0 [sflag:s2], $0x4000  }
0x52: {  	[sflag:s2] =	ssyncset.done @!p0 $0x0  }
0x53: {  	[sflag:s2] =	ssyncadd.s32 @!p0 $0xFFFFC000  }
0x54: {  	s29 =	simm.s32 $0x0;
	s30 =	simm.s32 $0x0;
	[bflag:$0x0] =	sbarrier.arrive $0xFFFF  }
.LBB2_4:
0x55: {  	s31 =	sshll.u32 s30, $0x7  }
0x56: {  	[tilespmem:s25], [sflag:$0x1] =	stream.indirect.gather [hbm4b:s1+s22], $0x80, s31, s22, $0xb8;
	[tilespmem:$0x1F080] =	vst v63  }
0x57: {  	s0 =	sadd.s32 $0x0, s29;
	_ =	swait.ge [sflag:s26], $0x4000  }
0x58: {  	v1 =	vmov s0;
	[sflag:s26] =	ssyncset.done $0x0  }
0x59: {  	s2 =	simm.s32 $0x7840;
	[sflag:s26] =	ssyncadd.s32 $0xFFFFC000  }
0x5a: {  	v5 =	vld [tilespmem:s2+$0x30]  }
0x5b: {  	v8 =	vld [tilespmem:s2+$0x10]  }
0x5c: {  	v6 =	vld [tilespmem:s2+$0xFFFFFFC0]  }
0x5d: {  	v2 =	vld.idx.msk [tilespmem:v1+s24+$0x0], $0xffff  }
0x5e: {  	v10 =	vld [tilespmem:s2+$0xFFFFFFE0]  }
0x5f: {  	v3 =	vld [tilespmem:s2+$0x20]  }
0x60: {  	v4 =	vld [tilespmem:s2+$0xFFFFFFD0]  }
0x61: {  	v1 =	vld [tilespmem:s2+$0xFFFFFFF0]  }
0x62: {  	v9 =	vmul.f32 v5, v2;
	v5 =	vld [tilespmem:s2+$0x0]  }
0x63: {  	v7 =	vmul.f32 v6, v2  }
0x64: {  	s21 =	simm.s32 $0x7840;
	s0 =	simm.s32 $0x1;
	v6 =	vmul.f32 v10, v2;
	v8 =	vmul.f32 v8, v2  }
.LBB2_5:
0x65: {  	p1 =	sne.s32 s0, $0x7F  }
0x66: {  	v4 =	vmul.f32 v4, v2;
	v3 =	vmul.f32 v3, v2;
	[tilespmem:s2+$0x30] =	vst v9;
	s21 =	sadd.s32 $0x80, s21;
	s23 =	smov.u32 s0;
	s0 =	sadd.s32 $0x1, s0  }
0x67: {  	[tilespmem:s2+$0xFFFFFFC0] =	vst v7;
	v7 =	vmul.f32 v1, v2;
	v2 =	vmul.f32 v5, v2  }
0x68: {  	s23 =	sadd.s32 s23, s29;
	[tilespmem:s2+$0x10] =	vst v8  }
0x69: {  	v5 =	vmov s23;
	[tilespmem:s2+$0xFFFFFFE0] =	vst v6  }
0x6a: {  	v1 =	vld [tilespmem:s21+$0xFFFFFFF0];
	[tilespmem:s2+$0xFFFFFFF0] =	vst v7  }
0x6b: {  	v6 =	vld [tilespmem:s21+$0x30];
	[tilespmem:s2+$0x0] =	vst v2  }
0x6c: {  	v8 =	vld [tilespmem:s21+$0x10];
	[tilespmem:s2+$0x20] =	vst v3  }
0x6d: {  	v7 =	vld [tilespmem:s21+$0xFFFFFFC0];
	[tilespmem:s2+$0xFFFFFFD0] =	vst v4;
	s2 =	smov.u32 s21  }
0x6e: {  	v2 =	vld.idx.msk [tilespmem:v5+s24+$0x0], $0xffff  }
0x6f: {  	v10 =	vld [tilespmem:s21+$0xFFFFFFE0]  }
0x70: {  	v3 =	vld [tilespmem:s21+$0x20]  }
.Ltmp1:
0x71: {  	v4 =	vld [tilespmem:s21+$0xFFFFFFD0];
	(pc) =	sbr.rel @p1 .LBB2_5-.Ltmp1, $3  }
0x72: {  	v5 =	vld [tilespmem:s21+$0x0];
	_ =	sdelay $0x1  }
0x73: {  	v7 =	vmul.f32 v7, v2;
	v9 =	vmul.f32 v6, v2  }
0x74: {  	v8 =	vmul.f32 v8, v2;
	v6 =	vmul.f32 v10, v2  }
0x75: {  	[tilespmem:s2+$0x30] =	vst v9  }
0x76: {  	[tilespmem:s2+$0xFFFFFFC0] =	vst v7  }
0x77: {  	v1 =	vmul.f32 v1, v2;
	[tilespmem:s2+$0x10] =	vst v8  }
0x78: {  	v3 =	vmul.f32 v3, v2;
	[tilespmem:s2+$0xFFFFFFE0] =	vst v6  }
0x79: {  	v5 =	vmul.f32 v5, v2;
	[tilespmem:s2+$0xFFFFFFF0] =	vst v1  }
0x7a: {  	s30 =	sadd.s32 $0x1, s30;
	v1 =	vmul.f32 v4, v2;
	[tilespmem:s2+$0x20] =	vst v3  }
0x7b: {  	p1 =	sne.s32 s30, $0x50;
	[tilespmem:s2+$0x0] =	vst v5  }
.Ltmp2:
0x7c: {  	s0 =	sadd.s32 $0x2800, s31;
	[tilespmem:s2+$0xFFFFFFD0] =	vst v1;
	(pc) =	sbr.rel @p1 .LBB2_4-.Ltmp2, $4  }
0x7d: {  	[spmem:s3] =	stream.indirect.scatter.add.f32 [tilespmem:s25], [sflag:$0x2], $0x80, s0, s22, $0xb8;
	[tilespmem:$0x1F080] =	vst v63  }
0x7e: {  	_ =	swait.ge [sflag:s20], $0x4000  }
0x7f: {  	[sflag:s20] =	ssyncset.done $0x0  }
0x80: {  	s29 =	sadd.s32 $0x80, s29;
	[sflag:s20] =	ssyncadd.s32 $0xFFFFC000  }
0x81: {  	[bflag:$0x0] =	sbarrier.arrive $0xFFFF;
	s0 =	sshrl.u32 @p0 s13, $0x3;
	s2 =	simm.s32 @p0 $0x1FC2  }
0x82: {  	[hbm:s18], [sflag:s2] =	dma.local @p0 [spmem:s0], $0x1900  }
0x83: {  	s0 =	simm.s32 @p0 $0x2  }
0x84: {  	s28 =	sadd.s32 $0x1, s28;
	s2 =	stileid.u32;
	_ =	swait.ge @p0 [sflag:s0], $0x1900  }
0x85: {  	p1 =	sne.s32 s28, s19;
	s2 =	sshll.u32 @!p0 s2, $0x6;
	[sflag:s0] =	ssyncset.done @p0 $0x0  }
0x86: {  	[sflag:s0] =	ssyncadd.s32 @p0 $0xFFFFE700;
	s0 =	sor.u32 @!p0 $0x1C02, s2;
	s2 =	sshrl.u32 @!p0 s7, $0x3  }
0x87: {  	[hbm:s17], [sflag:s0] =	dma.local @!p0 [spmem:s2], $0x2800  }
.Ltmp3:
0x88: {  	_ = 	snop;
	(pc) =	sbr.rel @p1 .LBB2_1-.Ltmp3, $4  }
0x89: {  	s0 =	simm.s32 @!p0 $0x2  }
0x8a: {  	_ =	swait.ge @!p0 [sflag:s0], $0x2800  }
0x8b: {  	[sflag:s0] =	ssyncset.done @!p0 $0x0  }
0x8c: {  	[sflag:s0] =	ssyncadd.s32 @!p0 $0xFFFFD800  }
0x8d: {  	_ =	sfence.sel $0x180000  }
0x8e: {  	[bflag:$0x0] =	sbarrier.arrive $0xFFFF  }
0x8f: {  	_ =	strace $0x90000047  }
0x90: {  	s0 =	stileid.u32;
	[bflag:$0x2] =	sbarrier.arrive $0xFFFF  }
0x91: {  	p0 =	sne.s32 s0, $0x0;
	s0 =	rddreg [dreg:$0x3]  }
0x92: {  	s0 =	sadd.s32 @!p0 $0x100000, s0  }
0x93: {  	[sflag:s0] =	ssyncadd.tile.s32 @!p0 $0x1;
	_ =	shalt  }
.Lfunc_end2:
_tile_overlayer_lowered:
.L_overlay_start_2:
0x94: {  	(tag) =	ssettag $0x2  }
0x95: {  	s0 =	rddreg [dreg:$0x0];
	s2 =	stileid.u32  }
0x96: {  	s1 =	rddreg [dreg:$0x1];
	p0 =	sne.s32 s2, $0x0  }
0x97: {  	s3 =	rddreg [dreg:$0x2];
	[bflag:$0x3] =	sbarrier.arrive $0xFFFF;
	s2 =	simm.s32 @!p0 $0x1C02  }
0x98: {  	[timem:s3], [sflag:s2] =	dma.local @!p0 [hbm:s0], s1  }
0x99: {  	s0 =	simm.s32 @!p0 $0x2  }
0x9a: {  	_ =	swait.ge @!p0 [sflag:s0], s1  }
0x9b: {  	s1 =	ssub.s32 @!p0 $0x0, s1;
	[sflag:s0] =	ssyncset.done @!p0 $0x0  }
0x9c: {  	[sflag:s0] =	ssyncadd.s32 @!p0 s1  }
0x9d: {  	[bflag:$0x3] =	sbarrier.arrive $0xFFFF  }
0x9e: {  	_ =	shalt  }

</sc_bundles>
